<compile_context>
chip_gen: v7x
topology: tpu7x:2x2x1
jax: 0.10.2.dev20260603
libtpu: 0.0.44.dev20260713+nightly
codegen_flags: <defaults>
</compile_context>

<pallas_src>
import functools

import jax
import jax.numpy as jnp
from jax import lax
from jax.experimental import pallas as pl
from jax.experimental.pallas import tpu as pltpu
from jax.experimental.pallas import tpu_sc as plsc

N = 10000
D = 128
E = 320000
B = 64
K = 8
NC = 36

NWORKERS = 32
NSUB = 16
CH = 128
NCHI = 80
EPT = NCHI * CH
EPAD = NWORKERS * EPT
NBUF = 3
DEADNODE = 10000
NPAD = 10240

NIDX = 1536
IPW = NIDX // NWORKERS
DEADSLOT = NIDX
ACCROWS = 1664
SRT = ACCROWS // NSUB
DEGROWS = 16

_mesh = plsc.VectorSubcoreMesh(core_axis_name="c", subcore_axis_name="s")


@functools.partial(
    pl.kernel,
    out_type=(jax.ShapeDtypeStruct((ACCROWS, D), jnp.float32),
              jax.ShapeDtypeStruct((ACCROWS, D), jnp.float32),
              jax.ShapeDtypeStruct((DEGROWS, D), jnp.float32),
              jax.ShapeDtypeStruct((DEGROWS, D), jnp.float32),
              jax.ShapeDtypeStruct((NIDX,), jnp.int32)),
    mesh=_mesh,
    scratch_types=[
        pltpu.VMEM_SHARED((ACCROWS, D), jnp.float32),
        pltpu.VMEM_SHARED((DEGROWS, D), jnp.float32),
        pltpu.VMEM((NCHI, CH), jnp.int32),
        pltpu.VMEM((NCHI, CH), jnp.int32),
        pltpu.VMEM((NIDX,), jnp.int32),
        pltpu.VMEM((NPAD,), jnp.int32),
        pltpu.VMEM((NCHI + 8, CH), jnp.int32),
        pltpu.VMEM((NCHI + 8, CH), jnp.int32),
        pltpu.VMEM((DEGROWS, D), jnp.float32),
        pltpu.VMEM((DEGROWS,), jnp.int32),
        pltpu.VMEM((IPW,), jnp.int32),
        [pltpu.VMEM((CH, D), jnp.float32) for _ in range(NBUF)],
        [pltpu.SemaphoreType.DMA for _ in range(NBUF)],
        pltpu.SemaphoreType.DMA,
        pltpu.SemaphoreType.DMA,
        pltpu.SemaphoreType.DMA,
        pltpu.SemaphoreType.DMA,
        pltpu.SemaphoreType.DMA,
    ],
    compiler_params=pltpu.CompilerParams(needs_layout_passes=False),
)
def _sc_scatter(x_hbm, src_hbm, dst_hbm, idx_hbm, ri_hbm,
                s0_hbm, s1_hbm, d0_hbm, d1_hbm, slots_hbm,
                acc, degacc, srcall, dstall, idxall, remap,
                csrc2d, cslot2d, hist, identv, slotl,
                rowsv, gsem, ssem, isem1, isem2, isem3, isem4):
    c = lax.axis_index("c")
    s = lax.axis_index("s")
    wid = c * NSUB + s
    zero16 = jnp.zeros((16,), jnp.float32)
    iota16 = lax.iota(jnp.int32, 16)

    pltpu.async_copy(src_hbm.at[wid], srcall, isem1)
    pltpu.async_copy(dst_hbm.at[wid], dstall, isem2)
    pltpu.async_copy(idx_hbm, idxall, isem3)
    pltpu.async_copy(ri_hbm, remap, isem4)

    for r in range(DEGROWS):
        for cc in range(D // 16):
            hist[r, pl.ds(cc * 16, 16)] = zero16
    identv[...] = iota16
    row0 = pl.multiple_of(s * SRT, 8)
    zsem = gsem[0]
    for j in range(SRT // DEGROWS):
        pltpu.async_copy(hist, acc.at[pl.ds(row0 + j * DEGROWS, DEGROWS)],
                         zsem)
    pltpu.async_copy(hist.at[pl.ds(0, 8)],
                     acc.at[pl.ds(row0 + (SRT // DEGROWS) * DEGROWS, 8)],
                     zsem)

    @pl.when(s == 0)
    def _():
        pltpu.sync_copy(hist, degacc)

    for j in range(SRT // DEGROWS):
        pltpu.make_async_copy(
            hist, acc.at[pl.ds(row0 + j * DEGROWS, DEGROWS)], zsem).wait()
    pltpu.make_async_copy(
        hist.at[pl.ds(0, 8)],
        acc.at[pl.ds(row0 + (SRT // DEGROWS) * DEGROWS, 8)], zsem).wait()

    dead16 = jnp.full((16,), DEADSLOT, jnp.int32)
    zero16i = jnp.zeros((16,), jnp.int32)

    pltpu.make_async_copy(idx_hbm, idxall, isem3).wait()
    pltpu.make_async_copy(ri_hbm, remap, isem4).wait()
    for q in range(NIDX // 16):
        dv = idxall[pl.ds(q * 16, 16)]
        _, last = plsc.scan_count(dv)
        plsc.store_scatter(remap, [dv], iota16 + q * 16, mask=last)

    pltpu.make_async_copy(src_hbm.at[wid], srcall, isem1).wait()
    pltpu.make_async_copy(dst_hbm.at[wid], dstall, isem2).wait()

    def p1(ci, off):
        svs, slots, masks, cums = [], [], [], []
        for gg in range(CH // 16):
            sv = srcall[ci, pl.ds(gg * 16, 16)]
            dv = dstall[ci, pl.ds(gg * 16, 16)]
            slot = plsc.load_gather(remap, [dv])
            m = slot != DEADSLOT
            svs.append(sv)
            slots.append(slot)
            masks.append(m)
            cums.append(plsc.cumsum(m.astype(jnp.int32)))
        offs = [off]
        for gg in range(CH // 16):
            offs.append(offs[gg] + cums[gg][15])
        for gg in range(CH // 16):
            pos = offs[gg] - 1 + cums[gg]
            pr = lax.shift_right_logical(pos, 7)
            pc = lax.bitwise_and(pos, 127)
            plsc.store_scatter(csrc2d, [pr, pc], svs[gg], mask=masks[gg])
            plsc.store_scatter(cslot2d, [pr, pc], slots[gg], mask=masks[gg])
        return offs[CH // 16]

    m_kept = lax.fori_loop(0, NCHI, p1, jnp.int32(0))

    for k in range(NBUF * CH // 16):
        pos = m_kept + iota16 + k * 16
        pr = lax.shift_right_logical(pos, 7)
        pc = lax.bitwise_and(pos, 127)
        plsc.store_scatter(csrc2d, [pr, pc], zero16i)
        plsc.store_scatter(cslot2d, [pr, pc], dead16)

    sbase = pl.multiple_of(wid * IPW, 8)
    for g in range(IPW // 16):
        dv = plsc.load_gather(idxall, [iota16 + (sbase + g * 16)])
        slotl[pl.ds(g * 16, 16)] = plsc.load_gather(remap, [dv])
    pltpu.async_copy(slotl, slots_hbm.at[pl.ds(sbase, IPW)], isem3)

    plsc.subcore_barrier()

    nch = lax.shift_right_logical(m_kept + (CH - 1), 7)
    trip = jnp.maximum(lax.div(nch + (NBUF - 1), NBUF), 1)
    totch = trip * NBUF

    for b in range(NBUF):
        pltpu.async_copy(x_hbm.at[csrc2d.at[b]], rowsv[b], gsem[b])

    def ring(g, _):
        for b in range(NBUF):
            i = g * NBUF + b
            pltpu.make_async_copy(
                x_hbm.at[csrc2d.at[i]], rowsv[b], gsem[b]).wait()
            sc = pltpu.async_copy(
                rowsv[b], acc.at[cslot2d.at[i]], ssem, add=True)
            for gg in range(CH // 16):
                sl = cslot2d[i, pl.ds(gg * 16, 16)]
                cnt, last = plsc.scan_count(sl)
                plsc.addupdate_scatter(
                    hist,
                    [lax.shift_right_logical(sl, 7),
                     lax.bitwise_and(sl, 127)],
                    cnt.astype(jnp.float32),
                    mask=last,
                )
            sc.wait()
            nxt = i + NBUF

            @pl.when(nxt < totch)
            def _():
                pltpu.async_copy(x_hbm.at[csrc2d.at[nxt]], rowsv[b], gsem[b])
        return 0

    lax.fori_loop(0, trip, ring, 0)
    plsc.subcore_barrier()
    pltpu.sync_copy(hist, degacc.at[identv], add=True)
    plsc.subcore_barrier()

    @pl.when(c == 0)
    def _():
        pltpu.sync_copy(acc.at[pl.ds(row0, SRT)], s0_hbm.at[pl.ds(row0, SRT)])

        @pl.when(s == 0)
        def _():
            pltpu.sync_copy(degacc, d0_hbm)

    @pl.when(c == 1)
    def _():
        pltpu.sync_copy(acc.at[pl.ds(row0, SRT)], s1_hbm.at[pl.ds(row0, SRT)])

        @pl.when(s == 0)
        def _():
            pltpu.sync_copy(degacc, d1_hbm)

    pltpu.make_async_copy(slotl, slots_hbm.at[pl.ds(sbase, IPW)],
                          isem3).wait()


@functools.partial(
    pl.kernel,
    out_type=(jax.ShapeDtypeStruct((NIDX, D), jnp.float32),
              jax.ShapeDtypeStruct((NIDX, D), jnp.float32),
              jax.ShapeDtypeStruct((NIDX, D), jnp.float32),
              jax.ShapeDtypeStruct((NIDX,), jnp.float32)),
    mesh=_mesh,
    scratch_types=[
        pltpu.VMEM((IPW,), jnp.int32),
        pltpu.VMEM((IPW,), jnp.int32),
        pltpu.VMEM((IPW, D), jnp.float32),
        pltpu.VMEM((IPW, D), jnp.float32),
        pltpu.VMEM((IPW, D), jnp.float32),
        pltpu.VMEM((DEGROWS, D), jnp.float32),
        pltpu.VMEM((DEGROWS, D), jnp.float32),
        pltpu.VMEM((IPW,), jnp.float32),
        [pltpu.SemaphoreType.DMA for _ in range(11)],
    ],
    compiler_params=pltpu.CompilerParams(needs_layout_passes=False),
)
def _sc_gather(s0_hbm, s1_hbm, x_hbm, d0_hbm, d1_hbm, idx_hbm, slots_hbm,
               o0, o1, ox, odeg,
               idxv, slotv, b0, b1, bx, d0v, d1v, degb, sems):
    c = lax.axis_index("c")
    s = lax.axis_index("s")
    base = pl.multiple_of((c * NSUB + s) * IPW, 8)
    pltpu.async_copy(idx_hbm.at[pl.ds(base, IPW)], idxv, sems[0])
    pltpu.async_copy(slots_hbm.at[pl.ds(base, IPW)], slotv, sems[1])
    pltpu.async_copy(d0_hbm, d0v, sems[2])
    pltpu.async_copy(d1_hbm, d1v, sems[3])
    pltpu.make_async_copy(slots_hbm.at[pl.ds(base, IPW)], slotv,
                          sems[1]).wait()
    pltpu.async_copy(s0_hbm.at[slotv], b0, sems[4])
    pltpu.async_copy(s1_hbm.at[slotv], b1, sems[5])
    pltpu.make_async_copy(idx_hbm.at[pl.ds(base, IPW)], idxv, sems[0]).wait()
    pltpu.async_copy(x_hbm.at[idxv], bx, sems[9])
    pltpu.make_async_copy(d0_hbm, d0v, sems[2]).wait()
    pltpu.make_async_copy(d1_hbm, d1v, sems[3]).wait()
    for g in range(IPW // 16):
        sl = slotv[pl.ds(g * 16, 16)]
        r = lax.shift_right_logical(sl, 7)
        cc = lax.bitwise_and(sl, 127)
        degb[pl.ds(g * 16, 16)] = (plsc.load_gather(d0v, [r, cc])
                                   + plsc.load_gather(d1v, [r, cc]))
    pltpu.async_copy(degb, odeg.at[pl.ds(base, IPW)], sems[8])
    pltpu.make_async_copy(s0_hbm.at[slotv], b0, sems[4]).wait()
    pltpu.async_copy(b0, o0.at[pl.ds(base, IPW)], sems[6])
    pltpu.make_async_copy(s1_hbm.at[slotv], b1, sems[5]).wait()
    pltpu.async_copy(b1, o1.at[pl.ds(base, IPW)], sems[7])
    pltpu.make_async_copy(x_hbm.at[idxv], bx, sems[9]).wait()
    pltpu.async_copy(bx, ox.at[pl.ds(base, IPW)], sems[10])
    pltpu.make_async_copy(degb, odeg.at[pl.ds(base, IPW)], sems[8]).wait()
    pltpu.make_async_copy(b0, o0.at[pl.ds(base, IPW)], sems[6]).wait()
    pltpu.make_async_copy(b1, o1.at[pl.ds(base, IPW)], sems[7]).wait()
    pltpu.make_async_copy(bx, ox.at[pl.ds(base, IPW)], sems[10]).wait()


def _tc_body(r0_ref, r1_ref, rx_ref, dg_ref, wm_ref, wc_ref, b_ref, out_ref):
    sm = r0_ref[...] + r1_ref[...]
    deg = dg_ref[...]
    agg = jnp.dot(sm, wm_ref[...], preferred_element_type=jnp.float32)
    h = jnp.maximum(rx_ref[...] + agg / jnp.maximum(deg, 1.0), 0.0)

    def pool(off):
        m = h[off:off + B]
        for j in range(1, K):
            m = jnp.maximum(m, h[off + j * B:off + (j + 1) * B])
        return m

    arga = pool(0)
    argb = pool(B * K)
    tempa = h[2 * B * K:2 * B * K + B]
    tempb = h[2 * B * K + B:2 * B * K + 2 * B]
    y = jnp.concatenate([arga, tempa, argb, tempb], axis=1)
    out_ref[...] = (
        jnp.dot(y, wc_ref[...], preferred_element_type=jnp.float32)
        + b_ref[...]
    )


_tc_final = pl.pallas_call(
    _tc_body,
    out_shape=jax.ShapeDtypeStruct((B, NC), jnp.float32),
)


def kernel(x, edge_index, x_node_id, y_node_id, arg_node_id,
           W_msg, W_cls, b_cls):
    src = jnp.concatenate([
        edge_index[0].astype(jnp.int32),
        jnp.zeros((EPAD - E,), jnp.int32),
    ]).reshape(NWORKERS, NCHI, CH)
    dst = jnp.concatenate([
        edge_index[1].astype(jnp.int32),
        jnp.full((EPAD - E,), DEADNODE, jnp.int32),
    ]).reshape(NWORKERS, NCHI, CH)
    idx = jnp.concatenate([
        x_node_id.T.reshape(-1),
        y_node_id.T.reshape(-1),
        arg_node_id.T.reshape(-1),
        jnp.zeros((NIDX - 2 * B * K - 2 * B,), x_node_id.dtype),
    ]).astype(jnp.int32)
    ri = jnp.full((NPAD,), DEADSLOT, jnp.int32)

    s0, s1, d0, d1, slots = _sc_scatter(x, src, dst, idx, ri)
    r0, r1, rx, dr = _sc_gather(s0, s1, x, d0, d1, idx, slots)
    return _tc_final(r0, r1, rx, dr.reshape(NIDX, 1),
                     W_msg, W_cls, b_cls.reshape(1, NC))

# --- scband reference (transcript-rebuilt; emitter-appended) ---
"""Pipeline reference for scband-graph-dialog-re-47742856462491 (READ-ONLY COPY).

The authoritative reference and input builder live on the scoring server;
editing this copy changes nothing except your own understanding.
"""

import jax, jax.numpy as jnp
import numpy as np

N = 10000   # total nodes in batched graph
D = 128     # embed_dim
E = 320000  # edges
B = 64      # dialogues per batch
K = 8       # mention nodes per argument
NC = 36     # relation classes


def setup_inputs(seed: int = 0) -> dict:
    key = jax.random.key(seed)
    ks = jax.random.split(key, 8)
    x = jax.random.normal(ks[0], (N, D), dtype=jnp.float32)
    edge_index = jax.random.randint(ks[1], (2, E), 0, N)
    x_node_id = jax.random.randint(ks[2], (B, K), 0, N)
    y_node_id = jax.random.randint(ks[3], (B, K), 0, N)
    arg_node_id = jax.random.randint(ks[4], (B, 2), 0, N)
    # learned parameters
    W_msg = jax.random.normal(ks[5], (D, D), dtype=jnp.float32) / np.sqrt(D)
    W_cls = jax.random.normal(ks[6], (4 * D, NC), dtype=jnp.float32) / np.sqrt(4 * D)
    b_cls = jnp.zeros((NC,), dtype=jnp.float32)
    return {
        "x": x,
        "edge_index": edge_index,
        "x_node_id": x_node_id,
        "y_node_id": y_node_id,
        "arg_node_id": arg_node_id,
        "W_msg": W_msg,
        "W_cls": W_cls,
        "b_cls": b_cls,
    }


def reference(x, edge_index, x_node_id, y_node_id, arg_node_id, W_msg, W_cls, b_cls):
    # global_model: one round of message passing over the batched dialogue graph
    src = edge_index[0]
    dst = edge_index[1]
    m = jnp.take(x, src, axis=0) @ W_msg                      # gather + transform
    agg = jax.ops.segment_sum(m, dst, num_segments=N)          # scatter-add
    deg = jax.ops.segment_sum(jnp.ones((E,), jnp.float32), dst, num_segments=N)
    h = jax.nn.relu(x + agg / jnp.maximum(deg, 1.0)[:, None])  # node feats after GNN

    # unbatch_graph: max-pool over mention-node features for each argument
    arga = jnp.max(jnp.take(h, x_node_id, axis=0), axis=1)     # [B, D]
    argb = jnp.max(jnp.take(h, y_node_id, axis=0), axis=1)     # [B, D]

    # unbatch_arg: gather the two dedicated argument nodes (dtype==4) per graph
    tempa = jnp.take(h, arg_node_id[:, 0], axis=0)             # [B, D]
    tempb = jnp.take(h, arg_node_id[:, 1], axis=0)             # [B, D]

    arga = jnp.concatenate([arga, tempa], axis=-1)
    argb = jnp.concatenate([argb, tempb], axis=-1)
    y = jnp.concatenate([arga, argb], axis=-1)                 # [B, 4D]
    # classifier (dropout is identity in eval)
    logits = y @ W_cls + b_cls                                 # [B, 36]
    return logits

if __name__ == "__main__":
    import jax
    _d = setup_inputs()
    print(jax.jit(kernel)(*tuple(_d.values())))

</pallas_src>

<mosaic_0001>
#map = affine_map<(d0, d1) -> (0, 0)>
#map1 = affine_map<(d0, d1) -> (0, 0, 0)>
#map2 = affine_map<(d0, d1) -> (0)>
module attributes {stable_mosaic.version = 14 : i64} {
  func.func @_sc_scatter(%arg0: i32, %arg1: i32, %arg2: memref<10000x128xf32, #tpu.memory_space<hbm>>, %arg3: memref<32x80x128xi32, #tpu.memory_space<hbm>>, %arg4: memref<32x80x128xi32, #tpu.memory_space<hbm>>, %arg5: memref<1536xi32, #tpu.memory_space<hbm>>, %arg6: memref<10240xi32, #tpu.memory_space<hbm>>, %arg7: memref<1664x128xf32, #tpu.memory_space<hbm>>, %arg8: memref<1664x128xf32, #tpu.memory_space<hbm>>, %arg9: memref<16x128xf32, #tpu.memory_space<hbm>>, %arg10: memref<16x128xf32, #tpu.memory_space<hbm>>, %arg11: memref<1536xi32, #tpu.memory_space<hbm>>, %arg12: memref<1664x128xf32, #tpu.memory_space<vmem_shared>>, %arg13: memref<16x128xf32, #tpu.memory_space<vmem_shared>>, %arg14: memref<80x128xi32, #tpu.memory_space<vmem>>, %arg15: memref<80x128xi32, #tpu.memory_space<vmem>>, %arg16: memref<1536xi32, #tpu.memory_space<vmem>>, %arg17: memref<10240xi32, #tpu.memory_space<vmem>>, %arg18: memref<88x128xi32, #tpu.memory_space<vmem>>, %arg19: memref<88x128xi32, #tpu.memory_space<vmem>>, %arg20: memref<16x128xf32, #tpu.memory_space<vmem>>, %arg21: memref<16xi32, #tpu.memory_space<vmem>>, %arg22: memref<48xi32, #tpu.memory_space<vmem>>, %arg23: memref<128x128xf32, #tpu.memory_space<vmem>>, %arg24: memref<128x128xf32, #tpu.memory_space<vmem>>, %arg25: memref<128x128xf32, #tpu.memory_space<vmem>>, %arg26: memref<!tpu.dma_semaphore, #tpu.memory_space<semaphore_mem>>, %arg27: memref<!tpu.dma_semaphore, #tpu.memory_space<semaphore_mem>>, %arg28: memref<!tpu.dma_semaphore, #tpu.memory_space<semaphore_mem>>, %arg29: memref<!tpu.dma_semaphore, #tpu.memory_space<semaphore_mem>>, %arg30: memref<!tpu.dma_semaphore, #tpu.memory_space<semaphore_mem>>, %arg31: memref<!tpu.dma_semaphore, #tpu.memory_space<semaphore_mem>>, %arg32: memref<!tpu.dma_semaphore, #tpu.memory_space<semaphore_mem>>, %arg33: memref<!tpu.dma_semaphore, #tpu.memory_space<semaphore_mem>>) attributes {dimension_semantics = [#tpu.dimension_semantics<core_parallel>, #tpu.dimension_semantics<subcore_parallel>], iteration_bounds = array<i64: 2, 16>, scalar_prefetch = 0 : i64, scratch_operands = 22 : i64, tpu.core_type = #tpu.core_type<sc_vector_subcore>, window_params = [{transform_indices = #map}, {transform_indices = #map1}, {transform_indices = #map1}, {transform_indices = #map2}, {transform_indices = #map2}, {transform_indices = #map}, {transform_indices = #map}, {transform_indices = #map}, {transform_indices = #map}, {transform_indices = #map2}]} {
    %mul3A = arith.constant 16 : i32
    %mul3A_0 = arith.muli %arg0, %mul3A : i32
    %add3A = arith.addi %mul3A_0, %arg1 : i32
    %broadcast_in_dim3A = arith.constant 0.000000e+00 : f32
    %broadcast_in_dim3A_1 = vector.broadcast %broadcast_in_dim3A : f32 to vector<16xf32>
    %iota3A = tpu.iota {dimensions = array<i32: 0>} : vector<16xi32>
    %dma_start3A = arith.constant 0 : i32
    %dma_start3A_2 = arith.constant 0 : i32
    %dma_start3A_3 = tpu.memref_slice %arg3[%add3A, %dma_start3A, %dma_start3A_2] : memref<32x80x128xi32, #tpu.memory_space<hbm>> -> memref<1x80x128xi32, #tpu.memory_space<hbm>>
    %dma_start3A_4 = tpu.memref_squeeze %dma_start3A_3 : memref<1x80x128xi32, #tpu.memory_space<hbm>> -> memref<80x128xi32, #tpu.memory_space<hbm>>
    %dma_start3A_5 = arith.constant 0 : i32
    %dma_start3A_6 = arith.constant 0 : i32
    %dma_start3A_7 = tpu.memref_slice %arg3[%add3A, %dma_start3A_5, %dma_start3A_6] : memref<32x80x128xi32, #tpu.memory_space<hbm>> -> memref<1x80x128xi32, #tpu.memory_space<hbm>>
    %dma_start3A_8 = tpu.memref_squeeze %dma_start3A_7 : memref<1x80x128xi32, #tpu.memory_space<hbm>> -> memref<80x128xi32, #tpu.memory_space<hbm>>
    tpu.enqueue_dma source(%dma_start3A_8 : memref<80x128xi32, #tpu.memory_space<hbm>>) target(%arg14 : memref<80x128xi32, #tpu.memory_space<vmem>>) target_semaphore(%arg30 : memref<!tpu.dma_semaphore, #tpu.memory_space<semaphore_mem>>)
    %dma_start3A_9 = arith.constant 0 : i32
    %dma_start3A_10 = arith.constant 0 : i32
    %dma_start3A_11 = tpu.memref_slice %arg4[%add3A, %dma_start3A_9, %dma_start3A_10] : memref<32x80x128xi32, #tpu.memory_space<hbm>> -> memref<1x80x128xi32, #tpu.memory_space<hbm>>
    %dma_start3A_12 = tpu.memref_squeeze %dma_start3A_11 : memref<1x80x128xi32, #tpu.memory_space<hbm>> -> memref<80x128xi32, #tpu.memory_space<hbm>>
    %dma_start3A_13 = arith.constant 0 : i32
    %dma_start3A_14 = arith.constant 0 : i32
    %dma_start3A_15 = tpu.memref_slice %arg4[%add3A, %dma_start3A_13, %dma_start3A_14] : memref<32x80x128xi32, #tpu.memory_space<hbm>> -> memref<1x80x128xi32, #tpu.memory_space<hbm>>
    %dma_start3A_16 = tpu.memref_squeeze %dma_start3A_15 : memref<1x80x128xi32, #tpu.memory_space<hbm>> -> memref<80x128xi32, #tpu.memory_space<hbm>>
    tpu.enqueue_dma source(%dma_start3A_16 : memref<80x128xi32, #tpu.memory_space<hbm>>) target(%arg15 : memref<80x128xi32, #tpu.memory_space<vmem>>) target_semaphore(%arg31 : memref<!tpu.dma_semaphore, #tpu.memory_space<semaphore_mem>>)
    tpu.enqueue_dma source(%arg5 : memref<1536xi32, #tpu.memory_space<hbm>>) target(%arg16 : memref<1536xi32, #tpu.memory_space<vmem>>) target_semaphore(%arg32 : memref<!tpu.dma_semaphore, #tpu.memory_space<semaphore_mem>>)
    tpu.enqueue_dma source(%arg6 : memref<10240xi32, #tpu.memory_space<hbm>>) target(%arg17 : memref<10240xi32, #tpu.memory_space<vmem>>) target_semaphore(%arg33 : memref<!tpu.dma_semaphore, #tpu.memory_space<semaphore_mem>>)
    %swap3A = arith.constant 0 : i32
    %swap3A_17 = arith.index_cast %swap3A : i32 to index
    %swap3A_18 = arith.constant 0 : index
    %swap3A_19 = tpu.vector_load %arg20[%swap3A_17, %swap3A_18] {strides = array<i32>} : memref<16x128xf32, #tpu.memory_space<vmem>>, vector<16xf32>,
    tpu.vector_store %arg20[%swap3A_17, %swap3A_18], %broadcast_in_dim3A_1 {strides = array<i32>} : memref<16x128xf32, #tpu.memory_space<vmem>>, vector<16xf32>,
    %swap3A_20 = arith.constant 0 : i32
    %swap3A_21 = arith.index_cast %swap3A_20 : i32 to index
    %swap3A_22 = arith.constant 16 : index
    %swap3A_23 = tpu.vector_load %arg20[%swap3A_21, %swap3A_22] {strides = array<i32>} : memref<16x128xf32, #tpu.memory_space<vmem>>, vector<16xf32>,
    tpu.vector_store %arg20[%swap3A_21, %swap3A_22], %broadcast_in_dim3A_1 {strides = array<i32>} : memref<16x128xf32, #tpu.memory_space<vmem>>, vector<16xf32>,
    %swap3A_24 = arith.constant 0 : i32
    %swap3A_25 = arith.index_cast %swap3A_24 : i32 to index
    %swap3A_26 = arith.constant 32 : index
    %swap3A_27 = tpu.vector_load %arg20[%swap3A_25, %swap3A_26] {strides = array<i32>} : memref<16x128xf32, #tpu.memory_space<vmem>>, vector<16xf32>,
    tpu.vector_store %arg20[%swap3A_25, %swap3A_26], %broadcast_in_dim3A_1 {strides = array<i32>} : memref<16x128xf32, #tpu.memory_space<vmem>>, vector<16xf32>,
    %swap3A_28 = arith.constant 0 : i32
    %swap3A_29 = arith.index_cast %swap3A_28 : i32 to index
    %swap3A_30 = arith.constant 48 : index
    %swap3A_31 = tpu.vector_load %arg20[%swap3A_29, %swap3A_30] {strides = array<i32>} : memref<16x128xf32, #tpu.memory_space<vmem>>, vector<16xf32>,
    tpu.vector_store %arg20[%swap3A_29, %swap3A_30], %broadcast_in_dim3A_1 {strides = array<i32>} : memref<16x128xf32, #tpu.memory_space<vmem>>, vector<16xf32>,
    %swap3A_32 = arith.constant 0 : i32
    %swap3A_33 = arith.index_cast %swap3A_32 : i32 to index
    %swap3A_34 = arith.constant 64 : index
    %swap3A_35 = tpu.vector_load %arg20[%swap3A_33, %swap3A_34] {strides = array<i32>} : memref<16x128xf32, #tpu.memory_space<vmem>>, vector<16xf32>,
    tpu.vector_store %arg20[%swap3A_33, %swap3A_34], %broadcast_in_dim3A_1 {strides = array<i32>} : memref<16x128xf32, #tpu.memory_space<vmem>>, vector<16xf32>,
    %swap3A_36 = arith.constant 0 : i32
    %swap3A_37 = arith.index_cast %swap3A_36 : i32 to index
    %swap3A_38 = arith.constant 80 : index
    %swap3A_39 = tpu.vector_load %arg20[%swap3A_37, %swap3A_38] {strides = array<i32>} : memref<16x128xf32, #tpu.memory_space<vmem>>, vector<16xf32>,
    tpu.vector_store %arg20[%swap3A_37, %swap3A_38], %broadcast_in_dim3A_1 {strides = array<i32>} : memref<16x128xf32, #tpu.memory_space<vmem>>, vector<16xf32>,
    %swap3A_40 = arith.constant 0 : i32
    %swap3A_41 = arith.index_cast %swap3A_40 : i32 to index
    %swap3A_42 = arith.constant 96 : index
    %swap3A_43 = tpu.vector_load %arg20[%swap3A_41, %swap3A_42] {strides = array<i32>} : memref<16x128xf32, #tpu.memory_space<vmem>>, vector<16xf32>,
    tpu.vector_store %arg20[%swap3A_41, %swap3A_42], %broadcast_in_dim3A_1 {strides = array<i32>} : memref<16x128xf32, #tpu.memory_space<vmem>>, vector<16xf32>,
    %swap3A_44 = arith.constant 0 : i32
    %swap3A_45 = arith.index_cast %swap3A_44 : i32 to index
    %swap3A_46 = arith.constant 112 : index
    %swap3A_47 = tpu.vector_load %arg20[%swap3A_45, %swap3A_46] {strides = array<i32>} : memref<16x128xf32, #tpu.memory_space<vmem>>, vector<16xf32>,
    tpu.vector_store %arg20[%swap3A_45, %swap3A_46], %broadcast_in_dim3A_1 {strides = array<i32>} : memref<16x128xf32, #tpu.memory_space<vmem>>, vector<16xf32>,
    %swap3A_48 = arith.constant 1 : i32
    %swap3A_49 = arith.index_cast %swap3A_48 : i32 to index
    %swap3A_50 = arith.constant 0 : index
    %swap3A_51 = tpu.vector_load %arg20[%swap3A_49, %swap3A_50] {strides = array<i32>} : memref<16x128xf32, #tpu.memory_space<vmem>>, vector<16xf32>,
    tpu.vector_store %arg20[%swap3A_49, %swap3A_50], %broadcast_in_dim3A_1 {strides = array<i32>} : memref<16x128xf32, #tpu.memory_space<vmem>>, vector<16xf32>,
    %swap3A_52 = arith.constant 1 : i32
    %swap3A_53 = arith.index_cast %swap3A_52 : i32 to index
    %swap3A_54 = arith.constant 16 : index
    %swap3A_55 = tpu.vector_load %arg20[%swap3A_53, %swap3A_54] {strides = array<i32>} : memref<16x128xf32, #tpu.memory_space<vmem>>, vector<16xf32>,
    tpu.vector_store %arg20[%swap3A_53, %swap3A_54], %broadcast_in_dim3A_1 {strides = array<i32>} : memref<16x128xf32, #tpu.memory_space<vmem>>, vector<16xf32>,
    %swap3A_56 = arith.constant 1 : i32
    %swap3A_57 = arith.index_cast %swap3A_56 : i32 to index
    %swap3A_58 = arith.constant 32 : index
    %swap3A_59 = tpu.vector_load %arg20[%swap3A_57, %swap3A_58] {strides = array<i32>} : memref<16x128xf32, #tpu.memory_space<vmem>>, vector<16xf32>,
    tpu.vector_store %arg20[%swap3A_57, %swap3A_58], %broadcast_in_dim3A_1 {strides = array<i32>} : memref<16x128xf32, #tpu.memory_space<vmem>>, vector<16xf32>,
    %swap3A_60 = arith.constant 1 : i32
    %swap3A_61 = arith.index_cast %swap3A_60 : i32 to index
    %swap3A_62 = arith.constant 48 : index
    %swap3A_63 = tpu.vector_load %arg20[%swap3A_61, %swap3A_62] {strides = array<i32>} : memref<16x128xf32, #tpu.memory_space<vmem>>, vector<16xf32>,
    tpu.vector_store %arg20[%swap3A_61, %swap3A_62], %broadcast_in_dim3A_1 {strides = array<i32>} : memref<16x128xf32, #tpu.memory_space<vmem>>, vector<16xf32>,
    %swap3A_64 = arith.constant 1 : i32
    %swap3A_65 = arith.index_cast %swap3A_64 : i32 to index
    %swap3A_66 = arith.constant 64 : index
    %swap3A_67 = tpu.vector_load %arg20[%swap3A_65, %swap3A_66] {strides = array<i32>} : memref<16x128xf32, #tpu.memory_space<vmem>>, vector<16xf32>,
    tpu.vector_store %arg20[%swap3A_65, %swap3A_66], %broadcast_in_dim3A_1 {strides = array<i32>} : memref<16x128xf32, #tpu.memory_space<vmem>>, vector<16xf32>,
    %swap3A_68 = arith.constant 1 : i32
    %swap3A_69 = arith.index_cast %swap3A_68 : i32 to index
    %swap3A_70 = arith.constant 80 : index
    %swap3A_71 = tpu.vector_load %arg20[%swap3A_69, %swap3A_70] {strides = array<i32>} : memref<16x128xf32, #tpu.memory_space<vmem>>, vector<16xf32>,
    tpu.vector_store %arg20[%swap3A_69, %swap3A_70], %broadcast_in_dim3A_1 {strides = array<i32>} : memref<16x128xf32, #tpu.memory_space<vmem>>, vector<16xf32>,
    %swap3A_72 = arith.constant 1 : i32
    %swap3A_73 = arith.index_cast %swap3A_72 : i32 to index
    %swap3A_74 = arith.constant 96 : index
    %swap3A_75 = tpu.vector_load %arg20[%swap3A_73, %swap3A_74] {strides = array<i32>} : memref<16x128xf32, #tpu.memory_space<vmem>>, vector<16xf32>,
    tpu.vector_store %arg20[%swap3A_73, %swap3A_74], %broadcast_in_dim3A_1 {strides = array<i32>} : memref<16x128xf32, #tpu.memory_space<vmem>>, vector<16xf32>,
    %swap3A_76 = arith.constant 1 : i32
    %swap3A_77 = arith.index_cast %swap3A_76 : i32 to index
    %swap3A_78 = arith.constant 112 : index
    %swap3A_79 = tpu.vector_load %arg20[%swap3A_77, %swap3A_78] {strides = array<i32>} : memref<16x128xf32, #tpu.memory_space<vmem>>, vector<16xf32>,
    tpu.vector_store %arg20[%swap3A_77, %swap3A_78], %broadcast_in_dim3A_1 {strides = array<i32>} : memref<16x128xf32, #tpu.memory_space<vmem>>, vector<16xf32>,
    %swap3A_80 = arith.constant 2 : i32
    %swap3A_81 = arith.index_cast %swap3A_80 : i32 to index
    %swap3A_82 = arith.constant 0 : index
    %swap3A_83 = tpu.vector_load %arg20[%swap3A_81, %swap3A_82] {strides = array<i32>} : memref<16x128xf32, #tpu.memory_space<vmem>>, vector<16xf32>,
    tpu.vector_store %arg20[%swap3A_81, %swap3A_82], %broadcast_in_dim3A_1 {strides = array<i32>} : memref<16x128xf32, #tpu.memory_space<vmem>>, vector<16xf32>,
    %swap3A_84 = arith.constant 2 : i32
    %swap3A_85 = arith.index_cast %swap3A_84 : i32 to index
    %swap3A_86 = arith.constant 16 : index
    %swap3A_87 = tpu.vector_load %arg20[%swap3A_85, %swap3A_86] {strides = array<i32>} : memref<16x128xf32, #tpu.memory_space<vmem>>, vector<16xf32>,
    tpu.vector_store %arg20[%swap3A_85, %swap3A_86], %broadcast_in_dim3A_1 {strides = array<i32>} : memref<16x128xf32, #tpu.memory_space<vmem>>, vector<16xf32>,
    %swap3A_88 = arith.constant 2 : i32
    %swap3A_89 = arith.index_cast %swap3A_88 : i32 to index
    %swap3A_90 = arith.constant 32 : index
    %swap3A_91 = tpu.vector_load %arg20[%swap3A_89, %swap3A_90] {strides = array<i32>} : memref<16x128xf32, #tpu.memory_space<vmem>>, vector<16xf32>,
    tpu.vector_store %arg20[%swap3A_89, %swap3A_90], %broadcast_in_dim3A_1 {strides = array<i32>} : memref<16x128xf32, #tpu.memory_space<vmem>>, vector<16xf32>,
    %swap3A_92 = arith.constant 2 : i32
    %swap3A_93 = arith.index_cast %swap3A_92 : i32 to index
    %swap3A_94 = arith.constant 48 : index
    %swap3A_95 = tpu.vector_load %arg20[%swap3A_93, %swap3A_94] {strides = array<i32>} : memref<16x128xf32, #tpu.memory_space<vmem>>, vector<16xf32>,
    tpu.vector_store %arg20[%swap3A_93, %swap3A_94], %broadcast_in_dim3A_1 {strides = array<i32>} : memref<16x128xf32, #tpu.memory_space<vmem>>, vector<16xf32>,
    %swap3A_96 = arith.constant 2 : i32
    %swap3A_97 = arith.index_cast %swap3A_96 : i32 to index
    %swap3A_98 = arith.constant 64 : index
    %swap3A_99 = tpu.vector_load %arg20[%swap3A_97, %swap3A_98] {strides = array<i32>} : memref<16x128xf32, #tpu.memory_space<vmem>>, vector<16xf32>,
    tpu.vector_store %arg20[%swap3A_97, %swap3A_98], %broadcast_in_dim3A_1 {strides = array<i32>} : memref<16x128xf32, #tpu.memory_space<vmem>>, vector<16xf32>,
    %swap3A_100 = arith.constant 2 : i32
    %swap3A_101 = arith.index_cast %swap3A_100 : i32 to index
    %swap3A_102 = arith.constant 80 : index
    %swap3A_103 = tpu.vector_load %arg20[%swap3A_101, %swap3A_102] {strides = array<i32>} : memref<16x128xf32, #tpu.memory_space<vmem>>, vector<16xf32>,
    tpu.vector_store %arg20[%swap3A_101, %swap3A_102], %broadcast_in_dim3A_1 {strides = array<i32>} : memref<16x128xf32, #tpu.memory_space<vmem>>, vector<16xf32>,
    %swap3A_104 = arith.constant 2 : i32
    %swap3A_105 = arith.index_cast %swap3A_104 : i32 to index
    %swap3A_106 = arith.constant 96 : index
    %swap3A_107 = tpu.vector_load %arg20[%swap3A_105, %swap3A_106] {strides = array<i32>} : memref<16x128xf32, #tpu.memory_space<vmem>>, vector<16xf32>,
    tpu.vector_store %arg20[%swap3A_105, %swap3A_106], %broadcast_in_dim3A_1 {strides = array<i32>} : memref<16x128xf32, #tpu.memory_space<vmem>>, vector<16xf32>,
    %swap3A_108 = arith.constant 2 : i32
    %swap3A_109 = arith.index_cast %swap3A_108 : i32 to index
    %swap3A_110 = arith.constant 112 : index
    %swap3A_111 = tpu.vector_load %arg20[%swap3A_109, %swap3A_110] {strides = array<i32>} : memref<16x128xf32, #tpu.memory_space<vmem>>, vector<16xf32>,
    tpu.vector_store %arg20[%swap3A_109, %swap3A_110], %broadcast_in_dim3A_1 {strides = array<i32>} : memref<16x128xf32, #tpu.memory_space<vmem>>, vector<16xf32>,
    %swap3A_112 = arith.constant 3 : i32
    %swap3A_113 = arith.index_cast %swap3A_112 : i32 to index
    %swap3A_114 = arith.constant 0 : index
    %swap3A_115 = tpu.vector_load %arg20[%swap3A_113, %swap3A_114] {strides = array<i32>} : memref<16x128xf32, #tpu.memory_space<vmem>>, vector<16xf32>,
    tpu.vector_store %arg20[%swap3A_113, %swap3A_114], %broadcast_in_dim3A_1 {strides = array<i32>} : memref<16x128xf32, #tpu.memory_space<vmem>>, vector<16xf32>,
    %swap3A_116 = arith.constant 3 : i32
    %swap3A_117 = arith.index_cast %swap3A_116 : i32 to index
    %swap3A_118 = arith.constant 16 : index
    %swap3A_119 = tpu.vector_load %arg20[%swap3A_117, %swap3A_118] {strides = array<i32>} : memref<16x128xf32, #tpu.memory_space<vmem>>, vector<16xf32>,
    tpu.vector_store %arg20[%swap3A_117, %swap3A_118], %broadcast_in_dim3A_1 {strides = array<i32>} : memref<16x128xf32, #tpu.memory_space<vmem>>, vector<16xf32>,
    %swap3A_120 = arith.constant 3 : i32
    %swap3A_121 = arith.index_cast %swap3A_120 : i32 to index
    %swap3A_122 = arith.constant 32 : index
    %swap3A_123 = tpu.vector_load %arg20[%swap3A_121, %swap3A_122] {strides = array<i32>} : memref<16x128xf32, #tpu.memory_space<vmem>>, vector<16xf32>,
    tpu.vector_store %arg20[%swap3A_121, %swap3A_122], %broadcast_in_dim3A_1 {strides = array<i32>} : memref<16x128xf32, #tpu.memory_space<vmem>>, vector<16xf32>,
    %swap3A_124 = arith.constant 3 : i32
    %swap3A_125 = arith.index_cast %swap3A_124 : i32 to index
    %swap3A_126 = arith.constant 48 : index
    %swap3A_127 = tpu.vector_load %arg20[%swap3A_125, %swap3A_126] {strides = array<i32>} : memref<16x128xf32, #tpu.memory_space<vmem>>, vector<16xf32>,
    tpu.vector_store %arg20[%swap3A_125, %swap3A_126], %broadcast_in_dim3A_1 {strides = array<i32>} : memref<16x128xf32, #tpu.memory_space<vmem>>, vector<16xf32>,
    %swap3A_128 = arith.constant 3 : i32
    %swap3A_129 = arith.index_cast %swap3A_128 : i32 to index
    %swap3A_130 = arith.constant 64 : index
    %swap3A_131 = tpu.vector_load %arg20[%swap3A_129, %swap3A_130] {strides = array<i32>} : memref<16x128xf32, #tpu.memory_space<vmem>>, vector<16xf32>,
    tpu.vector_store %arg20[%swap3A_129, %swap3A_130], %broadcast_in_dim3A_1 {strides = array<i32>} : memref<16x128xf32, #tpu.memory_space<vmem>>, vector<16xf32>,
    %swap3A_132 = arith.constant 3 : i32
    %swap3A_133 = arith.index_cast %swap3A_132 : i32 to index
    %swap3A_134 = arith.constant 80 : index
    %swap3A_135 = tpu.vector_load %arg20[%swap3A_133, %swap3A_134] {strides = array<i32>} : memref<16x128xf32, #tpu.memory_space<vmem>>, vector<16xf32>,
    tpu.vector_store %arg20[%swap3A_133, %swap3A_134], %broadcast_in_dim3A_1 {strides = array<i32>} : memref<16x128xf32, #tpu.memory_space<vmem>>, vector<16xf32>,
    %swap3A_136 = arith.constant 3 : i32
    %swap3A_137 = arith.index_cast %swap3A_136 : i32 to index
    %swap3A_138 = arith.constant 96 : index
    %swap3A_139 = tpu.vector_load %arg20[%swap3A_137, %swap3A_138] {strides = array<i32>} : memref<16x128xf32, #tpu.memory_space<vmem>>, vector<16xf32>,
    tpu.vector_store %arg20[%swap3A_137, %swap3A_138], %broadcast_in_dim3A_1 {strides = array<i32>} : memref<16x128xf32, #tpu.memory_space<vmem>>, vector<16xf32>,
    %swap3A_140 = arith.constant 3 : i32
    %swap3A_141 = arith.index_cast %swap3A_140 : i32 to index
    %swap3A_142 = arith.constant 112 : index
    %swap3A_143 = tpu.vector_load %arg20[%swap3A_141, %swap3A_142] {strides = array<i32>} : memref<16x128xf32, #tpu.memory_space<vmem>>, vector<16xf32>,
    tpu.vector_store %arg20[%swap3A_141, %swap3A_142], %broadcast_in_dim3A_1 {strides = array<i32>} : memref<16x128xf32, #tpu.memory_space<vmem>>, vector<16xf32>,
    %swap3A_144 = arith.constant 4 : i32
    %swap3A_145 = arith.index_cast %swap3A_144 : i32 to index
    %swap3A_146 = arith.constant 0 : index
    %swap3A_147 = tpu.vector_load %arg20[%swap3A_145, %swap3A_146] {strides = array<i32>} : memref<16x128xf32, #tpu.memory_space<vmem>>, vector<16xf32>,
    tpu.vector_store %arg20[%swap3A_145, %swap3A_146], %broadcast_in_dim3A_1 {strides = array<i32>} : memref<16x128xf32, #tpu.memory_space<vmem>>, vector<16xf32>,
    %swap3A_148 = arith.constant 4 : i32
    %swap3A_149 = arith.index_cast %swap3A_148 : i32 to index
    %swap3A_150 = arith.constant 16 : index
    %swap3A_151 = tpu.vector_load %arg20[%swap3A_149, %swap3A_150] {strides = array<i32>} : memref<16x128xf32, #tpu.memory_space<vmem>>, vector<16xf32>,
    tpu.vector_store %arg20[%swap3A_149, %swap3A_150], %broadcast_in_dim3A_1 {strides = array<i32>} : memref<16x128xf32, #tpu.memory_space<vmem>>, vector<16xf32>,
    %swap3A_152 = arith.constant 4 : i32
    %swap3A_153 = arith.index_cast %swap3A_152 : i32 to index
    %swap3A_154 = arith.constant 32 : index
    %swap3A_155 = tpu.vector_load %arg20[%swap3A_153, %swap3A_154] {strides = array<i32>} : memref<16x128xf32, #tpu.memory_space<vmem>>, vector<16xf32>,
    tpu.vector_store %arg20[%swap3A_153, %swap3A_154], %broadcast_in_dim3A_1 {strides = array<i32>} : memref<16x128xf32, #tpu.memory_space<vmem>>, vector<16xf32>,
    %swap3A_156 = arith.constant 4 : i32
    %swap3A_157 = arith.index_cast %swap3A_156 : i32 to index
    %swap3A_158 = arith.constant 48 : index
    %swap3A_159 = tpu.vector_load %arg20[%swap3A_157, %swap3A_158] {strides = array<i32>} : memref<16x128xf32, #tpu.memory_space<vmem>>, vector<16xf32>,
    tpu.vector_store %arg20[%swap3A_157, %swap3A_158], %broadcast_in_dim3A_1 {strides = array<i32>} : memref<16x128xf32, #tpu.memory_space<vmem>>, vector<16xf32>,
    %swap3A_160 = arith.constant 4 : i32
    %swap3A_161 = arith.index_cast %swap3A_160 : i32 to index
    %swap3A_162 = arith.constant 64 : index
    %swap3A_163 = tpu.vector_load %arg20[%swap3A_161, %swap3A_162] {strides = array<i32>} : memref<16x128xf32, #tpu.memory_space<vmem>>, vector<16xf32>,
    tpu.vector_store %arg20[%swap3A_161, %swap3A_162], %broadcast_in_dim3A_1 {strides = array<i32>} : memref<16x128xf32, #tpu.memory_space<vmem>>, vector<16xf32>,
    %swap3A_164 = arith.constant 4 : i32
    %swap3A_165 = arith.index_cast %swap3A_164 : i32 to index
    %swap3A_166 = arith.constant 80 : index
    %swap3A_167 = tpu.vector_load %arg20[%swap3A_165, %swap3A_166] {strides = array<i32>} : memref<16x128xf32, #tpu.memory_space<vmem>>, vector<16xf32>,
    tpu.vector_store %arg20[%swap3A_165, %swap3A_166], %broadcast_in_dim3A_1 {strides = array<i32>} : memref<16x128xf32, #tpu.memory_space<vmem>>, vector<16xf32>,
    %swap3A_168 = arith.constant 4 : i32
    %swap3A_169 = arith.index_cast %swap3A_168 : i32 to index
    %swap3A_170 = arith.constant 96 : index
    %swap3A_171 = tpu.vector_load %arg20[%swap3A_169, %swap3A_170] {strides = array<i32>} : memref<16x128xf32, #tpu.memory_space<vmem>>, vector<16xf32>,
    tpu.vector_store %arg20[%swap3A_169, %swap3A_170], %broadcast_in_dim3A_1 {strides = array<i32>} : memref<16x128xf32, #tpu.memory_space<vmem>>, vector<16xf32>,
    %swap3A_172 = arith.constant 4 : i32
    %swap3A_173 = arith.index_cast %swap3A_172 : i32 to index
    %swap3A_174 = arith.constant 112 : index
    %swap3A_175 = tpu.vector_load %arg20[%swap3A_173, %swap3A_174] {strides = array<i32>} : memref<16x128xf32, #tpu.memory_space<vmem>>, vector<16xf32>,
    tpu.vector_store %arg20[%swap3A_173, %swap3A_174], %broadcast_in_dim3A_1 {strides = array<i32>} : memref<16x128xf32, #tpu.memory_space<vmem>>, vector<16xf32>,
    %swap3A_176 = arith.constant 5 : i32
    %swap3A_177 = arith.index_cast %swap3A_176 : i32 to index
    %swap3A_178 = arith.constant 0 : index
    %swap3A_179 = tpu.vector_load %arg20[%swap3A_177, %swap3A_178] {strides = array<i32>} : memref<16x128xf32, #tpu.memory_space<vmem>>, vector<16xf32>,
    tpu.vector_store %arg20[%swap3A_177, %swap3A_178], %broadcast_in_dim3A_1 {strides = array<i32>} : memref<16x128xf32, #tpu.memory_space<vmem>>, vector<16xf32>,
    %swap3A_180 = arith.constant 5 : i32
    %swap3A_181 = arith.index_cast %swap3A_180 : i32 to index
    %swap3A_182 = arith.constant 16 : index
    %swap3A_183 = tpu.vector_load %arg20[%swap3A_181, %swap3A_182] {strides = array<i32>} : memref<16x128xf32, #tpu.memory_space<vmem>>, vector<16xf32>,
    tpu.vector_store %arg20[%swap3A_181, %swap3A_182], %broadcast_in_dim3A_1 {strides = array<i32>} : memref<16x128xf32, #tpu.memory_space<vmem>>, vector<16xf32>,
    %swap3A_184 = arith.constant 5 : i32
    %swap3A_185 = arith.index_cast %swap3A_184 : i32 to index
    %swap3A_186 = arith.constant 32 : index
    %swap3A_187 = tpu.vector_load %arg20[%swap3A_185, %swap3A_186] {strides = array<i32>} : memref<16x128xf32, #tpu.memory_space<vmem>>, vector<16xf32>,
    tpu.vector_store %arg20[%swap3A_185, %swap3A_186], %broadcast_in_dim3A_1 {strides = array<i32>} : memref<16x128xf32, #tpu.memory_space<vmem>>, vector<16xf32>,
    %swap3A_188 = arith.constant 5 : i32
    %swap3A_189 = arith.index_cast %swap3A_188 : i32 to index
    %swap3A_190 = arith.constant 48 : index
    %swap3A_191 = tpu.vector_load %arg20[%swap3A_189, %swap3A_190] {strides = array<i32>} : memref<16x128xf32, #tpu.memory_space<vmem>>, vector<16xf32>,
    tpu.vector_store %arg20[%swap3A_189, %swap3A_190], %broadcast_in_dim3A_1 {strides = array<i32>} : memref<16x128xf32, #tpu.memory_space<vmem>>, vector<16xf32>,
    %swap3A_192 = arith.constant 5 : i32
    %swap3A_193 = arith.index_cast %swap3A_192 : i32 to index
    %swap3A_194 = arith.constant 64 : index
    %swap3A_195 = tpu.vector_load %arg20[%swap3A_193, %swap3A_194] {strides = array<i32>} : memref<16x128xf32, #tpu.memory_space<vmem>>, vector<16xf32>,
    tpu.vector_store %arg20[%swap3A_193, %swap3A_194], %broadcast_in_dim3A_1 {strides = array<i32>} : memref<16x128xf32, #tpu.memory_space<vmem>>, vector<16xf32>,
    %swap3A_196 = arith.constant 5 : i32
    %swap3A_197 = arith.index_cast %swap3A_196 : i32 to index
    %swap3A_198 = arith.constant 80 : index
    %swap3A_199 = tpu.vector_load %arg20[%swap3A_197, %swap3A_198] {strides = array<i32>} : memref<16x128xf32, #tpu.memory_space<vmem>>, vector<16xf32>,
    tpu.vector_store %arg20[%swap3A_197, %swap3A_198], %broadcast_in_dim3A_1 {strides = array<i32>} : memref<16x128xf32, #tpu.memory_space<vmem>>, vector<16xf32>,
    %swap3A_200 = arith.constant 5 : i32
    %swap3A_201 = arith.index_cast %swap3A_200 : i32 to index
    %swap3A_202 = arith.constant 96 : index
    %swap3A_203 = tpu.vector_load %arg20[%swap3A_201, %swap3A_202] {strides = array<i32>} : memref<16x128xf32, #tpu.memory_space<vmem>>, vector<16xf32>,
    tpu.vector_store %arg20[%swap3A_201, %swap3A_202], %broadcast_in_dim3A_1 {strides = array<i32>} : memref<16x128xf32, #tpu.memory_space<vmem>>, vector<16xf32>,
    %swap3A_204 = arith.constant 5 : i32
    %swap3A_205 = arith.index_cast %swap3A_204 : i32 to index
    %swap3A_206 = arith.constant 112 : index
    %swap3A_207 = tpu.vector_load %arg20[%swap3A_205, %swap3A_206] {strides = array<i32>} : memref<16x128xf32, #tpu.memory_space<vmem>>, vector<16xf32>,
    tpu.vector_store %arg20[%swap3A_205, %swap3A_206], %broadcast_in_dim3A_1 {strides = array<i32>} : memref<16x128xf32, #tpu.memory_space<vmem>>, vector<16xf32>,
    %swap3A_208 = arith.constant 6 : i32
    %swap3A_209 = arith.index_cast %swap3A_208 : i32 to index
    %swap3A_210 = arith.constant 0 : index
    %swap3A_211 = tpu.vector_load %arg20[%swap3A_209, %swap3A_210] {strides = array<i32>} : memref<16x128xf32, #tpu.memory_space<vmem>>, vector<16xf32>,
    tpu.vector_store %arg20[%swap3A_209, %swap3A_210], %broadcast_in_dim3A_1 {strides = array<i32>} : memref<16x128xf32, #tpu.memory_space<vmem>>, vector<16xf32>,
    %swap3A_212 = arith.constant 6 : i32
    %swap3A_213 = arith.index_cast %swap3A_212 : i32 to index
    %swap3A_214 = arith.constant 16 : index
    %swap3A_215 = tpu.vector_load %arg20[%swap3A_213, %swap3A_214] {strides = array<i32>} : memref<16x128xf32, #tpu.memory_space<vmem>>, vector<16xf32>,
    tpu.vector_store %arg20[%swap3A_213, %swap3A_214], %broadcast_in_dim3A_1 {strides = array<i32>} : memref<16x128xf32, #tpu.memory_space<vmem>>, vector<16xf32>,
    %swap3A_216 = arith.constant 6 : i32
    %swap3A_217 = arith.index_cast %swap3A_216 : i32 to index
    %swap3A_218 = arith.constant 32 : index
    %swap3A_219 = tpu.vector_load %arg20[%swap3A_217, %swap3A_218] {strides = array<i32>} : memref<16x128xf32, #tpu.memory_space<vmem>>, vector<16xf32>,
    tpu.vector_store %arg20[%swap3A_217, %swap3A_218], %broadcast_in_dim3A_1 {strides = array<i32>} : memref<16x128xf32, #tpu.memory_space<vmem>>, vector<16xf32>,
    %swap3A_220 = arith.constant 6 : i32
    %swap3A_221 = arith.index_cast %swap3A_220 : i32 to index
    %swap3A_222 = arith.constant 48 : index
    %swap3A_223 = tpu.vector_load %arg20[%swap3A_221, %swap3A_222] {strides = array<i32>} : memref<16x128xf32, #tpu.memory_space<vmem>>, vector<16xf32>,
    tpu.vector_store %arg20[%swap3A_221, %swap3A_222], %broadcast_in_dim3A_1 {strides = array<i32>} : memref<16x128xf32, #tpu.memory_space<vmem>>, vector<16xf32>,
    %swap3A_224 = arith.constant 6 : i32
    %swap3A_225 = arith.index_cast %swap3A_224 : i32 to index
    %swap3A_226 = arith.constant 64 : index
    %swap3A_227 = tpu.vector_load %arg20[%swap3A_225, %swap3A_226] {strides = array<i32>} : memref<16x128xf32, #tpu.memory_space<vmem>>, vector<16xf32>,
    tpu.vector_store %arg20[%swap3A_225, %swap3A_226], %broadcast_in_dim3A_1 {strides = array<i32>} : memref<16x128xf32, #tpu.memory_space<vmem>>, vector<16xf32>,
    %swap3A_228 = arith.constant 6 : i32
    %swap3A_229 = arith.index_cast %swap3A_228 : i32 to index
    %swap3A_230 = arith.constant 80 : index
    %swap3A_231 = tpu.vector_load %arg20[%swap3A_229, %swap3A_230] {strides = array<i32>} : memref<16x128xf32, #tpu.memory_space<vmem>>, vector<16xf32>,
    tpu.vector_store %arg20[%swap3A_229, %swap3A_230], %broadcast_in_dim3A_1 {strides = array<i32>} : memref<16x128xf32, #tpu.memory_space<vmem>>, vector<16xf32>,
    %swap3A_232 = arith.constant 6 : i32
    %swap3A_233 = arith.index_cast %swap3A_232 : i32 to index
    %swap3A_234 = arith.constant 96 : index
    %swap3A_235 = tpu.vector_load %arg20[%swap3A_233, %swap3A_234] {strides = array<i32>} : memref<16x128xf32, #tpu.memory_space<vmem>>, vector<16xf32>,
    tpu.vector_store %arg20[%swap3A_233, %swap3A_234], %broadcast_in_dim3A_1 {strides = array<i32>} : memref<16x128xf32, #tpu.memory_space<vmem>>, vector<16xf32>,
    %swap3A_236 = arith.constant 6 : i32
    %swap3A_237 = arith.index_cast %swap3A_236 : i32 to index
    %swap3A_238 = arith.constant 112 : index
    %swap3A_239 = tpu.vector_load %arg20[%swap3A_237, %swap3A_238] {strides = array<i32>} : memref<16x128xf32, #tpu.memory_space<vmem>>, vector<16xf32>,
    tpu.vector_store %arg20[%swap3A_237, %swap3A_238], %broadcast_in_dim3A_1 {strides = array<i32>} : memref<16x128xf32, #tpu.memory_space<vmem>>, vector<16xf32>,
    %swap3A_240 = arith.constant 7 : i32
    %swap3A_241 = arith.index_cast %swap3A_240 : i32 to index
    %swap3A_242 = arith.constant 0 : index
    %swap3A_243 = tpu.vector_load %arg20[%swap3A_241, %swap3A_242] {strides = array<i32>} : memref<16x128xf32, #tpu.memory_space<vmem>>, vector<16xf32>,
    tpu.vector_store %arg20[%swap3A_241, %swap3A_242], %broadcast_in_dim3A_1 {strides = array<i32>} : memref<16x128xf32, #tpu.memory_space<vmem>>, vector<16xf32>,
    %swap3A_244 = arith.constant 7 : i32
    %swap3A_245 = arith.index_cast %swap3A_244 : i32 to index
    %swap3A_246 = arith.constant 16 : index
    %swap3A_247 = tpu.vector_load %arg20[%swap3A_245, %swap3A_246] {strides = array<i32>} : memref<16x128xf32, #tpu.memory_space<vmem>>, vector<16xf32>,
    tpu.vector_store %arg20[%swap3A_245, %swap3A_246], %broadcast_in_dim3A_1 {strides = array<i32>} : memref<16x128xf32, #tpu.memory_space<vmem>>, vector<16xf32>,
    %swap3A_248 = arith.constant 7 : i32
    %swap3A_249 = arith.index_cast %swap3A_248 : i32 to index
    %swap3A_250 = arith.constant 32 : index
    %swap3A_251 = tpu.vector_load %arg20[%swap3A_249, %swap3A_250] {strides = array<i32>} : memref<16x128xf32, #tpu.memory_space<vmem>>, vector<16xf32>,
    tpu.vector_store %arg20[%swap3A_249, %swap3A_250], %broadcast_in_dim3A_1 {strides = array<i32>} : memref<16x128xf32, #tpu.memory_space<vmem>>, vector<16xf32>,
    %swap3A_252 = arith.constant 7 : i32
    %swap3A_253 = arith.index_cast %swap3A_252 : i32 to index
    %swap3A_254 = arith.constant 48 : index
    %swap3A_255 = tpu.vector_load %arg20[%swap3A_253, %swap3A_254] {strides = array<i32>} : memref<16x128xf32, #tpu.memory_space<vmem>>, vector<16xf32>,
    tpu.vector_store %arg20[%swap3A_253, %swap3A_254], %broadcast_in_dim3A_1 {strides = array<i32>} : memref<16x128xf32, #tpu.memory_space<vmem>>, vector<16xf32>,
    %swap3A_256 = arith.constant 7 : i32
    %swap3A_257 = arith.index_cast %swap3A_256 : i32 to index
    %swap3A_258 = arith.constant 64 : index
    %swap3A_259 = tpu.vector_load %arg20[%swap3A_257, %swap3A_258] {strides = array<i32>} : memref<16x128xf32, #tpu.memory_space<vmem>>, vector<16xf32>,
    tpu.vector_store %arg20[%swap3A_257, %swap3A_258], %broadcast_in_dim3A_1 {strides = array<i32>} : memref<16x128xf32, #tpu.memory_space<vmem>>, vector<16xf32>,
    %swap3A_260 = arith.constant 7 : i32
    %swap3A_261 = arith.index_cast %swap3A_260 : i32 to index
    %swap3A_262 = arith.constant 80 : index
    %swap3A_263 = tpu.vector_load %arg20[%swap3A_261, %swap3A_262] {strides = array<i32>} : memref<16x128xf32, #tpu.memory_space<vmem>>, vector<16xf32>,
    tpu.vector_store %arg20[%swap3A_261, %swap3A_262], %broadcast_in_dim3A_1 {strides = array<i32>} : memref<16x128xf32, #tpu.memory_space<vmem>>, vector<16xf32>,
    %swap3A_264 = arith.constant 7 : i32
    %swap3A_265 = arith.index_cast %swap3A_264 : i32 to index
    %swap3A_266 = arith.constant 96 : index
    %swap3A_267 = tpu.vector_load %arg20[%swap3A_265, %swap3A_266] {strides = array<i32>} : memref<16x128xf32, #tpu.memory_space<vmem>>, vector<16xf32>,
    tpu.vector_store %arg20[%swap3A_265, %swap3A_266], %broadcast_in_dim3A_1 {strides = array<i32>} : memref<16x128xf32, #tpu.memory_space<vmem>>, vector<16xf32>,
    %swap3A_268 = arith.constant 7 : i32
    %swap3A_269 = arith.index_cast %swap3A_268 : i32 to index
    %swap3A_270 = arith.constant 112 : index
    %swap3A_271 = tpu.vector_load %arg20[%swap3A_269, %swap3A_270] {strides = array<i32>} : memref<16x128xf32, #tpu.memory_space<vmem>>, vector<16xf32>,
    tpu.vector_store %arg20[%swap3A_269, %swap3A_270], %broadcast_in_dim3A_1 {strides = array<i32>} : memref<16x128xf32, #tpu.memory_space<vmem>>, vector<16xf32>,
    %swap3A_272 = arith.constant 8 : i32
    %swap3A_273 = arith.index_cast %swap3A_272 : i32 to index
    %swap3A_274 = arith.constant 0 : index
    %swap3A_275 = tpu.vector_load %arg20[%swap3A_273, %swap3A_274] {strides = array<i32>} : memref<16x128xf32, #tpu.memory_space<vmem>>, vector<16xf32>,
    tpu.vector_store %arg20[%swap3A_273, %swap3A_274], %broadcast_in_dim3A_1 {strides = array<i32>} : memref<16x128xf32, #tpu.memory_space<vmem>>, vector<16xf32>,
    %swap3A_276 = arith.constant 8 : i32
    %swap3A_277 = arith.index_cast %swap3A_276 : i32 to index
    %swap3A_278 = arith.constant 16 : index
    %swap3A_279 = tpu.vector_load %arg20[%swap3A_277, %swap3A_278] {strides = array<i32>} : memref<16x128xf32, #tpu.memory_space<vmem>>, vector<16xf32>,
    tpu.vector_store %arg20[%swap3A_277, %swap3A_278], %broadcast_in_dim3A_1 {strides = array<i32>} : memref<16x128xf32, #tpu.memory_space<vmem>>, vector<16xf32>,
    %swap3A_280 = arith.constant 8 : i32
    %swap3A_281 = arith.index_cast %swap3A_280 : i32 to index
    %swap3A_282 = arith.constant 32 : index
    %swap3A_283 = tpu.vector_load %arg20[%swap3A_281, %swap3A_282] {strides = array<i32>} : memref<16x128xf32, #tpu.memory_space<vmem>>, vector<16xf32>,
    tpu.vector_store %arg20[%swap3A_281, %swap3A_282], %broadcast_in_dim3A_1 {strides = array<i32>} : memref<16x128xf32, #tpu.memory_space<vmem>>, vector<16xf32>,
    %swap3A_284 = arith.constant 8 : i32
    %swap3A_285 = arith.index_cast %swap3A_284 : i32 to index
    %swap3A_286 = arith.constant 48 : index
    %swap3A_287 = tpu.vector_load %arg20[%swap3A_285, %swap3A_286] {strides = array<i32>} : memref<16x128xf32, #tpu.memory_space<vmem>>, vector<16xf32>,
    tpu.vector_store %arg20[%swap3A_285, %swap3A_286], %broadcast_in_dim3A_1 {strides = array<i32>} : memref<16x128xf32, #tpu.memory_space<vmem>>, vector<16xf32>,
    %swap3A_288 = arith.constant 8 : i32
    %swap3A_289 = arith.index_cast %swap3A_288 : i32 to index
    %swap3A_290 = arith.constant 64 : index
    %swap3A_291 = tpu.vector_load %arg20[%swap3A_289, %swap3A_290] {strides = array<i32>} : memref<16x128xf32, #tpu.memory_space<vmem>>, vector<16xf32>,
    tpu.vector_store %arg20[%swap3A_289, %swap3A_290], %broadcast_in_dim3A_1 {strides = array<i32>} : memref<16x128xf32, #tpu.memory_space<vmem>>, vector<16xf32>,
    %swap3A_292 = arith.constant 8 : i32
    %swap3A_293 = arith.index_cast %swap3A_292 : i32 to index
    %swap3A_294 = arith.constant 80 : index
    %swap3A_295 = tpu.vector_load %arg20[%swap3A_293, %swap3A_294] {strides = array<i32>} : memref<16x128xf32, #tpu.memory_space<vmem>>, vector<16xf32>,
    tpu.vector_store %arg20[%swap3A_293, %swap3A_294], %broadcast_in_dim3A_1 {strides = array<i32>} : memref<16x128xf32, #tpu.memory_space<vmem>>, vector<16xf32>,
    %swap3A_296 = arith.constant 8 : i32
    %swap3A_297 = arith.index_cast %swap3A_296 : i32 to index
    %swap3A_298 = arith.constant 96 : index
    %swap3A_299 = tpu.vector_load %arg20[%swap3A_297, %swap3A_298] {strides = array<i32>} : memref<16x128xf32, #tpu.memory_space<vmem>>, vector<16xf32>,
    tpu.vector_store %arg20[%swap3A_297, %swap3A_298], %broadcast_in_dim3A_1 {strides = array<i32>} : memref<16x128xf32, #tpu.memory_space<vmem>>, vector<16xf32>,
    %swap3A_300 = arith.constant 8 : i32
    %swap3A_301 = arith.index_cast %swap3A_300 : i32 to index
    %swap3A_302 = arith.constant 112 : index
    %swap3A_303 = tpu.vector_load %arg20[%swap3A_301, %swap3A_302] {strides = array<i32>} : memref<16x128xf32, #tpu.memory_space<vmem>>, vector<16xf32>,
    tpu.vector_store %arg20[%swap3A_301, %swap3A_302], %broadcast_in_dim3A_1 {strides = array<i32>} : memref<16x128xf32, #tpu.memory_space<vmem>>, vector<16xf32>,
    %swap3A_304 = arith.constant 9 : i32
    %swap3A_305 = arith.index_cast %swap3A_304 : i32 to index
    %swap3A_306 = arith.constant 0 : index
    %swap3A_307 = tpu.vector_load %arg20[%swap3A_305, %swap3A_306] {strides = array<i32>} : memref<16x128xf32, #tpu.memory_space<vmem>>, vector<16xf32>,
    tpu.vector_store %arg20[%swap3A_305, %swap3A_306], %broadcast_in_dim3A_1 {strides = array<i32>} : memref<16x128xf32, #tpu.memory_space<vmem>>, vector<16xf32>,
    %swap3A_308 = arith.constant 9 : i32
    %swap3A_309 = arith.index_cast %swap3A_308 : i32 to index
    %swap3A_310 = arith.constant 16 : index
    %swap3A_311 = tpu.vector_load %arg20[%swap3A_309, %swap3A_310] {strides = array<i32>} : memref<16x128xf32, #tpu.memory_space<vmem>>, vector<16xf32>,
    tpu.vector_store %arg20[%swap3A_309, %swap3A_310], %broadcast_in_dim3A_1 {strides = array<i32>} : memref<16x128xf32, #tpu.memory_space<vmem>>, vector<16xf32>,
    %swap3A_312 = arith.constant 9 : i32
    %swap3A_313 = arith.index_cast %swap3A_312 : i32 to index
    %swap3A_314 = arith.constant 32 : index
    %swap3A_315 = tpu.vector_load %arg20[%swap3A_313, %swap3A_314] {strides = array<i32>} : memref<16x128xf32, #tpu.memory_space<vmem>>, vector<16xf32>,
    tpu.vector_store %arg20[%swap3A_313, %swap3A_314], %broadcast_in_dim3A_1 {strides = array<i32>} : memref<16x128xf32, #tpu.memory_space<vmem>>, vector<16xf32>,
    %swap3A_316 = arith.constant 9 : i32
    %swap3A_317 = arith.index_cast %swap3A_316 : i32 to index
    %swap3A_318 = arith.constant 48 : index
    %swap3A_319 = tpu.vector_load %arg20[%swap3A_317, %swap3A_318] {strides = array<i32>} : memref<16x128xf32, #tpu.memory_space<vmem>>, vector<16xf32>,
    tpu.vector_store %arg20[%swap3A_317, %swap3A_318], %broadcast_in_dim3A_1 {strides = array<i32>} : memref<16x128xf32, #tpu.memory_space<vmem>>, vector<16xf32>,
    %swap3A_320 = arith.constant 9 : i32
    %swap3A_321 = arith.index_cast %swap3A_320 : i32 to index
    %swap3A_322 = arith.constant 64 : index
    %swap3A_323 = tpu.vector_load %arg20[%swap3A_321, %swap3A_322] {strides = array<i32>} : memref<16x128xf32, #tpu.memory_space<vmem>>, vector<16xf32>,
    tpu.vector_store %arg20[%swap3A_321, %swap3A_322], %broadcast_in_dim3A_1 {strides = array<i32>} : memref<16x128xf32, #tpu.memory_space<vmem>>, vector<16xf32>,
    %swap3A_324 = arith.constant 9 : i32
    %swap3A_325 = arith.index_cast %swap3A_324 : i32 to index
    %swap3A_326 = arith.constant 80 : index
    %swap3A_327 = tpu.vector_load %arg20[%swap3A_325, %swap3A_326] {strides = array<i32>} : memref<16x128xf32, #tpu.memory_space<vmem>>, vector<16xf32>,
    tpu.vector_store %arg20[%swap3A_325, %swap3A_326], %broadcast_in_dim3A_1 {strides = array<i32>} : memref<16x128xf32, #tpu.memory_space<vmem>>, vector<16xf32>,
    %swap3A_328 = arith.constant 9 : i32
    %swap3A_329 = arith.index_cast %swap3A_328 : i32 to index
    %swap3A_330 = arith.constant 96 : index
    %swap3A_331 = tpu.vector_load %arg20[%swap3A_329, %swap3A_330] {strides = array<i32>} : memref<16x128xf32, #tpu.memory_space<vmem>>, vector<16xf32>,
    tpu.vector_store %arg20[%swap3A_329, %swap3A_330], %broadcast_in_dim3A_1 {strides = array<i32>} : memref<16x128xf32, #tpu.memory_space<vmem>>, vector<16xf32>,
    %swap3A_332 = arith.constant 9 : i32
    %swap3A_333 = arith.index_cast %swap3A_332 : i32 to index
    %swap3A_334 = arith.constant 112 : index
    %swap3A_335 = tpu.vector_load %arg20[%swap3A_333, %swap3A_334] {strides = array<i32>} : memref<16x128xf32, #tpu.memory_space<vmem>>, vector<16xf32>,
    tpu.vector_store %arg20[%swap3A_333, %swap3A_334], %broadcast_in_dim3A_1 {strides = array<i32>} : memref<16x128xf32, #tpu.memory_space<vmem>>, vector<16xf32>,
    %swap3A_336 = arith.constant 10 : i32
    %swap3A_337 = arith.index_cast %swap3A_336 : i32 to index
    %swap3A_338 = arith.constant 0 : index
    %swap3A_339 = tpu.vector_load %arg20[%swap3A_337, %swap3A_338] {strides = array<i32>} : memref<16x128xf32, #tpu.memory_space<vmem>>, vector<16xf32>,
    tpu.vector_store %arg20[%swap3A_337, %swap3A_338], %broadcast_in_dim3A_1 {strides = array<i32>} : memref<16x128xf32, #tpu.memory_space<vmem>>, vector<16xf32>,
    %swap3A_340 = arith.constant 10 : i32
    %swap3A_341 = arith.index_cast %swap3A_340 : i32 to index
    %swap3A_342 = arith.constant 16 : index
    %swap3A_343 = tpu.vector_load %arg20[%swap3A_341, %swap3A_342] {strides = array<i32>} : memref<16x128xf32, #tpu.memory_space<vmem>>, vector<16xf32>,
    tpu.vector_store %arg20[%swap3A_341, %swap3A_342], %broadcast_in_dim3A_1 {strides = array<i32>} : memref<16x128xf32, #tpu.memory_space<vmem>>, vector<16xf32>,
    %swap3A_344 = arith.constant 10 : i32
    %swap3A_345 = arith.index_cast %swap3A_344 : i32 to index
    %swap3A_346 = arith.constant 32 : index
    %swap3A_347 = tpu.vector_load %arg20[%swap3A_345, %swap3A_346] {strides = array<i32>} : memref<16x128xf32, #tpu.memory_space<vmem>>, vector<16xf32>,
    tpu.vector_store %arg20[%swap3A_345, %swap3A_346], %broadcast_in_dim3A_1 {strides = array<i32>} : memref<16x128xf32, #tpu.memory_space<vmem>>, vector<16xf32>,
    %swap3A_348 = arith.constant 10 : i32
    %swap3A_349 = arith.index_cast %swap3A_348 : i32 to index
    %swap3A_350 = arith.constant 48 : index
    %swap3A_351 = tpu.vector_load %arg20[%swap3A_349, %swap3A_350] {strides = array<i32>} : memref<16x128xf32, #tpu.memory_space<vmem>>, vector<16xf32>,
    tpu.vector_store %arg20[%swap3A_349, %swap3A_350], %broadcast_in_dim3A_1 {strides = array<i32>} : memref<16x128xf32, #tpu.memory_space<vmem>>, vector<16xf32>,
    %swap3A_352 = arith.constant 10 : i32
    %swap3A_353 = arith.index_cast %swap3A_352 : i32 to index
    %swap3A_354 = arith.constant 64 : index
    %swap3A_355 = tpu.vector_load %arg20[%swap3A_353, %swap3A_354] {strides = array<i32>} : memref<16x128xf32, #tpu.memory_space<vmem>>, vector<16xf32>,
    tpu.vector_store %arg20[%swap3A_353, %swap3A_354], %broadcast_in_dim3A_1 {strides = array<i32>} : memref<16x128xf32, #tpu.memory_space<vmem>>, vector<16xf32>,
    %swap3A_356 = arith.constant 10 : i32
    %swap3A_357 = arith.index_cast %swap3A_356 : i32 to index
    %swap3A_358 = arith.constant 80 : index
    %swap3A_359 = tpu.vector_load %arg20[%swap3A_357, %swap3A_358] {strides = array<i32>} : memref<16x128xf32, #tpu.memory_space<vmem>>, vector<16xf32>,
    tpu.vector_store %arg20[%swap3A_357, %swap3A_358], %broadcast_in_dim3A_1 {strides = array<i32>} : memref<16x128xf32, #tpu.memory_space<vmem>>, vector<16xf32>,
    %swap3A_360 = arith.constant 10 : i32
    %swap3A_361 = arith.index_cast %swap3A_360 : i32 to index
    %swap3A_362 = arith.constant 96 : index
    %swap3A_363 = tpu.vector_load %arg20[%swap3A_361, %swap3A_362] {strides = array<i32>} : memref<16x128xf32, #tpu.memory_space<vmem>>, vector<16xf32>,
    tpu.vector_store %arg20[%swap3A_361, %swap3A_362], %broadcast_in_dim3A_1 {strides = array<i32>} : memref<16x128xf32, #tpu.memory_space<vmem>>, vector<16xf32>,
    %swap3A_364 = arith.constant 10 : i32
    %swap3A_365 = arith.index_cast %swap3A_364 : i32 to index
    %swap3A_366 = arith.constant 112 : index
    %swap3A_367 = tpu.vector_load %arg20[%swap3A_365, %swap3A_366] {strides = array<i32>} : memref<16x128xf32, #tpu.memory_space<vmem>>, vector<16xf32>,
    tpu.vector_store %arg20[%swap3A_365, %swap3A_366], %broadcast_in_dim3A_1 {strides = array<i32>} : memref<16x128xf32, #tpu.memory_space<vmem>>, vector<16xf32>,
    %swap3A_368 = arith.constant 11 : i32
    %swap3A_369 = arith.index_cast %swap3A_368 : i32 to index
    %swap3A_370 = arith.constant 0 : index
    %swap3A_371 = tpu.vector_load %arg20[%swap3A_369, %swap3A_370] {strides = array<i32>} : memref<16x128xf32, #tpu.memory_space<vmem>>, vector<16xf32>,
    tpu.vector_store %arg20[%swap3A_369, %swap3A_370], %broadcast_in_dim3A_1 {strides = array<i32>} : memref<16x128xf32, #tpu.memory_space<vmem>>, vector<16xf32>,
    %swap3A_372 = arith.constant 11 : i32
    %swap3A_373 = arith.index_cast %swap3A_372 : i32 to index
    %swap3A_374 = arith.constant 16 : index
    %swap3A_375 = tpu.vector_load %arg20[%swap3A_373, %swap3A_374] {strides = array<i32>} : memref<16x128xf32, #tpu.memory_space<vmem>>, vector<16xf32>,
    tpu.vector_store %arg20[%swap3A_373, %swap3A_374], %broadcast_in_dim3A_1 {strides = array<i32>} : memref<16x128xf32, #tpu.memory_space<vmem>>, vector<16xf32>,
    %swap3A_376 = arith.constant 11 : i32
    %swap3A_377 = arith.index_cast %swap3A_376 : i32 to index
    %swap3A_378 = arith.constant 32 : index
    %swap3A_379 = tpu.vector_load %arg20[%swap3A_377, %swap3A_378] {strides = array<i32>} : memref<16x128xf32, #tpu.memory_space<vmem>>, vector<16xf32>,
    tpu.vector_store %arg20[%swap3A_377, %swap3A_378], %broadcast_in_dim3A_1 {strides = array<i32>} : memref<16x128xf32, #tpu.memory_space<vmem>>, vector<16xf32>,
    %swap3A_380 = arith.constant 11 : i32
    %swap3A_381 = arith.index_cast %swap3A_380 : i32 to index
    %swap3A_382 = arith.constant 48 : index
    %swap3A_383 = tpu.vector_load %arg20[%swap3A_381, %swap3A_382] {strides = array<i32>} : memref<16x128xf32, #tpu.memory_space<vmem>>, vector<16xf32>,
    tpu.vector_store %arg20[%swap3A_381, %swap3A_382], %broadcast_in_dim3A_1 {strides = array<i32>} : memref<16x128xf32, #tpu.memory_space<vmem>>, vector<16xf32>,
    %swap3A_384 = arith.constant 11 : i32
    %swap3A_385 = arith.index_cast %swap3A_384 : i32 to index
    %swap3A_386 = arith.constant 64 : index
    %swap3A_387 = tpu.vector_load %arg20[%swap3A_385, %swap3A_386] {strides = array<i32>} : memref<16x128xf32, #tpu.memory_space<vmem>>, vector<16xf32>,
    tpu.vector_store %arg20[%swap3A_385, %swap3A_386], %broadcast_in_dim3A_1 {strides = array<i32>} : memref<16x128xf32, #tpu.memory_space<vmem>>, vector<16xf32>,
    %swap3A_388 = arith.constant 11 : i32
    %swap3A_389 = arith.index_cast %swap3A_388 : i32 to index
    %swap3A_390 = arith.constant 80 : index
    %swap3A_391 = tpu.vector_load %arg20[%swap3A_389, %swap3A_390] {strides = array<i32>} : memref<16x128xf32, #tpu.memory_space<vmem>>, vector<16xf32>,
    tpu.vector_store %arg20[%swap3A_389, %swap3A_390], %broadcast_in_dim3A_1 {strides = array<i32>} : memref<16x128xf32, #tpu.memory_space<vmem>>, vector<16xf32>,
    %swap3A_392 = arith.constant 11 : i32
    %swap3A_393 = arith.index_cast %swap3A_392 : i32 to index
    %swap3A_394 = arith.constant 96 : index
    %swap3A_395 = tpu.vector_load %arg20[%swap3A_393, %swap3A_394] {strides = array<i32>} : memref<16x128xf32, #tpu.memory_space<vmem>>, vector<16xf32>,
    tpu.vector_store %arg20[%swap3A_393, %swap3A_394], %broadcast_in_dim3A_1 {strides = array<i32>} : memref<16x128xf32, #tpu.memory_space<vmem>>, vector<16xf32>,
    %swap3A_396 = arith.constant 11 : i32
    %swap3A_397 = arith.index_cast %swap3A_396 : i32 to index
    %swap3A_398 = arith.constant 112 : index
    %swap3A_399 = tpu.vector_load %arg20[%swap3A_397, %swap3A_398] {strides = array<i32>} : memref<16x128xf32, #tpu.memory_space<vmem>>, vector<16xf32>,
    tpu.vector_store %arg20[%swap3A_397, %swap3A_398], %broadcast_in_dim3A_1 {strides = array<i32>} : memref<16x128xf32, #tpu.memory_space<vmem>>, vector<16xf32>,
    %swap3A_400 = arith.constant 12 : i32
    %swap3A_401 = arith.index_cast %swap3A_400 : i32 to index
    %swap3A_402 = arith.constant 0 : index
    %swap3A_403 = tpu.vector_load %arg20[%swap3A_401, %swap3A_402] {strides = array<i32>} : memref<16x128xf32, #tpu.memory_space<vmem>>, vector<16xf32>,
    tpu.vector_store %arg20[%swap3A_401, %swap3A_402], %broadcast_in_dim3A_1 {strides = array<i32>} : memref<16x128xf32, #tpu.memory_space<vmem>>, vector<16xf32>,
    %swap3A_404 = arith.constant 12 : i32
    %swap3A_405 = arith.index_cast %swap3A_404 : i32 to index
    %swap3A_406 = arith.constant 16 : index
    %swap3A_407 = tpu.vector_load %arg20[%swap3A_405, %swap3A_406] {strides = array<i32>} : memref<16x128xf32, #tpu.memory_space<vmem>>, vector<16xf32>,
    tpu.vector_store %arg20[%swap3A_405, %swap3A_406], %broadcast_in_dim3A_1 {strides = array<i32>} : memref<16x128xf32, #tpu.memory_space<vmem>>, vector<16xf32>,
    %swap3A_408 = arith.constant 12 : i32
    %swap3A_409 = arith.index_cast %swap3A_408 : i32 to index
    %swap3A_410 = arith.constant 32 : index
    %swap3A_411 = tpu.vector_load %arg20[%swap3A_409, %swap3A_410] {strides = array<i32>} : memref<16x128xf32, #tpu.memory_space<vmem>>, vector<16xf32>,
    tpu.vector_store %arg20[%swap3A_409, %swap3A_410], %broadcast_in_dim3A_1 {strides = array<i32>} : memref<16x128xf32, #tpu.memory_space<vmem>>, vector<16xf32>,
    %swap3A_412 = arith.constant 12 : i32
    %swap3A_413 = arith.index_cast %swap3A_412 : i32 to index
    %swap3A_414 = arith.constant 48 : index
    %swap3A_415 = tpu.vector_load %arg20[%swap3A_413, %swap3A_414] {strides = array<i32>} : memref<16x128xf32, #tpu.memory_space<vmem>>, vector<16xf32>,
    tpu.vector_store %arg20[%swap3A_413, %swap3A_414], %broadcast_in_dim3A_1 {strides = array<i32>} : memref<16x128xf32, #tpu.memory_space<vmem>>, vector<16xf32>,
    %swap3A_416 = arith.constant 12 : i32
    %swap3A_417 = arith.index_cast %swap3A_416 : i32 to index
    %swap3A_418 = arith.constant 64 : index
    %swap3A_419 = tpu.vector_load %arg20[%swap3A_417, %swap3A_418] {strides = array<i32>} : memref<16x128xf32, #tpu.memory_space<vmem>>, vector<16xf32>,
    tpu.vector_store %arg20[%swap3A_417, %swap3A_418], %broadcast_in_dim3A_1 {strides = array<i32>} : memref<16x128xf32, #tpu.memory_space<vmem>>, vector<16xf32>,
    %swap3A_420 = arith.constant 12 : i32
    %swap3A_421 = arith.index_cast %swap3A_420 : i32 to index
    %swap3A_422 = arith.constant 80 : index
    %swap3A_423 = tpu.vector_load %arg20[%swap3A_421, %swap3A_422] {strides = array<i32>} : memref<16x128xf32, #tpu.memory_space<vmem>>, vector<16xf32>,
    tpu.vector_store %arg20[%swap3A_421, %swap3A_422], %broadcast_in_dim3A_1 {strides = array<i32>} : memref<16x128xf32, #tpu.memory_space<vmem>>, vector<16xf32>,
    %swap3A_424 = arith.constant 12 : i32
    %swap3A_425 = arith.index_cast %swap3A_424 : i32 to index
    %swap3A_426 = arith.constant 96 : index
    %swap3A_427 = tpu.vector_load %arg20[%swap3A_425, %swap3A_426] {strides = array<i32>} : memref<16x128xf32, #tpu.memory_space<vmem>>, vector<16xf32>,
    tpu.vector_store %arg20[%swap3A_425, %swap3A_426], %broadcast_in_dim3A_1 {strides = array<i32>} : memref<16x128xf32, #tpu.memory_space<vmem>>, vector<16xf32>,
    %swap3A_428 = arith.constant 12 : i32
    %swap3A_429 = arith.index_cast %swap3A_428 : i32 to index
    %swap3A_430 = arith.constant 112 : index
    %swap3A_431 = tpu.vector_load %arg20[%swap3A_429, %swap3A_430] {strides = array<i32>} : memref<16x128xf32, #tpu.memory_space<vmem>>, vector<16xf32>,
    tpu.vector_store %arg20[%swap3A_429, %swap3A_430], %broadcast_in_dim3A_1 {strides = array<i32>} : memref<16x128xf32, #tpu.memory_space<vmem>>, vector<16xf32>,
    %swap3A_432 = arith.constant 13 : i32
    %swap3A_433 = arith.index_cast %swap3A_432 : i32 to index
    %swap3A_434 = arith.constant 0 : index
    %swap3A_435 = tpu.vector_load %arg20[%swap3A_433, %swap3A_434] {strides = array<i32>} : memref<16x128xf32, #tpu.memory_space<vmem>>, vector<16xf32>,
    tpu.vector_store %arg20[%swap3A_433, %swap3A_434], %broadcast_in_dim3A_1 {strides = array<i32>} : memref<16x128xf32, #tpu.memory_space<vmem>>, vector<16xf32>,
    %swap3A_436 = arith.constant 13 : i32
    %swap3A_437 = arith.index_cast %swap3A_436 : i32 to index
    %swap3A_438 = arith.constant 16 : index
    %swap3A_439 = tpu.vector_load %arg20[%swap3A_437, %swap3A_438] {strides = array<i32>} : memref<16x128xf32, #tpu.memory_space<vmem>>, vector<16xf32>,
    tpu.vector_store %arg20[%swap3A_437, %swap3A_438], %broadcast_in_dim3A_1 {strides = array<i32>} : memref<16x128xf32, #tpu.memory_space<vmem>>, vector<16xf32>,
    %swap3A_440 = arith.constant 13 : i32
    %swap3A_441 = arith.index_cast %swap3A_440 : i32 to index
    %swap3A_442 = arith.constant 32 : index
    %swap3A_443 = tpu.vector_load %arg20[%swap3A_441, %swap3A_442] {strides = array<i32>} : memref<16x128xf32, #tpu.memory_space<vmem>>, vector<16xf32>,
    tpu.vector_store %arg20[%swap3A_441, %swap3A_442], %broadcast_in_dim3A_1 {strides = array<i32>} : memref<16x128xf32, #tpu.memory_space<vmem>>, vector<16xf32>,
    %swap3A_444 = arith.constant 13 : i32
    %swap3A_445 = arith.index_cast %swap3A_444 : i32 to index
    %swap3A_446 = arith.constant 48 : index
    %swap3A_447 = tpu.vector_load %arg20[%swap3A_445, %swap3A_446] {strides = array<i32>} : memref<16x128xf32, #tpu.memory_space<vmem>>, vector<16xf32>,
    tpu.vector_store %arg20[%swap3A_445, %swap3A_446], %broadcast_in_dim3A_1 {strides = array<i32>} : memref<16x128xf32, #tpu.memory_space<vmem>>, vector<16xf32>,
    %swap3A_448 = arith.constant 13 : i32
    %swap3A_449 = arith.index_cast %swap3A_448 : i32 to index
    %swap3A_450 = arith.constant 64 : index
    %swap3A_451 = tpu.vector_load %arg20[%swap3A_449, %swap3A_450] {strides = array<i32>} : memref<16x128xf32, #tpu.memory_space<vmem>>, vector<16xf32>,
    tpu.vector_store %arg20[%swap3A_449, %swap3A_450], %broadcast_in_dim3A_1 {strides = array<i32>} : memref<16x128xf32, #tpu.memory_space<vmem>>, vector<16xf32>,
    %swap3A_452 = arith.constant 13 : i32
    %swap3A_453 = arith.index_cast %swap3A_452 : i32 to index
    %swap3A_454 = arith.constant 80 : index
    %swap3A_455 = tpu.vector_load %arg20[%swap3A_453, %swap3A_454] {strides = array<i32>} : memref<16x128xf32, #tpu.memory_space<vmem>>, vector<16xf32>,
    tpu.vector_store %arg20[%swap3A_453, %swap3A_454], %broadcast_in_dim3A_1 {strides = array<i32>} : memref<16x128xf32, #tpu.memory_space<vmem>>, vector<16xf32>,
    %swap3A_456 = arith.constant 13 : i32
    %swap3A_457 = arith.index_cast %swap3A_456 : i32 to index
    %swap3A_458 = arith.constant 96 : index
    %swap3A_459 = tpu.vector_load %arg20[%swap3A_457, %swap3A_458] {strides = array<i32>} : memref<16x128xf32, #tpu.memory_space<vmem>>, vector<16xf32>,
    tpu.vector_store %arg20[%swap3A_457, %swap3A_458], %broadcast_in_dim3A_1 {strides = array<i32>} : memref<16x128xf32, #tpu.memory_space<vmem>>, vector<16xf32>,
    %swap3A_460 = arith.constant 13 : i32
    %swap3A_461 = arith.index_cast %swap3A_460 : i32 to index
    %swap3A_462 = arith.constant 112 : index
    %swap3A_463 = tpu.vector_load %arg20[%swap3A_461, %swap3A_462] {strides = array<i32>} : memref<16x128xf32, #tpu.memory_space<vmem>>, vector<16xf32>,
    tpu.vector_store %arg20[%swap3A_461, %swap3A_462], %broadcast_in_dim3A_1 {strides = array<i32>} : memref<16x128xf32, #tpu.memory_space<vmem>>, vector<16xf32>,
    %swap3A_464 = arith.constant 14 : i32
    %swap3A_465 = arith.index_cast %swap3A_464 : i32 to index
    %swap3A_466 = arith.constant 0 : index
    %swap3A_467 = tpu.vector_load %arg20[%swap3A_465, %swap3A_466] {strides = array<i32>} : memref<16x128xf32, #tpu.memory_space<vmem>>, vector<16xf32>,
    tpu.vector_store %arg20[%swap3A_465, %swap3A_466], %broadcast_in_dim3A_1 {strides = array<i32>} : memref<16x128xf32, #tpu.memory_space<vmem>>, vector<16xf32>,
    %swap3A_468 = arith.constant 14 : i32
    %swap3A_469 = arith.index_cast %swap3A_468 : i32 to index
    %swap3A_470 = arith.constant 16 : index
    %swap3A_471 = tpu.vector_load %arg20[%swap3A_469, %swap3A_470] {strides = array<i32>} : memref<16x128xf32, #tpu.memory_space<vmem>>, vector<16xf32>,
    tpu.vector_store %arg20[%swap3A_469, %swap3A_470], %broadcast_in_dim3A_1 {strides = array<i32>} : memref<16x128xf32, #tpu.memory_space<vmem>>, vector<16xf32>,
    %swap3A_472 = arith.constant 14 : i32
    %swap3A_473 = arith.index_cast %swap3A_472 : i32 to index
    %swap3A_474 = arith.constant 32 : index
    %swap3A_475 = tpu.vector_load %arg20[%swap3A_473, %swap3A_474] {strides = array<i32>} : memref<16x128xf32, #tpu.memory_space<vmem>>, vector<16xf32>,
    tpu.vector_store %arg20[%swap3A_473, %swap3A_474], %broadcast_in_dim3A_1 {strides = array<i32>} : memref<16x128xf32, #tpu.memory_space<vmem>>, vector<16xf32>,
    %swap3A_476 = arith.constant 14 : i32
    %swap3A_477 = arith.index_cast %swap3A_476 : i32 to index
    %swap3A_478 = arith.constant 48 : index
    %swap3A_479 = tpu.vector_load %arg20[%swap3A_477, %swap3A_478] {strides = array<i32>} : memref<16x128xf32, #tpu.memory_space<vmem>>, vector<16xf32>,
    tpu.vector_store %arg20[%swap3A_477, %swap3A_478], %broadcast_in_dim3A_1 {strides = array<i32>} : memref<16x128xf32, #tpu.memory_space<vmem>>, vector<16xf32>,
    %swap3A_480 = arith.constant 14 : i32
    %swap3A_481 = arith.index_cast %swap3A_480 : i32 to index
    %swap3A_482 = arith.constant 64 : index
    %swap3A_483 = tpu.vector_load %arg20[%swap3A_481, %swap3A_482] {strides = array<i32>} : memref<16x128xf32, #tpu.memory_space<vmem>>, vector<16xf32>,
    tpu.vector_store %arg20[%swap3A_481, %swap3A_482], %broadcast_in_dim3A_1 {strides = array<i32>} : memref<16x128xf32, #tpu.memory_space<vmem>>, vector<16xf32>,
    %swap3A_484 = arith.constant 14 : i32
    %swap3A_485 = arith.index_cast %swap3A_484 : i32 to index
    %swap3A_486 = arith.constant 80 : index
    %swap3A_487 = tpu.vector_load %arg20[%swap3A_485, %swap3A_486] {strides = array<i32>} : memref<16x128xf32, #tpu.memory_space<vmem>>, vector<16xf32>,
    tpu.vector_store %arg20[%swap3A_485, %swap3A_486], %broadcast_in_dim3A_1 {strides = array<i32>} : memref<16x128xf32, #tpu.memory_space<vmem>>, vector<16xf32>,
    %swap3A_488 = arith.constant 14 : i32
    %swap3A_489 = arith.index_cast %swap3A_488 : i32 to index
    %swap3A_490 = arith.constant 96 : index
    %swap3A_491 = tpu.vector_load %arg20[%swap3A_489, %swap3A_490] {strides = array<i32>} : memref<16x128xf32, #tpu.memory_space<vmem>>, vector<16xf32>,
    tpu.vector_store %arg20[%swap3A_489, %swap3A_490], %broadcast_in_dim3A_1 {strides = array<i32>} : memref<16x128xf32, #tpu.memory_space<vmem>>, vector<16xf32>,
    %swap3A_492 = arith.constant 14 : i32
    %swap3A_493 = arith.index_cast %swap3A_492 : i32 to index
    %swap3A_494 = arith.constant 112 : index
    %swap3A_495 = tpu.vector_load %arg20[%swap3A_493, %swap3A_494] {strides = array<i32>} : memref<16x128xf32, #tpu.memory_space<vmem>>, vector<16xf32>,
    tpu.vector_store %arg20[%swap3A_493, %swap3A_494], %broadcast_in_dim3A_1 {strides = array<i32>} : memref<16x128xf32, #tpu.memory_space<vmem>>, vector<16xf32>,
    %swap3A_496 = arith.constant 15 : i32
    %swap3A_497 = arith.index_cast %swap3A_496 : i32 to index
    %swap3A_498 = arith.constant 0 : index
    %swap3A_499 = tpu.vector_load %arg20[%swap3A_497, %swap3A_498] {strides = array<i32>} : memref<16x128xf32, #tpu.memory_space<vmem>>, vector<16xf32>,
    tpu.vector_store %arg20[%swap3A_497, %swap3A_498], %broadcast_in_dim3A_1 {strides = array<i32>} : memref<16x128xf32, #tpu.memory_space<vmem>>, vector<16xf32>,
    %swap3A_500 = arith.constant 15 : i32
    %swap3A_501 = arith.index_cast %swap3A_500 : i32 to index
    %swap3A_502 = arith.constant 16 : index
    %swap3A_503 = tpu.vector_load %arg20[%swap3A_501, %swap3A_502] {strides = array<i32>} : memref<16x128xf32, #tpu.memory_space<vmem>>, vector<16xf32>,
    tpu.vector_store %arg20[%swap3A_501, %swap3A_502], %broadcast_in_dim3A_1 {strides = array<i32>} : memref<16x128xf32, #tpu.memory_space<vmem>>, vector<16xf32>,
    %swap3A_504 = arith.constant 15 : i32
    %swap3A_505 = arith.index_cast %swap3A_504 : i32 to index
    %swap3A_506 = arith.constant 32 : index
    %swap3A_507 = tpu.vector_load %arg20[%swap3A_505, %swap3A_506] {strides = array<i32>} : memref<16x128xf32, #tpu.memory_space<vmem>>, vector<16xf32>,
    tpu.vector_store %arg20[%swap3A_505, %swap3A_506], %broadcast_in_dim3A_1 {strides = array<i32>} : memref<16x128xf32, #tpu.memory_space<vmem>>, vector<16xf32>,
    %swap3A_508 = arith.constant 15 : i32
    %swap3A_509 = arith.index_cast %swap3A_508 : i32 to index
    %swap3A_510 = arith.constant 48 : index
    %swap3A_511 = tpu.vector_load %arg20[%swap3A_509, %swap3A_510] {strides = array<i32>} : memref<16x128xf32, #tpu.memory_space<vmem>>, vector<16xf32>,
    tpu.vector_store %arg20[%swap3A_509, %swap3A_510], %broadcast_in_dim3A_1 {strides = array<i32>} : memref<16x128xf32, #tpu.memory_space<vmem>>, vector<16xf32>,
    %swap3A_512 = arith.constant 15 : i32
    %swap3A_513 = arith.index_cast %swap3A_512 : i32 to index
    %swap3A_514 = arith.constant 64 : index
    %swap3A_515 = tpu.vector_load %arg20[%swap3A_513, %swap3A_514] {strides = array<i32>} : memref<16x128xf32, #tpu.memory_space<vmem>>, vector<16xf32>,
    tpu.vector_store %arg20[%swap3A_513, %swap3A_514], %broadcast_in_dim3A_1 {strides = array<i32>} : memref<16x128xf32, #tpu.memory_space<vmem>>, vector<16xf32>,
    %swap3A_516 = arith.constant 15 : i32
    %swap3A_517 = arith.index_cast %swap3A_516 : i32 to index
    %swap3A_518 = arith.constant 80 : index
    %swap3A_519 = tpu.vector_load %arg20[%swap3A_517, %swap3A_518] {strides = array<i32>} : memref<16x128xf32, #tpu.memory_space<vmem>>, vector<16xf32>,
    tpu.vector_store %arg20[%swap3A_517, %swap3A_518], %broadcast_in_dim3A_1 {strides = array<i32>} : memref<16x128xf32, #tpu.memory_space<vmem>>, vector<16xf32>,
    %swap3A_520 = arith.constant 15 : i32
    %swap3A_521 = arith.index_cast %swap3A_520 : i32 to index
    %swap3A_522 = arith.constant 96 : index
    %swap3A_523 = tpu.vector_load %arg20[%swap3A_521, %swap3A_522] {strides = array<i32>} : memref<16x128xf32, #tpu.memory_space<vmem>>, vector<16xf32>,
    tpu.vector_store %arg20[%swap3A_521, %swap3A_522], %broadcast_in_dim3A_1 {strides = array<i32>} : memref<16x128xf32, #tpu.memory_space<vmem>>, vector<16xf32>,
    %swap3A_524 = arith.constant 15 : i32
    %swap3A_525 = arith.index_cast %swap3A_524 : i32 to index
    %swap3A_526 = arith.constant 112 : index
    %swap3A_527 = tpu.vector_load %arg20[%swap3A_525, %swap3A_526] {strides = array<i32>} : memref<16x128xf32, #tpu.memory_space<vmem>>, vector<16xf32>,
    tpu.vector_store %arg20[%swap3A_525, %swap3A_526], %broadcast_in_dim3A_1 {strides = array<i32>} : memref<16x128xf32, #tpu.memory_space<vmem>>, vector<16xf32>,
    %swap3A_528 = arith.constant 0 : index
    %swap3A_529 = tpu.vector_load %arg21[%swap3A_528] {strides = array<i32>} : memref<16xi32, #tpu.memory_space<vmem>>, vector<16xi32>,
    tpu.vector_store %arg21[%swap3A_528], %iota3A {strides = array<i32>} : memref<16xi32, #tpu.memory_space<vmem>>, vector<16xi32>,
    %mul3A_530 = arith.constant 104 : i32
    %mul3A_531 = arith.muli %arg1, %mul3A_530 : i32
    %multiple_of3A = tpu.assume_multiple %mul3A_531, 8 : i32
    %add3A_532 = arith.constant 0 : i32
    %add3A_533 = arith.addi %multiple_of3A, %add3A_532 : i32
    %dma_start3A_534 = arith.constant 0 : i32
    %dma_start3A_535 = tpu.memref_slice %arg12[%add3A_533, %dma_start3A_534] : memref<1664x128xf32, #tpu.memory_space<vmem_shared>> -> memref<16x128xf32, #tpu.memory_space<vmem_shared>>
    %dma_start3A_536 = arith.constant 0 : i32
    %dma_start3A_537 = tpu.memref_slice %arg12[%add3A_533, %dma_start3A_536] : memref<1664x128xf32, #tpu.memory_space<vmem_shared>> -> memref<16x128xf32, #tpu.memory_space<vmem_shared>>
    tpu.enqueue_dma source(%arg20 : memref<16x128xf32, #tpu.memory_space<vmem>>) target(%dma_start3A_537 : memref<16x128xf32, #tpu.memory_space<vmem_shared>>) target_semaphore(%arg26 : memref<!tpu.dma_semaphore, #tpu.memory_space<semaphore_mem>>)
    %add3A_538 = arith.constant 16 : i32
    %add3A_539 = arith.addi %multiple_of3A, %add3A_538 : i32
    %dma_start3A_540 = arith.constant 0 : i32
    %dma_start3A_541 = tpu.memref_slice %arg12[%add3A_539, %dma_start3A_540] : memref<1664x128xf32, #tpu.memory_space<vmem_shared>> -> memref<16x128xf32, #tpu.memory_space<vmem_shared>>
    %dma_start3A_542 = arith.constant 0 : i32
    %dma_start3A_543 = tpu.memref_slice %arg12[%add3A_539, %dma_start3A_542] : memref<1664x128xf32, #tpu.memory_space<vmem_shared>> -> memref<16x128xf32, #tpu.memory_space<vmem_shared>>
    tpu.enqueue_dma source(%arg20 : memref<16x128xf32, #tpu.memory_space<vmem>>) target(%dma_start3A_543 : memref<16x128xf32, #tpu.memory_space<vmem_shared>>) target_semaphore(%arg26 : memref<!tpu.dma_semaphore, #tpu.memory_space<semaphore_mem>>)
    %add3A_544 = arith.constant 32 : i32
    %add3A_545 = arith.addi %multiple_of3A, %add3A_544 : i32
    %dma_start3A_546 = arith.constant 0 : i32
    %dma_start3A_547 = tpu.memref_slice %arg12[%add3A_545, %dma_start3A_546] : memref<1664x128xf32, #tpu.memory_space<vmem_shared>> -> memref<16x128xf32, #tpu.memory_space<vmem_shared>>
    %dma_start3A_548 = arith.constant 0 : i32
    %dma_start3A_549 = tpu.memref_slice %arg12[%add3A_545, %dma_start3A_548] : memref<1664x128xf32, #tpu.memory_space<vmem_shared>> -> memref<16x128xf32, #tpu.memory_space<vmem_shared>>
    tpu.enqueue_dma source(%arg20 : memref<16x128xf32, #tpu.memory_space<vmem>>) target(%dma_start3A_549 : memref<16x128xf32, #tpu.memory_space<vmem_shared>>) target_semaphore(%arg26 : memref<!tpu.dma_semaphore, #tpu.memory_space<semaphore_mem>>)
    %add3A_550 = arith.constant 48 : i32
    %add3A_551 = arith.addi %multiple_of3A, %add3A_550 : i32
    %dma_start3A_552 = arith.constant 0 : i32
    %dma_start3A_553 = tpu.memref_slice %arg12[%add3A_551, %dma_start3A_552] : memref<1664x128xf32, #tpu.memory_space<vmem_shared>> -> memref<16x128xf32, #tpu.memory_space<vmem_shared>>
    %dma_start3A_554 = arith.constant 0 : i32
    %dma_start3A_555 = tpu.memref_slice %arg12[%add3A_551, %dma_start3A_554] : memref<1664x128xf32, #tpu.memory_space<vmem_shared>> -> memref<16x128xf32, #tpu.memory_space<vmem_shared>>
    tpu.enqueue_dma source(%arg20 : memref<16x128xf32, #tpu.memory_space<vmem>>) target(%dma_start3A_555 : memref<16x128xf32, #tpu.memory_space<vmem_shared>>) target_semaphore(%arg26 : memref<!tpu.dma_semaphore, #tpu.memory_space<semaphore_mem>>)
    %add3A_556 = arith.constant 64 : i32
    %add3A_557 = arith.addi %multiple_of3A, %add3A_556 : i32
    %dma_start3A_558 = arith.constant 0 : i32
    %dma_start3A_559 = tpu.memref_slice %arg12[%add3A_557, %dma_start3A_558] : memref<1664x128xf32, #tpu.memory_space<vmem_shared>> -> memref<16x128xf32, #tpu.memory_space<vmem_shared>>
    %dma_start3A_560 = arith.constant 0 : i32
    %dma_start3A_561 = tpu.memref_slice %arg12[%add3A_557, %dma_start3A_560] : memref<1664x128xf32, #tpu.memory_space<vmem_shared>> -> memref<16x128xf32, #tpu.memory_space<vmem_shared>>
    tpu.enqueue_dma source(%arg20 : memref<16x128xf32, #tpu.memory_space<vmem>>) target(%dma_start3A_561 : memref<16x128xf32, #tpu.memory_space<vmem_shared>>) target_semaphore(%arg26 : memref<!tpu.dma_semaphore, #tpu.memory_space<semaphore_mem>>)
    %add3A_562 = arith.constant 80 : i32
    %add3A_563 = arith.addi %multiple_of3A, %add3A_562 : i32
    %dma_start3A_564 = arith.constant 0 : i32
    %dma_start3A_565 = tpu.memref_slice %arg12[%add3A_563, %dma_start3A_564] : memref<1664x128xf32, #tpu.memory_space<vmem_shared>> -> memref<16x128xf32, #tpu.memory_space<vmem_shared>>
    %dma_start3A_566 = arith.constant 0 : i32
    %dma_start3A_567 = tpu.memref_slice %arg12[%add3A_563, %dma_start3A_566] : memref<1664x128xf32, #tpu.memory_space<vmem_shared>> -> memref<16x128xf32, #tpu.memory_space<vmem_shared>>
    tpu.enqueue_dma source(%arg20 : memref<16x128xf32, #tpu.memory_space<vmem>>) target(%dma_start3A_567 : memref<16x128xf32, #tpu.memory_space<vmem_shared>>) target_semaphore(%arg26 : memref<!tpu.dma_semaphore, #tpu.memory_space<semaphore_mem>>)
    %add3A_568 = arith.constant 96 : i32
    %add3A_569 = arith.addi %multiple_of3A, %add3A_568 : i32
    %dma_start3A_570 = arith.constant 0 : i32
    %dma_start3A_571 = arith.constant 0 : i32
    %dma_start3A_572 = tpu.memref_slice %arg20[%dma_start3A_570, %dma_start3A_571] : memref<16x128xf32, #tpu.memory_space<vmem>> -> memref<8x128xf32, #tpu.memory_space<vmem>>
    %dma_start3A_573 = arith.constant 0 : i32
    %dma_start3A_574 = tpu.memref_slice %arg12[%add3A_569, %dma_start3A_573] : memref<1664x128xf32, #tpu.memory_space<vmem_shared>> -> memref<8x128xf32, #tpu.memory_space<vmem_shared>>
    %dma_start3A_575 = arith.constant 0 : i32
    %dma_start3A_576 = tpu.memref_slice %arg12[%add3A_569, %dma_start3A_575] : memref<1664x128xf32, #tpu.memory_space<vmem_shared>> -> memref<8x128xf32, #tpu.memory_space<vmem_shared>>
    %dma_start3A_577 = arith.constant 0 : i32
    %dma_start3A_578 = arith.constant 0 : i32
    %dma_start3A_579 = tpu.memref_slice %arg20[%dma_start3A_577, %dma_start3A_578] : memref<16x128xf32, #tpu.memory_space<vmem>> -> memref<8x128xf32, #tpu.memory_space<vmem>>
    tpu.enqueue_dma source(%dma_start3A_579 : memref<8x128xf32, #tpu.memory_space<vmem>>) target(%dma_start3A_576 : memref<8x128xf32, #tpu.memory_space<vmem_shared>>) target_semaphore(%arg26 : memref<!tpu.dma_semaphore, #tpu.memory_space<semaphore_mem>>)
    %eq3A = arith.constant 0 : i32
    %eq3A_580 = arith.cmpi eq, %arg1, %eq3A : i32
    %convert_element_type3A = arith.extui %eq3A_580 : i1 to i32
    %cond3A = arith.constant 0 : i32
    %cond3A_581 = arith.cmpi ne, %convert_element_type3A, %cond3A : i32
    scf.if %cond3A_581 {
      "tpu.region"() ({
        %run_scoped3A = tpu.sem_alloc : memref<!tpu.dma_semaphore, #tpu.memory_space<semaphore_mem>>
        tpu.enqueue_dma source(%arg20 : memref<16x128xf32, #tpu.memory_space<vmem>>) target(%arg13 : memref<16x128xf32, #tpu.memory_space<vmem_shared>>) target_semaphore(%run_scoped3A : memref<!tpu.dma_semaphore, #tpu.memory_space<semaphore_mem>>)
        tpu.wait_dma2 semaphore(%run_scoped3A : memref<!tpu.dma_semaphore, #tpu.memory_space<semaphore_mem>>) src(%arg20 : memref<16x128xf32, #tpu.memory_space<vmem>>) dst(%arg13 : memref<16x128xf32, #tpu.memory_space<vmem_shared>>)
        tpu.yield
      }) : () -> ()
    } else {
    }
    %add3A_582 = arith.constant 0 : i32
    %add3A_583 = arith.addi %multiple_of3A, %add3A_582 : i32
    %dma_wait3A = arith.constant 0 : i32
    %dma_wait3A_584 = tpu.memref_slice %arg12[%add3A_583, %dma_wait3A] : memref<1664x128xf32, #tpu.memory_space<vmem_shared>> -> memref<16x128xf32, #tpu.memory_space<vmem_shared>>
    %dma_wait3A_585 = arith.constant 0 : i32
    %dma_wait3A_586 = tpu.memref_slice %arg12[%add3A_583, %dma_wait3A_585] : memref<1664x128xf32, #tpu.memory_space<vmem_shared>> -> memref<16x128xf32, #tpu.memory_space<vmem_shared>>
    tpu.wait_dma2 semaphore(%arg26 : memref<!tpu.dma_semaphore, #tpu.memory_space<semaphore_mem>>) src(%arg20 : memref<16x128xf32, #tpu.memory_space<vmem>>) dst(%dma_wait3A_586 : memref<16x128xf32, #tpu.memory_space<vmem_shared>>)
    %add3A_587 = arith.constant 16 : i32
    %add3A_588 = arith.addi %multiple_of3A, %add3A_587 : i32
    %dma_wait3A_589 = arith.constant 0 : i32
    %dma_wait3A_590 = tpu.memref_slice %arg12[%add3A_588, %dma_wait3A_589] : memref<1664x128xf32, #tpu.memory_space<vmem_shared>> -> memref<16x128xf32, #tpu.memory_space<vmem_shared>>
    %dma_wait3A_591 = arith.constant 0 : i32
    %dma_wait3A_592 = tpu.memref_slice %arg12[%add3A_588, %dma_wait3A_591] : memref<1664x128xf32, #tpu.memory_space<vmem_shared>> -> memref<16x128xf32, #tpu.memory_space<vmem_shared>>
    tpu.wait_dma2 semaphore(%arg26 : memref<!tpu.dma_semaphore, #tpu.memory_space<semaphore_mem>>) src(%arg20 : memref<16x128xf32, #tpu.memory_space<vmem>>) dst(%dma_wait3A_592 : memref<16x128xf32, #tpu.memory_space<vmem_shared>>)
    %add3A_593 = arith.constant 32 : i32
    %add3A_594 = arith.addi %multiple_of3A, %add3A_593 : i32
    %dma_wait3A_595 = arith.constant 0 : i32
    %dma_wait3A_596 = tpu.memref_slice %arg12[%add3A_594, %dma_wait3A_595] : memref<1664x128xf32, #tpu.memory_space<vmem_shared>> -> memref<16x128xf32, #tpu.memory_space<vmem_shared>>
    %dma_wait3A_597 = arith.constant 0 : i32
    %dma_wait3A_598 = tpu.memref_slice %arg12[%add3A_594, %dma_wait3A_597] : memref<1664x128xf32, #tpu.memory_space<vmem_shared>> -> memref<16x128xf32, #tpu.memory_space<vmem_shared>>
    tpu.wait_dma2 semaphore(%arg26 : memref<!tpu.dma_semaphore, #tpu.memory_space<semaphore_mem>>) src(%arg20 : memref<16x128xf32, #tpu.memory_space<vmem>>) dst(%dma_wait3A_598 : memref<16x128xf32, #tpu.memory_space<vmem_shared>>)
    %add3A_599 = arith.constant 48 : i32
    %add3A_600 = arith.addi %multiple_of3A, %add3A_599 : i32
    %dma_wait3A_601 = arith.constant 0 : i32
    %dma_wait3A_602 = tpu.memref_slice %arg12[%add3A_600, %dma_wait3A_601] : memref<1664x128xf32, #tpu.memory_space<vmem_shared>> -> memref<16x128xf32, #tpu.memory_space<vmem_shared>>
    %dma_wait3A_603 = arith.constant 0 : i32
    %dma_wait3A_604 = tpu.memref_slice %arg12[%add3A_600, %dma_wait3A_603] : memref<1664x128xf32, #tpu.memory_space<vmem_shared>> -> memref<16x128xf32, #tpu.memory_space<vmem_shared>>
    tpu.wait_dma2 semaphore(%arg26 : memref<!tpu.dma_semaphore, #tpu.memory_space<semaphore_mem>>) src(%arg20 : memref<16x128xf32, #tpu.memory_space<vmem>>) dst(%dma_wait3A_604 : memref<16x128xf32, #tpu.memory_space<vmem_shared>>)
    %add3A_605 = arith.constant 64 : i32
    %add3A_606 = arith.addi %multiple_of3A, %add3A_605 : i32
    %dma_wait3A_607 = arith.constant 0 : i32
    %dma_wait3A_608 = tpu.memref_slice %arg12[%add3A_606, %dma_wait3A_607] : memref<1664x128xf32, #tpu.memory_space<vmem_shared>> -> memref<16x128xf32, #tpu.memory_space<vmem_shared>>
    %dma_wait3A_609 = arith.constant 0 : i32
    %dma_wait3A_610 = tpu.memref_slice %arg12[%add3A_606, %dma_wait3A_609] : memref<1664x128xf32, #tpu.memory_space<vmem_shared>> -> memref<16x128xf32, #tpu.memory_space<vmem_shared>>
    tpu.wait_dma2 semaphore(%arg26 : memref<!tpu.dma_semaphore, #tpu.memory_space<semaphore_mem>>) src(%arg20 : memref<16x128xf32, #tpu.memory_space<vmem>>) dst(%dma_wait3A_610 : memref<16x128xf32, #tpu.memory_space<vmem_shared>>)
    %add3A_611 = arith.constant 80 : i32
    %add3A_612 = arith.addi %multiple_of3A, %add3A_611 : i32
    %dma_wait3A_613 = arith.constant 0 : i32
    %dma_wait3A_614 = tpu.memref_slice %arg12[%add3A_612, %dma_wait3A_613] : memref<1664x128xf32, #tpu.memory_space<vmem_shared>> -> memref<16x128xf32, #tpu.memory_space<vmem_shared>>
    %dma_wait3A_615 = arith.constant 0 : i32
    %dma_wait3A_616 = tpu.memref_slice %arg12[%add3A_612, %dma_wait3A_615] : memref<1664x128xf32, #tpu.memory_space<vmem_shared>> -> memref<16x128xf32, #tpu.memory_space<vmem_shared>>
    tpu.wait_dma2 semaphore(%arg26 : memref<!tpu.dma_semaphore, #tpu.memory_space<semaphore_mem>>) src(%arg20 : memref<16x128xf32, #tpu.memory_space<vmem>>) dst(%dma_wait3A_616 : memref<16x128xf32, #tpu.memory_space<vmem_shared>>)
    %add3A_617 = arith.constant 96 : i32
    %add3A_618 = arith.addi %multiple_of3A, %add3A_617 : i32
    %dma_wait3A_619 = arith.constant 0 : i32
    %dma_wait3A_620 = arith.constant 0 : i32
    %dma_wait3A_621 = tpu.memref_slice %arg20[%dma_wait3A_619, %dma_wait3A_620] : memref<16x128xf32, #tpu.memory_space<vmem>> -> memref<8x128xf32, #tpu.memory_space<vmem>>
    %dma_wait3A_622 = arith.constant 0 : i32
    %dma_wait3A_623 = tpu.memref_slice %arg12[%add3A_618, %dma_wait3A_622] : memref<1664x128xf32, #tpu.memory_space<vmem_shared>> -> memref<8x128xf32, #tpu.memory_space<vmem_shared>>
    %dma_wait3A_624 = arith.constant 0 : i32
    %dma_wait3A_625 = tpu.memref_slice %arg12[%add3A_618, %dma_wait3A_624] : memref<1664x128xf32, #tpu.memory_space<vmem_shared>> -> memref<8x128xf32, #tpu.memory_space<vmem_shared>>
    %dma_wait3A_626 = arith.constant 0 : i32
    %dma_wait3A_627 = arith.constant 0 : i32
    %dma_wait3A_628 = tpu.memref_slice %arg20[%dma_wait3A_626, %dma_wait3A_627] : memref<16x128xf32, #tpu.memory_space<vmem>> -> memref<8x128xf32, #tpu.memory_space<vmem>>
    tpu.wait_dma2 semaphore(%arg26 : memref<!tpu.dma_semaphore, #tpu.memory_space<semaphore_mem>>) src(%dma_wait3A_628 : memref<8x128xf32, #tpu.memory_space<vmem>>) dst(%dma_wait3A_625 : memref<8x128xf32, #tpu.memory_space<vmem_shared>>)
    %broadcast_in_dim3A_629 = arith.constant 1536 : i32
    %broadcast_in_dim3A_630 = vector.broadcast %broadcast_in_dim3A_629 : i32 to vector<16xi32>
    %broadcast_in_dim3A_631 = arith.constant 0 : i32
    %broadcast_in_dim3A_632 = vector.broadcast %broadcast_in_dim3A_631 : i32 to vector<16xi32>
    tpu.wait_dma2 semaphore(%arg32 : memref<!tpu.dma_semaphore, #tpu.memory_space<semaphore_mem>>) src(%arg5 : memref<1536xi32, #tpu.memory_space<hbm>>) dst(%arg16 : memref<1536xi32, #tpu.memory_space<vmem>>)
    tpu.wait_dma2 semaphore(%arg33 : memref<!tpu.dma_semaphore, #tpu.memory_space<semaphore_mem>>) src(%arg6 : memref<10240xi32, #tpu.memory_space<hbm>>) dst(%arg17 : memref<10240xi32, #tpu.memory_space<vmem>>)
    %get3A = arith.constant 0 : index
    %get3A_633 = tpu.vector_load %arg16[%get3A] {strides = array<i32>} : memref<1536xi32, #tpu.memory_space<vmem>>, vector<16xi32>,
    %broadcast_in_dim3A_634 = arith.constant true
    %broadcast_in_dim3A_635 = vector.broadcast %broadcast_in_dim3A_634 : i1 to vector<16xi1>
    %unique3A, %unique3A_636 = tpu.scan_count mask(%broadcast_in_dim3A_635 : vector<16xi1>) value(%get3A_633 : vector<16xi32>) : vector<16xi1>, vector<16xi32>
    %add3A_637 = arith.constant 0 : i32
    %add3A_638 = vector.broadcast %add3A_637 : i32 to vector<16xi32>
    %add3A_639 = arith.addi %iota3A, %add3A_638 : vector<16xi32>
    tpu.vector_store_idx %arg17[%get3A_633], %add3A_639 masked %unique3A : memref<10240xi32, #tpu.memory_space<vmem>>[vector<16xi32>], vector<16xi32>, vector<16xi1>
    %get3A_640 = arith.constant 16 : index
    %get3A_641 = tpu.vector_load %arg16[%get3A_640] {strides = array<i32>} : memref<1536xi32, #tpu.memory_space<vmem>>, vector<16xi32>,
    %broadcast_in_dim3A_642 = arith.constant true
    %broadcast_in_dim3A_643 = vector.broadcast %broadcast_in_dim3A_642 : i1 to vector<16xi1>
    %unique3A_644, %unique3A_645 = tpu.scan_count mask(%broadcast_in_dim3A_643 : vector<16xi1>) value(%get3A_641 : vector<16xi32>) : vector<16xi1>, vector<16xi32>
    %add3A_646 = arith.constant 16 : i32
    %add3A_647 = vector.broadcast %add3A_646 : i32 to vector<16xi32>
    %add3A_648 = arith.addi %iota3A, %add3A_647 : vector<16xi32>
    tpu.vector_store_idx %arg17[%get3A_641], %add3A_648 masked %unique3A_644 : memref<10240xi32, #tpu.memory_space<vmem>>[vector<16xi32>], vector<16xi32>, vector<16xi1>
    %get3A_649 = arith.constant 32 : index
    %get3A_650 = tpu.vector_load %arg16[%get3A_649] {strides = array<i32>} : memref<1536xi32, #tpu.memory_space<vmem>>, vector<16xi32>,
    %broadcast_in_dim3A_651 = arith.constant true
    %broadcast_in_dim3A_652 = vector.broadcast %broadcast_in_dim3A_651 : i1 to vector<16xi1>
    %unique3A_653, %unique3A_654 = tpu.scan_count mask(%broadcast_in_dim3A_652 : vector<16xi1>) value(%get3A_650 : vector<16xi32>) : vector<16xi1>, vector<16xi32>
    %add3A_655 = arith.constant 32 : i32
    %add3A_656 = vector.broadcast %add3A_655 : i32 to vector<16xi32>
    %add3A_657 = arith.addi %iota3A, %add3A_656 : vector<16xi32>
    tpu.vector_store_idx %arg17[%get3A_650], %add3A_657 masked %unique3A_653 : memref<10240xi32, #tpu.memory_space<vmem>>[vector<16xi32>], vector<16xi32>, vector<16xi1>
    %get3A_658 = arith.constant 48 : index
    %get3A_659 = tpu.vector_load %arg16[%get3A_658] {strides = array<i32>} : memref<1536xi32, #tpu.memory_space<vmem>>, vector<16xi32>,
    %broadcast_in_dim3A_660 = arith.constant true
    %broadcast_in_dim3A_661 = vector.broadcast %broadcast_in_dim3A_660 : i1 to vector<16xi1>
    %unique3A_662, %unique3A_663 = tpu.scan_count mask(%broadcast_in_dim3A_661 : vector<16xi1>) value(%get3A_659 : vector<16xi32>) : vector<16xi1>, vector<16xi32>
    %add3A_664 = arith.constant 48 : i32
    %add3A_665 = vector.broadcast %add3A_664 : i32 to vector<16xi32>
    %add3A_666 = arith.addi %iota3A, %add3A_665 : vector<16xi32>
    tpu.vector_store_idx %arg17[%get3A_659], %add3A_666 masked %unique3A_662 : memref<10240xi32, #tpu.memory_space<vmem>>[vector<16xi32>], vector<16xi32>, vector<16xi1>
    %get3A_667 = arith.constant 64 : index
    %get3A_668 = tpu.vector_load %arg16[%get3A_667] {strides = array<i32>} : memref<1536xi32, #tpu.memory_space<vmem>>, vector<16xi32>,
    %broadcast_in_dim3A_669 = arith.constant true
    %broadcast_in_dim3A_670 = vector.broadcast %broadcast_in_dim3A_669 : i1 to vector<16xi1>
    %unique3A_671, %unique3A_672 = tpu.scan_count mask(%broadcast_in_dim3A_670 : vector<16xi1>) value(%get3A_668 : vector<16xi32>) : vector<16xi1>, vector<16xi32>
    %add3A_673 = arith.constant 64 : i32
    %add3A_674 = vector.broadcast %add3A_673 : i32 to vector<16xi32>
    %add3A_675 = arith.addi %iota3A, %add3A_674 : vector<16xi32>
    tpu.vector_store_idx %arg17[%get3A_668], %add3A_675 masked %unique3A_671 : memref<10240xi32, #tpu.memory_space<vmem>>[vector<16xi32>], vector<16xi32>, vector<16xi1>
    %get3A_676 = arith.constant 80 : index
    %get3A_677 = tpu.vector_load %arg16[%get3A_676] {strides = array<i32>} : memref<1536xi32, #tpu.memory_space<vmem>>, vector<16xi32>,
    %broadcast_in_dim3A_678 = arith.constant true
    %broadcast_in_dim3A_679 = vector.broadcast %broadcast_in_dim3A_678 : i1 to vector<16xi1>
    %unique3A_680, %unique3A_681 = tpu.scan_count mask(%broadcast_in_dim3A_679 : vector<16xi1>) value(%get3A_677 : vector<16xi32>) : vector<16xi1>, vector<16xi32>
    %add3A_682 = arith.constant 80 : i32
    %add3A_683 = vector.broadcast %add3A_682 : i32 to vector<16xi32>
    %add3A_684 = arith.addi %iota3A, %add3A_683 : vector<16xi32>
    tpu.vector_store_idx %arg17[%get3A_677], %add3A_684 masked %unique3A_680 : memref<10240xi32, #tpu.memory_space<vmem>>[vector<16xi32>], vector<16xi32>, vector<16xi1>
    %get3A_685 = arith.constant 96 : index
    %get3A_686 = tpu.vector_load %arg16[%get3A_685] {strides = array<i32>} : memref<1536xi32, #tpu.memory_space<vmem>>, vector<16xi32>,
    %broadcast_in_dim3A_687 = arith.constant true
    %broadcast_in_dim3A_688 = vector.broadcast %broadcast_in_dim3A_687 : i1 to vector<16xi1>
    %unique3A_689, %unique3A_690 = tpu.scan_count mask(%broadcast_in_dim3A_688 : vector<16xi1>) value(%get3A_686 : vector<16xi32>) : vector<16xi1>, vector<16xi32>
    %add3A_691 = arith.constant 96 : i32
    %add3A_692 = vector.broadcast %add3A_691 : i32 to vector<16xi32>
    %add3A_693 = arith.addi %iota3A, %add3A_692 : vector<16xi32>
    tpu.vector_store_idx %arg17[%get3A_686], %add3A_693 masked %unique3A_689 : memref<10240xi32, #tpu.memory_space<vmem>>[vector<16xi32>], vector<16xi32>, vector<16xi1>
    %get3A_694 = arith.constant 112 : index
    %get3A_695 = tpu.vector_load %arg16[%get3A_694] {strides = array<i32>} : memref<1536xi32, #tpu.memory_space<vmem>>, vector<16xi32>,
    %broadcast_in_dim3A_696 = arith.constant true
    %broadcast_in_dim3A_697 = vector.broadcast %broadcast_in_dim3A_696 : i1 to vector<16xi1>
    %unique3A_698, %unique3A_699 = tpu.scan_count mask(%broadcast_in_dim3A_697 : vector<16xi1>) value(%get3A_695 : vector<16xi32>) : vector<16xi1>, vector<16xi32>
    %add3A_700 = arith.constant 112 : i32
    %add3A_701 = vector.broadcast %add3A_700 : i32 to vector<16xi32>
    %add3A_702 = arith.addi %iota3A, %add3A_701 : vector<16xi32>
    tpu.vector_store_idx %arg17[%get3A_695], %add3A_702 masked %unique3A_698 : memref<10240xi32, #tpu.memory_space<vmem>>[vector<16xi32>], vector<16xi32>, vector<16xi1>
    %get3A_703 = arith.constant 128 : index
    %get3A_704 = tpu.vector_load %arg16[%get3A_703] {strides = array<i32>} : memref<1536xi32, #tpu.memory_space<vmem>>, vector<16xi32>,
    %broadcast_in_dim3A_705 = arith.constant true
    %broadcast_in_dim3A_706 = vector.broadcast %broadcast_in_dim3A_705 : i1 to vector<16xi1>
    %unique3A_707, %unique3A_708 = tpu.scan_count mask(%broadcast_in_dim3A_706 : vector<16xi1>) value(%get3A_704 : vector<16xi32>) : vector<16xi1>, vector<16xi32>
    %add3A_709 = arith.constant 128 : i32
    %add3A_710 = vector.broadcast %add3A_709 : i32 to vector<16xi32>
    %add3A_711 = arith.addi %iota3A, %add3A_710 : vector<16xi32>
    tpu.vector_store_idx %arg17[%get3A_704], %add3A_711 masked %unique3A_707 : memref<10240xi32, #tpu.memory_space<vmem>>[vector<16xi32>], vector<16xi32>, vector<16xi1>
    %get3A_712 = arith.constant 144 : index
    %get3A_713 = tpu.vector_load %arg16[%get3A_712] {strides = array<i32>} : memref<1536xi32, #tpu.memory_space<vmem>>, vector<16xi32>,
    %broadcast_in_dim3A_714 = arith.constant true
    %broadcast_in_dim3A_715 = vector.broadcast %broadcast_in_dim3A_714 : i1 to vector<16xi1>
    %unique3A_716, %unique3A_717 = tpu.scan_count mask(%broadcast_in_dim3A_715 : vector<16xi1>) value(%get3A_713 : vector<16xi32>) : vector<16xi1>, vector<16xi32>
    %add3A_718 = arith.constant 144 : i32
    %add3A_719 = vector.broadcast %add3A_718 : i32 to vector<16xi32>
    %add3A_720 = arith.addi %iota3A, %add3A_719 : vector<16xi32>
    tpu.vector_store_idx %arg17[%get3A_713], %add3A_720 masked %unique3A_716 : memref<10240xi32, #tpu.memory_space<vmem>>[vector<16xi32>], vector<16xi32>, vector<16xi1>
    %get3A_721 = arith.constant 160 : index
    %get3A_722 = tpu.vector_load %arg16[%get3A_721] {strides = array<i32>} : memref<1536xi32, #tpu.memory_space<vmem>>, vector<16xi32>,
    %broadcast_in_dim3A_723 = arith.constant true
    %broadcast_in_dim3A_724 = vector.broadcast %broadcast_in_dim3A_723 : i1 to vector<16xi1>
    %unique3A_725, %unique3A_726 = tpu.scan_count mask(%broadcast_in_dim3A_724 : vector<16xi1>) value(%get3A_722 : vector<16xi32>) : vector<16xi1>, vector<16xi32>
    %add3A_727 = arith.constant 160 : i32
    %add3A_728 = vector.broadcast %add3A_727 : i32 to vector<16xi32>
    %add3A_729 = arith.addi %iota3A, %add3A_728 : vector<16xi32>
    tpu.vector_store_idx %arg17[%get3A_722], %add3A_729 masked %unique3A_725 : memref<10240xi32, #tpu.memory_space<vmem>>[vector<16xi32>], vector<16xi32>, vector<16xi1>
    %get3A_730 = arith.constant 176 : index
    %get3A_731 = tpu.vector_load %arg16[%get3A_730] {strides = array<i32>} : memref<1536xi32, #tpu.memory_space<vmem>>, vector<16xi32>,
    %broadcast_in_dim3A_732 = arith.constant true
    %broadcast_in_dim3A_733 = vector.broadcast %broadcast_in_dim3A_732 : i1 to vector<16xi1>
    %unique3A_734, %unique3A_735 = tpu.scan_count mask(%broadcast_in_dim3A_733 : vector<16xi1>) value(%get3A_731 : vector<16xi32>) : vector<16xi1>, vector<16xi32>
    %add3A_736 = arith.constant 176 : i32
    %add3A_737 = vector.broadcast %add3A_736 : i32 to vector<16xi32>
    %add3A_738 = arith.addi %iota3A, %add3A_737 : vector<16xi32>
    tpu.vector_store_idx %arg17[%get3A_731], %add3A_738 masked %unique3A_734 : memref<10240xi32, #tpu.memory_space<vmem>>[vector<16xi32>], vector<16xi32>, vector<16xi1>
    %get3A_739 = arith.constant 192 : index
    %get3A_740 = tpu.vector_load %arg16[%get3A_739] {strides = array<i32>} : memref<1536xi32, #tpu.memory_space<vmem>>, vector<16xi32>,
    %broadcast_in_dim3A_741 = arith.constant true
    %broadcast_in_dim3A_742 = vector.broadcast %broadcast_in_dim3A_741 : i1 to vector<16xi1>
    %unique3A_743, %unique3A_744 = tpu.scan_count mask(%broadcast_in_dim3A_742 : vector<16xi1>) value(%get3A_740 : vector<16xi32>) : vector<16xi1>, vector<16xi32>
    %add3A_745 = arith.constant 192 : i32
    %add3A_746 = vector.broadcast %add3A_745 : i32 to vector<16xi32>
    %add3A_747 = arith.addi %iota3A, %add3A_746 : vector<16xi32>
    tpu.vector_store_idx %arg17[%get3A_740], %add3A_747 masked %unique3A_743 : memref<10240xi32, #tpu.memory_space<vmem>>[vector<16xi32>], vector<16xi32>, vector<16xi1>
    %get3A_748 = arith.constant 208 : index
    %get3A_749 = tpu.vector_load %arg16[%get3A_748] {strides = array<i32>} : memref<1536xi32, #tpu.memory_space<vmem>>, vector<16xi32>,
    %broadcast_in_dim3A_750 = arith.constant true
    %broadcast_in_dim3A_751 = vector.broadcast %broadcast_in_dim3A_750 : i1 to vector<16xi1>
    %unique3A_752, %unique3A_753 = tpu.scan_count mask(%broadcast_in_dim3A_751 : vector<16xi1>) value(%get3A_749 : vector<16xi32>) : vector<16xi1>, vector<16xi32>
    %add3A_754 = arith.constant 208 : i32
    %add3A_755 = vector.broadcast %add3A_754 : i32 to vector<16xi32>
    %add3A_756 = arith.addi %iota3A, %add3A_755 : vector<16xi32>
    tpu.vector_store_idx %arg17[%get3A_749], %add3A_756 masked %unique3A_752 : memref<10240xi32, #tpu.memory_space<vmem>>[vector<16xi32>], vector<16xi32>, vector<16xi1>
    %get3A_757 = arith.constant 224 : index
    %get3A_758 = tpu.vector_load %arg16[%get3A_757] {strides = array<i32>} : memref<1536xi32, #tpu.memory_space<vmem>>, vector<16xi32>,
    %broadcast_in_dim3A_759 = arith.constant true
    %broadcast_in_dim3A_760 = vector.broadcast %broadcast_in_dim3A_759 : i1 to vector<16xi1>
    %unique3A_761, %unique3A_762 = tpu.scan_count mask(%broadcast_in_dim3A_760 : vector<16xi1>) value(%get3A_758 : vector<16xi32>) : vector<16xi1>, vector<16xi32>
    %add3A_763 = arith.constant 224 : i32
    %add3A_764 = vector.broadcast %add3A_763 : i32 to vector<16xi32>
    %add3A_765 = arith.addi %iota3A, %add3A_764 : vector<16xi32>
    tpu.vector_store_idx %arg17[%get3A_758], %add3A_765 masked %unique3A_761 : memref<10240xi32, #tpu.memory_space<vmem>>[vector<16xi32>], vector<16xi32>, vector<16xi1>
    %get3A_766 = arith.constant 240 : index
    %get3A_767 = tpu.vector_load %arg16[%get3A_766] {strides = array<i32>} : memref<1536xi32, #tpu.memory_space<vmem>>, vector<16xi32>,
    %broadcast_in_dim3A_768 = arith.constant true
    %broadcast_in_dim3A_769 = vector.broadcast %broadcast_in_dim3A_768 : i1 to vector<16xi1>
    %unique3A_770, %unique3A_771 = tpu.scan_count mask(%broadcast_in_dim3A_769 : vector<16xi1>) value(%get3A_767 : vector<16xi32>) : vector<16xi1>, vector<16xi32>
    %add3A_772 = arith.constant 240 : i32
    %add3A_773 = vector.broadcast %add3A_772 : i32 to vector<16xi32>
    %add3A_774 = arith.addi %iota3A, %add3A_773 : vector<16xi32>
    tpu.vector_store_idx %arg17[%get3A_767], %add3A_774 masked %unique3A_770 : memref<10240xi32, #tpu.memory_space<vmem>>[vector<16xi32>], vector<16xi32>, vector<16xi1>
    %get3A_775 = arith.constant 256 : index
    %get3A_776 = tpu.vector_load %arg16[%get3A_775] {strides = array<i32>} : memref<1536xi32, #tpu.memory_space<vmem>>, vector<16xi32>,
    %broadcast_in_dim3A_777 = arith.constant true
    %broadcast_in_dim3A_778 = vector.broadcast %broadcast_in_dim3A_777 : i1 to vector<16xi1>
    %unique3A_779, %unique3A_780 = tpu.scan_count mask(%broadcast_in_dim3A_778 : vector<16xi1>) value(%get3A_776 : vector<16xi32>) : vector<16xi1>, vector<16xi32>
    %add3A_781 = arith.constant 256 : i32
    %add3A_782 = vector.broadcast %add3A_781 : i32 to vector<16xi32>
    %add3A_783 = arith.addi %iota3A, %add3A_782 : vector<16xi32>
    tpu.vector_store_idx %arg17[%get3A_776], %add3A_783 masked %unique3A_779 : memref<10240xi32, #tpu.memory_space<vmem>>[vector<16xi32>], vector<16xi32>, vector<16xi1>
    %get3A_784 = arith.constant 272 : index
    %get3A_785 = tpu.vector_load %arg16[%get3A_784] {strides = array<i32>} : memref<1536xi32, #tpu.memory_space<vmem>>, vector<16xi32>,
    %broadcast_in_dim3A_786 = arith.constant true
    %broadcast_in_dim3A_787 = vector.broadcast %broadcast_in_dim3A_786 : i1 to vector<16xi1>
    %unique3A_788, %unique3A_789 = tpu.scan_count mask(%broadcast_in_dim3A_787 : vector<16xi1>) value(%get3A_785 : vector<16xi32>) : vector<16xi1>, vector<16xi32>
    %add3A_790 = arith.constant 272 : i32
    %add3A_791 = vector.broadcast %add3A_790 : i32 to vector<16xi32>
    %add3A_792 = arith.addi %iota3A, %add3A_791 : vector<16xi32>
    tpu.vector_store_idx %arg17[%get3A_785], %add3A_792 masked %unique3A_788 : memref<10240xi32, #tpu.memory_space<vmem>>[vector<16xi32>], vector<16xi32>, vector<16xi1>
    %get3A_793 = arith.constant 288 : index
    %get3A_794 = tpu.vector_load %arg16[%get3A_793] {strides = array<i32>} : memref<1536xi32, #tpu.memory_space<vmem>>, vector<16xi32>,
    %broadcast_in_dim3A_795 = arith.constant true
    %broadcast_in_dim3A_796 = vector.broadcast %broadcast_in_dim3A_795 : i1 to vector<16xi1>
    %unique3A_797, %unique3A_798 = tpu.scan_count mask(%broadcast_in_dim3A_796 : vector<16xi1>) value(%get3A_794 : vector<16xi32>) : vector<16xi1>, vector<16xi32>
    %add3A_799 = arith.constant 288 : i32
    %add3A_800 = vector.broadcast %add3A_799 : i32 to vector<16xi32>
    %add3A_801 = arith.addi %iota3A, %add3A_800 : vector<16xi32>
    tpu.vector_store_idx %arg17[%get3A_794], %add3A_801 masked %unique3A_797 : memref<10240xi32, #tpu.memory_space<vmem>>[vector<16xi32>], vector<16xi32>, vector<16xi1>
    %get3A_802 = arith.constant 304 : index
    %get3A_803 = tpu.vector_load %arg16[%get3A_802] {strides = array<i32>} : memref<1536xi32, #tpu.memory_space<vmem>>, vector<16xi32>,
    %broadcast_in_dim3A_804 = arith.constant true
    %broadcast_in_dim3A_805 = vector.broadcast %broadcast_in_dim3A_804 : i1 to vector<16xi1>
    %unique3A_806, %unique3A_807 = tpu.scan_count mask(%broadcast_in_dim3A_805 : vector<16xi1>) value(%get3A_803 : vector<16xi32>) : vector<16xi1>, vector<16xi32>
    %add3A_808 = arith.constant 304 : i32
    %add3A_809 = vector.broadcast %add3A_808 : i32 to vector<16xi32>
    %add3A_810 = arith.addi %iota3A, %add3A_809 : vector<16xi32>
    tpu.vector_store_idx %arg17[%get3A_803], %add3A_810 masked %unique3A_806 : memref<10240xi32, #tpu.memory_space<vmem>>[vector<16xi32>], vector<16xi32>, vector<16xi1>
    %get3A_811 = arith.constant 320 : index
    %get3A_812 = tpu.vector_load %arg16[%get3A_811] {strides = array<i32>} : memref<1536xi32, #tpu.memory_space<vmem>>, vector<16xi32>,
    %broadcast_in_dim3A_813 = arith.constant true
    %broadcast_in_dim3A_814 = vector.broadcast %broadcast_in_dim3A_813 : i1 to vector<16xi1>
    %unique3A_815, %unique3A_816 = tpu.scan_count mask(%broadcast_in_dim3A_814 : vector<16xi1>) value(%get3A_812 : vector<16xi32>) : vector<16xi1>, vector<16xi32>
    %add3A_817 = arith.constant 320 : i32
    %add3A_818 = vector.broadcast %add3A_817 : i32 to vector<16xi32>
    %add3A_819 = arith.addi %iota3A, %add3A_818 : vector<16xi32>
    tpu.vector_store_idx %arg17[%get3A_812], %add3A_819 masked %unique3A_815 : memref<10240xi32, #tpu.memory_space<vmem>>[vector<16xi32>], vector<16xi32>, vector<16xi1>
    %get3A_820 = arith.constant 336 : index
    %get3A_821 = tpu.vector_load %arg16[%get3A_820] {strides = array<i32>} : memref<1536xi32, #tpu.memory_space<vmem>>, vector<16xi32>,
    %broadcast_in_dim3A_822 = arith.constant true
    %broadcast_in_dim3A_823 = vector.broadcast %broadcast_in_dim3A_822 : i1 to vector<16xi1>
    %unique3A_824, %unique3A_825 = tpu.scan_count mask(%broadcast_in_dim3A_823 : vector<16xi1>) value(%get3A_821 : vector<16xi32>) : vector<16xi1>, vector<16xi32>
    %add3A_826 = arith.constant 336 : i32
    %add3A_827 = vector.broadcast %add3A_826 : i32 to vector<16xi32>
    %add3A_828 = arith.addi %iota3A, %add3A_827 : vector<16xi32>
    tpu.vector_store_idx %arg17[%get3A_821], %add3A_828 masked %unique3A_824 : memref<10240xi32, #tpu.memory_space<vmem>>[vector<16xi32>], vector<16xi32>, vector<16xi1>
    %get3A_829 = arith.constant 352 : index
    %get3A_830 = tpu.vector_load %arg16[%get3A_829] {strides = array<i32>} : memref<1536xi32, #tpu.memory_space<vmem>>, vector<16xi32>,
    %broadcast_in_dim3A_831 = arith.constant true
    %broadcast_in_dim3A_832 = vector.broadcast %broadcast_in_dim3A_831 : i1 to vector<16xi1>
    %unique3A_833, %unique3A_834 = tpu.scan_count mask(%broadcast_in_dim3A_832 : vector<16xi1>) value(%get3A_830 : vector<16xi32>) : vector<16xi1>, vector<16xi32>
    %add3A_835 = arith.constant 352 : i32
    %add3A_836 = vector.broadcast %add3A_835 : i32 to vector<16xi32>
    %add3A_837 = arith.addi %iota3A, %add3A_836 : vector<16xi32>
    tpu.vector_store_idx %arg17[%get3A_830], %add3A_837 masked %unique3A_833 : memref<10240xi32, #tpu.memory_space<vmem>>[vector<16xi32>], vector<16xi32>, vector<16xi1>
    %get3A_838 = arith.constant 368 : index
    %get3A_839 = tpu.vector_load %arg16[%get3A_838] {strides = array<i32>} : memref<1536xi32, #tpu.memory_space<vmem>>, vector<16xi32>,
    %broadcast_in_dim3A_840 = arith.constant true
    %broadcast_in_dim3A_841 = vector.broadcast %broadcast_in_dim3A_840 : i1 to vector<16xi1>
    %unique3A_842, %unique3A_843 = tpu.scan_count mask(%broadcast_in_dim3A_841 : vector<16xi1>) value(%get3A_839 : vector<16xi32>) : vector<16xi1>, vector<16xi32>
    %add3A_844 = arith.constant 368 : i32
    %add3A_845 = vector.broadcast %add3A_844 : i32 to vector<16xi32>
    %add3A_846 = arith.addi %iota3A, %add3A_845 : vector<16xi32>
    tpu.vector_store_idx %arg17[%get3A_839], %add3A_846 masked %unique3A_842 : memref<10240xi32, #tpu.memory_space<vmem>>[vector<16xi32>], vector<16xi32>, vector<16xi1>
    %get3A_847 = arith.constant 384 : index
    %get3A_848 = tpu.vector_load %arg16[%get3A_847] {strides = array<i32>} : memref<1536xi32, #tpu.memory_space<vmem>>, vector<16xi32>,
    %broadcast_in_dim3A_849 = arith.constant true
    %broadcast_in_dim3A_850 = vector.broadcast %broadcast_in_dim3A_849 : i1 to vector<16xi1>
    %unique3A_851, %unique3A_852 = tpu.scan_count mask(%broadcast_in_dim3A_850 : vector<16xi1>) value(%get3A_848 : vector<16xi32>) : vector<16xi1>, vector<16xi32>
    %add3A_853 = arith.constant 384 : i32
    %add3A_854 = vector.broadcast %add3A_853 : i32 to vector<16xi32>
    %add3A_855 = arith.addi %iota3A, %add3A_854 : vector<16xi32>
    tpu.vector_store_idx %arg17[%get3A_848], %add3A_855 masked %unique3A_851 : memref<10240xi32, #tpu.memory_space<vmem>>[vector<16xi32>], vector<16xi32>, vector<16xi1>
    %get3A_856 = arith.constant 400 : index
    %get3A_857 = tpu.vector_load %arg16[%get3A_856] {strides = array<i32>} : memref<1536xi32, #tpu.memory_space<vmem>>, vector<16xi32>,
    %broadcast_in_dim3A_858 = arith.constant true
    %broadcast_in_dim3A_859 = vector.broadcast %broadcast_in_dim3A_858 : i1 to vector<16xi1>
    %unique3A_860, %unique3A_861 = tpu.scan_count mask(%broadcast_in_dim3A_859 : vector<16xi1>) value(%get3A_857 : vector<16xi32>) : vector<16xi1>, vector<16xi32>
    %add3A_862 = arith.constant 400 : i32
    %add3A_863 = vector.broadcast %add3A_862 : i32 to vector<16xi32>
    %add3A_864 = arith.addi %iota3A, %add3A_863 : vector<16xi32>
    tpu.vector_store_idx %arg17[%get3A_857], %add3A_864 masked %unique3A_860 : memref<10240xi32, #tpu.memory_space<vmem>>[vector<16xi32>], vector<16xi32>, vector<16xi1>
    %get3A_865 = arith.constant 416 : index
    %get3A_866 = tpu.vector_load %arg16[%get3A_865] {strides = array<i32>} : memref<1536xi32, #tpu.memory_space<vmem>>, vector<16xi32>,
    %broadcast_in_dim3A_867 = arith.constant true
    %broadcast_in_dim3A_868 = vector.broadcast %broadcast_in_dim3A_867 : i1 to vector<16xi1>
    %unique3A_869, %unique3A_870 = tpu.scan_count mask(%broadcast_in_dim3A_868 : vector<16xi1>) value(%get3A_866 : vector<16xi32>) : vector<16xi1>, vector<16xi32>
    %add3A_871 = arith.constant 416 : i32
    %add3A_872 = vector.broadcast %add3A_871 : i32 to vector<16xi32>
    %add3A_873 = arith.addi %iota3A, %add3A_872 : vector<16xi32>
    tpu.vector_store_idx %arg17[%get3A_866], %add3A_873 masked %unique3A_869 : memref<10240xi32, #tpu.memory_space<vmem>>[vector<16xi32>], vector<16xi32>, vector<16xi1>
    %get3A_874 = arith.constant 432 : index
    %get3A_875 = tpu.vector_load %arg16[%get3A_874] {strides = array<i32>} : memref<1536xi32, #tpu.memory_space<vmem>>, vector<16xi32>,
    %broadcast_in_dim3A_876 = arith.constant true
    %broadcast_in_dim3A_877 = vector.broadcast %broadcast_in_dim3A_876 : i1 to vector<16xi1>
    %unique3A_878, %unique3A_879 = tpu.scan_count mask(%broadcast_in_dim3A_877 : vector<16xi1>) value(%get3A_875 : vector<16xi32>) : vector<16xi1>, vector<16xi32>
    %add3A_880 = arith.constant 432 : i32
    %add3A_881 = vector.broadcast %add3A_880 : i32 to vector<16xi32>
    %add3A_882 = arith.addi %iota3A, %add3A_881 : vector<16xi32>
    tpu.vector_store_idx %arg17[%get3A_875], %add3A_882 masked %unique3A_878 : memref<10240xi32, #tpu.memory_space<vmem>>[vector<16xi32>], vector<16xi32>, vector<16xi1>
    %get3A_883 = arith.constant 448 : index
    %get3A_884 = tpu.vector_load %arg16[%get3A_883] {strides = array<i32>} : memref<1536xi32, #tpu.memory_space<vmem>>, vector<16xi32>,
    %broadcast_in_dim3A_885 = arith.constant true
    %broadcast_in_dim3A_886 = vector.broadcast %broadcast_in_dim3A_885 : i1 to vector<16xi1>
    %unique3A_887, %unique3A_888 = tpu.scan_count mask(%broadcast_in_dim3A_886 : vector<16xi1>) value(%get3A_884 : vector<16xi32>) : vector<16xi1>, vector<16xi32>
    %add3A_889 = arith.constant 448 : i32
    %add3A_890 = vector.broadcast %add3A_889 : i32 to vector<16xi32>
    %add3A_891 = arith.addi %iota3A, %add3A_890 : vector<16xi32>
    tpu.vector_store_idx %arg17[%get3A_884], %add3A_891 masked %unique3A_887 : memref<10240xi32, #tpu.memory_space<vmem>>[vector<16xi32>], vector<16xi32>, vector<16xi1>
    %get3A_892 = arith.constant 464 : index
    %get3A_893 = tpu.vector_load %arg16[%get3A_892] {strides = array<i32>} : memref<1536xi32, #tpu.memory_space<vmem>>, vector<16xi32>,
    %broadcast_in_dim3A_894 = arith.constant true
    %broadcast_in_dim3A_895 = vector.broadcast %broadcast_in_dim3A_894 : i1 to vector<16xi1>
    %unique3A_896, %unique3A_897 = tpu.scan_count mask(%broadcast_in_dim3A_895 : vector<16xi1>) value(%get3A_893 : vector<16xi32>) : vector<16xi1>, vector<16xi32>
    %add3A_898 = arith.constant 464 : i32
    %add3A_899 = vector.broadcast %add3A_898 : i32 to vector<16xi32>
    %add3A_900 = arith.addi %iota3A, %add3A_899 : vector<16xi32>
    tpu.vector_store_idx %arg17[%get3A_893], %add3A_900 masked %unique3A_896 : memref<10240xi32, #tpu.memory_space<vmem>>[vector<16xi32>], vector<16xi32>, vector<16xi1>
    %get3A_901 = arith.constant 480 : index
    %get3A_902 = tpu.vector_load %arg16[%get3A_901] {strides = array<i32>} : memref<1536xi32, #tpu.memory_space<vmem>>, vector<16xi32>,
    %broadcast_in_dim3A_903 = arith.constant true
    %broadcast_in_dim3A_904 = vector.broadcast %broadcast_in_dim3A_903 : i1 to vector<16xi1>
    %unique3A_905, %unique3A_906 = tpu.scan_count mask(%broadcast_in_dim3A_904 : vector<16xi1>) value(%get3A_902 : vector<16xi32>) : vector<16xi1>, vector<16xi32>
    %add3A_907 = arith.constant 480 : i32
    %add3A_908 = vector.broadcast %add3A_907 : i32 to vector<16xi32>
    %add3A_909 = arith.addi %iota3A, %add3A_908 : vector<16xi32>
    tpu.vector_store_idx %arg17[%get3A_902], %add3A_909 masked %unique3A_905 : memref<10240xi32, #tpu.memory_space<vmem>>[vector<16xi32>], vector<16xi32>, vector<16xi1>
    %get3A_910 = arith.constant 496 : index
    %get3A_911 = tpu.vector_load %arg16[%get3A_910] {strides = array<i32>} : memref<1536xi32, #tpu.memory_space<vmem>>, vector<16xi32>,
    %broadcast_in_dim3A_912 = arith.constant true
    %broadcast_in_dim3A_913 = vector.broadcast %broadcast_in_dim3A_912 : i1 to vector<16xi1>
    %unique3A_914, %unique3A_915 = tpu.scan_count mask(%broadcast_in_dim3A_913 : vector<16xi1>) value(%get3A_911 : vector<16xi32>) : vector<16xi1>, vector<16xi32>
    %add3A_916 = arith.constant 496 : i32
    %add3A_917 = vector.broadcast %add3A_916 : i32 to vector<16xi32>
    %add3A_918 = arith.addi %iota3A, %add3A_917 : vector<16xi32>
    tpu.vector_store_idx %arg17[%get3A_911], %add3A_918 masked %unique3A_914 : memref<10240xi32, #tpu.memory_space<vmem>>[vector<16xi32>], vector<16xi32>, vector<16xi1>
    %get3A_919 = arith.constant 512 : index
    %get3A_920 = tpu.vector_load %arg16[%get3A_919] {strides = array<i32>} : memref<1536xi32, #tpu.memory_space<vmem>>, vector<16xi32>,
    %broadcast_in_dim3A_921 = arith.constant true
    %broadcast_in_dim3A_922 = vector.broadcast %broadcast_in_dim3A_921 : i1 to vector<16xi1>
    %unique3A_923, %unique3A_924 = tpu.scan_count mask(%broadcast_in_dim3A_922 : vector<16xi1>) value(%get3A_920 : vector<16xi32>) : vector<16xi1>, vector<16xi32>
    %add3A_925 = arith.constant 512 : i32
    %add3A_926 = vector.broadcast %add3A_925 : i32 to vector<16xi32>
    %add3A_927 = arith.addi %iota3A, %add3A_926 : vector<16xi32>
    tpu.vector_store_idx %arg17[%get3A_920], %add3A_927 masked %unique3A_923 : memref<10240xi32, #tpu.memory_space<vmem>>[vector<16xi32>], vector<16xi32>, vector<16xi1>
    %get3A_928 = arith.constant 528 : index
    %get3A_929 = tpu.vector_load %arg16[%get3A_928] {strides = array<i32>} : memref<1536xi32, #tpu.memory_space<vmem>>, vector<16xi32>,
    %broadcast_in_dim3A_930 = arith.constant true
    %broadcast_in_dim3A_931 = vector.broadcast %broadcast_in_dim3A_930 : i1 to vector<16xi1>
    %unique3A_932, %unique3A_933 = tpu.scan_count mask(%broadcast_in_dim3A_931 : vector<16xi1>) value(%get3A_929 : vector<16xi32>) : vector<16xi1>, vector<16xi32>
    %add3A_934 = arith.constant 528 : i32
    %add3A_935 = vector.broadcast %add3A_934 : i32 to vector<16xi32>
    %add3A_936 = arith.addi %iota3A, %add3A_935 : vector<16xi32>
    tpu.vector_store_idx %arg17[%get3A_929], %add3A_936 masked %unique3A_932 : memref<10240xi32, #tpu.memory_space<vmem>>[vector<16xi32>], vector<16xi32>, vector<16xi1>
    %get3A_937 = arith.constant 544 : index
    %get3A_938 = tpu.vector_load %arg16[%get3A_937] {strides = array<i32>} : memref<1536xi32, #tpu.memory_space<vmem>>, vector<16xi32>,
    %broadcast_in_dim3A_939 = arith.constant true
    %broadcast_in_dim3A_940 = vector.broadcast %broadcast_in_dim3A_939 : i1 to vector<16xi1>
    %unique3A_941, %unique3A_942 = tpu.scan_count mask(%broadcast_in_dim3A_940 : vector<16xi1>) value(%get3A_938 : vector<16xi32>) : vector<16xi1>, vector<16xi32>
    %add3A_943 = arith.constant 544 : i32
    %add3A_944 = vector.broadcast %add3A_943 : i32 to vector<16xi32>
    %add3A_945 = arith.addi %iota3A, %add3A_944 : vector<16xi32>
    tpu.vector_store_idx %arg17[%get3A_938], %add3A_945 masked %unique3A_941 : memref<10240xi32, #tpu.memory_space<vmem>>[vector<16xi32>], vector<16xi32>, vector<16xi1>
    %get3A_946 = arith.constant 560 : index
    %get3A_947 = tpu.vector_load %arg16[%get3A_946] {strides = array<i32>} : memref<1536xi32, #tpu.memory_space<vmem>>, vector<16xi32>,
    %broadcast_in_dim3A_948 = arith.constant true
    %broadcast_in_dim3A_949 = vector.broadcast %broadcast_in_dim3A_948 : i1 to vector<16xi1>
    %unique3A_950, %unique3A_951 = tpu.scan_count mask(%broadcast_in_dim3A_949 : vector<16xi1>) value(%get3A_947 : vector<16xi32>) : vector<16xi1>, vector<16xi32>
    %add3A_952 = arith.constant 560 : i32
    %add3A_953 = vector.broadcast %add3A_952 : i32 to vector<16xi32>
    %add3A_954 = arith.addi %iota3A, %add3A_953 : vector<16xi32>
    tpu.vector_store_idx %arg17[%get3A_947], %add3A_954 masked %unique3A_950 : memref<10240xi32, #tpu.memory_space<vmem>>[vector<16xi32>], vector<16xi32>, vector<16xi1>
    %get3A_955 = arith.constant 576 : index
    %get3A_956 = tpu.vector_load %arg16[%get3A_955] {strides = array<i32>} : memref<1536xi32, #tpu.memory_space<vmem>>, vector<16xi32>,
    %broadcast_in_dim3A_957 = arith.constant true
    %broadcast_in_dim3A_958 = vector.broadcast %broadcast_in_dim3A_957 : i1 to vector<16xi1>
    %unique3A_959, %unique3A_960 = tpu.scan_count mask(%broadcast_in_dim3A_958 : vector<16xi1>) value(%get3A_956 : vector<16xi32>) : vector<16xi1>, vector<16xi32>
    %add3A_961 = arith.constant 576 : i32
    %add3A_962 = vector.broadcast %add3A_961 : i32 to vector<16xi32>
    %add3A_963 = arith.addi %iota3A, %add3A_962 : vector<16xi32>
    tpu.vector_store_idx %arg17[%get3A_956], %add3A_963 masked %unique3A_959 : memref<10240xi32, #tpu.memory_space<vmem>>[vector<16xi32>], vector<16xi32>, vector<16xi1>
    %get3A_964 = arith.constant 592 : index
    %get3A_965 = tpu.vector_load %arg16[%get3A_964] {strides = array<i32>} : memref<1536xi32, #tpu.memory_space<vmem>>, vector<16xi32>,
    %broadcast_in_dim3A_966 = arith.constant true
    %broadcast_in_dim3A_967 = vector.broadcast %broadcast_in_dim3A_966 : i1 to vector<16xi1>
    %unique3A_968, %unique3A_969 = tpu.scan_count mask(%broadcast_in_dim3A_967 : vector<16xi1>) value(%get3A_965 : vector<16xi32>) : vector<16xi1>, vector<16xi32>
    %add3A_970 = arith.constant 592 : i32
    %add3A_971 = vector.broadcast %add3A_970 : i32 to vector<16xi32>
    %add3A_972 = arith.addi %iota3A, %add3A_971 : vector<16xi32>
    tpu.vector_store_idx %arg17[%get3A_965], %add3A_972 masked %unique3A_968 : memref<10240xi32, #tpu.memory_space<vmem>>[vector<16xi32>], vector<16xi32>, vector<16xi1>
    %get3A_973 = arith.constant 608 : index
    %get3A_974 = tpu.vector_load %arg16[%get3A_973] {strides = array<i32>} : memref<1536xi32, #tpu.memory_space<vmem>>, vector<16xi32>,
    %broadcast_in_dim3A_975 = arith.constant true
    %broadcast_in_dim3A_976 = vector.broadcast %broadcast_in_dim3A_975 : i1 to vector<16xi1>
    %unique3A_977, %unique3A_978 = tpu.scan_count mask(%broadcast_in_dim3A_976 : vector<16xi1>) value(%get3A_974 : vector<16xi32>) : vector<16xi1>, vector<16xi32>
    %add3A_979 = arith.constant 608 : i32
    %add3A_980 = vector.broadcast %add3A_979 : i32 to vector<16xi32>
    %add3A_981 = arith.addi %iota3A, %add3A_980 : vector<16xi32>
    tpu.vector_store_idx %arg17[%get3A_974], %add3A_981 masked %unique3A_977 : memref<10240xi32, #tpu.memory_space<vmem>>[vector<16xi32>], vector<16xi32>, vector<16xi1>
    %get3A_982 = arith.constant 624 : index
    %get3A_983 = tpu.vector_load %arg16[%get3A_982] {strides = array<i32>} : memref<1536xi32, #tpu.memory_space<vmem>>, vector<16xi32>,
    %broadcast_in_dim3A_984 = arith.constant true
    %broadcast_in_dim3A_985 = vector.broadcast %broadcast_in_dim3A_984 : i1 to vector<16xi1>
    %unique3A_986, %unique3A_987 = tpu.scan_count mask(%broadcast_in_dim3A_985 : vector<16xi1>) value(%get3A_983 : vector<16xi32>) : vector<16xi1>, vector<16xi32>
    %add3A_988 = arith.constant 624 : i32
    %add3A_989 = vector.broadcast %add3A_988 : i32 to vector<16xi32>
    %add3A_990 = arith.addi %iota3A, %add3A_989 : vector<16xi32>
    tpu.vector_store_idx %arg17[%get3A_983], %add3A_990 masked %unique3A_986 : memref<10240xi32, #tpu.memory_space<vmem>>[vector<16xi32>], vector<16xi32>, vector<16xi1>
    %get3A_991 = arith.constant 640 : index
    %get3A_992 = tpu.vector_load %arg16[%get3A_991] {strides = array<i32>} : memref<1536xi32, #tpu.memory_space<vmem>>, vector<16xi32>,
    %broadcast_in_dim3A_993 = arith.constant true
    %broadcast_in_dim3A_994 = vector.broadcast %broadcast_in_dim3A_993 : i1 to vector<16xi1>
    %unique3A_995, %unique3A_996 = tpu.scan_count mask(%broadcast_in_dim3A_994 : vector<16xi1>) value(%get3A_992 : vector<16xi32>) : vector<16xi1>, vector<16xi32>
    %add3A_997 = arith.constant 640 : i32
    %add3A_998 = vector.broadcast %add3A_997 : i32 to vector<16xi32>
    %add3A_999 = arith.addi %iota3A, %add3A_998 : vector<16xi32>
    tpu.vector_store_idx %arg17[%get3A_992], %add3A_999 masked %unique3A_995 : memref<10240xi32, #tpu.memory_space<vmem>>[vector<16xi32>], vector<16xi32>, vector<16xi1>
    %get3A_1000 = arith.constant 656 : index
    %get3A_1001 = tpu.vector_load %arg16[%get3A_1000] {strides = array<i32>} : memref<1536xi32, #tpu.memory_space<vmem>>, vector<16xi32>,
    %broadcast_in_dim3A_1002 = arith.constant true
    %broadcast_in_dim3A_1003 = vector.broadcast %broadcast_in_dim3A_1002 : i1 to vector<16xi1>
    %unique3A_1004, %unique3A_1005 = tpu.scan_count mask(%broadcast_in_dim3A_1003 : vector<16xi1>) value(%get3A_1001 : vector<16xi32>) : vector<16xi1>, vector<16xi32>
    %add3A_1006 = arith.constant 656 : i32
    %add3A_1007 = vector.broadcast %add3A_1006 : i32 to vector<16xi32>
    %add3A_1008 = arith.addi %iota3A, %add3A_1007 : vector<16xi32>
    tpu.vector_store_idx %arg17[%get3A_1001], %add3A_1008 masked %unique3A_1004 : memref<10240xi32, #tpu.memory_space<vmem>>[vector<16xi32>], vector<16xi32>, vector<16xi1>
    %get3A_1009 = arith.constant 672 : index
    %get3A_1010 = tpu.vector_load %arg16[%get3A_1009] {strides = array<i32>} : memref<1536xi32, #tpu.memory_space<vmem>>, vector<16xi32>,
    %broadcast_in_dim3A_1011 = arith.constant true
    %broadcast_in_dim3A_1012 = vector.broadcast %broadcast_in_dim3A_1011 : i1 to vector<16xi1>
    %unique3A_1013, %unique3A_1014 = tpu.scan_count mask(%broadcast_in_dim3A_1012 : vector<16xi1>) value(%get3A_1010 : vector<16xi32>) : vector<16xi1>, vector<16xi32>
    %add3A_1015 = arith.constant 672 : i32
    %add3A_1016 = vector.broadcast %add3A_1015 : i32 to vector<16xi32>
    %add3A_1017 = arith.addi %iota3A, %add3A_1016 : vector<16xi32>
    tpu.vector_store_idx %arg17[%get3A_1010], %add3A_1017 masked %unique3A_1013 : memref<10240xi32, #tpu.memory_space<vmem>>[vector<16xi32>], vector<16xi32>, vector<16xi1>
    %get3A_1018 = arith.constant 688 : index
    %get3A_1019 = tpu.vector_load %arg16[%get3A_1018] {strides = array<i32>} : memref<1536xi32, #tpu.memory_space<vmem>>, vector<16xi32>,
    %broadcast_in_dim3A_1020 = arith.constant true
    %broadcast_in_dim3A_1021 = vector.broadcast %broadcast_in_dim3A_1020 : i1 to vector<16xi1>
    %unique3A_1022, %unique3A_1023 = tpu.scan_count mask(%broadcast_in_dim3A_1021 : vector<16xi1>) value(%get3A_1019 : vector<16xi32>) : vector<16xi1>, vector<16xi32>
    %add3A_1024 = arith.constant 688 : i32
    %add3A_1025 = vector.broadcast %add3A_1024 : i32 to vector<16xi32>
    %add3A_1026 = arith.addi %iota3A, %add3A_1025 : vector<16xi32>
    tpu.vector_store_idx %arg17[%get3A_1019], %add3A_1026 masked %unique3A_1022 : memref<10240xi32, #tpu.memory_space<vmem>>[vector<16xi32>], vector<16xi32>, vector<16xi1>
    %get3A_1027 = arith.constant 704 : index
    %get3A_1028 = tpu.vector_load %arg16[%get3A_1027] {strides = array<i32>} : memref<1536xi32, #tpu.memory_space<vmem>>, vector<16xi32>,
    %broadcast_in_dim3A_1029 = arith.constant true
    %broadcast_in_dim3A_1030 = vector.broadcast %broadcast_in_dim3A_1029 : i1 to vector<16xi1>
    %unique3A_1031, %unique3A_1032 = tpu.scan_count mask(%broadcast_in_dim3A_1030 : vector<16xi1>) value(%get3A_1028 : vector<16xi32>) : vector<16xi1>, vector<16xi32>
    %add3A_1033 = arith.constant 704 : i32
    %add3A_1034 = vector.broadcast %add3A_1033 : i32 to vector<16xi32>
    %add3A_1035 = arith.addi %iota3A, %add3A_1034 : vector<16xi32>
    tpu.vector_store_idx %arg17[%get3A_1028], %add3A_1035 masked %unique3A_1031 : memref<10240xi32, #tpu.memory_space<vmem>>[vector<16xi32>], vector<16xi32>, vector<16xi1>
    %get3A_1036 = arith.constant 720 : index
    %get3A_1037 = tpu.vector_load %arg16[%get3A_1036] {strides = array<i32>} : memref<1536xi32, #tpu.memory_space<vmem>>, vector<16xi32>,
    %broadcast_in_dim3A_1038 = arith.constant true
    %broadcast_in_dim3A_1039 = vector.broadcast %broadcast_in_dim3A_1038 : i1 to vector<16xi1>
    %unique3A_1040, %unique3A_1041 = tpu.scan_count mask(%broadcast_in_dim3A_1039 : vector<16xi1>) value(%get3A_1037 : vector<16xi32>) : vector<16xi1>, vector<16xi32>
    %add3A_1042 = arith.constant 720 : i32
    %add3A_1043 = vector.broadcast %add3A_1042 : i32 to vector<16xi32>
    %add3A_1044 = arith.addi %iota3A, %add3A_1043 : vector<16xi32>
    tpu.vector_store_idx %arg17[%get3A_1037], %add3A_1044 masked %unique3A_1040 : memref<10240xi32, #tpu.memory_space<vmem>>[vector<16xi32>], vector<16xi32>, vector<16xi1>
    %get3A_1045 = arith.constant 736 : index
    %get3A_1046 = tpu.vector_load %arg16[%get3A_1045] {strides = array<i32>} : memref<1536xi32, #tpu.memory_space<vmem>>, vector<16xi32>,
    %broadcast_in_dim3A_1047 = arith.constant true
    %broadcast_in_dim3A_1048 = vector.broadcast %broadcast_in_dim3A_1047 : i1 to vector<16xi1>
    %unique3A_1049, %unique3A_1050 = tpu.scan_count mask(%broadcast_in_dim3A_1048 : vector<16xi1>) value(%get3A_1046 : vector<16xi32>) : vector<16xi1>, vector<16xi32>
    %add3A_1051 = arith.constant 736 : i32
    %add3A_1052 = vector.broadcast %add3A_1051 : i32 to vector<16xi32>
    %add3A_1053 = arith.addi %iota3A, %add3A_1052 : vector<16xi32>
    tpu.vector_store_idx %arg17[%get3A_1046], %add3A_1053 masked %unique3A_1049 : memref<10240xi32, #tpu.memory_space<vmem>>[vector<16xi32>], vector<16xi32>, vector<16xi1>
    %get3A_1054 = arith.constant 752 : index
    %get3A_1055 = tpu.vector_load %arg16[%get3A_1054] {strides = array<i32>} : memref<1536xi32, #tpu.memory_space<vmem>>, vector<16xi32>,
    %broadcast_in_dim3A_1056 = arith.constant true
    %broadcast_in_dim3A_1057 = vector.broadcast %broadcast_in_dim3A_1056 : i1 to vector<16xi1>
    %unique3A_1058, %unique3A_1059 = tpu.scan_count mask(%broadcast_in_dim3A_1057 : vector<16xi1>) value(%get3A_1055 : vector<16xi32>) : vector<16xi1>, vector<16xi32>
    %add3A_1060 = arith.constant 752 : i32
    %add3A_1061 = vector.broadcast %add3A_1060 : i32 to vector<16xi32>
    %add3A_1062 = arith.addi %iota3A, %add3A_1061 : vector<16xi32>
    tpu.vector_store_idx %arg17[%get3A_1055], %add3A_1062 masked %unique3A_1058 : memref<10240xi32, #tpu.memory_space<vmem>>[vector<16xi32>], vector<16xi32>, vector<16xi1>
    %get3A_1063 = arith.constant 768 : index
    %get3A_1064 = tpu.vector_load %arg16[%get3A_1063] {strides = array<i32>} : memref<1536xi32, #tpu.memory_space<vmem>>, vector<16xi32>,
    %broadcast_in_dim3A_1065 = arith.constant true
    %broadcast_in_dim3A_1066 = vector.broadcast %broadcast_in_dim3A_1065 : i1 to vector<16xi1>
    %unique3A_1067, %unique3A_1068 = tpu.scan_count mask(%broadcast_in_dim3A_1066 : vector<16xi1>) value(%get3A_1064 : vector<16xi32>) : vector<16xi1>, vector<16xi32>
    %add3A_1069 = arith.constant 768 : i32
    %add3A_1070 = vector.broadcast %add3A_1069 : i32 to vector<16xi32>
    %add3A_1071 = arith.addi %iota3A, %add3A_1070 : vector<16xi32>
    tpu.vector_store_idx %arg17[%get3A_1064], %add3A_1071 masked %unique3A_1067 : memref<10240xi32, #tpu.memory_space<vmem>>[vector<16xi32>], vector<16xi32>, vector<16xi1>
    %get3A_1072 = arith.constant 784 : index
    %get3A_1073 = tpu.vector_load %arg16[%get3A_1072] {strides = array<i32>} : memref<1536xi32, #tpu.memory_space<vmem>>, vector<16xi32>,
    %broadcast_in_dim3A_1074 = arith.constant true
    %broadcast_in_dim3A_1075 = vector.broadcast %broadcast_in_dim3A_1074 : i1 to vector<16xi1>
    %unique3A_1076, %unique3A_1077 = tpu.scan_count mask(%broadcast_in_dim3A_1075 : vector<16xi1>) value(%get3A_1073 : vector<16xi32>) : vector<16xi1>, vector<16xi32>
    %add3A_1078 = arith.constant 784 : i32
    %add3A_1079 = vector.broadcast %add3A_1078 : i32 to vector<16xi32>
    %add3A_1080 = arith.addi %iota3A, %add3A_1079 : vector<16xi32>
    tpu.vector_store_idx %arg17[%get3A_1073], %add3A_1080 masked %unique3A_1076 : memref<10240xi32, #tpu.memory_space<vmem>>[vector<16xi32>], vector<16xi32>, vector<16xi1>
    %get3A_1081 = arith.constant 800 : index
    %get3A_1082 = tpu.vector_load %arg16[%get3A_1081] {strides = array<i32>} : memref<1536xi32, #tpu.memory_space<vmem>>, vector<16xi32>,
    %broadcast_in_dim3A_1083 = arith.constant true
    %broadcast_in_dim3A_1084 = vector.broadcast %broadcast_in_dim3A_1083 : i1 to vector<16xi1>
    %unique3A_1085, %unique3A_1086 = tpu.scan_count mask(%broadcast_in_dim3A_1084 : vector<16xi1>) value(%get3A_1082 : vector<16xi32>) : vector<16xi1>, vector<16xi32>
    %add3A_1087 = arith.constant 800 : i32
    %add3A_1088 = vector.broadcast %add3A_1087 : i32 to vector<16xi32>
    %add3A_1089 = arith.addi %iota3A, %add3A_1088 : vector<16xi32>
    tpu.vector_store_idx %arg17[%get3A_1082], %add3A_1089 masked %unique3A_1085 : memref<10240xi32, #tpu.memory_space<vmem>>[vector<16xi32>], vector<16xi32>, vector<16xi1>
    %get3A_1090 = arith.constant 816 : index
    %get3A_1091 = tpu.vector_load %arg16[%get3A_1090] {strides = array<i32>} : memref<1536xi32, #tpu.memory_space<vmem>>, vector<16xi32>,
    %broadcast_in_dim3A_1092 = arith.constant true
    %broadcast_in_dim3A_1093 = vector.broadcast %broadcast_in_dim3A_1092 : i1 to vector<16xi1>
    %unique3A_1094, %unique3A_1095 = tpu.scan_count mask(%broadcast_in_dim3A_1093 : vector<16xi1>) value(%get3A_1091 : vector<16xi32>) : vector<16xi1>, vector<16xi32>
    %add3A_1096 = arith.constant 816 : i32
    %add3A_1097 = vector.broadcast %add3A_1096 : i32 to vector<16xi32>
    %add3A_1098 = arith.addi %iota3A, %add3A_1097 : vector<16xi32>
    tpu.vector_store_idx %arg17[%get3A_1091], %add3A_1098 masked %unique3A_1094 : memref<10240xi32, #tpu.memory_space<vmem>>[vector<16xi32>], vector<16xi32>, vector<16xi1>
    %get3A_1099 = arith.constant 832 : index
    %get3A_1100 = tpu.vector_load %arg16[%get3A_1099] {strides = array<i32>} : memref<1536xi32, #tpu.memory_space<vmem>>, vector<16xi32>,
    %broadcast_in_dim3A_1101 = arith.constant true
    %broadcast_in_dim3A_1102 = vector.broadcast %broadcast_in_dim3A_1101 : i1 to vector<16xi1>
    %unique3A_1103, %unique3A_1104 = tpu.scan_count mask(%broadcast_in_dim3A_1102 : vector<16xi1>) value(%get3A_1100 : vector<16xi32>) : vector<16xi1>, vector<16xi32>
    %add3A_1105 = arith.constant 832 : i32
    %add3A_1106 = vector.broadcast %add3A_1105 : i32 to vector<16xi32>
    %add3A_1107 = arith.addi %iota3A, %add3A_1106 : vector<16xi32>
    tpu.vector_store_idx %arg17[%get3A_1100], %add3A_1107 masked %unique3A_1103 : memref<10240xi32, #tpu.memory_space<vmem>>[vector<16xi32>], vector<16xi32>, vector<16xi1>
    %get3A_1108 = arith.constant 848 : index
    %get3A_1109 = tpu.vector_load %arg16[%get3A_1108] {strides = array<i32>} : memref<1536xi32, #tpu.memory_space<vmem>>, vector<16xi32>,
    %broadcast_in_dim3A_1110 = arith.constant true
    %broadcast_in_dim3A_1111 = vector.broadcast %broadcast_in_dim3A_1110 : i1 to vector<16xi1>
    %unique3A_1112, %unique3A_1113 = tpu.scan_count mask(%broadcast_in_dim3A_1111 : vector<16xi1>) value(%get3A_1109 : vector<16xi32>) : vector<16xi1>, vector<16xi32>
    %add3A_1114 = arith.constant 848 : i32
    %add3A_1115 = vector.broadcast %add3A_1114 : i32 to vector<16xi32>
    %add3A_1116 = arith.addi %iota3A, %add3A_1115 : vector<16xi32>
    tpu.vector_store_idx %arg17[%get3A_1109], %add3A_1116 masked %unique3A_1112 : memref<10240xi32, #tpu.memory_space<vmem>>[vector<16xi32>], vector<16xi32>, vector<16xi1>
    %get3A_1117 = arith.constant 864 : index
    %get3A_1118 = tpu.vector_load %arg16[%get3A_1117] {strides = array<i32>} : memref<1536xi32, #tpu.memory_space<vmem>>, vector<16xi32>,
    %broadcast_in_dim3A_1119 = arith.constant true
    %broadcast_in_dim3A_1120 = vector.broadcast %broadcast_in_dim3A_1119 : i1 to vector<16xi1>
    %unique3A_1121, %unique3A_1122 = tpu.scan_count mask(%broadcast_in_dim3A_1120 : vector<16xi1>) value(%get3A_1118 : vector<16xi32>) : vector<16xi1>, vector<16xi32>
    %add3A_1123 = arith.constant 864 : i32
    %add3A_1124 = vector.broadcast %add3A_1123 : i32 to vector<16xi32>
    %add3A_1125 = arith.addi %iota3A, %add3A_1124 : vector<16xi32>
    tpu.vector_store_idx %arg17[%get3A_1118], %add3A_1125 masked %unique3A_1121 : memref<10240xi32, #tpu.memory_space<vmem>>[vector<16xi32>], vector<16xi32>, vector<16xi1>
    %get3A_1126 = arith.constant 880 : index
    %get3A_1127 = tpu.vector_load %arg16[%get3A_1126] {strides = array<i32>} : memref<1536xi32, #tpu.memory_space<vmem>>, vector<16xi32>,
    %broadcast_in_dim3A_1128 = arith.constant true
    %broadcast_in_dim3A_1129 = vector.broadcast %broadcast_in_dim3A_1128 : i1 to vector<16xi1>
    %unique3A_1130, %unique3A_1131 = tpu.scan_count mask(%broadcast_in_dim3A_1129 : vector<16xi1>) value(%get3A_1127 : vector<16xi32>) : vector<16xi1>, vector<16xi32>
    %add3A_1132 = arith.constant 880 : i32
    %add3A_1133 = vector.broadcast %add3A_1132 : i32 to vector<16xi32>
    %add3A_1134 = arith.addi %iota3A, %add3A_1133 : vector<16xi32>
    tpu.vector_store_idx %arg17[%get3A_1127], %add3A_1134 masked %unique3A_1130 : memref<10240xi32, #tpu.memory_space<vmem>>[vector<16xi32>], vector<16xi32>, vector<16xi1>
    %get3A_1135 = arith.constant 896 : index
    %get3A_1136 = tpu.vector_load %arg16[%get3A_1135] {strides = array<i32>} : memref<1536xi32, #tpu.memory_space<vmem>>, vector<16xi32>,
    %broadcast_in_dim3A_1137 = arith.constant true
    %broadcast_in_dim3A_1138 = vector.broadcast %broadcast_in_dim3A_1137 : i1 to vector<16xi1>
    %unique3A_1139, %unique3A_1140 = tpu.scan_count mask(%broadcast_in_dim3A_1138 : vector<16xi1>) value(%get3A_1136 : vector<16xi32>) : vector<16xi1>, vector<16xi32>
    %add3A_1141 = arith.constant 896 : i32
    %add3A_1142 = vector.broadcast %add3A_1141 : i32 to vector<16xi32>
    %add3A_1143 = arith.addi %iota3A, %add3A_1142 : vector<16xi32>
    tpu.vector_store_idx %arg17[%get3A_1136], %add3A_1143 masked %unique3A_1139 : memref<10240xi32, #tpu.memory_space<vmem>>[vector<16xi32>], vector<16xi32>, vector<16xi1>
    %get3A_1144 = arith.constant 912 : index
    %get3A_1145 = tpu.vector_load %arg16[%get3A_1144] {strides = array<i32>} : memref<1536xi32, #tpu.memory_space<vmem>>, vector<16xi32>,
    %broadcast_in_dim3A_1146 = arith.constant true
    %broadcast_in_dim3A_1147 = vector.broadcast %broadcast_in_dim3A_1146 : i1 to vector<16xi1>
    %unique3A_1148, %unique3A_1149 = tpu.scan_count mask(%broadcast_in_dim3A_1147 : vector<16xi1>) value(%get3A_1145 : vector<16xi32>) : vector<16xi1>, vector<16xi32>
    %add3A_1150 = arith.constant 912 : i32
    %add3A_1151 = vector.broadcast %add3A_1150 : i32 to vector<16xi32>
    %add3A_1152 = arith.addi %iota3A, %add3A_1151 : vector<16xi32>
    tpu.vector_store_idx %arg17[%get3A_1145], %add3A_1152 masked %unique3A_1148 : memref<10240xi32, #tpu.memory_space<vmem>>[vector<16xi32>], vector<16xi32>, vector<16xi1>
    %get3A_1153 = arith.constant 928 : index
    %get3A_1154 = tpu.vector_load %arg16[%get3A_1153] {strides = array<i32>} : memref<1536xi32, #tpu.memory_space<vmem>>, vector<16xi32>,
    %broadcast_in_dim3A_1155 = arith.constant true
    %broadcast_in_dim3A_1156 = vector.broadcast %broadcast_in_dim3A_1155 : i1 to vector<16xi1>
    %unique3A_1157, %unique3A_1158 = tpu.scan_count mask(%broadcast_in_dim3A_1156 : vector<16xi1>) value(%get3A_1154 : vector<16xi32>) : vector<16xi1>, vector<16xi32>
    %add3A_1159 = arith.constant 928 : i32
    %add3A_1160 = vector.broadcast %add3A_1159 : i32 to vector<16xi32>
    %add3A_1161 = arith.addi %iota3A, %add3A_1160 : vector<16xi32>
    tpu.vector_store_idx %arg17[%get3A_1154], %add3A_1161 masked %unique3A_1157 : memref<10240xi32, #tpu.memory_space<vmem>>[vector<16xi32>], vector<16xi32>, vector<16xi1>
    %get3A_1162 = arith.constant 944 : index
    %get3A_1163 = tpu.vector_load %arg16[%get3A_1162] {strides = array<i32>} : memref<1536xi32, #tpu.memory_space<vmem>>, vector<16xi32>,
    %broadcast_in_dim3A_1164 = arith.constant true
    %broadcast_in_dim3A_1165 = vector.broadcast %broadcast_in_dim3A_1164 : i1 to vector<16xi1>
    %unique3A_1166, %unique3A_1167 = tpu.scan_count mask(%broadcast_in_dim3A_1165 : vector<16xi1>) value(%get3A_1163 : vector<16xi32>) : vector<16xi1>, vector<16xi32>
    %add3A_1168 = arith.constant 944 : i32
    %add3A_1169 = vector.broadcast %add3A_1168 : i32 to vector<16xi32>
    %add3A_1170 = arith.addi %iota3A, %add3A_1169 : vector<16xi32>
    tpu.vector_store_idx %arg17[%get3A_1163], %add3A_1170 masked %unique3A_1166 : memref<10240xi32, #tpu.memory_space<vmem>>[vector<16xi32>], vector<16xi32>, vector<16xi1>
    %get3A_1171 = arith.constant 960 : index
    %get3A_1172 = tpu.vector_load %arg16[%get3A_1171] {strides = array<i32>} : memref<1536xi32, #tpu.memory_space<vmem>>, vector<16xi32>,
    %broadcast_in_dim3A_1173 = arith.constant true
    %broadcast_in_dim3A_1174 = vector.broadcast %broadcast_in_dim3A_1173 : i1 to vector<16xi1>
    %unique3A_1175, %unique3A_1176 = tpu.scan_count mask(%broadcast_in_dim3A_1174 : vector<16xi1>) value(%get3A_1172 : vector<16xi32>) : vector<16xi1>, vector<16xi32>
    %add3A_1177 = arith.constant 960 : i32
    %add3A_1178 = vector.broadcast %add3A_1177 : i32 to vector<16xi32>
    %add3A_1179 = arith.addi %iota3A, %add3A_1178 : vector<16xi32>
    tpu.vector_store_idx %arg17[%get3A_1172], %add3A_1179 masked %unique3A_1175 : memref<10240xi32, #tpu.memory_space<vmem>>[vector<16xi32>], vector<16xi32>, vector<16xi1>
    %get3A_1180 = arith.constant 976 : index
    %get3A_1181 = tpu.vector_load %arg16[%get3A_1180] {strides = array<i32>} : memref<1536xi32, #tpu.memory_space<vmem>>, vector<16xi32>,
    %broadcast_in_dim3A_1182 = arith.constant true
    %broadcast_in_dim3A_1183 = vector.broadcast %broadcast_in_dim3A_1182 : i1 to vector<16xi1>
    %unique3A_1184, %unique3A_1185 = tpu.scan_count mask(%broadcast_in_dim3A_1183 : vector<16xi1>) value(%get3A_1181 : vector<16xi32>) : vector<16xi1>, vector<16xi32>
    %add3A_1186 = arith.constant 976 : i32
    %add3A_1187 = vector.broadcast %add3A_1186 : i32 to vector<16xi32>
    %add3A_1188 = arith.addi %iota3A, %add3A_1187 : vector<16xi32>
    tpu.vector_store_idx %arg17[%get3A_1181], %add3A_1188 masked %unique3A_1184 : memref<10240xi32, #tpu.memory_space<vmem>>[vector<16xi32>], vector<16xi32>, vector<16xi1>
    %get3A_1189 = arith.constant 992 : index
    %get3A_1190 = tpu.vector_load %arg16[%get3A_1189] {strides = array<i32>} : memref<1536xi32, #tpu.memory_space<vmem>>, vector<16xi32>,
    %broadcast_in_dim3A_1191 = arith.constant true
    %broadcast_in_dim3A_1192 = vector.broadcast %broadcast_in_dim3A_1191 : i1 to vector<16xi1>
    %unique3A_1193, %unique3A_1194 = tpu.scan_count mask(%broadcast_in_dim3A_1192 : vector<16xi1>) value(%get3A_1190 : vector<16xi32>) : vector<16xi1>, vector<16xi32>
    %add3A_1195 = arith.constant 992 : i32
    %add3A_1196 = vector.broadcast %add3A_1195 : i32 to vector<16xi32>
    %add3A_1197 = arith.addi %iota3A, %add3A_1196 : vector<16xi32>
    tpu.vector_store_idx %arg17[%get3A_1190], %add3A_1197 masked %unique3A_1193 : memref<10240xi32, #tpu.memory_space<vmem>>[vector<16xi32>], vector<16xi32>, vector<16xi1>
    %get3A_1198 = arith.constant 1008 : index
    %get3A_1199 = tpu.vector_load %arg16[%get3A_1198] {strides = array<i32>} : memref<1536xi32, #tpu.memory_space<vmem>>, vector<16xi32>,
    %broadcast_in_dim3A_1200 = arith.constant true
    %broadcast_in_dim3A_1201 = vector.broadcast %broadcast_in_dim3A_1200 : i1 to vector<16xi1>
    %unique3A_1202, %unique3A_1203 = tpu.scan_count mask(%broadcast_in_dim3A_1201 : vector<16xi1>) value(%get3A_1199 : vector<16xi32>) : vector<16xi1>, vector<16xi32>
    %add3A_1204 = arith.constant 1008 : i32
    %add3A_1205 = vector.broadcast %add3A_1204 : i32 to vector<16xi32>
    %add3A_1206 = arith.addi %iota3A, %add3A_1205 : vector<16xi32>
    tpu.vector_store_idx %arg17[%get3A_1199], %add3A_1206 masked %unique3A_1202 : memref<10240xi32, #tpu.memory_space<vmem>>[vector<16xi32>], vector<16xi32>, vector<16xi1>
    %get3A_1207 = arith.constant 1024 : index
    %get3A_1208 = tpu.vector_load %arg16[%get3A_1207] {strides = array<i32>} : memref<1536xi32, #tpu.memory_space<vmem>>, vector<16xi32>,
    %broadcast_in_dim3A_1209 = arith.constant true
    %broadcast_in_dim3A_1210 = vector.broadcast %broadcast_in_dim3A_1209 : i1 to vector<16xi1>
    %unique3A_1211, %unique3A_1212 = tpu.scan_count mask(%broadcast_in_dim3A_1210 : vector<16xi1>) value(%get3A_1208 : vector<16xi32>) : vector<16xi1>, vector<16xi32>
    %add3A_1213 = arith.constant 1024 : i32
    %add3A_1214 = vector.broadcast %add3A_1213 : i32 to vector<16xi32>
    %add3A_1215 = arith.addi %iota3A, %add3A_1214 : vector<16xi32>
    tpu.vector_store_idx %arg17[%get3A_1208], %add3A_1215 masked %unique3A_1211 : memref<10240xi32, #tpu.memory_space<vmem>>[vector<16xi32>], vector<16xi32>, vector<16xi1>
    %get3A_1216 = arith.constant 1040 : index
    %get3A_1217 = tpu.vector_load %arg16[%get3A_1216] {strides = array<i32>} : memref<1536xi32, #tpu.memory_space<vmem>>, vector<16xi32>,
    %broadcast_in_dim3A_1218 = arith.constant true
    %broadcast_in_dim3A_1219 = vector.broadcast %broadcast_in_dim3A_1218 : i1 to vector<16xi1>
    %unique3A_1220, %unique3A_1221 = tpu.scan_count mask(%broadcast_in_dim3A_1219 : vector<16xi1>) value(%get3A_1217 : vector<16xi32>) : vector<16xi1>, vector<16xi32>
    %add3A_1222 = arith.constant 1040 : i32
    %add3A_1223 = vector.broadcast %add3A_1222 : i32 to vector<16xi32>
    %add3A_1224 = arith.addi %iota3A, %add3A_1223 : vector<16xi32>
    tpu.vector_store_idx %arg17[%get3A_1217], %add3A_1224 masked %unique3A_1220 : memref<10240xi32, #tpu.memory_space<vmem>>[vector<16xi32>], vector<16xi32>, vector<16xi1>
    %get3A_1225 = arith.constant 1056 : index
    %get3A_1226 = tpu.vector_load %arg16[%get3A_1225] {strides = array<i32>} : memref<1536xi32, #tpu.memory_space<vmem>>, vector<16xi32>,
    %broadcast_in_dim3A_1227 = arith.constant true
    %broadcast_in_dim3A_1228 = vector.broadcast %broadcast_in_dim3A_1227 : i1 to vector<16xi1>
    %unique3A_1229, %unique3A_1230 = tpu.scan_count mask(%broadcast_in_dim3A_1228 : vector<16xi1>) value(%get3A_1226 : vector<16xi32>) : vector<16xi1>, vector<16xi32>
    %add3A_1231 = arith.constant 1056 : i32
    %add3A_1232 = vector.broadcast %add3A_1231 : i32 to vector<16xi32>
    %add3A_1233 = arith.addi %iota3A, %add3A_1232 : vector<16xi32>
    tpu.vector_store_idx %arg17[%get3A_1226], %add3A_1233 masked %unique3A_1229 : memref<10240xi32, #tpu.memory_space<vmem>>[vector<16xi32>], vector<16xi32>, vector<16xi1>
    %get3A_1234 = arith.constant 1072 : index
    %get3A_1235 = tpu.vector_load %arg16[%get3A_1234] {strides = array<i32>} : memref<1536xi32, #tpu.memory_space<vmem>>, vector<16xi32>,
    %broadcast_in_dim3A_1236 = arith.constant true
    %broadcast_in_dim3A_1237 = vector.broadcast %broadcast_in_dim3A_1236 : i1 to vector<16xi1>
    %unique3A_1238, %unique3A_1239 = tpu.scan_count mask(%broadcast_in_dim3A_1237 : vector<16xi1>) value(%get3A_1235 : vector<16xi32>) : vector<16xi1>, vector<16xi32>
    %add3A_1240 = arith.constant 1072 : i32
    %add3A_1241 = vector.broadcast %add3A_1240 : i32 to vector<16xi32>
    %add3A_1242 = arith.addi %iota3A, %add3A_1241 : vector<16xi32>
    tpu.vector_store_idx %arg17[%get3A_1235], %add3A_1242 masked %unique3A_1238 : memref<10240xi32, #tpu.memory_space<vmem>>[vector<16xi32>], vector<16xi32>, vector<16xi1>
    %get3A_1243 = arith.constant 1088 : index
    %get3A_1244 = tpu.vector_load %arg16[%get3A_1243] {strides = array<i32>} : memref<1536xi32, #tpu.memory_space<vmem>>, vector<16xi32>,
    %broadcast_in_dim3A_1245 = arith.constant true
    %broadcast_in_dim3A_1246 = vector.broadcast %broadcast_in_dim3A_1245 : i1 to vector<16xi1>
    %unique3A_1247, %unique3A_1248 = tpu.scan_count mask(%broadcast_in_dim3A_1246 : vector<16xi1>) value(%get3A_1244 : vector<16xi32>) : vector<16xi1>, vector<16xi32>
    %add3A_1249 = arith.constant 1088 : i32
    %add3A_1250 = vector.broadcast %add3A_1249 : i32 to vector<16xi32>
    %add3A_1251 = arith.addi %iota3A, %add3A_1250 : vector<16xi32>
    tpu.vector_store_idx %arg17[%get3A_1244], %add3A_1251 masked %unique3A_1247 : memref<10240xi32, #tpu.memory_space<vmem>>[vector<16xi32>], vector<16xi32>, vector<16xi1>
    %get3A_1252 = arith.constant 1104 : index
    %get3A_1253 = tpu.vector_load %arg16[%get3A_1252] {strides = array<i32>} : memref<1536xi32, #tpu.memory_space<vmem>>, vector<16xi32>,
    %broadcast_in_dim3A_1254 = arith.constant true
    %broadcast_in_dim3A_1255 = vector.broadcast %broadcast_in_dim3A_1254 : i1 to vector<16xi1>
    %unique3A_1256, %unique3A_1257 = tpu.scan_count mask(%broadcast_in_dim3A_1255 : vector<16xi1>) value(%get3A_1253 : vector<16xi32>) : vector<16xi1>, vector<16xi32>
    %add3A_1258 = arith.constant 1104 : i32
    %add3A_1259 = vector.broadcast %add3A_1258 : i32 to vector<16xi32>
    %add3A_1260 = arith.addi %iota3A, %add3A_1259 : vector<16xi32>
    tpu.vector_store_idx %arg17[%get3A_1253], %add3A_1260 masked %unique3A_1256 : memref<10240xi32, #tpu.memory_space<vmem>>[vector<16xi32>], vector<16xi32>, vector<16xi1>
    %get3A_1261 = arith.constant 1120 : index
    %get3A_1262 = tpu.vector_load %arg16[%get3A_1261] {strides = array<i32>} : memref<1536xi32, #tpu.memory_space<vmem>>, vector<16xi32>,
    %broadcast_in_dim3A_1263 = arith.constant true
    %broadcast_in_dim3A_1264 = vector.broadcast %broadcast_in_dim3A_1263 : i1 to vector<16xi1>
    %unique3A_1265, %unique3A_1266 = tpu.scan_count mask(%broadcast_in_dim3A_1264 : vector<16xi1>) value(%get3A_1262 : vector<16xi32>) : vector<16xi1>, vector<16xi32>
    %add3A_1267 = arith.constant 1120 : i32
    %add3A_1268 = vector.broadcast %add3A_1267 : i32 to vector<16xi32>
    %add3A_1269 = arith.addi %iota3A, %add3A_1268 : vector<16xi32>
    tpu.vector_store_idx %arg17[%get3A_1262], %add3A_1269 masked %unique3A_1265 : memref<10240xi32, #tpu.memory_space<vmem>>[vector<16xi32>], vector<16xi32>, vector<16xi1>
    %get3A_1270 = arith.constant 1136 : index
    %get3A_1271 = tpu.vector_load %arg16[%get3A_1270] {strides = array<i32>} : memref<1536xi32, #tpu.memory_space<vmem>>, vector<16xi32>,
    %broadcast_in_dim3A_1272 = arith.constant true
    %broadcast_in_dim3A_1273 = vector.broadcast %broadcast_in_dim3A_1272 : i1 to vector<16xi1>
    %unique3A_1274, %unique3A_1275 = tpu.scan_count mask(%broadcast_in_dim3A_1273 : vector<16xi1>) value(%get3A_1271 : vector<16xi32>) : vector<16xi1>, vector<16xi32>
    %add3A_1276 = arith.constant 1136 : i32
    %add3A_1277 = vector.broadcast %add3A_1276 : i32 to vector<16xi32>
    %add3A_1278 = arith.addi %iota3A, %add3A_1277 : vector<16xi32>
    tpu.vector_store_idx %arg17[%get3A_1271], %add3A_1278 masked %unique3A_1274 : memref<10240xi32, #tpu.memory_space<vmem>>[vector<16xi32>], vector<16xi32>, vector<16xi1>
    %get3A_1279 = arith.constant 1152 : index
    %get3A_1280 = tpu.vector_load %arg16[%get3A_1279] {strides = array<i32>} : memref<1536xi32, #tpu.memory_space<vmem>>, vector<16xi32>,
    %broadcast_in_dim3A_1281 = arith.constant true
    %broadcast_in_dim3A_1282 = vector.broadcast %broadcast_in_dim3A_1281 : i1 to vector<16xi1>
    %unique3A_1283, %unique3A_1284 = tpu.scan_count mask(%broadcast_in_dim3A_1282 : vector<16xi1>) value(%get3A_1280 : vector<16xi32>) : vector<16xi1>, vector<16xi32>
    %add3A_1285 = arith.constant 1152 : i32
    %add3A_1286 = vector.broadcast %add3A_1285 : i32 to vector<16xi32>
    %add3A_1287 = arith.addi %iota3A, %add3A_1286 : vector<16xi32>
    tpu.vector_store_idx %arg17[%get3A_1280], %add3A_1287 masked %unique3A_1283 : memref<10240xi32, #tpu.memory_space<vmem>>[vector<16xi32>], vector<16xi32>, vector<16xi1>
    %get3A_1288 = arith.constant 1168 : index
    %get3A_1289 = tpu.vector_load %arg16[%get3A_1288] {strides = array<i32>} : memref<1536xi32, #tpu.memory_space<vmem>>, vector<16xi32>,
    %broadcast_in_dim3A_1290 = arith.constant true
    %broadcast_in_dim3A_1291 = vector.broadcast %broadcast_in_dim3A_1290 : i1 to vector<16xi1>
    %unique3A_1292, %unique3A_1293 = tpu.scan_count mask(%broadcast_in_dim3A_1291 : vector<16xi1>) value(%get3A_1289 : vector<16xi32>) : vector<16xi1>, vector<16xi32>
    %add3A_1294 = arith.constant 1168 : i32
    %add3A_1295 = vector.broadcast %add3A_1294 : i32 to vector<16xi32>
    %add3A_1296 = arith.addi %iota3A, %add3A_1295 : vector<16xi32>
    tpu.vector_store_idx %arg17[%get3A_1289], %add3A_1296 masked %unique3A_1292 : memref<10240xi32, #tpu.memory_space<vmem>>[vector<16xi32>], vector<16xi32>, vector<16xi1>
    %get3A_1297 = arith.constant 1184 : index
    %get3A_1298 = tpu.vector_load %arg16[%get3A_1297] {strides = array<i32>} : memref<1536xi32, #tpu.memory_space<vmem>>, vector<16xi32>,
    %broadcast_in_dim3A_1299 = arith.constant true
    %broadcast_in_dim3A_1300 = vector.broadcast %broadcast_in_dim3A_1299 : i1 to vector<16xi1>
    %unique3A_1301, %unique3A_1302 = tpu.scan_count mask(%broadcast_in_dim3A_1300 : vector<16xi1>) value(%get3A_1298 : vector<16xi32>) : vector<16xi1>, vector<16xi32>
    %add3A_1303 = arith.constant 1184 : i32
    %add3A_1304 = vector.broadcast %add3A_1303 : i32 to vector<16xi32>
    %add3A_1305 = arith.addi %iota3A, %add3A_1304 : vector<16xi32>
    tpu.vector_store_idx %arg17[%get3A_1298], %add3A_1305 masked %unique3A_1301 : memref<10240xi32, #tpu.memory_space<vmem>>[vector<16xi32>], vector<16xi32>, vector<16xi1>
    %get3A_1306 = arith.constant 1200 : index
    %get3A_1307 = tpu.vector_load %arg16[%get3A_1306] {strides = array<i32>} : memref<1536xi32, #tpu.memory_space<vmem>>, vector<16xi32>,
    %broadcast_in_dim3A_1308 = arith.constant true
    %broadcast_in_dim3A_1309 = vector.broadcast %broadcast_in_dim3A_1308 : i1 to vector<16xi1>
    %unique3A_1310, %unique3A_1311 = tpu.scan_count mask(%broadcast_in_dim3A_1309 : vector<16xi1>) value(%get3A_1307 : vector<16xi32>) : vector<16xi1>, vector<16xi32>
    %add3A_1312 = arith.constant 1200 : i32
    %add3A_1313 = vector.broadcast %add3A_1312 : i32 to vector<16xi32>
    %add3A_1314 = arith.addi %iota3A, %add3A_1313 : vector<16xi32>
    tpu.vector_store_idx %arg17[%get3A_1307], %add3A_1314 masked %unique3A_1310 : memref<10240xi32, #tpu.memory_space<vmem>>[vector<16xi32>], vector<16xi32>, vector<16xi1>
    %get3A_1315 = arith.constant 1216 : index
    %get3A_1316 = tpu.vector_load %arg16[%get3A_1315] {strides = array<i32>} : memref<1536xi32, #tpu.memory_space<vmem>>, vector<16xi32>,
    %broadcast_in_dim3A_1317 = arith.constant true
    %broadcast_in_dim3A_1318 = vector.broadcast %broadcast_in_dim3A_1317 : i1 to vector<16xi1>
    %unique3A_1319, %unique3A_1320 = tpu.scan_count mask(%broadcast_in_dim3A_1318 : vector<16xi1>) value(%get3A_1316 : vector<16xi32>) : vector<16xi1>, vector<16xi32>
    %add3A_1321 = arith.constant 1216 : i32
    %add3A_1322 = vector.broadcast %add3A_1321 : i32 to vector<16xi32>
    %add3A_1323 = arith.addi %iota3A, %add3A_1322 : vector<16xi32>
    tpu.vector_store_idx %arg17[%get3A_1316], %add3A_1323 masked %unique3A_1319 : memref<10240xi32, #tpu.memory_space<vmem>>[vector<16xi32>], vector<16xi32>, vector<16xi1>
    %get3A_1324 = arith.constant 1232 : index
    %get3A_1325 = tpu.vector_load %arg16[%get3A_1324] {strides = array<i32>} : memref<1536xi32, #tpu.memory_space<vmem>>, vector<16xi32>,
    %broadcast_in_dim3A_1326 = arith.constant true
    %broadcast_in_dim3A_1327 = vector.broadcast %broadcast_in_dim3A_1326 : i1 to vector<16xi1>
    %unique3A_1328, %unique3A_1329 = tpu.scan_count mask(%broadcast_in_dim3A_1327 : vector<16xi1>) value(%get3A_1325 : vector<16xi32>) : vector<16xi1>, vector<16xi32>
    %add3A_1330 = arith.constant 1232 : i32
    %add3A_1331 = vector.broadcast %add3A_1330 : i32 to vector<16xi32>
    %add3A_1332 = arith.addi %iota3A, %add3A_1331 : vector<16xi32>
    tpu.vector_store_idx %arg17[%get3A_1325], %add3A_1332 masked %unique3A_1328 : memref<10240xi32, #tpu.memory_space<vmem>>[vector<16xi32>], vector<16xi32>, vector<16xi1>
    %get3A_1333 = arith.constant 1248 : index
    %get3A_1334 = tpu.vector_load %arg16[%get3A_1333] {strides = array<i32>} : memref<1536xi32, #tpu.memory_space<vmem>>, vector<16xi32>,
    %broadcast_in_dim3A_1335 = arith.constant true
    %broadcast_in_dim3A_1336 = vector.broadcast %broadcast_in_dim3A_1335 : i1 to vector<16xi1>
    %unique3A_1337, %unique3A_1338 = tpu.scan_count mask(%broadcast_in_dim3A_1336 : vector<16xi1>) value(%get3A_1334 : vector<16xi32>) : vector<16xi1>, vector<16xi32>
    %add3A_1339 = arith.constant 1248 : i32
    %add3A_1340 = vector.broadcast %add3A_1339 : i32 to vector<16xi32>
    %add3A_1341 = arith.addi %iota3A, %add3A_1340 : vector<16xi32>
    tpu.vector_store_idx %arg17[%get3A_1334], %add3A_1341 masked %unique3A_1337 : memref<10240xi32, #tpu.memory_space<vmem>>[vector<16xi32>], vector<16xi32>, vector<16xi1>
    %get3A_1342 = arith.constant 1264 : index
    %get3A_1343 = tpu.vector_load %arg16[%get3A_1342] {strides = array<i32>} : memref<1536xi32, #tpu.memory_space<vmem>>, vector<16xi32>,
    %broadcast_in_dim3A_1344 = arith.constant true
    %broadcast_in_dim3A_1345 = vector.broadcast %broadcast_in_dim3A_1344 : i1 to vector<16xi1>
    %unique3A_1346, %unique3A_1347 = tpu.scan_count mask(%broadcast_in_dim3A_1345 : vector<16xi1>) value(%get3A_1343 : vector<16xi32>) : vector<16xi1>, vector<16xi32>
    %add3A_1348 = arith.constant 1264 : i32
    %add3A_1349 = vector.broadcast %add3A_1348 : i32 to vector<16xi32>
    %add3A_1350 = arith.addi %iota3A, %add3A_1349 : vector<16xi32>
    tpu.vector_store_idx %arg17[%get3A_1343], %add3A_1350 masked %unique3A_1346 : memref<10240xi32, #tpu.memory_space<vmem>>[vector<16xi32>], vector<16xi32>, vector<16xi1>
    %get3A_1351 = arith.constant 1280 : index
    %get3A_1352 = tpu.vector_load %arg16[%get3A_1351] {strides = array<i32>} : memref<1536xi32, #tpu.memory_space<vmem>>, vector<16xi32>,
    %broadcast_in_dim3A_1353 = arith.constant true
    %broadcast_in_dim3A_1354 = vector.broadcast %broadcast_in_dim3A_1353 : i1 to vector<16xi1>
    %unique3A_1355, %unique3A_1356 = tpu.scan_count mask(%broadcast_in_dim3A_1354 : vector<16xi1>) value(%get3A_1352 : vector<16xi32>) : vector<16xi1>, vector<16xi32>
    %add3A_1357 = arith.constant 1280 : i32
    %add3A_1358 = vector.broadcast %add3A_1357 : i32 to vector<16xi32>
    %add3A_1359 = arith.addi %iota3A, %add3A_1358 : vector<16xi32>
    tpu.vector_store_idx %arg17[%get3A_1352], %add3A_1359 masked %unique3A_1355 : memref<10240xi32, #tpu.memory_space<vmem>>[vector<16xi32>], vector<16xi32>, vector<16xi1>
    %get3A_1360 = arith.constant 1296 : index
    %get3A_1361 = tpu.vector_load %arg16[%get3A_1360] {strides = array<i32>} : memref<1536xi32, #tpu.memory_space<vmem>>, vector<16xi32>,
    %broadcast_in_dim3A_1362 = arith.constant true
    %broadcast_in_dim3A_1363 = vector.broadcast %broadcast_in_dim3A_1362 : i1 to vector<16xi1>
    %unique3A_1364, %unique3A_1365 = tpu.scan_count mask(%broadcast_in_dim3A_1363 : vector<16xi1>) value(%get3A_1361 : vector<16xi32>) : vector<16xi1>, vector<16xi32>
    %add3A_1366 = arith.constant 1296 : i32
    %add3A_1367 = vector.broadcast %add3A_1366 : i32 to vector<16xi32>
    %add3A_1368 = arith.addi %iota3A, %add3A_1367 : vector<16xi32>
    tpu.vector_store_idx %arg17[%get3A_1361], %add3A_1368 masked %unique3A_1364 : memref<10240xi32, #tpu.memory_space<vmem>>[vector<16xi32>], vector<16xi32>, vector<16xi1>
    %get3A_1369 = arith.constant 1312 : index
    %get3A_1370 = tpu.vector_load %arg16[%get3A_1369] {strides = array<i32>} : memref<1536xi32, #tpu.memory_space<vmem>>, vector<16xi32>,
    %broadcast_in_dim3A_1371 = arith.constant true
    %broadcast_in_dim3A_1372 = vector.broadcast %broadcast_in_dim3A_1371 : i1 to vector<16xi1>
    %unique3A_1373, %unique3A_1374 = tpu.scan_count mask(%broadcast_in_dim3A_1372 : vector<16xi1>) value(%get3A_1370 : vector<16xi32>) : vector<16xi1>, vector<16xi32>
    %add3A_1375 = arith.constant 1312 : i32
    %add3A_1376 = vector.broadcast %add3A_1375 : i32 to vector<16xi32>
    %add3A_1377 = arith.addi %iota3A, %add3A_1376 : vector<16xi32>
    tpu.vector_store_idx %arg17[%get3A_1370], %add3A_1377 masked %unique3A_1373 : memref<10240xi32, #tpu.memory_space<vmem>>[vector<16xi32>], vector<16xi32>, vector<16xi1>
    %get3A_1378 = arith.constant 1328 : index
    %get3A_1379 = tpu.vector_load %arg16[%get3A_1378] {strides = array<i32>} : memref<1536xi32, #tpu.memory_space<vmem>>, vector<16xi32>,
    %broadcast_in_dim3A_1380 = arith.constant true
    %broadcast_in_dim3A_1381 = vector.broadcast %broadcast_in_dim3A_1380 : i1 to vector<16xi1>
    %unique3A_1382, %unique3A_1383 = tpu.scan_count mask(%broadcast_in_dim3A_1381 : vector<16xi1>) value(%get3A_1379 : vector<16xi32>) : vector<16xi1>, vector<16xi32>
    %add3A_1384 = arith.constant 1328 : i32
    %add3A_1385 = vector.broadcast %add3A_1384 : i32 to vector<16xi32>
    %add3A_1386 = arith.addi %iota3A, %add3A_1385 : vector<16xi32>
    tpu.vector_store_idx %arg17[%get3A_1379], %add3A_1386 masked %unique3A_1382 : memref<10240xi32, #tpu.memory_space<vmem>>[vector<16xi32>], vector<16xi32>, vector<16xi1>
    %get3A_1387 = arith.constant 1344 : index
    %get3A_1388 = tpu.vector_load %arg16[%get3A_1387] {strides = array<i32>} : memref<1536xi32, #tpu.memory_space<vmem>>, vector<16xi32>,
    %broadcast_in_dim3A_1389 = arith.constant true
    %broadcast_in_dim3A_1390 = vector.broadcast %broadcast_in_dim3A_1389 : i1 to vector<16xi1>
    %unique3A_1391, %unique3A_1392 = tpu.scan_count mask(%broadcast_in_dim3A_1390 : vector<16xi1>) value(%get3A_1388 : vector<16xi32>) : vector<16xi1>, vector<16xi32>
    %add3A_1393 = arith.constant 1344 : i32
    %add3A_1394 = vector.broadcast %add3A_1393 : i32 to vector<16xi32>
    %add3A_1395 = arith.addi %iota3A, %add3A_1394 : vector<16xi32>
    tpu.vector_store_idx %arg17[%get3A_1388], %add3A_1395 masked %unique3A_1391 : memref<10240xi32, #tpu.memory_space<vmem>>[vector<16xi32>], vector<16xi32>, vector<16xi1>
    %get3A_1396 = arith.constant 1360 : index
    %get3A_1397 = tpu.vector_load %arg16[%get3A_1396] {strides = array<i32>} : memref<1536xi32, #tpu.memory_space<vmem>>, vector<16xi32>,
    %broadcast_in_dim3A_1398 = arith.constant true
    %broadcast_in_dim3A_1399 = vector.broadcast %broadcast_in_dim3A_1398 : i1 to vector<16xi1>
    %unique3A_1400, %unique3A_1401 = tpu.scan_count mask(%broadcast_in_dim3A_1399 : vector<16xi1>) value(%get3A_1397 : vector<16xi32>) : vector<16xi1>, vector<16xi32>
    %add3A_1402 = arith.constant 1360 : i32
    %add3A_1403 = vector.broadcast %add3A_1402 : i32 to vector<16xi32>
    %add3A_1404 = arith.addi %iota3A, %add3A_1403 : vector<16xi32>
    tpu.vector_store_idx %arg17[%get3A_1397], %add3A_1404 masked %unique3A_1400 : memref<10240xi32, #tpu.memory_space<vmem>>[vector<16xi32>], vector<16xi32>, vector<16xi1>
    %get3A_1405 = arith.constant 1376 : index
    %get3A_1406 = tpu.vector_load %arg16[%get3A_1405] {strides = array<i32>} : memref<1536xi32, #tpu.memory_space<vmem>>, vector<16xi32>,
    %broadcast_in_dim3A_1407 = arith.constant true
    %broadcast_in_dim3A_1408 = vector.broadcast %broadcast_in_dim3A_1407 : i1 to vector<16xi1>
    %unique3A_1409, %unique3A_1410 = tpu.scan_count mask(%broadcast_in_dim3A_1408 : vector<16xi1>) value(%get3A_1406 : vector<16xi32>) : vector<16xi1>, vector<16xi32>
    %add3A_1411 = arith.constant 1376 : i32
    %add3A_1412 = vector.broadcast %add3A_1411 : i32 to vector<16xi32>
    %add3A_1413 = arith.addi %iota3A, %add3A_1412 : vector<16xi32>
    tpu.vector_store_idx %arg17[%get3A_1406], %add3A_1413 masked %unique3A_1409 : memref<10240xi32, #tpu.memory_space<vmem>>[vector<16xi32>], vector<16xi32>, vector<16xi1>
    %get3A_1414 = arith.constant 1392 : index
    %get3A_1415 = tpu.vector_load %arg16[%get3A_1414] {strides = array<i32>} : memref<1536xi32, #tpu.memory_space<vmem>>, vector<16xi32>,
    %broadcast_in_dim3A_1416 = arith.constant true
    %broadcast_in_dim3A_1417 = vector.broadcast %broadcast_in_dim3A_1416 : i1 to vector<16xi1>
    %unique3A_1418, %unique3A_1419 = tpu.scan_count mask(%broadcast_in_dim3A_1417 : vector<16xi1>) value(%get3A_1415 : vector<16xi32>) : vector<16xi1>, vector<16xi32>
    %add3A_1420 = arith.constant 1392 : i32
    %add3A_1421 = vector.broadcast %add3A_1420 : i32 to vector<16xi32>
    %add3A_1422 = arith.addi %iota3A, %add3A_1421 : vector<16xi32>
    tpu.vector_store_idx %arg17[%get3A_1415], %add3A_1422 masked %unique3A_1418 : memref<10240xi32, #tpu.memory_space<vmem>>[vector<16xi32>], vector<16xi32>, vector<16xi1>
    %get3A_1423 = arith.constant 1408 : index
    %get3A_1424 = tpu.vector_load %arg16[%get3A_1423] {strides = array<i32>} : memref<1536xi32, #tpu.memory_space<vmem>>, vector<16xi32>,
    %broadcast_in_dim3A_1425 = arith.constant true
    %broadcast_in_dim3A_1426 = vector.broadcast %broadcast_in_dim3A_1425 : i1 to vector<16xi1>
    %unique3A_1427, %unique3A_1428 = tpu.scan_count mask(%broadcast_in_dim3A_1426 : vector<16xi1>) value(%get3A_1424 : vector<16xi32>) : vector<16xi1>, vector<16xi32>
    %add3A_1429 = arith.constant 1408 : i32
    %add3A_1430 = vector.broadcast %add3A_1429 : i32 to vector<16xi32>
    %add3A_1431 = arith.addi %iota3A, %add3A_1430 : vector<16xi32>
    tpu.vector_store_idx %arg17[%get3A_1424], %add3A_1431 masked %unique3A_1427 : memref<10240xi32, #tpu.memory_space<vmem>>[vector<16xi32>], vector<16xi32>, vector<16xi1>
    %get3A_1432 = arith.constant 1424 : index
    %get3A_1433 = tpu.vector_load %arg16[%get3A_1432] {strides = array<i32>} : memref<1536xi32, #tpu.memory_space<vmem>>, vector<16xi32>,
    %broadcast_in_dim3A_1434 = arith.constant true
    %broadcast_in_dim3A_1435 = vector.broadcast %broadcast_in_dim3A_1434 : i1 to vector<16xi1>
    %unique3A_1436, %unique3A_1437 = tpu.scan_count mask(%broadcast_in_dim3A_1435 : vector<16xi1>) value(%get3A_1433 : vector<16xi32>) : vector<16xi1>, vector<16xi32>
    %add3A_1438 = arith.constant 1424 : i32
    %add3A_1439 = vector.broadcast %add3A_1438 : i32 to vector<16xi32>
    %add3A_1440 = arith.addi %iota3A, %add3A_1439 : vector<16xi32>
    tpu.vector_store_idx %arg17[%get3A_1433], %add3A_1440 masked %unique3A_1436 : memref<10240xi32, #tpu.memory_space<vmem>>[vector<16xi32>], vector<16xi32>, vector<16xi1>
    %get3A_1441 = arith.constant 1440 : index
    %get3A_1442 = tpu.vector_load %arg16[%get3A_1441] {strides = array<i32>} : memref<1536xi32, #tpu.memory_space<vmem>>, vector<16xi32>,
    %broadcast_in_dim3A_1443 = arith.constant true
    %broadcast_in_dim3A_1444 = vector.broadcast %broadcast_in_dim3A_1443 : i1 to vector<16xi1>
    %unique3A_1445, %unique3A_1446 = tpu.scan_count mask(%broadcast_in_dim3A_1444 : vector<16xi1>) value(%get3A_1442 : vector<16xi32>) : vector<16xi1>, vector<16xi32>
    %add3A_1447 = arith.constant 1440 : i32
    %add3A_1448 = vector.broadcast %add3A_1447 : i32 to vector<16xi32>
    %add3A_1449 = arith.addi %iota3A, %add3A_1448 : vector<16xi32>
    tpu.vector_store_idx %arg17[%get3A_1442], %add3A_1449 masked %unique3A_1445 : memref<10240xi32, #tpu.memory_space<vmem>>[vector<16xi32>], vector<16xi32>, vector<16xi1>
    %get3A_1450 = arith.constant 1456 : index
    %get3A_1451 = tpu.vector_load %arg16[%get3A_1450] {strides = array<i32>} : memref<1536xi32, #tpu.memory_space<vmem>>, vector<16xi32>,
    %broadcast_in_dim3A_1452 = arith.constant true
    %broadcast_in_dim3A_1453 = vector.broadcast %broadcast_in_dim3A_1452 : i1 to vector<16xi1>
    %unique3A_1454, %unique3A_1455 = tpu.scan_count mask(%broadcast_in_dim3A_1453 : vector<16xi1>) value(%get3A_1451 : vector<16xi32>) : vector<16xi1>, vector<16xi32>
    %add3A_1456 = arith.constant 1456 : i32
    %add3A_1457 = vector.broadcast %add3A_1456 : i32 to vector<16xi32>
    %add3A_1458 = arith.addi %iota3A, %add3A_1457 : vector<16xi32>
    tpu.vector_store_idx %arg17[%get3A_1451], %add3A_1458 masked %unique3A_1454 : memref<10240xi32, #tpu.memory_space<vmem>>[vector<16xi32>], vector<16xi32>, vector<16xi1>
    %get3A_1459 = arith.constant 1472 : index
    %get3A_1460 = tpu.vector_load %arg16[%get3A_1459] {strides = array<i32>} : memref<1536xi32, #tpu.memory_space<vmem>>, vector<16xi32>,
    %broadcast_in_dim3A_1461 = arith.constant true
    %broadcast_in_dim3A_1462 = vector.broadcast %broadcast_in_dim3A_1461 : i1 to vector<16xi1>
    %unique3A_1463, %unique3A_1464 = tpu.scan_count mask(%broadcast_in_dim3A_1462 : vector<16xi1>) value(%get3A_1460 : vector<16xi32>) : vector<16xi1>, vector<16xi32>
    %add3A_1465 = arith.constant 1472 : i32
    %add3A_1466 = vector.broadcast %add3A_1465 : i32 to vector<16xi32>
    %add3A_1467 = arith.addi %iota3A, %add3A_1466 : vector<16xi32>
    tpu.vector_store_idx %arg17[%get3A_1460], %add3A_1467 masked %unique3A_1463 : memref<10240xi32, #tpu.memory_space<vmem>>[vector<16xi32>], vector<16xi32>, vector<16xi1>
    %get3A_1468 = arith.constant 1488 : index
    %get3A_1469 = tpu.vector_load %arg16[%get3A_1468] {strides = array<i32>} : memref<1536xi32, #tpu.memory_space<vmem>>, vector<16xi32>,
    %broadcast_in_dim3A_1470 = arith.constant true
    %broadcast_in_dim3A_1471 = vector.broadcast %broadcast_in_dim3A_1470 : i1 to vector<16xi1>
    %unique3A_1472, %unique3A_1473 = tpu.scan_count mask(%broadcast_in_dim3A_1471 : vector<16xi1>) value(%get3A_1469 : vector<16xi32>) : vector<16xi1>, vector<16xi32>
    %add3A_1474 = arith.constant 1488 : i32
    %add3A_1475 = vector.broadcast %add3A_1474 : i32 to vector<16xi32>
    %add3A_1476 = arith.addi %iota3A, %add3A_1475 : vector<16xi32>
    tpu.vector_store_idx %arg17[%get3A_1469], %add3A_1476 masked %unique3A_1472 : memref<10240xi32, #tpu.memory_space<vmem>>[vector<16xi32>], vector<16xi32>, vector<16xi1>
    %get3A_1477 = arith.constant 1504 : index
    %get3A_1478 = tpu.vector_load %arg16[%get3A_1477] {strides = array<i32>} : memref<1536xi32, #tpu.memory_space<vmem>>, vector<16xi32>,
    %broadcast_in_dim3A_1479 = arith.constant true
    %broadcast_in_dim3A_1480 = vector.broadcast %broadcast_in_dim3A_1479 : i1 to vector<16xi1>
    %unique3A_1481, %unique3A_1482 = tpu.scan_count mask(%broadcast_in_dim3A_1480 : vector<16xi1>) value(%get3A_1478 : vector<16xi32>) : vector<16xi1>, vector<16xi32>
    %add3A_1483 = arith.constant 1504 : i32
    %add3A_1484 = vector.broadcast %add3A_1483 : i32 to vector<16xi32>
    %add3A_1485 = arith.addi %iota3A, %add3A_1484 : vector<16xi32>
    tpu.vector_store_idx %arg17[%get3A_1478], %add3A_1485 masked %unique3A_1481 : memref<10240xi32, #tpu.memory_space<vmem>>[vector<16xi32>], vector<16xi32>, vector<16xi1>
    %get3A_1486 = arith.constant 1520 : index
    %get3A_1487 = tpu.vector_load %arg16[%get3A_1486] {strides = array<i32>} : memref<1536xi32, #tpu.memory_space<vmem>>, vector<16xi32>,
    %broadcast_in_dim3A_1488 = arith.constant true
    %broadcast_in_dim3A_1489 = vector.broadcast %broadcast_in_dim3A_1488 : i1 to vector<16xi1>
    %unique3A_1490, %unique3A_1491 = tpu.scan_count mask(%broadcast_in_dim3A_1489 : vector<16xi1>) value(%get3A_1487 : vector<16xi32>) : vector<16xi1>, vector<16xi32>
    %add3A_1492 = arith.constant 1520 : i32
    %add3A_1493 = vector.broadcast %add3A_1492 : i32 to vector<16xi32>
    %add3A_1494 = arith.addi %iota3A, %add3A_1493 : vector<16xi32>
    tpu.vector_store_idx %arg17[%get3A_1487], %add3A_1494 masked %unique3A_1490 : memref<10240xi32, #tpu.memory_space<vmem>>[vector<16xi32>], vector<16xi32>, vector<16xi1>
    %dma_wait3A_1495 = arith.constant 0 : i32
    %dma_wait3A_1496 = arith.constant 0 : i32
    %dma_wait3A_1497 = tpu.memref_slice %arg3[%add3A, %dma_wait3A_1495, %dma_wait3A_1496] : memref<32x80x128xi32, #tpu.memory_space<hbm>> -> memref<1x80x128xi32, #tpu.memory_space<hbm>>
    %dma_wait3A_1498 = tpu.memref_squeeze %dma_wait3A_1497 : memref<1x80x128xi32, #tpu.memory_space<hbm>> -> memref<80x128xi32, #tpu.memory_space<hbm>>
    %dma_wait3A_1499 = arith.constant 0 : i32
    %dma_wait3A_1500 = arith.constant 0 : i32
    %dma_wait3A_1501 = tpu.memref_slice %arg3[%add3A, %dma_wait3A_1499, %dma_wait3A_1500] : memref<32x80x128xi32, #tpu.memory_space<hbm>> -> memref<1x80x128xi32, #tpu.memory_space<hbm>>
    %dma_wait3A_1502 = tpu.memref_squeeze %dma_wait3A_1501 : memref<1x80x128xi32, #tpu.memory_space<hbm>> -> memref<80x128xi32, #tpu.memory_space<hbm>>
    tpu.wait_dma2 semaphore(%arg30 : memref<!tpu.dma_semaphore, #tpu.memory_space<semaphore_mem>>) src(%dma_wait3A_1502 : memref<80x128xi32, #tpu.memory_space<hbm>>) dst(%arg14 : memref<80x128xi32, #tpu.memory_space<vmem>>)
    %dma_wait3A_1503 = arith.constant 0 : i32
    %dma_wait3A_1504 = arith.constant 0 : i32
    %dma_wait3A_1505 = tpu.memref_slice %arg4[%add3A, %dma_wait3A_1503, %dma_wait3A_1504] : memref<32x80x128xi32, #tpu.memory_space<hbm>> -> memref<1x80x128xi32, #tpu.memory_space<hbm>>
    %dma_wait3A_1506 = tpu.memref_squeeze %dma_wait3A_1505 : memref<1x80x128xi32, #tpu.memory_space<hbm>> -> memref<80x128xi32, #tpu.memory_space<hbm>>
    %dma_wait3A_1507 = arith.constant 0 : i32
    %dma_wait3A_1508 = arith.constant 0 : i32
    %dma_wait3A_1509 = tpu.memref_slice %arg4[%add3A, %dma_wait3A_1507, %dma_wait3A_1508] : memref<32x80x128xi32, #tpu.memory_space<hbm>> -> memref<1x80x128xi32, #tpu.memory_space<hbm>>
    %dma_wait3A_1510 = tpu.memref_squeeze %dma_wait3A_1509 : memref<1x80x128xi32, #tpu.memory_space<hbm>> -> memref<80x128xi32, #tpu.memory_space<hbm>>
    tpu.wait_dma2 semaphore(%arg31 : memref<!tpu.dma_semaphore, #tpu.memory_space<semaphore_mem>>) src(%dma_wait3A_1510 : memref<80x128xi32, #tpu.memory_space<hbm>>) dst(%arg15 : memref<80x128xi32, #tpu.memory_space<vmem>>)
    %scan3A = arith.constant 0 : i32
    %scan3A_1511 = arith.constant 0 : i32
    %scan3A_1512 = arith.constant 80 : i32
    %scan3A_1513 = arith.addi %scan3A_1511, %scan3A_1512 : i32
    %scan3A_1514 = arith.constant 1 : i32
    %scan3A_1515 = scf.for %scan3A_1863 = %scan3A_1511 to %scan3A_1513 step %scan3A_1514 iter_args(%scan3A_1864 = %scan3A) -> (i32)  : i32 {
      %get3A_1865 = arith.index_cast %scan3A_1863 : i32 to index
      %get3A_1866 = arith.constant 0 : index
      %get3A_1867 = tpu.vector_load %arg14[%get3A_1865, %get3A_1866] {strides = array<i32>} : memref<80x128xi32, #tpu.memory_space<vmem>>, vector<16xi32>,
      %get3A_1868 = arith.index_cast %scan3A_1863 : i32 to index
      %get3A_1869 = arith.constant 0 : index
      %get3A_1870 = tpu.vector_load %arg15[%get3A_1868, %get3A_1869] {strides = array<i32>} : memref<80x128xi32, #tpu.memory_space<vmem>>, vector<16xi32>,
      %gather3A_1871 = tpu.vector_load_idx %arg17[%get3A_1870] : memref<10240xi32, #tpu.memory_space<vmem>>[vector<16xi32>], vector<16xi32>,
      %ne3A = arith.constant 1536 : i32
      %ne3A_1872 = vector.broadcast %ne3A : i32 to vector<16xi32>
      %ne3A_1873 = arith.cmpi ne, %gather3A_1871, %ne3A_1872 : vector<16xi32>
      %convert_element_type3A_1874 = arith.extui %ne3A_1873 : vector<16xi1> to vector<16xi32>
      %broadcast_in_dim3A_1875 = arith.constant true
      %broadcast_in_dim3A_1876 = vector.broadcast %broadcast_in_dim3A_1875 : i1 to vector<16xi1>
      %masked_cumsum3A = tpu.scan <sum>, %convert_element_type3A_1874 masked %broadcast_in_dim3A_1876 : vector<16xi32>, vector<16xi1> -> vector<16xi32>
      %get3A_1877 = arith.index_cast %scan3A_1863 : i32 to index
      %get3A_1878 = arith.constant 16 : index
      %get3A_1879 = tpu.vector_load %arg14[%get3A_1877, %get3A_1878] {strides = array<i32>} : memref<80x128xi32, #tpu.memory_space<vmem>>, vector<16xi32>,
      %get3A_1880 = arith.index_cast %scan3A_1863 : i32 to index
      %get3A_1881 = arith.constant 16 : index
      %get3A_1882 = tpu.vector_load %arg15[%get3A_1880, %get3A_1881] {strides = array<i32>} : memref<80x128xi32, #tpu.memory_space<vmem>>, vector<16xi32>,
      %gather3A_1883 = tpu.vector_load_idx %arg17[%get3A_1882] : memref<10240xi32, #tpu.memory_space<vmem>>[vector<16xi32>], vector<16xi32>,
      %ne3A_1884 = arith.constant 1536 : i32
      %ne3A_1885 = vector.broadcast %ne3A_1884 : i32 to vector<16xi32>
      %ne3A_1886 = arith.cmpi ne, %gather3A_1883, %ne3A_1885 : vector<16xi32>
      %convert_element_type3A_1887 = arith.extui %ne3A_1886 : vector<16xi1> to vector<16xi32>
      %broadcast_in_dim3A_1888 = arith.constant true
      %broadcast_in_dim3A_1889 = vector.broadcast %broadcast_in_dim3A_1888 : i1 to vector<16xi1>
      %masked_cumsum3A_1890 = tpu.scan <sum>, %convert_element_type3A_1887 masked %broadcast_in_dim3A_1889 : vector<16xi32>, vector<16xi1> -> vector<16xi32>
      %get3A_1891 = arith.index_cast %scan3A_1863 : i32 to index
      %get3A_1892 = arith.constant 32 : index
      %get3A_1893 = tpu.vector_load %arg14[%get3A_1891, %get3A_1892] {strides = array<i32>} : memref<80x128xi32, #tpu.memory_space<vmem>>, vector<16xi32>,
      %get3A_1894 = arith.index_cast %scan3A_1863 : i32 to index
      %get3A_1895 = arith.constant 32 : index
      %get3A_1896 = tpu.vector_load %arg15[%get3A_1894, %get3A_1895] {strides = array<i32>} : memref<80x128xi32, #tpu.memory_space<vmem>>, vector<16xi32>,
      %gather3A_1897 = tpu.vector_load_idx %arg17[%get3A_1896] : memref<10240xi32, #tpu.memory_space<vmem>>[vector<16xi32>], vector<16xi32>,
      %ne3A_1898 = arith.constant 1536 : i32
      %ne3A_1899 = vector.broadcast %ne3A_1898 : i32 to vector<16xi32>
      %ne3A_1900 = arith.cmpi ne, %gather3A_1897, %ne3A_1899 : vector<16xi32>
      %convert_element_type3A_1901 = arith.extui %ne3A_1900 : vector<16xi1> to vector<16xi32>
      %broadcast_in_dim3A_1902 = arith.constant true
      %broadcast_in_dim3A_1903 = vector.broadcast %broadcast_in_dim3A_1902 : i1 to vector<16xi1>
      %masked_cumsum3A_1904 = tpu.scan <sum>, %convert_element_type3A_1901 masked %broadcast_in_dim3A_1903 : vector<16xi32>, vector<16xi1> -> vector<16xi32>
      %get3A_1905 = arith.index_cast %scan3A_1863 : i32 to index
      %get3A_1906 = arith.constant 48 : index
      %get3A_1907 = tpu.vector_load %arg14[%get3A_1905, %get3A_1906] {strides = array<i32>} : memref<80x128xi32, #tpu.memory_space<vmem>>, vector<16xi32>,
      %get3A_1908 = arith.index_cast %scan3A_1863 : i32 to index
      %get3A_1909 = arith.constant 48 : index
      %get3A_1910 = tpu.vector_load %arg15[%get3A_1908, %get3A_1909] {strides = array<i32>} : memref<80x128xi32, #tpu.memory_space<vmem>>, vector<16xi32>,
      %gather3A_1911 = tpu.vector_load_idx %arg17[%get3A_1910] : memref<10240xi32, #tpu.memory_space<vmem>>[vector<16xi32>], vector<16xi32>,
      %ne3A_1912 = arith.constant 1536 : i32
      %ne3A_1913 = vector.broadcast %ne3A_1912 : i32 to vector<16xi32>
      %ne3A_1914 = arith.cmpi ne, %gather3A_1911, %ne3A_1913 : vector<16xi32>
      %convert_element_type3A_1915 = arith.extui %ne3A_1914 : vector<16xi1> to vector<16xi32>
      %broadcast_in_dim3A_1916 = arith.constant true
      %broadcast_in_dim3A_1917 = vector.broadcast %broadcast_in_dim3A_1916 : i1 to vector<16xi1>
      %masked_cumsum3A_1918 = tpu.scan <sum>, %convert_element_type3A_1915 masked %broadcast_in_dim3A_1917 : vector<16xi32>, vector<16xi1> -> vector<16xi32>
      %get3A_1919 = arith.index_cast %scan3A_1863 : i32 to index
      %get3A_1920 = arith.constant 64 : index
      %get3A_1921 = tpu.vector_load %arg14[%get3A_1919, %get3A_1920] {strides = array<i32>} : memref<80x128xi32, #tpu.memory_space<vmem>>, vector<16xi32>,
      %get3A_1922 = arith.index_cast %scan3A_1863 : i32 to index
      %get3A_1923 = arith.constant 64 : index
      %get3A_1924 = tpu.vector_load %arg15[%get3A_1922, %get3A_1923] {strides = array<i32>} : memref<80x128xi32, #tpu.memory_space<vmem>>, vector<16xi32>,
      %gather3A_1925 = tpu.vector_load_idx %arg17[%get3A_1924] : memref<10240xi32, #tpu.memory_space<vmem>>[vector<16xi32>], vector<16xi32>,
      %ne3A_1926 = arith.constant 1536 : i32
      %ne3A_1927 = vector.broadcast %ne3A_1926 : i32 to vector<16xi32>
      %ne3A_1928 = arith.cmpi ne, %gather3A_1925, %ne3A_1927 : vector<16xi32>
      %convert_element_type3A_1929 = arith.extui %ne3A_1928 : vector<16xi1> to vector<16xi32>
      %broadcast_in_dim3A_1930 = arith.constant true
      %broadcast_in_dim3A_1931 = vector.broadcast %broadcast_in_dim3A_1930 : i1 to vector<16xi1>
      %masked_cumsum3A_1932 = tpu.scan <sum>, %convert_element_type3A_1929 masked %broadcast_in_dim3A_1931 : vector<16xi32>, vector<16xi1> -> vector<16xi32>
      %get3A_1933 = arith.index_cast %scan3A_1863 : i32 to index
      %get3A_1934 = arith.constant 80 : index
      %get3A_1935 = tpu.vector_load %arg14[%get3A_1933, %get3A_1934] {strides = array<i32>} : memref<80x128xi32, #tpu.memory_space<vmem>>, vector<16xi32>,
      %get3A_1936 = arith.index_cast %scan3A_1863 : i32 to index
      %get3A_1937 = arith.constant 80 : index
      %get3A_1938 = tpu.vector_load %arg15[%get3A_1936, %get3A_1937] {strides = array<i32>} : memref<80x128xi32, #tpu.memory_space<vmem>>, vector<16xi32>,
      %gather3A_1939 = tpu.vector_load_idx %arg17[%get3A_1938] : memref<10240xi32, #tpu.memory_space<vmem>>[vector<16xi32>], vector<16xi32>,
      %ne3A_1940 = arith.constant 1536 : i32
      %ne3A_1941 = vector.broadcast %ne3A_1940 : i32 to vector<16xi32>
      %ne3A_1942 = arith.cmpi ne, %gather3A_1939, %ne3A_1941 : vector<16xi32>
      %convert_element_type3A_1943 = arith.extui %ne3A_1942 : vector<16xi1> to vector<16xi32>
      %broadcast_in_dim3A_1944 = arith.constant true
      %broadcast_in_dim3A_1945 = vector.broadcast %broadcast_in_dim3A_1944 : i1 to vector<16xi1>
      %masked_cumsum3A_1946 = tpu.scan <sum>, %convert_element_type3A_1943 masked %broadcast_in_dim3A_1945 : vector<16xi32>, vector<16xi1> -> vector<16xi32>
      %get3A_1947 = arith.index_cast %scan3A_1863 : i32 to index
      %get3A_1948 = arith.constant 96 : index
      %get3A_1949 = tpu.vector_load %arg14[%get3A_1947, %get3A_1948] {strides = array<i32>} : memref<80x128xi32, #tpu.memory_space<vmem>>, vector<16xi32>,
      %get3A_1950 = arith.index_cast %scan3A_1863 : i32 to index
      %get3A_1951 = arith.constant 96 : index
      %get3A_1952 = tpu.vector_load %arg15[%get3A_1950, %get3A_1951] {strides = array<i32>} : memref<80x128xi32, #tpu.memory_space<vmem>>, vector<16xi32>,
      %gather3A_1953 = tpu.vector_load_idx %arg17[%get3A_1952] : memref<10240xi32, #tpu.memory_space<vmem>>[vector<16xi32>], vector<16xi32>,
      %ne3A_1954 = arith.constant 1536 : i32
      %ne3A_1955 = vector.broadcast %ne3A_1954 : i32 to vector<16xi32>
      %ne3A_1956 = arith.cmpi ne, %gather3A_1953, %ne3A_1955 : vector<16xi32>
      %convert_element_type3A_1957 = arith.extui %ne3A_1956 : vector<16xi1> to vector<16xi32>
      %broadcast_in_dim3A_1958 = arith.constant true
      %broadcast_in_dim3A_1959 = vector.broadcast %broadcast_in_dim3A_1958 : i1 to vector<16xi1>
      %masked_cumsum3A_1960 = tpu.scan <sum>, %convert_element_type3A_1957 masked %broadcast_in_dim3A_1959 : vector<16xi32>, vector<16xi1> -> vector<16xi32>
      %get3A_1961 = arith.index_cast %scan3A_1863 : i32 to index
      %get3A_1962 = arith.constant 112 : index
      %get3A_1963 = tpu.vector_load %arg14[%get3A_1961, %get3A_1962] {strides = array<i32>} : memref<80x128xi32, #tpu.memory_space<vmem>>, vector<16xi32>,
      %get3A_1964 = arith.index_cast %scan3A_1863 : i32 to index
      %get3A_1965 = arith.constant 112 : index
      %get3A_1966 = tpu.vector_load %arg15[%get3A_1964, %get3A_1965] {strides = array<i32>} : memref<80x128xi32, #tpu.memory_space<vmem>>, vector<16xi32>,
      %gather3A_1967 = tpu.vector_load_idx %arg17[%get3A_1966] : memref<10240xi32, #tpu.memory_space<vmem>>[vector<16xi32>], vector<16xi32>,
      %ne3A_1968 = arith.constant 1536 : i32
      %ne3A_1969 = vector.broadcast %ne3A_1968 : i32 to vector<16xi32>
      %ne3A_1970 = arith.cmpi ne, %gather3A_1967, %ne3A_1969 : vector<16xi32>
      %convert_element_type3A_1971 = arith.extui %ne3A_1970 : vector<16xi1> to vector<16xi32>
      %broadcast_in_dim3A_1972 = arith.constant true
      %broadcast_in_dim3A_1973 = vector.broadcast %broadcast_in_dim3A_1972 : i1 to vector<16xi1>
      %masked_cumsum3A_1974 = tpu.scan <sum>, %convert_element_type3A_1971 masked %broadcast_in_dim3A_1973 : vector<16xi32>, vector<16xi1> -> vector<16xi32>
      %slice3A = vector.extract_strided_slice %masked_cumsum3A {offsets = [15], sizes = [1], strides = [1]} : vector<16xi32> to vector<1xi32>
      %squeeze3A = vector.extract %slice3A[0] : i32 from vector<1xi32>
      %add3A_1975 = arith.addi %scan3A_1864, %squeeze3A : i32
      %slice3A_1976 = vector.extract_strided_slice %masked_cumsum3A_1890 {offsets = [15], sizes = [1], strides = [1]} : vector<16xi32> to vector<1xi32>
      %squeeze3A_1977 = vector.extract %slice3A_1976[0] : i32 from vector<1xi32>
      %add3A_1978 = arith.addi %add3A_1975, %squeeze3A_1977 : i32
      %slice3A_1979 = vector.extract_strided_slice %masked_cumsum3A_1904 {offsets = [15], sizes = [1], strides = [1]} : vector<16xi32> to vector<1xi32>
      %squeeze3A_1980 = vector.extract %slice3A_1979[0] : i32 from vector<1xi32>
      %add3A_1981 = arith.addi %add3A_1978, %squeeze3A_1980 : i32
      %slice3A_1982 = vector.extract_strided_slice %masked_cumsum3A_1918 {offsets = [15], sizes = [1], strides = [1]} : vector<16xi32> to vector<1xi32>
      %squeeze3A_1983 = vector.extract %slice3A_1982[0] : i32 from vector<1xi32>
      %add3A_1984 = arith.addi %add3A_1981, %squeeze3A_1983 : i32
      %slice3A_1985 = vector.extract_strided_slice %masked_cumsum3A_1932 {offsets = [15], sizes = [1], strides = [1]} : vector<16xi32> to vector<1xi32>
      %squeeze3A_1986 = vector.extract %slice3A_1985[0] : i32 from vector<1xi32>
      %add3A_1987 = arith.addi %add3A_1984, %squeeze3A_1986 : i32
      %slice3A_1988 = vector.extract_strided_slice %masked_cumsum3A_1946 {offsets = [15], sizes = [1], strides = [1]} : vector<16xi32> to vector<1xi32>
      %squeeze3A_1989 = vector.extract %slice3A_1988[0] : i32 from vector<1xi32>
      %add3A_1990 = arith.addi %add3A_1987, %squeeze3A_1989 : i32
      %slice3A_1991 = vector.extract_strided_slice %masked_cumsum3A_1960 {offsets = [15], sizes = [1], strides = [1]} : vector<16xi32> to vector<1xi32>
      %squeeze3A_1992 = vector.extract %slice3A_1991[0] : i32 from vector<1xi32>
      %add3A_1993 = arith.addi %add3A_1990, %squeeze3A_1992 : i32
      %slice3A_1994 = vector.extract_strided_slice %masked_cumsum3A_1974 {offsets = [15], sizes = [1], strides = [1]} : vector<16xi32> to vector<1xi32>
      %squeeze3A_1995 = vector.extract %slice3A_1994[0] : i32 from vector<1xi32>
      %add3A_1996 = arith.addi %add3A_1993, %squeeze3A_1995 : i32
      %sub3A = arith.constant 1 : i32
      %sub3A_1997 = arith.subi %scan3A_1864, %sub3A : i32
      %add3A_1998 = vector.broadcast %sub3A_1997 : i32 to vector<16xi32>
      %add3A_1999 = arith.addi %add3A_1998, %masked_cumsum3A : vector<16xi32>
      %shift_right_logical3A_2000 = arith.constant 7 : i32
      %shift_right_logical3A_2001 = vector.broadcast %shift_right_logical3A_2000 : i32 to vector<16xi32>
      %shift_right_logical3A_2002 = arith.shrui %add3A_1999, %shift_right_logical3A_2001 : vector<16xi32>
      %and3A_2003 = arith.constant 127 : i32
      %and3A_2004 = vector.broadcast %and3A_2003 : i32 to vector<16xi32>
      %and3A_2005 = arith.andi %add3A_1999, %and3A_2004 : vector<16xi32>
      tpu.vector_store_idx %arg18[%shift_right_logical3A_2002, %and3A_2005], %get3A_1867 masked %ne3A_1873 : memref<88x128xi32, #tpu.memory_space<vmem>>[vector<16xi32>, vector<16xi32>], vector<16xi32>, vector<16xi1>
      tpu.vector_store_idx %arg19[%shift_right_logical3A_2002, %and3A_2005], %gather3A_1871 masked %ne3A_1873 : memref<88x128xi32, #tpu.memory_space<vmem>>[vector<16xi32>, vector<16xi32>], vector<16xi32>, vector<16xi1>
      %sub3A_2006 = arith.constant 1 : i32
      %sub3A_2007 = arith.subi %add3A_1975, %sub3A_2006 : i32
      %add3A_2008 = vector.broadcast %sub3A_2007 : i32 to vector<16xi32>
      %add3A_2009 = arith.addi %add3A_2008, %masked_cumsum3A_1890 : vector<16xi32>
      %shift_right_logical3A_2010 = arith.constant 7 : i32
      %shift_right_logical3A_2011 = vector.broadcast %shift_right_logical3A_2010 : i32 to vector<16xi32>
      %shift_right_logical3A_2012 = arith.shrui %add3A_2009, %shift_right_logical3A_2011 : vector<16xi32>
      %and3A_2013 = arith.constant 127 : i32
      %and3A_2014 = vector.broadcast %and3A_2013 : i32 to vector<16xi32>
      %and3A_2015 = arith.andi %add3A_2009, %and3A_2014 : vector<16xi32>
      tpu.vector_store_idx %arg18[%shift_right_logical3A_2012, %and3A_2015], %get3A_1879 masked %ne3A_1886 : memref<88x128xi32, #tpu.memory_space<vmem>>[vector<16xi32>, vector<16xi32>], vector<16xi32>, vector<16xi1>
      tpu.vector_store_idx %arg19[%shift_right_logical3A_2012, %and3A_2015], %gather3A_1883 masked %ne3A_1886 : memref<88x128xi32, #tpu.memory_space<vmem>>[vector<16xi32>, vector<16xi32>], vector<16xi32>, vector<16xi1>
      %sub3A_2016 = arith.constant 1 : i32
      %sub3A_2017 = arith.subi %add3A_1978, %sub3A_2016 : i32
      %add3A_2018 = vector.broadcast %sub3A_2017 : i32 to vector<16xi32>
      %add3A_2019 = arith.addi %add3A_2018, %masked_cumsum3A_1904 : vector<16xi32>
      %shift_right_logical3A_2020 = arith.constant 7 : i32
      %shift_right_logical3A_2021 = vector.broadcast %shift_right_logical3A_2020 : i32 to vector<16xi32>
      %shift_right_logical3A_2022 = arith.shrui %add3A_2019, %shift_right_logical3A_2021 : vector<16xi32>
      %and3A_2023 = arith.constant 127 : i32
      %and3A_2024 = vector.broadcast %and3A_2023 : i32 to vector<16xi32>
      %and3A_2025 = arith.andi %add3A_2019, %and3A_2024 : vector<16xi32>
      tpu.vector_store_idx %arg18[%shift_right_logical3A_2022, %and3A_2025], %get3A_1893 masked %ne3A_1900 : memref<88x128xi32, #tpu.memory_space<vmem>>[vector<16xi32>, vector<16xi32>], vector<16xi32>, vector<16xi1>
      tpu.vector_store_idx %arg19[%shift_right_logical3A_2022, %and3A_2025], %gather3A_1897 masked %ne3A_1900 : memref<88x128xi32, #tpu.memory_space<vmem>>[vector<16xi32>, vector<16xi32>], vector<16xi32>, vector<16xi1>
      %sub3A_2026 = arith.constant 1 : i32
      %sub3A_2027 = arith.subi %add3A_1981, %sub3A_2026 : i32
      %add3A_2028 = vector.broadcast %sub3A_2027 : i32 to vector<16xi32>
      %add3A_2029 = arith.addi %add3A_2028, %masked_cumsum3A_1918 : vector<16xi32>
      %shift_right_logical3A_2030 = arith.constant 7 : i32
      %shift_right_logical3A_2031 = vector.broadcast %shift_right_logical3A_2030 : i32 to vector<16xi32>
      %shift_right_logical3A_2032 = arith.shrui %add3A_2029, %shift_right_logical3A_2031 : vector<16xi32>
      %and3A_2033 = arith.constant 127 : i32
      %and3A_2034 = vector.broadcast %and3A_2033 : i32 to vector<16xi32>
      %and3A_2035 = arith.andi %add3A_2029, %and3A_2034 : vector<16xi32>
      tpu.vector_store_idx %arg18[%shift_right_logical3A_2032, %and3A_2035], %get3A_1907 masked %ne3A_1914 : memref<88x128xi32, #tpu.memory_space<vmem>>[vector<16xi32>, vector<16xi32>], vector<16xi32>, vector<16xi1>
      tpu.vector_store_idx %arg19[%shift_right_logical3A_2032, %and3A_2035], %gather3A_1911 masked %ne3A_1914 : memref<88x128xi32, #tpu.memory_space<vmem>>[vector<16xi32>, vector<16xi32>], vector<16xi32>, vector<16xi1>
      %sub3A_2036 = arith.constant 1 : i32
      %sub3A_2037 = arith.subi %add3A_1984, %sub3A_2036 : i32
      %add3A_2038 = vector.broadcast %sub3A_2037 : i32 to vector<16xi32>
      %add3A_2039 = arith.addi %add3A_2038, %masked_cumsum3A_1932 : vector<16xi32>
      %shift_right_logical3A_2040 = arith.constant 7 : i32
      %shift_right_logical3A_2041 = vector.broadcast %shift_right_logical3A_2040 : i32 to vector<16xi32>
      %shift_right_logical3A_2042 = arith.shrui %add3A_2039, %shift_right_logical3A_2041 : vector<16xi32>
      %and3A_2043 = arith.constant 127 : i32
      %and3A_2044 = vector.broadcast %and3A_2043 : i32 to vector<16xi32>
      %and3A_2045 = arith.andi %add3A_2039, %and3A_2044 : vector<16xi32>
      tpu.vector_store_idx %arg18[%shift_right_logical3A_2042, %and3A_2045], %get3A_1921 masked %ne3A_1928 : memref<88x128xi32, #tpu.memory_space<vmem>>[vector<16xi32>, vector<16xi32>], vector<16xi32>, vector<16xi1>
      tpu.vector_store_idx %arg19[%shift_right_logical3A_2042, %and3A_2045], %gather3A_1925 masked %ne3A_1928 : memref<88x128xi32, #tpu.memory_space<vmem>>[vector<16xi32>, vector<16xi32>], vector<16xi32>, vector<16xi1>
      %sub3A_2046 = arith.constant 1 : i32
      %sub3A_2047 = arith.subi %add3A_1987, %sub3A_2046 : i32
      %add3A_2048 = vector.broadcast %sub3A_2047 : i32 to vector<16xi32>
      %add3A_2049 = arith.addi %add3A_2048, %masked_cumsum3A_1946 : vector<16xi32>
      %shift_right_logical3A_2050 = arith.constant 7 : i32
      %shift_right_logical3A_2051 = vector.broadcast %shift_right_logical3A_2050 : i32 to vector<16xi32>
      %shift_right_logical3A_2052 = arith.shrui %add3A_2049, %shift_right_logical3A_2051 : vector<16xi32>
      %and3A_2053 = arith.constant 127 : i32
      %and3A_2054 = vector.broadcast %and3A_2053 : i32 to vector<16xi32>
      %and3A_2055 = arith.andi %add3A_2049, %and3A_2054 : vector<16xi32>
      tpu.vector_store_idx %arg18[%shift_right_logical3A_2052, %and3A_2055], %get3A_1935 masked %ne3A_1942 : memref<88x128xi32, #tpu.memory_space<vmem>>[vector<16xi32>, vector<16xi32>], vector<16xi32>, vector<16xi1>
      tpu.vector_store_idx %arg19[%shift_right_logical3A_2052, %and3A_2055], %gather3A_1939 masked %ne3A_1942 : memref<88x128xi32, #tpu.memory_space<vmem>>[vector<16xi32>, vector<16xi32>], vector<16xi32>, vector<16xi1>
      %sub3A_2056 = arith.constant 1 : i32
      %sub3A_2057 = arith.subi %add3A_1990, %sub3A_2056 : i32
      %add3A_2058 = vector.broadcast %sub3A_2057 : i32 to vector<16xi32>
      %add3A_2059 = arith.addi %add3A_2058, %masked_cumsum3A_1960 : vector<16xi32>
      %shift_right_logical3A_2060 = arith.constant 7 : i32
      %shift_right_logical3A_2061 = vector.broadcast %shift_right_logical3A_2060 : i32 to vector<16xi32>
      %shift_right_logical3A_2062 = arith.shrui %add3A_2059, %shift_right_logical3A_2061 : vector<16xi32>
      %and3A_2063 = arith.constant 127 : i32
      %and3A_2064 = vector.broadcast %and3A_2063 : i32 to vector<16xi32>
      %and3A_2065 = arith.andi %add3A_2059, %and3A_2064 : vector<16xi32>
      tpu.vector_store_idx %arg18[%shift_right_logical3A_2062, %and3A_2065], %get3A_1949 masked %ne3A_1956 : memref<88x128xi32, #tpu.memory_space<vmem>>[vector<16xi32>, vector<16xi32>], vector<16xi32>, vector<16xi1>
      tpu.vector_store_idx %arg19[%shift_right_logical3A_2062, %and3A_2065], %gather3A_1953 masked %ne3A_1956 : memref<88x128xi32, #tpu.memory_space<vmem>>[vector<16xi32>, vector<16xi32>], vector<16xi32>, vector<16xi1>
      %sub3A_2066 = arith.constant 1 : i32
      %sub3A_2067 = arith.subi %add3A_1993, %sub3A_2066 : i32
      %add3A_2068 = vector.broadcast %sub3A_2067 : i32 to vector<16xi32>
      %add3A_2069 = arith.addi %add3A_2068, %masked_cumsum3A_1974 : vector<16xi32>
      %shift_right_logical3A_2070 = arith.constant 7 : i32
      %shift_right_logical3A_2071 = vector.broadcast %shift_right_logical3A_2070 : i32 to vector<16xi32>
      %shift_right_logical3A_2072 = arith.shrui %add3A_2069, %shift_right_logical3A_2071 : vector<16xi32>
      %and3A_2073 = arith.constant 127 : i32
      %and3A_2074 = vector.broadcast %and3A_2073 : i32 to vector<16xi32>
      %and3A_2075 = arith.andi %add3A_2069, %and3A_2074 : vector<16xi32>
      tpu.vector_store_idx %arg18[%shift_right_logical3A_2072, %and3A_2075], %get3A_1963 masked %ne3A_1970 : memref<88x128xi32, #tpu.memory_space<vmem>>[vector<16xi32>, vector<16xi32>], vector<16xi32>, vector<16xi1>
      tpu.vector_store_idx %arg19[%shift_right_logical3A_2072, %and3A_2075], %gather3A_1967 masked %ne3A_1970 : memref<88x128xi32, #tpu.memory_space<vmem>>[vector<16xi32>, vector<16xi32>], vector<16xi32>, vector<16xi1>
      scf.yield %add3A_1996 : i32
    }
    %scan3A_1516 = arith.constant 80 : i32
    %add3A_1517 = vector.broadcast %scan3A_1515 : i32 to vector<16xi32>
    %add3A_1518 = arith.addi %add3A_1517, %iota3A : vector<16xi32>
    %add3A_1519 = arith.constant 0 : i32
    %add3A_1520 = vector.broadcast %add3A_1519 : i32 to vector<16xi32>
    %add3A_1521 = arith.addi %add3A_1518, %add3A_1520 : vector<16xi32>
    %shift_right_logical3A = arith.constant 7 : i32
    %shift_right_logical3A_1522 = vector.broadcast %shift_right_logical3A : i32 to vector<16xi32>
    %shift_right_logical3A_1523 = arith.shrui %add3A_1521, %shift_right_logical3A_1522 : vector<16xi32>
    %and3A = arith.constant 127 : i32
    %and3A_1524 = vector.broadcast %and3A : i32 to vector<16xi32>
    %and3A_1525 = arith.andi %add3A_1521, %and3A_1524 : vector<16xi32>
    tpu.vector_store_idx %arg18[%shift_right_logical3A_1523, %and3A_1525], %broadcast_in_dim3A_632 : memref<88x128xi32, #tpu.memory_space<vmem>>[vector<16xi32>, vector<16xi32>], vector<16xi32>,
    tpu.vector_store_idx %arg19[%shift_right_logical3A_1523, %and3A_1525], %broadcast_in_dim3A_630 : memref<88x128xi32, #tpu.memory_space<vmem>>[vector<16xi32>, vector<16xi32>], vector<16xi32>,
    %add3A_1526 = vector.broadcast %scan3A_1515 : i32 to vector<16xi32>
    %add3A_1527 = arith.addi %add3A_1526, %iota3A : vector<16xi32>
    %add3A_1528 = arith.constant 16 : i32
    %add3A_1529 = vector.broadcast %add3A_1528 : i32 to vector<16xi32>
    %add3A_1530 = arith.addi %add3A_1527, %add3A_1529 : vector<16xi32>
    %shift_right_logical3A_1531 = arith.constant 7 : i32
    %shift_right_logical3A_1532 = vector.broadcast %shift_right_logical3A_1531 : i32 to vector<16xi32>
    %shift_right_logical3A_1533 = arith.shrui %add3A_1530, %shift_right_logical3A_1532 : vector<16xi32>
    %and3A_1534 = arith.constant 127 : i32
    %and3A_1535 = vector.broadcast %and3A_1534 : i32 to vector<16xi32>
    %and3A_1536 = arith.andi %add3A_1530, %and3A_1535 : vector<16xi32>
    tpu.vector_store_idx %arg18[%shift_right_logical3A_1533, %and3A_1536], %broadcast_in_dim3A_632 : memref<88x128xi32, #tpu.memory_space<vmem>>[vector<16xi32>, vector<16xi32>], vector<16xi32>,
    tpu.vector_store_idx %arg19[%shift_right_logical3A_1533, %and3A_1536], %broadcast_in_dim3A_630 : memref<88x128xi32, #tpu.memory_space<vmem>>[vector<16xi32>, vector<16xi32>], vector<16xi32>,
    %add3A_1537 = vector.broadcast %scan3A_1515 : i32 to vector<16xi32>
    %add3A_1538 = arith.addi %add3A_1537, %iota3A : vector<16xi32>
    %add3A_1539 = arith.constant 32 : i32
    %add3A_1540 = vector.broadcast %add3A_1539 : i32 to vector<16xi32>
    %add3A_1541 = arith.addi %add3A_1538, %add3A_1540 : vector<16xi32>
    %shift_right_logical3A_1542 = arith.constant 7 : i32
    %shift_right_logical3A_1543 = vector.broadcast %shift_right_logical3A_1542 : i32 to vector<16xi32>
    %shift_right_logical3A_1544 = arith.shrui %add3A_1541, %shift_right_logical3A_1543 : vector<16xi32>
    %and3A_1545 = arith.constant 127 : i32
    %and3A_1546 = vector.broadcast %and3A_1545 : i32 to vector<16xi32>
    %and3A_1547 = arith.andi %add3A_1541, %and3A_1546 : vector<16xi32>
    tpu.vector_store_idx %arg18[%shift_right_logical3A_1544, %and3A_1547], %broadcast_in_dim3A_632 : memref<88x128xi32, #tpu.memory_space<vmem>>[vector<16xi32>, vector<16xi32>], vector<16xi32>,
    tpu.vector_store_idx %arg19[%shift_right_logical3A_1544, %and3A_1547], %broadcast_in_dim3A_630 : memref<88x128xi32, #tpu.memory_space<vmem>>[vector<16xi32>, vector<16xi32>], vector<16xi32>,
    %add3A_1548 = vector.broadcast %scan3A_1515 : i32 to vector<16xi32>
    %add3A_1549 = arith.addi %add3A_1548, %iota3A : vector<16xi32>
    %add3A_1550 = arith.constant 48 : i32
    %add3A_1551 = vector.broadcast %add3A_1550 : i32 to vector<16xi32>
    %add3A_1552 = arith.addi %add3A_1549, %add3A_1551 : vector<16xi32>
    %shift_right_logical3A_1553 = arith.constant 7 : i32
    %shift_right_logical3A_1554 = vector.broadcast %shift_right_logical3A_1553 : i32 to vector<16xi32>
    %shift_right_logical3A_1555 = arith.shrui %add3A_1552, %shift_right_logical3A_1554 : vector<16xi32>
    %and3A_1556 = arith.constant 127 : i32
    %and3A_1557 = vector.broadcast %and3A_1556 : i32 to vector<16xi32>
    %and3A_1558 = arith.andi %add3A_1552, %and3A_1557 : vector<16xi32>
    tpu.vector_store_idx %arg18[%shift_right_logical3A_1555, %and3A_1558], %broadcast_in_dim3A_632 : memref<88x128xi32, #tpu.memory_space<vmem>>[vector<16xi32>, vector<16xi32>], vector<16xi32>,
    tpu.vector_store_idx %arg19[%shift_right_logical3A_1555, %and3A_1558], %broadcast_in_dim3A_630 : memref<88x128xi32, #tpu.memory_space<vmem>>[vector<16xi32>, vector<16xi32>], vector<16xi32>,
    %add3A_1559 = vector.broadcast %scan3A_1515 : i32 to vector<16xi32>
    %add3A_1560 = arith.addi %add3A_1559, %iota3A : vector<16xi32>
    %add3A_1561 = arith.constant 64 : i32
    %add3A_1562 = vector.broadcast %add3A_1561 : i32 to vector<16xi32>
    %add3A_1563 = arith.addi %add3A_1560, %add3A_1562 : vector<16xi32>
    %shift_right_logical3A_1564 = arith.constant 7 : i32
    %shift_right_logical3A_1565 = vector.broadcast %shift_right_logical3A_1564 : i32 to vector<16xi32>
    %shift_right_logical3A_1566 = arith.shrui %add3A_1563, %shift_right_logical3A_1565 : vector<16xi32>
    %and3A_1567 = arith.constant 127 : i32
    %and3A_1568 = vector.broadcast %and3A_1567 : i32 to vector<16xi32>
    %and3A_1569 = arith.andi %add3A_1563, %and3A_1568 : vector<16xi32>
    tpu.vector_store_idx %arg18[%shift_right_logical3A_1566, %and3A_1569], %broadcast_in_dim3A_632 : memref<88x128xi32, #tpu.memory_space<vmem>>[vector<16xi32>, vector<16xi32>], vector<16xi32>,
    tpu.vector_store_idx %arg19[%shift_right_logical3A_1566, %and3A_1569], %broadcast_in_dim3A_630 : memref<88x128xi32, #tpu.memory_space<vmem>>[vector<16xi32>, vector<16xi32>], vector<16xi32>,
    %add3A_1570 = vector.broadcast %scan3A_1515 : i32 to vector<16xi32>
    %add3A_1571 = arith.addi %add3A_1570, %iota3A : vector<16xi32>
    %add3A_1572 = arith.constant 80 : i32
    %add3A_1573 = vector.broadcast %add3A_1572 : i32 to vector<16xi32>
    %add3A_1574 = arith.addi %add3A_1571, %add3A_1573 : vector<16xi32>
    %shift_right_logical3A_1575 = arith.constant 7 : i32
    %shift_right_logical3A_1576 = vector.broadcast %shift_right_logical3A_1575 : i32 to vector<16xi32>
    %shift_right_logical3A_1577 = arith.shrui %add3A_1574, %shift_right_logical3A_1576 : vector<16xi32>
    %and3A_1578 = arith.constant 127 : i32
    %and3A_1579 = vector.broadcast %and3A_1578 : i32 to vector<16xi32>
    %and3A_1580 = arith.andi %add3A_1574, %and3A_1579 : vector<16xi32>
    tpu.vector_store_idx %arg18[%shift_right_logical3A_1577, %and3A_1580], %broadcast_in_dim3A_632 : memref<88x128xi32, #tpu.memory_space<vmem>>[vector<16xi32>, vector<16xi32>], vector<16xi32>,
    tpu.vector_store_idx %arg19[%shift_right_logical3A_1577, %and3A_1580], %broadcast_in_dim3A_630 : memref<88x128xi32, #tpu.memory_space<vmem>>[vector<16xi32>, vector<16xi32>], vector<16xi32>,
    %add3A_1581 = vector.broadcast %scan3A_1515 : i32 to vector<16xi32>
    %add3A_1582 = arith.addi %add3A_1581, %iota3A : vector<16xi32>
    %add3A_1583 = arith.constant 96 : i32
    %add3A_1584 = vector.broadcast %add3A_1583 : i32 to vector<16xi32>
    %add3A_1585 = arith.addi %add3A_1582, %add3A_1584 : vector<16xi32>
    %shift_right_logical3A_1586 = arith.constant 7 : i32
    %shift_right_logical3A_1587 = vector.broadcast %shift_right_logical3A_1586 : i32 to vector<16xi32>
    %shift_right_logical3A_1588 = arith.shrui %add3A_1585, %shift_right_logical3A_1587 : vector<16xi32>
    %and3A_1589 = arith.constant 127 : i32
    %and3A_1590 = vector.broadcast %and3A_1589 : i32 to vector<16xi32>
    %and3A_1591 = arith.andi %add3A_1585, %and3A_1590 : vector<16xi32>
    tpu.vector_store_idx %arg18[%shift_right_logical3A_1588, %and3A_1591], %broadcast_in_dim3A_632 : memref<88x128xi32, #tpu.memory_space<vmem>>[vector<16xi32>, vector<16xi32>], vector<16xi32>,
    tpu.vector_store_idx %arg19[%shift_right_logical3A_1588, %and3A_1591], %broadcast_in_dim3A_630 : memref<88x128xi32, #tpu.memory_space<vmem>>[vector<16xi32>, vector<16xi32>], vector<16xi32>,
    %add3A_1592 = vector.broadcast %scan3A_1515 : i32 to vector<16xi32>
    %add3A_1593 = arith.addi %add3A_1592, %iota3A : vector<16xi32>
    %add3A_1594 = arith.constant 112 : i32
    %add3A_1595 = vector.broadcast %add3A_1594 : i32 to vector<16xi32>
    %add3A_1596 = arith.addi %add3A_1593, %add3A_1595 : vector<16xi32>
    %shift_right_logical3A_1597 = arith.constant 7 : i32
    %shift_right_logical3A_1598 = vector.broadcast %shift_right_logical3A_1597 : i32 to vector<16xi32>
    %shift_right_logical3A_1599 = arith.shrui %add3A_1596, %shift_right_logical3A_1598 : vector<16xi32>
    %and3A_1600 = arith.constant 127 : i32
    %and3A_1601 = vector.broadcast %and3A_1600 : i32 to vector<16xi32>
    %and3A_1602 = arith.andi %add3A_1596, %and3A_1601 : vector<16xi32>
    tpu.vector_store_idx %arg18[%shift_right_logical3A_1599, %and3A_1602], %broadcast_in_dim3A_632 : memref<88x128xi32, #tpu.memory_space<vmem>>[vector<16xi32>, vector<16xi32>], vector<16xi32>,
    tpu.vector_store_idx %arg19[%shift_right_logical3A_1599, %and3A_1602], %broadcast_in_dim3A_630 : memref<88x128xi32, #tpu.memory_space<vmem>>[vector<16xi32>, vector<16xi32>], vector<16xi32>,
    %add3A_1603 = vector.broadcast %scan3A_1515 : i32 to vector<16xi32>
    %add3A_1604 = arith.addi %add3A_1603, %iota3A : vector<16xi32>
    %add3A_1605 = arith.constant 128 : i32
    %add3A_1606 = vector.broadcast %add3A_1605 : i32 to vector<16xi32>
    %add3A_1607 = arith.addi %add3A_1604, %add3A_1606 : vector<16xi32>
    %shift_right_logical3A_1608 = arith.constant 7 : i32
    %shift_right_logical3A_1609 = vector.broadcast %shift_right_logical3A_1608 : i32 to vector<16xi32>
    %shift_right_logical3A_1610 = arith.shrui %add3A_1607, %shift_right_logical3A_1609 : vector<16xi32>
    %and3A_1611 = arith.constant 127 : i32
    %and3A_1612 = vector.broadcast %and3A_1611 : i32 to vector<16xi32>
    %and3A_1613 = arith.andi %add3A_1607, %and3A_1612 : vector<16xi32>
    tpu.vector_store_idx %arg18[%shift_right_logical3A_1610, %and3A_1613], %broadcast_in_dim3A_632 : memref<88x128xi32, #tpu.memory_space<vmem>>[vector<16xi32>, vector<16xi32>], vector<16xi32>,
    tpu.vector_store_idx %arg19[%shift_right_logical3A_1610, %and3A_1613], %broadcast_in_dim3A_630 : memref<88x128xi32, #tpu.memory_space<vmem>>[vector<16xi32>, vector<16xi32>], vector<16xi32>,
    %add3A_1614 = vector.broadcast %scan3A_1515 : i32 to vector<16xi32>
    %add3A_1615 = arith.addi %add3A_1614, %iota3A : vector<16xi32>
    %add3A_1616 = arith.constant 144 : i32
    %add3A_1617 = vector.broadcast %add3A_1616 : i32 to vector<16xi32>
    %add3A_1618 = arith.addi %add3A_1615, %add3A_1617 : vector<16xi32>
    %shift_right_logical3A_1619 = arith.constant 7 : i32
    %shift_right_logical3A_1620 = vector.broadcast %shift_right_logical3A_1619 : i32 to vector<16xi32>
    %shift_right_logical3A_1621 = arith.shrui %add3A_1618, %shift_right_logical3A_1620 : vector<16xi32>
    %and3A_1622 = arith.constant 127 : i32
    %and3A_1623 = vector.broadcast %and3A_1622 : i32 to vector<16xi32>
    %and3A_1624 = arith.andi %add3A_1618, %and3A_1623 : vector<16xi32>
    tpu.vector_store_idx %arg18[%shift_right_logical3A_1621, %and3A_1624], %broadcast_in_dim3A_632 : memref<88x128xi32, #tpu.memory_space<vmem>>[vector<16xi32>, vector<16xi32>], vector<16xi32>,
    tpu.vector_store_idx %arg19[%shift_right_logical3A_1621, %and3A_1624], %broadcast_in_dim3A_630 : memref<88x128xi32, #tpu.memory_space<vmem>>[vector<16xi32>, vector<16xi32>], vector<16xi32>,
    %add3A_1625 = vector.broadcast %scan3A_1515 : i32 to vector<16xi32>
    %add3A_1626 = arith.addi %add3A_1625, %iota3A : vector<16xi32>
    %add3A_1627 = arith.constant 160 : i32
    %add3A_1628 = vector.broadcast %add3A_1627 : i32 to vector<16xi32>
    %add3A_1629 = arith.addi %add3A_1626, %add3A_1628 : vector<16xi32>
    %shift_right_logical3A_1630 = arith.constant 7 : i32
    %shift_right_logical3A_1631 = vector.broadcast %shift_right_logical3A_1630 : i32 to vector<16xi32>
    %shift_right_logical3A_1632 = arith.shrui %add3A_1629, %shift_right_logical3A_1631 : vector<16xi32>
    %and3A_1633 = arith.constant 127 : i32
    %and3A_1634 = vector.broadcast %and3A_1633 : i32 to vector<16xi32>
    %and3A_1635 = arith.andi %add3A_1629, %and3A_1634 : vector<16xi32>
    tpu.vector_store_idx %arg18[%shift_right_logical3A_1632, %and3A_1635], %broadcast_in_dim3A_632 : memref<88x128xi32, #tpu.memory_space<vmem>>[vector<16xi32>, vector<16xi32>], vector<16xi32>,
    tpu.vector_store_idx %arg19[%shift_right_logical3A_1632, %and3A_1635], %broadcast_in_dim3A_630 : memref<88x128xi32, #tpu.memory_space<vmem>>[vector<16xi32>, vector<16xi32>], vector<16xi32>,
    %add3A_1636 = vector.broadcast %scan3A_1515 : i32 to vector<16xi32>
    %add3A_1637 = arith.addi %add3A_1636, %iota3A : vector<16xi32>
    %add3A_1638 = arith.constant 176 : i32
    %add3A_1639 = vector.broadcast %add3A_1638 : i32 to vector<16xi32>
    %add3A_1640 = arith.addi %add3A_1637, %add3A_1639 : vector<16xi32>
    %shift_right_logical3A_1641 = arith.constant 7 : i32
    %shift_right_logical3A_1642 = vector.broadcast %shift_right_logical3A_1641 : i32 to vector<16xi32>
    %shift_right_logical3A_1643 = arith.shrui %add3A_1640, %shift_right_logical3A_1642 : vector<16xi32>
    %and3A_1644 = arith.constant 127 : i32
    %and3A_1645 = vector.broadcast %and3A_1644 : i32 to vector<16xi32>
    %and3A_1646 = arith.andi %add3A_1640, %and3A_1645 : vector<16xi32>
    tpu.vector_store_idx %arg18[%shift_right_logical3A_1643, %and3A_1646], %broadcast_in_dim3A_632 : memref<88x128xi32, #tpu.memory_space<vmem>>[vector<16xi32>, vector<16xi32>], vector<16xi32>,
    tpu.vector_store_idx %arg19[%shift_right_logical3A_1643, %and3A_1646], %broadcast_in_dim3A_630 : memref<88x128xi32, #tpu.memory_space<vmem>>[vector<16xi32>, vector<16xi32>], vector<16xi32>,
    %add3A_1647 = vector.broadcast %scan3A_1515 : i32 to vector<16xi32>
    %add3A_1648 = arith.addi %add3A_1647, %iota3A : vector<16xi32>
    %add3A_1649 = arith.constant 192 : i32
    %add3A_1650 = vector.broadcast %add3A_1649 : i32 to vector<16xi32>
    %add3A_1651 = arith.addi %add3A_1648, %add3A_1650 : vector<16xi32>
    %shift_right_logical3A_1652 = arith.constant 7 : i32
    %shift_right_logical3A_1653 = vector.broadcast %shift_right_logical3A_1652 : i32 to vector<16xi32>
    %shift_right_logical3A_1654 = arith.shrui %add3A_1651, %shift_right_logical3A_1653 : vector<16xi32>
    %and3A_1655 = arith.constant 127 : i32
    %and3A_1656 = vector.broadcast %and3A_1655 : i32 to vector<16xi32>
    %and3A_1657 = arith.andi %add3A_1651, %and3A_1656 : vector<16xi32>
    tpu.vector_store_idx %arg18[%shift_right_logical3A_1654, %and3A_1657], %broadcast_in_dim3A_632 : memref<88x128xi32, #tpu.memory_space<vmem>>[vector<16xi32>, vector<16xi32>], vector<16xi32>,
    tpu.vector_store_idx %arg19[%shift_right_logical3A_1654, %and3A_1657], %broadcast_in_dim3A_630 : memref<88x128xi32, #tpu.memory_space<vmem>>[vector<16xi32>, vector<16xi32>], vector<16xi32>,
    %add3A_1658 = vector.broadcast %scan3A_1515 : i32 to vector<16xi32>
    %add3A_1659 = arith.addi %add3A_1658, %iota3A : vector<16xi32>
    %add3A_1660 = arith.constant 208 : i32
    %add3A_1661 = vector.broadcast %add3A_1660 : i32 to vector<16xi32>
    %add3A_1662 = arith.addi %add3A_1659, %add3A_1661 : vector<16xi32>
    %shift_right_logical3A_1663 = arith.constant 7 : i32
    %shift_right_logical3A_1664 = vector.broadcast %shift_right_logical3A_1663 : i32 to vector<16xi32>
    %shift_right_logical3A_1665 = arith.shrui %add3A_1662, %shift_right_logical3A_1664 : vector<16xi32>
    %and3A_1666 = arith.constant 127 : i32
    %and3A_1667 = vector.broadcast %and3A_1666 : i32 to vector<16xi32>
    %and3A_1668 = arith.andi %add3A_1662, %and3A_1667 : vector<16xi32>
    tpu.vector_store_idx %arg18[%shift_right_logical3A_1665, %and3A_1668], %broadcast_in_dim3A_632 : memref<88x128xi32, #tpu.memory_space<vmem>>[vector<16xi32>, vector<16xi32>], vector<16xi32>,
    tpu.vector_store_idx %arg19[%shift_right_logical3A_1665, %and3A_1668], %broadcast_in_dim3A_630 : memref<88x128xi32, #tpu.memory_space<vmem>>[vector<16xi32>, vector<16xi32>], vector<16xi32>,
    %add3A_1669 = vector.broadcast %scan3A_1515 : i32 to vector<16xi32>
    %add3A_1670 = arith.addi %add3A_1669, %iota3A : vector<16xi32>
    %add3A_1671 = arith.constant 224 : i32
    %add3A_1672 = vector.broadcast %add3A_1671 : i32 to vector<16xi32>
    %add3A_1673 = arith.addi %add3A_1670, %add3A_1672 : vector<16xi32>
    %shift_right_logical3A_1674 = arith.constant 7 : i32
    %shift_right_logical3A_1675 = vector.broadcast %shift_right_logical3A_1674 : i32 to vector<16xi32>
    %shift_right_logical3A_1676 = arith.shrui %add3A_1673, %shift_right_logical3A_1675 : vector<16xi32>
    %and3A_1677 = arith.constant 127 : i32
    %and3A_1678 = vector.broadcast %and3A_1677 : i32 to vector<16xi32>
    %and3A_1679 = arith.andi %add3A_1673, %and3A_1678 : vector<16xi32>
    tpu.vector_store_idx %arg18[%shift_right_logical3A_1676, %and3A_1679], %broadcast_in_dim3A_632 : memref<88x128xi32, #tpu.memory_space<vmem>>[vector<16xi32>, vector<16xi32>], vector<16xi32>,
    tpu.vector_store_idx %arg19[%shift_right_logical3A_1676, %and3A_1679], %broadcast_in_dim3A_630 : memref<88x128xi32, #tpu.memory_space<vmem>>[vector<16xi32>, vector<16xi32>], vector<16xi32>,
    %add3A_1680 = vector.broadcast %scan3A_1515 : i32 to vector<16xi32>
    %add3A_1681 = arith.addi %add3A_1680, %iota3A : vector<16xi32>
    %add3A_1682 = arith.constant 240 : i32
    %add3A_1683 = vector.broadcast %add3A_1682 : i32 to vector<16xi32>
    %add3A_1684 = arith.addi %add3A_1681, %add3A_1683 : vector<16xi32>
    %shift_right_logical3A_1685 = arith.constant 7 : i32
    %shift_right_logical3A_1686 = vector.broadcast %shift_right_logical3A_1685 : i32 to vector<16xi32>
    %shift_right_logical3A_1687 = arith.shrui %add3A_1684, %shift_right_logical3A_1686 : vector<16xi32>
    %and3A_1688 = arith.constant 127 : i32
    %and3A_1689 = vector.broadcast %and3A_1688 : i32 to vector<16xi32>
    %and3A_1690 = arith.andi %add3A_1684, %and3A_1689 : vector<16xi32>
    tpu.vector_store_idx %arg18[%shift_right_logical3A_1687, %and3A_1690], %broadcast_in_dim3A_632 : memref<88x128xi32, #tpu.memory_space<vmem>>[vector<16xi32>, vector<16xi32>], vector<16xi32>,
    tpu.vector_store_idx %arg19[%shift_right_logical3A_1687, %and3A_1690], %broadcast_in_dim3A_630 : memref<88x128xi32, #tpu.memory_space<vmem>>[vector<16xi32>, vector<16xi32>], vector<16xi32>,
    %add3A_1691 = vector.broadcast %scan3A_1515 : i32 to vector<16xi32>
    %add3A_1692 = arith.addi %add3A_1691, %iota3A : vector<16xi32>
    %add3A_1693 = arith.constant 256 : i32
    %add3A_1694 = vector.broadcast %add3A_1693 : i32 to vector<16xi32>
    %add3A_1695 = arith.addi %add3A_1692, %add3A_1694 : vector<16xi32>
    %shift_right_logical3A_1696 = arith.constant 7 : i32
    %shift_right_logical3A_1697 = vector.broadcast %shift_right_logical3A_1696 : i32 to vector<16xi32>
    %shift_right_logical3A_1698 = arith.shrui %add3A_1695, %shift_right_logical3A_1697 : vector<16xi32>
    %and3A_1699 = arith.constant 127 : i32
    %and3A_1700 = vector.broadcast %and3A_1699 : i32 to vector<16xi32>
    %and3A_1701 = arith.andi %add3A_1695, %and3A_1700 : vector<16xi32>
    tpu.vector_store_idx %arg18[%shift_right_logical3A_1698, %and3A_1701], %broadcast_in_dim3A_632 : memref<88x128xi32, #tpu.memory_space<vmem>>[vector<16xi32>, vector<16xi32>], vector<16xi32>,
    tpu.vector_store_idx %arg19[%shift_right_logical3A_1698, %and3A_1701], %broadcast_in_dim3A_630 : memref<88x128xi32, #tpu.memory_space<vmem>>[vector<16xi32>, vector<16xi32>], vector<16xi32>,
    %add3A_1702 = vector.broadcast %scan3A_1515 : i32 to vector<16xi32>
    %add3A_1703 = arith.addi %add3A_1702, %iota3A : vector<16xi32>
    %add3A_1704 = arith.constant 272 : i32
    %add3A_1705 = vector.broadcast %add3A_1704 : i32 to vector<16xi32>
    %add3A_1706 = arith.addi %add3A_1703, %add3A_1705 : vector<16xi32>
    %shift_right_logical3A_1707 = arith.constant 7 : i32
    %shift_right_logical3A_1708 = vector.broadcast %shift_right_logical3A_1707 : i32 to vector<16xi32>
    %shift_right_logical3A_1709 = arith.shrui %add3A_1706, %shift_right_logical3A_1708 : vector<16xi32>
    %and3A_1710 = arith.constant 127 : i32
    %and3A_1711 = vector.broadcast %and3A_1710 : i32 to vector<16xi32>
    %and3A_1712 = arith.andi %add3A_1706, %and3A_1711 : vector<16xi32>
    tpu.vector_store_idx %arg18[%shift_right_logical3A_1709, %and3A_1712], %broadcast_in_dim3A_632 : memref<88x128xi32, #tpu.memory_space<vmem>>[vector<16xi32>, vector<16xi32>], vector<16xi32>,
    tpu.vector_store_idx %arg19[%shift_right_logical3A_1709, %and3A_1712], %broadcast_in_dim3A_630 : memref<88x128xi32, #tpu.memory_space<vmem>>[vector<16xi32>, vector<16xi32>], vector<16xi32>,
    %add3A_1713 = vector.broadcast %scan3A_1515 : i32 to vector<16xi32>
    %add3A_1714 = arith.addi %add3A_1713, %iota3A : vector<16xi32>
    %add3A_1715 = arith.constant 288 : i32
    %add3A_1716 = vector.broadcast %add3A_1715 : i32 to vector<16xi32>
    %add3A_1717 = arith.addi %add3A_1714, %add3A_1716 : vector<16xi32>
    %shift_right_logical3A_1718 = arith.constant 7 : i32
    %shift_right_logical3A_1719 = vector.broadcast %shift_right_logical3A_1718 : i32 to vector<16xi32>
    %shift_right_logical3A_1720 = arith.shrui %add3A_1717, %shift_right_logical3A_1719 : vector<16xi32>
    %and3A_1721 = arith.constant 127 : i32
    %and3A_1722 = vector.broadcast %and3A_1721 : i32 to vector<16xi32>
    %and3A_1723 = arith.andi %add3A_1717, %and3A_1722 : vector<16xi32>
    tpu.vector_store_idx %arg18[%shift_right_logical3A_1720, %and3A_1723], %broadcast_in_dim3A_632 : memref<88x128xi32, #tpu.memory_space<vmem>>[vector<16xi32>, vector<16xi32>], vector<16xi32>,
    tpu.vector_store_idx %arg19[%shift_right_logical3A_1720, %and3A_1723], %broadcast_in_dim3A_630 : memref<88x128xi32, #tpu.memory_space<vmem>>[vector<16xi32>, vector<16xi32>], vector<16xi32>,
    %add3A_1724 = vector.broadcast %scan3A_1515 : i32 to vector<16xi32>
    %add3A_1725 = arith.addi %add3A_1724, %iota3A : vector<16xi32>
    %add3A_1726 = arith.constant 304 : i32
    %add3A_1727 = vector.broadcast %add3A_1726 : i32 to vector<16xi32>
    %add3A_1728 = arith.addi %add3A_1725, %add3A_1727 : vector<16xi32>
    %shift_right_logical3A_1729 = arith.constant 7 : i32
    %shift_right_logical3A_1730 = vector.broadcast %shift_right_logical3A_1729 : i32 to vector<16xi32>
    %shift_right_logical3A_1731 = arith.shrui %add3A_1728, %shift_right_logical3A_1730 : vector<16xi32>
    %and3A_1732 = arith.constant 127 : i32
    %and3A_1733 = vector.broadcast %and3A_1732 : i32 to vector<16xi32>
    %and3A_1734 = arith.andi %add3A_1728, %and3A_1733 : vector<16xi32>
    tpu.vector_store_idx %arg18[%shift_right_logical3A_1731, %and3A_1734], %broadcast_in_dim3A_632 : memref<88x128xi32, #tpu.memory_space<vmem>>[vector<16xi32>, vector<16xi32>], vector<16xi32>,
    tpu.vector_store_idx %arg19[%shift_right_logical3A_1731, %and3A_1734], %broadcast_in_dim3A_630 : memref<88x128xi32, #tpu.memory_space<vmem>>[vector<16xi32>, vector<16xi32>], vector<16xi32>,
    %add3A_1735 = vector.broadcast %scan3A_1515 : i32 to vector<16xi32>
    %add3A_1736 = arith.addi %add3A_1735, %iota3A : vector<16xi32>
    %add3A_1737 = arith.constant 320 : i32
    %add3A_1738 = vector.broadcast %add3A_1737 : i32 to vector<16xi32>
    %add3A_1739 = arith.addi %add3A_1736, %add3A_1738 : vector<16xi32>
    %shift_right_logical3A_1740 = arith.constant 7 : i32
    %shift_right_logical3A_1741 = vector.broadcast %shift_right_logical3A_1740 : i32 to vector<16xi32>
    %shift_right_logical3A_1742 = arith.shrui %add3A_1739, %shift_right_logical3A_1741 : vector<16xi32>
    %and3A_1743 = arith.constant 127 : i32
    %and3A_1744 = vector.broadcast %and3A_1743 : i32 to vector<16xi32>
    %and3A_1745 = arith.andi %add3A_1739, %and3A_1744 : vector<16xi32>
    tpu.vector_store_idx %arg18[%shift_right_logical3A_1742, %and3A_1745], %broadcast_in_dim3A_632 : memref<88x128xi32, #tpu.memory_space<vmem>>[vector<16xi32>, vector<16xi32>], vector<16xi32>,
    tpu.vector_store_idx %arg19[%shift_right_logical3A_1742, %and3A_1745], %broadcast_in_dim3A_630 : memref<88x128xi32, #tpu.memory_space<vmem>>[vector<16xi32>, vector<16xi32>], vector<16xi32>,
    %add3A_1746 = vector.broadcast %scan3A_1515 : i32 to vector<16xi32>
    %add3A_1747 = arith.addi %add3A_1746, %iota3A : vector<16xi32>
    %add3A_1748 = arith.constant 336 : i32
    %add3A_1749 = vector.broadcast %add3A_1748 : i32 to vector<16xi32>
    %add3A_1750 = arith.addi %add3A_1747, %add3A_1749 : vector<16xi32>
    %shift_right_logical3A_1751 = arith.constant 7 : i32
    %shift_right_logical3A_1752 = vector.broadcast %shift_right_logical3A_1751 : i32 to vector<16xi32>
    %shift_right_logical3A_1753 = arith.shrui %add3A_1750, %shift_right_logical3A_1752 : vector<16xi32>
    %and3A_1754 = arith.constant 127 : i32
    %and3A_1755 = vector.broadcast %and3A_1754 : i32 to vector<16xi32>
    %and3A_1756 = arith.andi %add3A_1750, %and3A_1755 : vector<16xi32>
    tpu.vector_store_idx %arg18[%shift_right_logical3A_1753, %and3A_1756], %broadcast_in_dim3A_632 : memref<88x128xi32, #tpu.memory_space<vmem>>[vector<16xi32>, vector<16xi32>], vector<16xi32>,
    tpu.vector_store_idx %arg19[%shift_right_logical3A_1753, %and3A_1756], %broadcast_in_dim3A_630 : memref<88x128xi32, #tpu.memory_space<vmem>>[vector<16xi32>, vector<16xi32>], vector<16xi32>,
    %add3A_1757 = vector.broadcast %scan3A_1515 : i32 to vector<16xi32>
    %add3A_1758 = arith.addi %add3A_1757, %iota3A : vector<16xi32>
    %add3A_1759 = arith.constant 352 : i32
    %add3A_1760 = vector.broadcast %add3A_1759 : i32 to vector<16xi32>
    %add3A_1761 = arith.addi %add3A_1758, %add3A_1760 : vector<16xi32>
    %shift_right_logical3A_1762 = arith.constant 7 : i32
    %shift_right_logical3A_1763 = vector.broadcast %shift_right_logical3A_1762 : i32 to vector<16xi32>
    %shift_right_logical3A_1764 = arith.shrui %add3A_1761, %shift_right_logical3A_1763 : vector<16xi32>
    %and3A_1765 = arith.constant 127 : i32
    %and3A_1766 = vector.broadcast %and3A_1765 : i32 to vector<16xi32>
    %and3A_1767 = arith.andi %add3A_1761, %and3A_1766 : vector<16xi32>
    tpu.vector_store_idx %arg18[%shift_right_logical3A_1764, %and3A_1767], %broadcast_in_dim3A_632 : memref<88x128xi32, #tpu.memory_space<vmem>>[vector<16xi32>, vector<16xi32>], vector<16xi32>,
    tpu.vector_store_idx %arg19[%shift_right_logical3A_1764, %and3A_1767], %broadcast_in_dim3A_630 : memref<88x128xi32, #tpu.memory_space<vmem>>[vector<16xi32>, vector<16xi32>], vector<16xi32>,
    %add3A_1768 = vector.broadcast %scan3A_1515 : i32 to vector<16xi32>
    %add3A_1769 = arith.addi %add3A_1768, %iota3A : vector<16xi32>
    %add3A_1770 = arith.constant 368 : i32
    %add3A_1771 = vector.broadcast %add3A_1770 : i32 to vector<16xi32>
    %add3A_1772 = arith.addi %add3A_1769, %add3A_1771 : vector<16xi32>
    %shift_right_logical3A_1773 = arith.constant 7 : i32
    %shift_right_logical3A_1774 = vector.broadcast %shift_right_logical3A_1773 : i32 to vector<16xi32>
    %shift_right_logical3A_1775 = arith.shrui %add3A_1772, %shift_right_logical3A_1774 : vector<16xi32>
    %and3A_1776 = arith.constant 127 : i32
    %and3A_1777 = vector.broadcast %and3A_1776 : i32 to vector<16xi32>
    %and3A_1778 = arith.andi %add3A_1772, %and3A_1777 : vector<16xi32>
    tpu.vector_store_idx %arg18[%shift_right_logical3A_1775, %and3A_1778], %broadcast_in_dim3A_632 : memref<88x128xi32, #tpu.memory_space<vmem>>[vector<16xi32>, vector<16xi32>], vector<16xi32>,
    tpu.vector_store_idx %arg19[%shift_right_logical3A_1775, %and3A_1778], %broadcast_in_dim3A_630 : memref<88x128xi32, #tpu.memory_space<vmem>>[vector<16xi32>, vector<16xi32>], vector<16xi32>,
    %mul3A_1779 = arith.constant 48 : i32
    %mul3A_1780 = arith.muli %add3A, %mul3A_1779 : i32
    %multiple_of3A_1781 = tpu.assume_multiple %mul3A_1780, 8 : i32
    %add3A_1782 = arith.constant 0 : i32
    %add3A_1783 = arith.addi %multiple_of3A_1781, %add3A_1782 : i32
    %add3A_1784 = vector.broadcast %add3A_1783 : i32 to vector<16xi32>
    %add3A_1785 = arith.addi %iota3A, %add3A_1784 : vector<16xi32>
    %gather3A = tpu.vector_load_idx %arg16[%add3A_1785] : memref<1536xi32, #tpu.memory_space<vmem>>[vector<16xi32>], vector<16xi32>,
    %gather3A_1786 = tpu.vector_load_idx %arg17[%gather3A] : memref<10240xi32, #tpu.memory_space<vmem>>[vector<16xi32>], vector<16xi32>,
    %swap3A_1787 = arith.constant 0 : index
    %swap3A_1788 = tpu.vector_load %arg22[%swap3A_1787] {strides = array<i32>} : memref<48xi32, #tpu.memory_space<vmem>>, vector<16xi32>,
    tpu.vector_store %arg22[%swap3A_1787], %gather3A_1786 {strides = array<i32>} : memref<48xi32, #tpu.memory_space<vmem>>, vector<16xi32>,
    %add3A_1789 = arith.constant 16 : i32
    %add3A_1790 = arith.addi %multiple_of3A_1781, %add3A_1789 : i32
    %add3A_1791 = vector.broadcast %add3A_1790 : i32 to vector<16xi32>
    %add3A_1792 = arith.addi %iota3A, %add3A_1791 : vector<16xi32>
    %gather3A_1793 = tpu.vector_load_idx %arg16[%add3A_1792] : memref<1536xi32, #tpu.memory_space<vmem>>[vector<16xi32>], vector<16xi32>,
    %gather3A_1794 = tpu.vector_load_idx %arg17[%gather3A_1793] : memref<10240xi32, #tpu.memory_space<vmem>>[vector<16xi32>], vector<16xi32>,
    %swap3A_1795 = arith.constant 16 : index
    %swap3A_1796 = tpu.vector_load %arg22[%swap3A_1795] {strides = array<i32>} : memref<48xi32, #tpu.memory_space<vmem>>, vector<16xi32>,
    tpu.vector_store %arg22[%swap3A_1795], %gather3A_1794 {strides = array<i32>} : memref<48xi32, #tpu.memory_space<vmem>>, vector<16xi32>,
    %add3A_1797 = arith.constant 32 : i32
    %add3A_1798 = arith.addi %multiple_of3A_1781, %add3A_1797 : i32
    %add3A_1799 = vector.broadcast %add3A_1798 : i32 to vector<16xi32>
    %add3A_1800 = arith.addi %iota3A, %add3A_1799 : vector<16xi32>
    %gather3A_1801 = tpu.vector_load_idx %arg16[%add3A_1800] : memref<1536xi32, #tpu.memory_space<vmem>>[vector<16xi32>], vector<16xi32>,
    %gather3A_1802 = tpu.vector_load_idx %arg17[%gather3A_1801] : memref<10240xi32, #tpu.memory_space<vmem>>[vector<16xi32>], vector<16xi32>,
    %swap3A_1803 = arith.constant 32 : index
    %swap3A_1804 = tpu.vector_load %arg22[%swap3A_1803] {strides = array<i32>} : memref<48xi32, #tpu.memory_space<vmem>>, vector<16xi32>,
    tpu.vector_store %arg22[%swap3A_1803], %gather3A_1802 {strides = array<i32>} : memref<48xi32, #tpu.memory_space<vmem>>, vector<16xi32>,
    %dma_start3A_1805 = tpu.memref_slice %arg11[%multiple_of3A_1781] : memref<1536xi32, #tpu.memory_space<hbm>> -> memref<48xi32, #tpu.memory_space<hbm>>
    %dma_start3A_1806 = tpu.memref_slice %arg11[%multiple_of3A_1781] : memref<1536xi32, #tpu.memory_space<hbm>> -> memref<48xi32, #tpu.memory_space<hbm>>
    tpu.enqueue_dma source(%arg22 : memref<48xi32, #tpu.memory_space<vmem>>) target(%dma_start3A_1806 : memref<48xi32, #tpu.memory_space<hbm>>) target_semaphore(%arg32 : memref<!tpu.dma_semaphore, #tpu.memory_space<semaphore_mem>>)
    %barrier3A = arith.constant 0 : index
    tpu.barrier barrier_id(%barrier3A)
    %add3A_1807 = arith.constant 127 : i32
    %add3A_1808 = arith.addi %scan3A_1515, %add3A_1807 : i32
    %shift_right_logical3A_1809 = arith.constant 7 : i32
    %shift_right_logical3A_1810 = arith.shrui %add3A_1808, %shift_right_logical3A_1809 : i32
    %add3A_1811 = arith.constant 2 : i32
    %add3A_1812 = arith.addi %shift_right_logical3A_1810, %add3A_1811 : i32
    %div3A = arith.constant 3 : i32
    %div3A_1813 = arith.divsi %add3A_1812, %div3A : i32
    %max3A = arith.constant 1 : i32
    %max3A_1814 = arith.maxsi %div3A_1813, %max3A : i32
    %mul3A_1815 = arith.constant 3 : i32
    %mul3A_1816 = arith.muli %max3A_1814, %mul3A_1815 : i32
    %dma_start3A_1817 = arith.constant 0 : i32
    %dma_start3A_1818 = arith.constant 0 : i32
    %dma_start3A_1819 = tpu.memref_slice %arg18[%dma_start3A_1817, %dma_start3A_1818] : memref<88x128xi32, #tpu.memory_space<vmem>> -> memref<1x128xi32, #tpu.memory_space<vmem>>
    %dma_start3A_1820 = tpu.memref_squeeze %dma_start3A_1819 : memref<1x128xi32, #tpu.memory_space<vmem>> -> memref<128xi32, #tpu.memory_space<vmem>>
    %dma_start3A_1821 = arith.constant 0 : i32
    %dma_start3A_1822 = arith.constant 0 : i32
    %dma_start3A_1823 = tpu.memref_slice %arg2[%dma_start3A_1821, %dma_start3A_1822] : memref<10000x128xf32, #tpu.memory_space<hbm>> -> memref<10000x128xf32, #tpu.memory_space<hbm>>
    tpu.enqueue_indirect_dma source(%dma_start3A_1823 : memref<10000x128xf32, #tpu.memory_space<hbm>>) target(%arg23 : memref<128x128xf32, #tpu.memory_space<vmem>>) offsets(%dma_start3A_1820 : memref<128xi32, #tpu.memory_space<vmem>>) semaphore(%arg26 : memref<!tpu.dma_semaphore, #tpu.memory_space<semaphore_mem>>)
    %dma_start3A_1824 = arith.constant 1 : i32
    %dma_start3A_1825 = arith.constant 0 : i32
    %dma_start3A_1826 = tpu.memref_slice %arg18[%dma_start3A_1824, %dma_start3A_1825] : memref<88x128xi32, #tpu.memory_space<vmem>> -> memref<1x128xi32, #tpu.memory_space<vmem>>
    %dma_start3A_1827 = tpu.memref_squeeze %dma_start3A_1826 : memref<1x128xi32, #tpu.memory_space<vmem>> -> memref<128xi32, #tpu.memory_space<vmem>>
    %dma_start3A_1828 = arith.constant 0 : i32
    %dma_start3A_1829 = arith.constant 0 : i32
    %dma_start3A_1830 = tpu.memref_slice %arg2[%dma_start3A_1828, %dma_start3A_1829] : memref<10000x128xf32, #tpu.memory_space<hbm>> -> memref<10000x128xf32, #tpu.memory_space<hbm>>
    tpu.enqueue_indirect_dma source(%dma_start3A_1830 : memref<10000x128xf32, #tpu.memory_space<hbm>>) target(%arg24 : memref<128x128xf32, #tpu.memory_space<vmem>>) offsets(%dma_start3A_1827 : memref<128xi32, #tpu.memory_space<vmem>>) semaphore(%arg27 : memref<!tpu.dma_semaphore, #tpu.memory_space<semaphore_mem>>)
    %dma_start3A_1831 = arith.constant 2 : i32
    %dma_start3A_1832 = arith.constant 0 : i32
    %dma_start3A_1833 = tpu.memref_slice %arg18[%dma_start3A_1831, %dma_start3A_1832] : memref<88x128xi32, #tpu.memory_space<vmem>> -> memref<1x128xi32, #tpu.memory_space<vmem>>
    %dma_start3A_1834 = tpu.memref_squeeze %dma_start3A_1833 : memref<1x128xi32, #tpu.memory_space<vmem>> -> memref<128xi32, #tpu.memory_space<vmem>>
    %dma_start3A_1835 = arith.constant 0 : i32
    %dma_start3A_1836 = arith.constant 0 : i32
    %dma_start3A_1837 = tpu.memref_slice %arg2[%dma_start3A_1835, %dma_start3A_1836] : memref<10000x128xf32, #tpu.memory_space<hbm>> -> memref<10000x128xf32, #tpu.memory_space<hbm>>
    tpu.enqueue_indirect_dma source(%dma_start3A_1837 : memref<10000x128xf32, #tpu.memory_space<hbm>>) target(%arg25 : memref<128x128xf32, #tpu.memory_space<vmem>>) offsets(%dma_start3A_1834 : memref<128xi32, #tpu.memory_space<vmem>>) semaphore(%arg28 : memref<!tpu.dma_semaphore, #tpu.memory_space<semaphore_mem>>)
    %while3A = arith.constant 0 : i32
    %while3A_1838 = arith.constant 0 : i32
    %while3A_1839 = arith.subi %max3A_1814, %while3A : i32
    %while3A_1840 = arith.addi %while3A, %while3A_1839 : i32
    %while3A_1841 = arith.constant 1 : i32
    %while3A_1842 = arith.divsi %while3A_1839, %while3A_1841 : i32
    %while3A_1843 = arith.muli %while3A_1842, %while3A_1841 : i32
    %while3A_1844 = arith.addi %while3A, %while3A_1843 : i32
    %while3A_1845 = arith.constant 1 : i32
    %while3A_1846 = scf.for %while3A_1863 = %while3A to %while3A_1844 step %while3A_1845 iter_args(%while3A_1864 = %while3A_1838) -> (i32)  : i32 {
      %mul3A_1865 = arith.constant 3 : i32
      %mul3A_1866 = arith.muli %while3A_1863, %mul3A_1865 : i32
      %add3A_1867 = arith.constant 0 : i32
      %add3A_1868 = arith.addi %mul3A_1866, %add3A_1867 : i32
      %dma_wait3A_1869 = arith.constant 0 : i32
      %dma_wait3A_1870 = tpu.memref_slice %arg18[%add3A_1868, %dma_wait3A_1869] : memref<88x128xi32, #tpu.memory_space<vmem>> -> memref<1x128xi32, #tpu.memory_space<vmem>>
      %dma_wait3A_1871 = tpu.memref_squeeze %dma_wait3A_1870 : memref<1x128xi32, #tpu.memory_space<vmem>> -> memref<128xi32, #tpu.memory_space<vmem>>
      %dma_wait3A_1872 = arith.constant 0 : i32
      %dma_wait3A_1873 = arith.constant 0 : i32
      %dma_wait3A_1874 = tpu.memref_slice %arg2[%dma_wait3A_1872, %dma_wait3A_1873] : memref<10000x128xf32, #tpu.memory_space<hbm>> -> memref<10000x128xf32, #tpu.memory_space<hbm>>
      tpu.wait_indirect_dma semaphore(%arg26 : memref<!tpu.dma_semaphore, #tpu.memory_space<semaphore_mem>>) src(%dma_wait3A_1874 : memref<10000x128xf32, #tpu.memory_space<hbm>>) dst(%arg23 : memref<128x128xf32, #tpu.memory_space<vmem>>)
      %dma_start3A_1875 = arith.constant 0 : i32
      %dma_start3A_1876 = tpu.memref_slice %arg19[%add3A_1868, %dma_start3A_1875] : memref<88x128xi32, #tpu.memory_space<vmem>> -> memref<1x128xi32, #tpu.memory_space<vmem>>
      %dma_start3A_1877 = tpu.memref_squeeze %dma_start3A_1876 : memref<1x128xi32, #tpu.memory_space<vmem>> -> memref<128xi32, #tpu.memory_space<vmem>>
      %dma_start3A_1878 = arith.constant 0 : i32
      %dma_start3A_1879 = arith.constant 0 : i32
      %dma_start3A_1880 = tpu.memref_slice %arg12[%dma_start3A_1878, %dma_start3A_1879] : memref<1664x128xf32, #tpu.memory_space<vmem_shared>> -> memref<1664x128xf32, #tpu.memory_space<vmem_shared>>
      tpu.enqueue_indirect_dma source(%arg23 : memref<128x128xf32, #tpu.memory_space<vmem>>) target(%dma_start3A_1880 : memref<1664x128xf32, #tpu.memory_space<vmem_shared>>) offsets(%dma_start3A_1877 : memref<128xi32, #tpu.memory_space<vmem>>) semaphore(%arg29 : memref<!tpu.dma_semaphore, #tpu.memory_space<semaphore_mem>>) {add = true}
      %get3A_1881 = arith.index_cast %add3A_1868 : i32 to index
      %get3A_1882 = arith.constant 0 : index
      %get3A_1883 = tpu.vector_load %arg19[%get3A_1881, %get3A_1882] {strides = array<i32>} : memref<88x128xi32, #tpu.memory_space<vmem>>, vector<16xi32>,
      %broadcast_in_dim3A_1884 = arith.constant true
      %broadcast_in_dim3A_1885 = vector.broadcast %broadcast_in_dim3A_1884 : i1 to vector<16xi1>
      %unique3A_1886, %unique3A_1887 = tpu.scan_count mask(%broadcast_in_dim3A_1885 : vector<16xi1>) value(%get3A_1883 : vector<16xi32>) : vector<16xi1>, vector<16xi32>
      %shift_right_logical3A_1888 = arith.constant 7 : i32
      %shift_right_logical3A_1889 = vector.broadcast %shift_right_logical3A_1888 : i32 to vector<16xi32>
      %shift_right_logical3A_1890 = arith.shrui %get3A_1883, %shift_right_logical3A_1889 : vector<16xi32>
      %and3A_1891 = arith.constant 127 : i32
      %and3A_1892 = vector.broadcast %and3A_1891 : i32 to vector<16xi32>
      %and3A_1893 = arith.andi %get3A_1883, %and3A_1892 : vector<16xi32>
      %convert_element_type3A_1894 = arith.sitofp %unique3A_1887 : vector<16xi32> to vector<16xf32>
      tpu.vector_store_idx %arg20[%shift_right_logical3A_1890, %and3A_1893], %convert_element_type3A_1894 masked %unique3A_1886 {add = true} : memref<16x128xf32, #tpu.memory_space<vmem>>[vector<16xi32>, vector<16xi32>], vector<16xf32>, vector<16xi1>
      %get3A_1895 = arith.index_cast %add3A_1868 : i32 to index
      %get3A_1896 = arith.constant 16 : index
      %get3A_1897 = tpu.vector_load %arg19[%get3A_1895, %get3A_1896] {strides = array<i32>} : memref<88x128xi32, #tpu.memory_space<vmem>>, vector<16xi32>,
      %broadcast_in_dim3A_1898 = arith.constant true
      %broadcast_in_dim3A_1899 = vector.broadcast %broadcast_in_dim3A_1898 : i1 to vector<16xi1>
      %unique3A_1900, %unique3A_1901 = tpu.scan_count mask(%broadcast_in_dim3A_1899 : vector<16xi1>) value(%get3A_1897 : vector<16xi32>) : vector<16xi1>, vector<16xi32>
      %shift_right_logical3A_1902 = arith.constant 7 : i32
      %shift_right_logical3A_1903 = vector.broadcast %shift_right_logical3A_1902 : i32 to vector<16xi32>
      %shift_right_logical3A_1904 = arith.shrui %get3A_1897, %shift_right_logical3A_1903 : vector<16xi32>
      %and3A_1905 = arith.constant 127 : i32
      %and3A_1906 = vector.broadcast %and3A_1905 : i32 to vector<16xi32>
      %and3A_1907 = arith.andi %get3A_1897, %and3A_1906 : vector<16xi32>
      %convert_element_type3A_1908 = arith.sitofp %unique3A_1901 : vector<16xi32> to vector<16xf32>
      tpu.vector_store_idx %arg20[%shift_right_logical3A_1904, %and3A_1907], %convert_element_type3A_1908 masked %unique3A_1900 {add = true} : memref<16x128xf32, #tpu.memory_space<vmem>>[vector<16xi32>, vector<16xi32>], vector<16xf32>, vector<16xi1>
      %get3A_1909 = arith.index_cast %add3A_1868 : i32 to index
      %get3A_1910 = arith.constant 32 : index
      %get3A_1911 = tpu.vector_load %arg19[%get3A_1909, %get3A_1910] {strides = array<i32>} : memref<88x128xi32, #tpu.memory_space<vmem>>, vector<16xi32>,
      %broadcast_in_dim3A_1912 = arith.constant true
      %broadcast_in_dim3A_1913 = vector.broadcast %broadcast_in_dim3A_1912 : i1 to vector<16xi1>
      %unique3A_1914, %unique3A_1915 = tpu.scan_count mask(%broadcast_in_dim3A_1913 : vector<16xi1>) value(%get3A_1911 : vector<16xi32>) : vector<16xi1>, vector<16xi32>
      %shift_right_logical3A_1916 = arith.constant 7 : i32
      %shift_right_logical3A_1917 = vector.broadcast %shift_right_logical3A_1916 : i32 to vector<16xi32>
      %shift_right_logical3A_1918 = arith.shrui %get3A_1911, %shift_right_logical3A_1917 : vector<16xi32>
      %and3A_1919 = arith.constant 127 : i32
      %and3A_1920 = vector.broadcast %and3A_1919 : i32 to vector<16xi32>
      %and3A_1921 = arith.andi %get3A_1911, %and3A_1920 : vector<16xi32>
      %convert_element_type3A_1922 = arith.sitofp %unique3A_1915 : vector<16xi32> to vector<16xf32>
      tpu.vector_store_idx %arg20[%shift_right_logical3A_1918, %and3A_1921], %convert_element_type3A_1922 masked %unique3A_1914 {add = true} : memref<16x128xf32, #tpu.memory_space<vmem>>[vector<16xi32>, vector<16xi32>], vector<16xf32>, vector<16xi1>
      %get3A_1923 = arith.index_cast %add3A_1868 : i32 to index
      %get3A_1924 = arith.constant 48 : index
      %get3A_1925 = tpu.vector_load %arg19[%get3A_1923, %get3A_1924] {strides = array<i32>} : memref<88x128xi32, #tpu.memory_space<vmem>>, vector<16xi32>,
      %broadcast_in_dim3A_1926 = arith.constant true
      %broadcast_in_dim3A_1927 = vector.broadcast %broadcast_in_dim3A_1926 : i1 to vector<16xi1>
      %unique3A_1928, %unique3A_1929 = tpu.scan_count mask(%broadcast_in_dim3A_1927 : vector<16xi1>) value(%get3A_1925 : vector<16xi32>) : vector<16xi1>, vector<16xi32>
      %shift_right_logical3A_1930 = arith.constant 7 : i32
      %shift_right_logical3A_1931 = vector.broadcast %shift_right_logical3A_1930 : i32 to vector<16xi32>
      %shift_right_logical3A_1932 = arith.shrui %get3A_1925, %shift_right_logical3A_1931 : vector<16xi32>
      %and3A_1933 = arith.constant 127 : i32
      %and3A_1934 = vector.broadcast %and3A_1933 : i32 to vector<16xi32>
      %and3A_1935 = arith.andi %get3A_1925, %and3A_1934 : vector<16xi32>
      %convert_element_type3A_1936 = arith.sitofp %unique3A_1929 : vector<16xi32> to vector<16xf32>
      tpu.vector_store_idx %arg20[%shift_right_logical3A_1932, %and3A_1935], %convert_element_type3A_1936 masked %unique3A_1928 {add = true} : memref<16x128xf32, #tpu.memory_space<vmem>>[vector<16xi32>, vector<16xi32>], vector<16xf32>, vector<16xi1>
      %get3A_1937 = arith.index_cast %add3A_1868 : i32 to index
      %get3A_1938 = arith.constant 64 : index
      %get3A_1939 = tpu.vector_load %arg19[%get3A_1937, %get3A_1938] {strides = array<i32>} : memref<88x128xi32, #tpu.memory_space<vmem>>, vector<16xi32>,
      %broadcast_in_dim3A_1940 = arith.constant true
      %broadcast_in_dim3A_1941 = vector.broadcast %broadcast_in_dim3A_1940 : i1 to vector<16xi1>
      %unique3A_1942, %unique3A_1943 = tpu.scan_count mask(%broadcast_in_dim3A_1941 : vector<16xi1>) value(%get3A_1939 : vector<16xi32>) : vector<16xi1>, vector<16xi32>
      %shift_right_logical3A_1944 = arith.constant 7 : i32
      %shift_right_logical3A_1945 = vector.broadcast %shift_right_logical3A_1944 : i32 to vector<16xi32>
      %shift_right_logical3A_1946 = arith.shrui %get3A_1939, %shift_right_logical3A_1945 : vector<16xi32>
      %and3A_1947 = arith.constant 127 : i32
      %and3A_1948 = vector.broadcast %and3A_1947 : i32 to vector<16xi32>
      %and3A_1949 = arith.andi %get3A_1939, %and3A_1948 : vector<16xi32>
      %convert_element_type3A_1950 = arith.sitofp %unique3A_1943 : vector<16xi32> to vector<16xf32>
      tpu.vector_store_idx %arg20[%shift_right_logical3A_1946, %and3A_1949], %convert_element_type3A_1950 masked %unique3A_1942 {add = true} : memref<16x128xf32, #tpu.memory_space<vmem>>[vector<16xi32>, vector<16xi32>], vector<16xf32>, vector<16xi1>
      %get3A_1951 = arith.index_cast %add3A_1868 : i32 to index
      %get3A_1952 = arith.constant 80 : index
      %get3A_1953 = tpu.vector_load %arg19[%get3A_1951, %get3A_1952] {strides = array<i32>} : memref<88x128xi32, #tpu.memory_space<vmem>>, vector<16xi32>,
      %broadcast_in_dim3A_1954 = arith.constant true
      %broadcast_in_dim3A_1955 = vector.broadcast %broadcast_in_dim3A_1954 : i1 to vector<16xi1>
      %unique3A_1956, %unique3A_1957 = tpu.scan_count mask(%broadcast_in_dim3A_1955 : vector<16xi1>) value(%get3A_1953 : vector<16xi32>) : vector<16xi1>, vector<16xi32>
      %shift_right_logical3A_1958 = arith.constant 7 : i32
      %shift_right_logical3A_1959 = vector.broadcast %shift_right_logical3A_1958 : i32 to vector<16xi32>
      %shift_right_logical3A_1960 = arith.shrui %get3A_1953, %shift_right_logical3A_1959 : vector<16xi32>
      %and3A_1961 = arith.constant 127 : i32
      %and3A_1962 = vector.broadcast %and3A_1961 : i32 to vector<16xi32>
      %and3A_1963 = arith.andi %get3A_1953, %and3A_1962 : vector<16xi32>
      %convert_element_type3A_1964 = arith.sitofp %unique3A_1957 : vector<16xi32> to vector<16xf32>
      tpu.vector_store_idx %arg20[%shift_right_logical3A_1960, %and3A_1963], %convert_element_type3A_1964 masked %unique3A_1956 {add = true} : memref<16x128xf32, #tpu.memory_space<vmem>>[vector<16xi32>, vector<16xi32>], vector<16xf32>, vector<16xi1>
      %get3A_1965 = arith.index_cast %add3A_1868 : i32 to index
      %get3A_1966 = arith.constant 96 : index
      %get3A_1967 = tpu.vector_load %arg19[%get3A_1965, %get3A_1966] {strides = array<i32>} : memref<88x128xi32, #tpu.memory_space<vmem>>, vector<16xi32>,
      %broadcast_in_dim3A_1968 = arith.constant true
      %broadcast_in_dim3A_1969 = vector.broadcast %broadcast_in_dim3A_1968 : i1 to vector<16xi1>
      %unique3A_1970, %unique3A_1971 = tpu.scan_count mask(%broadcast_in_dim3A_1969 : vector<16xi1>) value(%get3A_1967 : vector<16xi32>) : vector<16xi1>, vector<16xi32>
      %shift_right_logical3A_1972 = arith.constant 7 : i32
      %shift_right_logical3A_1973 = vector.broadcast %shift_right_logical3A_1972 : i32 to vector<16xi32>
      %shift_right_logical3A_1974 = arith.shrui %get3A_1967, %shift_right_logical3A_1973 : vector<16xi32>
      %and3A_1975 = arith.constant 127 : i32
      %and3A_1976 = vector.broadcast %and3A_1975 : i32 to vector<16xi32>
      %and3A_1977 = arith.andi %get3A_1967, %and3A_1976 : vector<16xi32>
      %convert_element_type3A_1978 = arith.sitofp %unique3A_1971 : vector<16xi32> to vector<16xf32>
      tpu.vector_store_idx %arg20[%shift_right_logical3A_1974, %and3A_1977], %convert_element_type3A_1978 masked %unique3A_1970 {add = true} : memref<16x128xf32, #tpu.memory_space<vmem>>[vector<16xi32>, vector<16xi32>], vector<16xf32>, vector<16xi1>
      %get3A_1979 = arith.index_cast %add3A_1868 : i32 to index
      %get3A_1980 = arith.constant 112 : index
      %get3A_1981 = tpu.vector_load %arg19[%get3A_1979, %get3A_1980] {strides = array<i32>} : memref<88x128xi32, #tpu.memory_space<vmem>>, vector<16xi32>,
      %broadcast_in_dim3A_1982 = arith.constant true
      %broadcast_in_dim3A_1983 = vector.broadcast %broadcast_in_dim3A_1982 : i1 to vector<16xi1>
      %unique3A_1984, %unique3A_1985 = tpu.scan_count mask(%broadcast_in_dim3A_1983 : vector<16xi1>) value(%get3A_1981 : vector<16xi32>) : vector<16xi1>, vector<16xi32>
      %shift_right_logical3A_1986 = arith.constant 7 : i32
      %shift_right_logical3A_1987 = vector.broadcast %shift_right_logical3A_1986 : i32 to vector<16xi32>
      %shift_right_logical3A_1988 = arith.shrui %get3A_1981, %shift_right_logical3A_1987 : vector<16xi32>
      %and3A_1989 = arith.constant 127 : i32
      %and3A_1990 = vector.broadcast %and3A_1989 : i32 to vector<16xi32>
      %and3A_1991 = arith.andi %get3A_1981, %and3A_1990 : vector<16xi32>
      %convert_element_type3A_1992 = arith.sitofp %unique3A_1985 : vector<16xi32> to vector<16xf32>
      tpu.vector_store_idx %arg20[%shift_right_logical3A_1988, %and3A_1991], %convert_element_type3A_1992 masked %unique3A_1984 {add = true} : memref<16x128xf32, #tpu.memory_space<vmem>>[vector<16xi32>, vector<16xi32>], vector<16xf32>, vector<16xi1>
      %dma_wait3A_1993 = arith.constant 0 : i32
      %dma_wait3A_1994 = tpu.memref_slice %arg19[%add3A_1868, %dma_wait3A_1993] : memref<88x128xi32, #tpu.memory_space<vmem>> -> memref<1x128xi32, #tpu.memory_space<vmem>>
      %dma_wait3A_1995 = tpu.memref_squeeze %dma_wait3A_1994 : memref<1x128xi32, #tpu.memory_space<vmem>> -> memref<128xi32, #tpu.memory_space<vmem>>
      %dma_wait3A_1996 = arith.constant 0 : i32
      %dma_wait3A_1997 = arith.constant 0 : i32
      %dma_wait3A_1998 = tpu.memref_slice %arg12[%dma_wait3A_1996, %dma_wait3A_1997] : memref<1664x128xf32, #tpu.memory_space<vmem_shared>> -> memref<1664x128xf32, #tpu.memory_space<vmem_shared>>
      tpu.wait_indirect_dma semaphore(%arg29 : memref<!tpu.dma_semaphore, #tpu.memory_space<semaphore_mem>>) src(%arg23 : memref<128x128xf32, #tpu.memory_space<vmem>>) dst(%dma_wait3A_1998 : memref<1664x128xf32, #tpu.memory_space<vmem_shared>>)
      %add3A_1999 = arith.constant 3 : i32
      %add3A_2000 = arith.addi %add3A_1868, %add3A_1999 : i32
      %lt3A = arith.cmpi slt, %add3A_2000, %mul3A_1816 : i32
      %convert_element_type3A_2001 = arith.extui %lt3A : i1 to i32
      %cond3A_2002 = arith.constant 0 : i32
      %cond3A_2003 = arith.cmpi ne, %convert_element_type3A_2001, %cond3A_2002 : i32
      scf.if %cond3A_2003 {
        %dma_start3A_2285 = arith.constant 0 : i32
        %dma_start3A_2286 = tpu.memref_slice %arg18[%add3A_2000, %dma_start3A_2285] : memref<88x128xi32, #tpu.memory_space<vmem>> -> memref<1x128xi32, #tpu.memory_space<vmem>>
        %dma_start3A_2287 = tpu.memref_squeeze %dma_start3A_2286 : memref<1x128xi32, #tpu.memory_space<vmem>> -> memref<128xi32, #tpu.memory_space<vmem>>
        %dma_start3A_2288 = arith.constant 0 : i32
        %dma_start3A_2289 = arith.constant 0 : i32
        %dma_start3A_2290 = tpu.memref_slice %arg2[%dma_start3A_2288, %dma_start3A_2289] : memref<10000x128xf32, #tpu.memory_space<hbm>> -> memref<10000x128xf32, #tpu.memory_space<hbm>>
        tpu.enqueue_indirect_dma source(%dma_start3A_2290 : memref<10000x128xf32, #tpu.memory_space<hbm>>) target(%arg23 : memref<128x128xf32, #tpu.memory_space<vmem>>) offsets(%dma_start3A_2287 : memref<128xi32, #tpu.memory_space<vmem>>) semaphore(%arg26 : memref<!tpu.dma_semaphore, #tpu.memory_space<semaphore_mem>>)
      } else {
      }
      %mul3A_2004 = arith.constant 3 : i32
      %mul3A_2005 = arith.muli %while3A_1863, %mul3A_2004 : i32
      %add3A_2006 = arith.constant 1 : i32
      %add3A_2007 = arith.addi %mul3A_2005, %add3A_2006 : i32
      %dma_wait3A_2008 = arith.constant 0 : i32
      %dma_wait3A_2009 = tpu.memref_slice %arg18[%add3A_2007, %dma_wait3A_2008] : memref<88x128xi32, #tpu.memory_space<vmem>> -> memref<1x128xi32, #tpu.memory_space<vmem>>
      %dma_wait3A_2010 = tpu.memref_squeeze %dma_wait3A_2009 : memref<1x128xi32, #tpu.memory_space<vmem>> -> memref<128xi32, #tpu.memory_space<vmem>>
      %dma_wait3A_2011 = arith.constant 0 : i32
      %dma_wait3A_2012 = arith.constant 0 : i32
      %dma_wait3A_2013 = tpu.memref_slice %arg2[%dma_wait3A_2011, %dma_wait3A_2012] : memref<10000x128xf32, #tpu.memory_space<hbm>> -> memref<10000x128xf32, #tpu.memory_space<hbm>>
      tpu.wait_indirect_dma semaphore(%arg27 : memref<!tpu.dma_semaphore, #tpu.memory_space<semaphore_mem>>) src(%dma_wait3A_2013 : memref<10000x128xf32, #tpu.memory_space<hbm>>) dst(%arg24 : memref<128x128xf32, #tpu.memory_space<vmem>>)
      %dma_start3A_2014 = arith.constant 0 : i32
      %dma_start3A_2015 = tpu.memref_slice %arg19[%add3A_2007, %dma_start3A_2014] : memref<88x128xi32, #tpu.memory_space<vmem>> -> memref<1x128xi32, #tpu.memory_space<vmem>>
      %dma_start3A_2016 = tpu.memref_squeeze %dma_start3A_2015 : memref<1x128xi32, #tpu.memory_space<vmem>> -> memref<128xi32, #tpu.memory_space<vmem>>
      %dma_start3A_2017 = arith.constant 0 : i32
      %dma_start3A_2018 = arith.constant 0 : i32
      %dma_start3A_2019 = tpu.memref_slice %arg12[%dma_start3A_2017, %dma_start3A_2018] : memref<1664x128xf32, #tpu.memory_space<vmem_shared>> -> memref<1664x128xf32, #tpu.memory_space<vmem_shared>>
      tpu.enqueue_indirect_dma source(%arg24 : memref<128x128xf32, #tpu.memory_space<vmem>>) target(%dma_start3A_2019 : memref<1664x128xf32, #tpu.memory_space<vmem_shared>>) offsets(%dma_start3A_2016 : memref<128xi32, #tpu.memory_space<vmem>>) semaphore(%arg29 : memref<!tpu.dma_semaphore, #tpu.memory_space<semaphore_mem>>) {add = true}
      %get3A_2020 = arith.index_cast %add3A_2007 : i32 to index
      %get3A_2021 = arith.constant 0 : index
      %get3A_2022 = tpu.vector_load %arg19[%get3A_2020, %get3A_2021] {strides = array<i32>} : memref<88x128xi32, #tpu.memory_space<vmem>>, vector<16xi32>,
      %broadcast_in_dim3A_2023 = arith.constant true
      %broadcast_in_dim3A_2024 = vector.broadcast %broadcast_in_dim3A_2023 : i1 to vector<16xi1>
      %unique3A_2025, %unique3A_2026 = tpu.scan_count mask(%broadcast_in_dim3A_2024 : vector<16xi1>) value(%get3A_2022 : vector<16xi32>) : vector<16xi1>, vector<16xi32>
      %shift_right_logical3A_2027 = arith.constant 7 : i32
      %shift_right_logical3A_2028 = vector.broadcast %shift_right_logical3A_2027 : i32 to vector<16xi32>
      %shift_right_logical3A_2029 = arith.shrui %get3A_2022, %shift_right_logical3A_2028 : vector<16xi32>
      %and3A_2030 = arith.constant 127 : i32
      %and3A_2031 = vector.broadcast %and3A_2030 : i32 to vector<16xi32>
      %and3A_2032 = arith.andi %get3A_2022, %and3A_2031 : vector<16xi32>
      %convert_element_type3A_2033 = arith.sitofp %unique3A_2026 : vector<16xi32> to vector<16xf32>
      tpu.vector_store_idx %arg20[%shift_right_logical3A_2029, %and3A_2032], %convert_element_type3A_2033 masked %unique3A_2025 {add = true} : memref<16x128xf32, #tpu.memory_space<vmem>>[vector<16xi32>, vector<16xi32>], vector<16xf32>, vector<16xi1>
      %get3A_2034 = arith.index_cast %add3A_2007 : i32 to index
      %get3A_2035 = arith.constant 16 : index
      %get3A_2036 = tpu.vector_load %arg19[%get3A_2034, %get3A_2035] {strides = array<i32>} : memref<88x128xi32, #tpu.memory_space<vmem>>, vector<16xi32>,
      %broadcast_in_dim3A_2037 = arith.constant true
      %broadcast_in_dim3A_2038 = vector.broadcast %broadcast_in_dim3A_2037 : i1 to vector<16xi1>
      %unique3A_2039, %unique3A_2040 = tpu.scan_count mask(%broadcast_in_dim3A_2038 : vector<16xi1>) value(%get3A_2036 : vector<16xi32>) : vector<16xi1>, vector<16xi32>
      %shift_right_logical3A_2041 = arith.constant 7 : i32
      %shift_right_logical3A_2042 = vector.broadcast %shift_right_logical3A_2041 : i32 to vector<16xi32>
      %shift_right_logical3A_2043 = arith.shrui %get3A_2036, %shift_right_logical3A_2042 : vector<16xi32>
      %and3A_2044 = arith.constant 127 : i32
      %and3A_2045 = vector.broadcast %and3A_2044 : i32 to vector<16xi32>
      %and3A_2046 = arith.andi %get3A_2036, %and3A_2045 : vector<16xi32>
      %convert_element_type3A_2047 = arith.sitofp %unique3A_2040 : vector<16xi32> to vector<16xf32>
      tpu.vector_store_idx %arg20[%shift_right_logical3A_2043, %and3A_2046], %convert_element_type3A_2047 masked %unique3A_2039 {add = true} : memref<16x128xf32, #tpu.memory_space<vmem>>[vector<16xi32>, vector<16xi32>], vector<16xf32>, vector<16xi1>
      %get3A_2048 = arith.index_cast %add3A_2007 : i32 to index
      %get3A_2049 = arith.constant 32 : index
      %get3A_2050 = tpu.vector_load %arg19[%get3A_2048, %get3A_2049] {strides = array<i32>} : memref<88x128xi32, #tpu.memory_space<vmem>>, vector<16xi32>,
      %broadcast_in_dim3A_2051 = arith.constant true
      %broadcast_in_dim3A_2052 = vector.broadcast %broadcast_in_dim3A_2051 : i1 to vector<16xi1>
      %unique3A_2053, %unique3A_2054 = tpu.scan_count mask(%broadcast_in_dim3A_2052 : vector<16xi1>) value(%get3A_2050 : vector<16xi32>) : vector<16xi1>, vector<16xi32>
      %shift_right_logical3A_2055 = arith.constant 7 : i32
      %shift_right_logical3A_2056 = vector.broadcast %shift_right_logical3A_2055 : i32 to vector<16xi32>
      %shift_right_logical3A_2057 = arith.shrui %get3A_2050, %shift_right_logical3A_2056 : vector<16xi32>
      %and3A_2058 = arith.constant 127 : i32
      %and3A_2059 = vector.broadcast %and3A_2058 : i32 to vector<16xi32>
      %and3A_2060 = arith.andi %get3A_2050, %and3A_2059 : vector<16xi32>
      %convert_element_type3A_2061 = arith.sitofp %unique3A_2054 : vector<16xi32> to vector<16xf32>
      tpu.vector_store_idx %arg20[%shift_right_logical3A_2057, %and3A_2060], %convert_element_type3A_2061 masked %unique3A_2053 {add = true} : memref<16x128xf32, #tpu.memory_space<vmem>>[vector<16xi32>, vector<16xi32>], vector<16xf32>, vector<16xi1>
      %get3A_2062 = arith.index_cast %add3A_2007 : i32 to index
      %get3A_2063 = arith.constant 48 : index
      %get3A_2064 = tpu.vector_load %arg19[%get3A_2062, %get3A_2063] {strides = array<i32>} : memref<88x128xi32, #tpu.memory_space<vmem>>, vector<16xi32>,
      %broadcast_in_dim3A_2065 = arith.constant true
      %broadcast_in_dim3A_2066 = vector.broadcast %broadcast_in_dim3A_2065 : i1 to vector<16xi1>
      %unique3A_2067, %unique3A_2068 = tpu.scan_count mask(%broadcast_in_dim3A_2066 : vector<16xi1>) value(%get3A_2064 : vector<16xi32>) : vector<16xi1>, vector<16xi32>
      %shift_right_logical3A_2069 = arith.constant 7 : i32
      %shift_right_logical3A_2070 = vector.broadcast %shift_right_logical3A_2069 : i32 to vector<16xi32>
      %shift_right_logical3A_2071 = arith.shrui %get3A_2064, %shift_right_logical3A_2070 : vector<16xi32>
      %and3A_2072 = arith.constant 127 : i32
      %and3A_2073 = vector.broadcast %and3A_2072 : i32 to vector<16xi32>
      %and3A_2074 = arith.andi %get3A_2064, %and3A_2073 : vector<16xi32>
      %convert_element_type3A_2075 = arith.sitofp %unique3A_2068 : vector<16xi32> to vector<16xf32>
      tpu.vector_store_idx %arg20[%shift_right_logical3A_2071, %and3A_2074], %convert_element_type3A_2075 masked %unique3A_2067 {add = true} : memref<16x128xf32, #tpu.memory_space<vmem>>[vector<16xi32>, vector<16xi32>], vector<16xf32>, vector<16xi1>
      %get3A_2076 = arith.index_cast %add3A_2007 : i32 to index
      %get3A_2077 = arith.constant 64 : index
      %get3A_2078 = tpu.vector_load %arg19[%get3A_2076, %get3A_2077] {strides = array<i32>} : memref<88x128xi32, #tpu.memory_space<vmem>>, vector<16xi32>,
      %broadcast_in_dim3A_2079 = arith.constant true
      %broadcast_in_dim3A_2080 = vector.broadcast %broadcast_in_dim3A_2079 : i1 to vector<16xi1>
      %unique3A_2081, %unique3A_2082 = tpu.scan_count mask(%broadcast_in_dim3A_2080 : vector<16xi1>) value(%get3A_2078 : vector<16xi32>) : vector<16xi1>, vector<16xi32>
      %shift_right_logical3A_2083 = arith.constant 7 : i32
      %shift_right_logical3A_2084 = vector.broadcast %shift_right_logical3A_2083 : i32 to vector<16xi32>
      %shift_right_logical3A_2085 = arith.shrui %get3A_2078, %shift_right_logical3A_2084 : vector<16xi32>
      %and3A_2086 = arith.constant 127 : i32
      %and3A_2087 = vector.broadcast %and3A_2086 : i32 to vector<16xi32>
      %and3A_2088 = arith.andi %get3A_2078, %and3A_2087 : vector<16xi32>
      %convert_element_type3A_2089 = arith.sitofp %unique3A_2082 : vector<16xi32> to vector<16xf32>
      tpu.vector_store_idx %arg20[%shift_right_logical3A_2085, %and3A_2088], %convert_element_type3A_2089 masked %unique3A_2081 {add = true} : memref<16x128xf32, #tpu.memory_space<vmem>>[vector<16xi32>, vector<16xi32>], vector<16xf32>, vector<16xi1>
      %get3A_2090 = arith.index_cast %add3A_2007 : i32 to index
      %get3A_2091 = arith.constant 80 : index
      %get3A_2092 = tpu.vector_load %arg19[%get3A_2090, %get3A_2091] {strides = array<i32>} : memref<88x128xi32, #tpu.memory_space<vmem>>, vector<16xi32>,
      %broadcast_in_dim3A_2093 = arith.constant true
      %broadcast_in_dim3A_2094 = vector.broadcast %broadcast_in_dim3A_2093 : i1 to vector<16xi1>
      %unique3A_2095, %unique3A_2096 = tpu.scan_count mask(%broadcast_in_dim3A_2094 : vector<16xi1>) value(%get3A_2092 : vector<16xi32>) : vector<16xi1>, vector<16xi32>
      %shift_right_logical3A_2097 = arith.constant 7 : i32
      %shift_right_logical3A_2098 = vector.broadcast %shift_right_logical3A_2097 : i32 to vector<16xi32>
      %shift_right_logical3A_2099 = arith.shrui %get3A_2092, %shift_right_logical3A_2098 : vector<16xi32>
      %and3A_2100 = arith.constant 127 : i32
      %and3A_2101 = vector.broadcast %and3A_2100 : i32 to vector<16xi32>
      %and3A_2102 = arith.andi %get3A_2092, %and3A_2101 : vector<16xi32>
      %convert_element_type3A_2103 = arith.sitofp %unique3A_2096 : vector<16xi32> to vector<16xf32>
      tpu.vector_store_idx %arg20[%shift_right_logical3A_2099, %and3A_2102], %convert_element_type3A_2103 masked %unique3A_2095 {add = true} : memref<16x128xf32, #tpu.memory_space<vmem>>[vector<16xi32>, vector<16xi32>], vector<16xf32>, vector<16xi1>
      %get3A_2104 = arith.index_cast %add3A_2007 : i32 to index
      %get3A_2105 = arith.constant 96 : index
      %get3A_2106 = tpu.vector_load %arg19[%get3A_2104, %get3A_2105] {strides = array<i32>} : memref<88x128xi32, #tpu.memory_space<vmem>>, vector<16xi32>,
      %broadcast_in_dim3A_2107 = arith.constant true
      %broadcast_in_dim3A_2108 = vector.broadcast %broadcast_in_dim3A_2107 : i1 to vector<16xi1>
      %unique3A_2109, %unique3A_2110 = tpu.scan_count mask(%broadcast_in_dim3A_2108 : vector<16xi1>) value(%get3A_2106 : vector<16xi32>) : vector<16xi1>, vector<16xi32>
      %shift_right_logical3A_2111 = arith.constant 7 : i32
      %shift_right_logical3A_2112 = vector.broadcast %shift_right_logical3A_2111 : i32 to vector<16xi32>
      %shift_right_logical3A_2113 = arith.shrui %get3A_2106, %shift_right_logical3A_2112 : vector<16xi32>
      %and3A_2114 = arith.constant 127 : i32
      %and3A_2115 = vector.broadcast %and3A_2114 : i32 to vector<16xi32>
      %and3A_2116 = arith.andi %get3A_2106, %and3A_2115 : vector<16xi32>
      %convert_element_type3A_2117 = arith.sitofp %unique3A_2110 : vector<16xi32> to vector<16xf32>
      tpu.vector_store_idx %arg20[%shift_right_logical3A_2113, %and3A_2116], %convert_element_type3A_2117 masked %unique3A_2109 {add = true} : memref<16x128xf32, #tpu.memory_space<vmem>>[vector<16xi32>, vector<16xi32>], vector<16xf32>, vector<16xi1>
      %get3A_2118 = arith.index_cast %add3A_2007 : i32 to index
      %get3A_2119 = arith.constant 112 : index
      %get3A_2120 = tpu.vector_load %arg19[%get3A_2118, %get3A_2119] {strides = array<i32>} : memref<88x128xi32, #tpu.memory_space<vmem>>, vector<16xi32>,
      %broadcast_in_dim3A_2121 = arith.constant true
      %broadcast_in_dim3A_2122 = vector.broadcast %broadcast_in_dim3A_2121 : i1 to vector<16xi1>
      %unique3A_2123, %unique3A_2124 = tpu.scan_count mask(%broadcast_in_dim3A_2122 : vector<16xi1>) value(%get3A_2120 : vector<16xi32>) : vector<16xi1>, vector<16xi32>
      %shift_right_logical3A_2125 = arith.constant 7 : i32
      %shift_right_logical3A_2126 = vector.broadcast %shift_right_logical3A_2125 : i32 to vector<16xi32>
      %shift_right_logical3A_2127 = arith.shrui %get3A_2120, %shift_right_logical3A_2126 : vector<16xi32>
      %and3A_2128 = arith.constant 127 : i32
      %and3A_2129 = vector.broadcast %and3A_2128 : i32 to vector<16xi32>
      %and3A_2130 = arith.andi %get3A_2120, %and3A_2129 : vector<16xi32>
      %convert_element_type3A_2131 = arith.sitofp %unique3A_2124 : vector<16xi32> to vector<16xf32>
      tpu.vector_store_idx %arg20[%shift_right_logical3A_2127, %and3A_2130], %convert_element_type3A_2131 masked %unique3A_2123 {add = true} : memref<16x128xf32, #tpu.memory_space<vmem>>[vector<16xi32>, vector<16xi32>], vector<16xf32>, vector<16xi1>
      %dma_wait3A_2132 = arith.constant 0 : i32
      %dma_wait3A_2133 = tpu.memref_slice %arg19[%add3A_2007, %dma_wait3A_2132] : memref<88x128xi32, #tpu.memory_space<vmem>> -> memref<1x128xi32, #tpu.memory_space<vmem>>
      %dma_wait3A_2134 = tpu.memref_squeeze %dma_wait3A_2133 : memref<1x128xi32, #tpu.memory_space<vmem>> -> memref<128xi32, #tpu.memory_space<vmem>>
      %dma_wait3A_2135 = arith.constant 0 : i32
      %dma_wait3A_2136 = arith.constant 0 : i32
      %dma_wait3A_2137 = tpu.memref_slice %arg12[%dma_wait3A_2135, %dma_wait3A_2136] : memref<1664x128xf32, #tpu.memory_space<vmem_shared>> -> memref<1664x128xf32, #tpu.memory_space<vmem_shared>>
      tpu.wait_indirect_dma semaphore(%arg29 : memref<!tpu.dma_semaphore, #tpu.memory_space<semaphore_mem>>) src(%arg24 : memref<128x128xf32, #tpu.memory_space<vmem>>) dst(%dma_wait3A_2137 : memref<1664x128xf32, #tpu.memory_space<vmem_shared>>)
      %add3A_2138 = arith.constant 3 : i32
      %add3A_2139 = arith.addi %add3A_2007, %add3A_2138 : i32
      %lt3A_2140 = arith.cmpi slt, %add3A_2139, %mul3A_1816 : i32
      %convert_element_type3A_2141 = arith.extui %lt3A_2140 : i1 to i32
      %cond3A_2142 = arith.constant 0 : i32
      %cond3A_2143 = arith.cmpi ne, %convert_element_type3A_2141, %cond3A_2142 : i32
      scf.if %cond3A_2143 {
        %dma_start3A_2285 = arith.constant 0 : i32
        %dma_start3A_2286 = tpu.memref_slice %arg18[%add3A_2139, %dma_start3A_2285] : memref<88x128xi32, #tpu.memory_space<vmem>> -> memref<1x128xi32, #tpu.memory_space<vmem>>
        %dma_start3A_2287 = tpu.memref_squeeze %dma_start3A_2286 : memref<1x128xi32, #tpu.memory_space<vmem>> -> memref<128xi32, #tpu.memory_space<vmem>>
        %dma_start3A_2288 = arith.constant 0 : i32
        %dma_start3A_2289 = arith.constant 0 : i32
        %dma_start3A_2290 = tpu.memref_slice %arg2[%dma_start3A_2288, %dma_start3A_2289] : memref<10000x128xf32, #tpu.memory_space<hbm>> -> memref<10000x128xf32, #tpu.memory_space<hbm>>
        tpu.enqueue_indirect_dma source(%dma_start3A_2290 : memref<10000x128xf32, #tpu.memory_space<hbm>>) target(%arg24 : memref<128x128xf32, #tpu.memory_space<vmem>>) offsets(%dma_start3A_2287 : memref<128xi32, #tpu.memory_space<vmem>>) semaphore(%arg27 : memref<!tpu.dma_semaphore, #tpu.memory_space<semaphore_mem>>)
      } else {
      }
      %mul3A_2144 = arith.constant 3 : i32
      %mul3A_2145 = arith.muli %while3A_1863, %mul3A_2144 : i32
      %add3A_2146 = arith.constant 2 : i32
      %add3A_2147 = arith.addi %mul3A_2145, %add3A_2146 : i32
      %dma_wait3A_2148 = arith.constant 0 : i32
      %dma_wait3A_2149 = tpu.memref_slice %arg18[%add3A_2147, %dma_wait3A_2148] : memref<88x128xi32, #tpu.memory_space<vmem>> -> memref<1x128xi32, #tpu.memory_space<vmem>>
      %dma_wait3A_2150 = tpu.memref_squeeze %dma_wait3A_2149 : memref<1x128xi32, #tpu.memory_space<vmem>> -> memref<128xi32, #tpu.memory_space<vmem>>
      %dma_wait3A_2151 = arith.constant 0 : i32
      %dma_wait3A_2152 = arith.constant 0 : i32
      %dma_wait3A_2153 = tpu.memref_slice %arg2[%dma_wait3A_2151, %dma_wait3A_2152] : memref<10000x128xf32, #tpu.memory_space<hbm>> -> memref<10000x128xf32, #tpu.memory_space<hbm>>
      tpu.wait_indirect_dma semaphore(%arg28 : memref<!tpu.dma_semaphore, #tpu.memory_space<semaphore_mem>>) src(%dma_wait3A_2153 : memref<10000x128xf32, #tpu.memory_space<hbm>>) dst(%arg25 : memref<128x128xf32, #tpu.memory_space<vmem>>)
      %dma_start3A_2154 = arith.constant 0 : i32
      %dma_start3A_2155 = tpu.memref_slice %arg19[%add3A_2147, %dma_start3A_2154] : memref<88x128xi32, #tpu.memory_space<vmem>> -> memref<1x128xi32, #tpu.memory_space<vmem>>
      %dma_start3A_2156 = tpu.memref_squeeze %dma_start3A_2155 : memref<1x128xi32, #tpu.memory_space<vmem>> -> memref<128xi32, #tpu.memory_space<vmem>>
      %dma_start3A_2157 = arith.constant 0 : i32
      %dma_start3A_2158 = arith.constant 0 : i32
      %dma_start3A_2159 = tpu.memref_slice %arg12[%dma_start3A_2157, %dma_start3A_2158] : memref<1664x128xf32, #tpu.memory_space<vmem_shared>> -> memref<1664x128xf32, #tpu.memory_space<vmem_shared>>
      tpu.enqueue_indirect_dma source(%arg25 : memref<128x128xf32, #tpu.memory_space<vmem>>) target(%dma_start3A_2159 : memref<1664x128xf32, #tpu.memory_space<vmem_shared>>) offsets(%dma_start3A_2156 : memref<128xi32, #tpu.memory_space<vmem>>) semaphore(%arg29 : memref<!tpu.dma_semaphore, #tpu.memory_space<semaphore_mem>>) {add = true}
      %get3A_2160 = arith.index_cast %add3A_2147 : i32 to index
      %get3A_2161 = arith.constant 0 : index
      %get3A_2162 = tpu.vector_load %arg19[%get3A_2160, %get3A_2161] {strides = array<i32>} : memref<88x128xi32, #tpu.memory_space<vmem>>, vector<16xi32>,
      %broadcast_in_dim3A_2163 = arith.constant true
      %broadcast_in_dim3A_2164 = vector.broadcast %broadcast_in_dim3A_2163 : i1 to vector<16xi1>
      %unique3A_2165, %unique3A_2166 = tpu.scan_count mask(%broadcast_in_dim3A_2164 : vector<16xi1>) value(%get3A_2162 : vector<16xi32>) : vector<16xi1>, vector<16xi32>
      %shift_right_logical3A_2167 = arith.constant 7 : i32
      %shift_right_logical3A_2168 = vector.broadcast %shift_right_logical3A_2167 : i32 to vector<16xi32>
      %shift_right_logical3A_2169 = arith.shrui %get3A_2162, %shift_right_logical3A_2168 : vector<16xi32>
      %and3A_2170 = arith.constant 127 : i32
      %and3A_2171 = vector.broadcast %and3A_2170 : i32 to vector<16xi32>
      %and3A_2172 = arith.andi %get3A_2162, %and3A_2171 : vector<16xi32>
      %convert_element_type3A_2173 = arith.sitofp %unique3A_2166 : vector<16xi32> to vector<16xf32>
      tpu.vector_store_idx %arg20[%shift_right_logical3A_2169, %and3A_2172], %convert_element_type3A_2173 masked %unique3A_2165 {add = true} : memref<16x128xf32, #tpu.memory_space<vmem>>[vector<16xi32>, vector<16xi32>], vector<16xf32>, vector<16xi1>
      %get3A_2174 = arith.index_cast %add3A_2147 : i32 to index
      %get3A_2175 = arith.constant 16 : index
      %get3A_2176 = tpu.vector_load %arg19[%get3A_2174, %get3A_2175] {strides = array<i32>} : memref<88x128xi32, #tpu.memory_space<vmem>>, vector<16xi32>,
      %broadcast_in_dim3A_2177 = arith.constant true
      %broadcast_in_dim3A_2178 = vector.broadcast %broadcast_in_dim3A_2177 : i1 to vector<16xi1>
      %unique3A_2179, %unique3A_2180 = tpu.scan_count mask(%broadcast_in_dim3A_2178 : vector<16xi1>) value(%get3A_2176 : vector<16xi32>) : vector<16xi1>, vector<16xi32>
      %shift_right_logical3A_2181 = arith.constant 7 : i32
      %shift_right_logical3A_2182 = vector.broadcast %shift_right_logical3A_2181 : i32 to vector<16xi32>
      %shift_right_logical3A_2183 = arith.shrui %get3A_2176, %shift_right_logical3A_2182 : vector<16xi32>
      %and3A_2184 = arith.constant 127 : i32
      %and3A_2185 = vector.broadcast %and3A_2184 : i32 to vector<16xi32>
      %and3A_2186 = arith.andi %get3A_2176, %and3A_2185 : vector<16xi32>
      %convert_element_type3A_2187 = arith.sitofp %unique3A_2180 : vector<16xi32> to vector<16xf32>
      tpu.vector_store_idx %arg20[%shift_right_logical3A_2183, %and3A_2186], %convert_element_type3A_2187 masked %unique3A_2179 {add = true} : memref<16x128xf32, #tpu.memory_space<vmem>>[vector<16xi32>, vector<16xi32>], vector<16xf32>, vector<16xi1>
      %get3A_2188 = arith.index_cast %add3A_2147 : i32 to index
      %get3A_2189 = arith.constant 32 : index
      %get3A_2190 = tpu.vector_load %arg19[%get3A_2188, %get3A_2189] {strides = array<i32>} : memref<88x128xi32, #tpu.memory_space<vmem>>, vector<16xi32>,
      %broadcast_in_dim3A_2191 = arith.constant true
      %broadcast_in_dim3A_2192 = vector.broadcast %broadcast_in_dim3A_2191 : i1 to vector<16xi1>
      %unique3A_2193, %unique3A_2194 = tpu.scan_count mask(%broadcast_in_dim3A_2192 : vector<16xi1>) value(%get3A_2190 : vector<16xi32>) : vector<16xi1>, vector<16xi32>
      %shift_right_logical3A_2195 = arith.constant 7 : i32
      %shift_right_logical3A_2196 = vector.broadcast %shift_right_logical3A_2195 : i32 to vector<16xi32>
      %shift_right_logical3A_2197 = arith.shrui %get3A_2190, %shift_right_logical3A_2196 : vector<16xi32>
      %and3A_2198 = arith.constant 127 : i32
      %and3A_2199 = vector.broadcast %and3A_2198 : i32 to vector<16xi32>
      %and3A_2200 = arith.andi %get3A_2190, %and3A_2199 : vector<16xi32>
      %convert_element_type3A_2201 = arith.sitofp %unique3A_2194 : vector<16xi32> to vector<16xf32>
      tpu.vector_store_idx %arg20[%shift_right_logical3A_2197, %and3A_2200], %convert_element_type3A_2201 masked %unique3A_2193 {add = true} : memref<16x128xf32, #tpu.memory_space<vmem>>[vector<16xi32>, vector<16xi32>], vector<16xf32>, vector<16xi1>
      %get3A_2202 = arith.index_cast %add3A_2147 : i32 to index
      %get3A_2203 = arith.constant 48 : index
      %get3A_2204 = tpu.vector_load %arg19[%get3A_2202, %get3A_2203] {strides = array<i32>} : memref<88x128xi32, #tpu.memory_space<vmem>>, vector<16xi32>,
      %broadcast_in_dim3A_2205 = arith.constant true
      %broadcast_in_dim3A_2206 = vector.broadcast %broadcast_in_dim3A_2205 : i1 to vector<16xi1>
      %unique3A_2207, %unique3A_2208 = tpu.scan_count mask(%broadcast_in_dim3A_2206 : vector<16xi1>) value(%get3A_2204 : vector<16xi32>) : vector<16xi1>, vector<16xi32>
      %shift_right_logical3A_2209 = arith.constant 7 : i32
      %shift_right_logical3A_2210 = vector.broadcast %shift_right_logical3A_2209 : i32 to vector<16xi32>
      %shift_right_logical3A_2211 = arith.shrui %get3A_2204, %shift_right_logical3A_2210 : vector<16xi32>
      %and3A_2212 = arith.constant 127 : i32
      %and3A_2213 = vector.broadcast %and3A_2212 : i32 to vector<16xi32>
      %and3A_2214 = arith.andi %get3A_2204, %and3A_2213 : vector<16xi32>
      %convert_element_type3A_2215 = arith.sitofp %unique3A_2208 : vector<16xi32> to vector<16xf32>
      tpu.vector_store_idx %arg20[%shift_right_logical3A_2211, %and3A_2214], %convert_element_type3A_2215 masked %unique3A_2207 {add = true} : memref<16x128xf32, #tpu.memory_space<vmem>>[vector<16xi32>, vector<16xi32>], vector<16xf32>, vector<16xi1>
      %get3A_2216 = arith.index_cast %add3A_2147 : i32 to index
      %get3A_2217 = arith.constant 64 : index
      %get3A_2218 = tpu.vector_load %arg19[%get3A_2216, %get3A_2217] {strides = array<i32>} : memref<88x128xi32, #tpu.memory_space<vmem>>, vector<16xi32>,
      %broadcast_in_dim3A_2219 = arith.constant true
      %broadcast_in_dim3A_2220 = vector.broadcast %broadcast_in_dim3A_2219 : i1 to vector<16xi1>
      %unique3A_2221, %unique3A_2222 = tpu.scan_count mask(%broadcast_in_dim3A_2220 : vector<16xi1>) value(%get3A_2218 : vector<16xi32>) : vector<16xi1>, vector<16xi32>
      %shift_right_logical3A_2223 = arith.constant 7 : i32
      %shift_right_logical3A_2224 = vector.broadcast %shift_right_logical3A_2223 : i32 to vector<16xi32>
      %shift_right_logical3A_2225 = arith.shrui %get3A_2218, %shift_right_logical3A_2224 : vector<16xi32>
      %and3A_2226 = arith.constant 127 : i32
      %and3A_2227 = vector.broadcast %and3A_2226 : i32 to vector<16xi32>
      %and3A_2228 = arith.andi %get3A_2218, %and3A_2227 : vector<16xi32>
      %convert_element_type3A_2229 = arith.sitofp %unique3A_2222 : vector<16xi32> to vector<16xf32>
      tpu.vector_store_idx %arg20[%shift_right_logical3A_2225, %and3A_2228], %convert_element_type3A_2229 masked %unique3A_2221 {add = true} : memref<16x128xf32, #tpu.memory_space<vmem>>[vector<16xi32>, vector<16xi32>], vector<16xf32>, vector<16xi1>
      %get3A_2230 = arith.index_cast %add3A_2147 : i32 to index
      %get3A_2231 = arith.constant 80 : index
      %get3A_2232 = tpu.vector_load %arg19[%get3A_2230, %get3A_2231] {strides = array<i32>} : memref<88x128xi32, #tpu.memory_space<vmem>>, vector<16xi32>,
      %broadcast_in_dim3A_2233 = arith.constant true
      %broadcast_in_dim3A_2234 = vector.broadcast %broadcast_in_dim3A_2233 : i1 to vector<16xi1>
      %unique3A_2235, %unique3A_2236 = tpu.scan_count mask(%broadcast_in_dim3A_2234 : vector<16xi1>) value(%get3A_2232 : vector<16xi32>) : vector<16xi1>, vector<16xi32>
      %shift_right_logical3A_2237 = arith.constant 7 : i32
      %shift_right_logical3A_2238 = vector.broadcast %shift_right_logical3A_2237 : i32 to vector<16xi32>
      %shift_right_logical3A_2239 = arith.shrui %get3A_2232, %shift_right_logical3A_2238 : vector<16xi32>
      %and3A_2240 = arith.constant 127 : i32
      %and3A_2241 = vector.broadcast %and3A_2240 : i32 to vector<16xi32>
      %and3A_2242 = arith.andi %get3A_2232, %and3A_2241 : vector<16xi32>
      %convert_element_type3A_2243 = arith.sitofp %unique3A_2236 : vector<16xi32> to vector<16xf32>
      tpu.vector_store_idx %arg20[%shift_right_logical3A_2239, %and3A_2242], %convert_element_type3A_2243 masked %unique3A_2235 {add = true} : memref<16x128xf32, #tpu.memory_space<vmem>>[vector<16xi32>, vector<16xi32>], vector<16xf32>, vector<16xi1>
      %get3A_2244 = arith.index_cast %add3A_2147 : i32 to index
      %get3A_2245 = arith.constant 96 : index
      %get3A_2246 = tpu.vector_load %arg19[%get3A_2244, %get3A_2245] {strides = array<i32>} : memref<88x128xi32, #tpu.memory_space<vmem>>, vector<16xi32>,
      %broadcast_in_dim3A_2247 = arith.constant true
      %broadcast_in_dim3A_2248 = vector.broadcast %broadcast_in_dim3A_2247 : i1 to vector<16xi1>
      %unique3A_2249, %unique3A_2250 = tpu.scan_count mask(%broadcast_in_dim3A_2248 : vector<16xi1>) value(%get3A_2246 : vector<16xi32>) : vector<16xi1>, vector<16xi32>
      %shift_right_logical3A_2251 = arith.constant 7 : i32
      %shift_right_logical3A_2252 = vector.broadcast %shift_right_logical3A_2251 : i32 to vector<16xi32>
      %shift_right_logical3A_2253 = arith.shrui %get3A_2246, %shift_right_logical3A_2252 : vector<16xi32>
      %and3A_2254 = arith.constant 127 : i32
      %and3A_2255 = vector.broadcast %and3A_2254 : i32 to vector<16xi32>
      %and3A_2256 = arith.andi %get3A_2246, %and3A_2255 : vector<16xi32>
      %convert_element_type3A_2257 = arith.sitofp %unique3A_2250 : vector<16xi32> to vector<16xf32>
      tpu.vector_store_idx %arg20[%shift_right_logical3A_2253, %and3A_2256], %convert_element_type3A_2257 masked %unique3A_2249 {add = true} : memref<16x128xf32, #tpu.memory_space<vmem>>[vector<16xi32>, vector<16xi32>], vector<16xf32>, vector<16xi1>
      %get3A_2258 = arith.index_cast %add3A_2147 : i32 to index
      %get3A_2259 = arith.constant 112 : index
      %get3A_2260 = tpu.vector_load %arg19[%get3A_2258, %get3A_2259] {strides = array<i32>} : memref<88x128xi32, #tpu.memory_space<vmem>>, vector<16xi32>,
      %broadcast_in_dim3A_2261 = arith.constant true
      %broadcast_in_dim3A_2262 = vector.broadcast %broadcast_in_dim3A_2261 : i1 to vector<16xi1>
      %unique3A_2263, %unique3A_2264 = tpu.scan_count mask(%broadcast_in_dim3A_2262 : vector<16xi1>) value(%get3A_2260 : vector<16xi32>) : vector<16xi1>, vector<16xi32>
      %shift_right_logical3A_2265 = arith.constant 7 : i32
      %shift_right_logical3A_2266 = vector.broadcast %shift_right_logical3A_2265 : i32 to vector<16xi32>
      %shift_right_logical3A_2267 = arith.shrui %get3A_2260, %shift_right_logical3A_2266 : vector<16xi32>
      %and3A_2268 = arith.constant 127 : i32
      %and3A_2269 = vector.broadcast %and3A_2268 : i32 to vector<16xi32>
      %and3A_2270 = arith.andi %get3A_2260, %and3A_2269 : vector<16xi32>
      %convert_element_type3A_2271 = arith.sitofp %unique3A_2264 : vector<16xi32> to vector<16xf32>
      tpu.vector_store_idx %arg20[%shift_right_logical3A_2267, %and3A_2270], %convert_element_type3A_2271 masked %unique3A_2263 {add = true} : memref<16x128xf32, #tpu.memory_space<vmem>>[vector<16xi32>, vector<16xi32>], vector<16xf32>, vector<16xi1>
      %dma_wait3A_2272 = arith.constant 0 : i32
      %dma_wait3A_2273 = tpu.memref_slice %arg19[%add3A_2147, %dma_wait3A_2272] : memref<88x128xi32, #tpu.memory_space<vmem>> -> memref<1x128xi32, #tpu.memory_space<vmem>>
      %dma_wait3A_2274 = tpu.memref_squeeze %dma_wait3A_2273 : memref<1x128xi32, #tpu.memory_space<vmem>> -> memref<128xi32, #tpu.memory_space<vmem>>
      %dma_wait3A_2275 = arith.constant 0 : i32
      %dma_wait3A_2276 = arith.constant 0 : i32
      %dma_wait3A_2277 = tpu.memref_slice %arg12[%dma_wait3A_2275, %dma_wait3A_2276] : memref<1664x128xf32, #tpu.memory_space<vmem_shared>> -> memref<1664x128xf32, #tpu.memory_space<vmem_shared>>
      tpu.wait_indirect_dma semaphore(%arg29 : memref<!tpu.dma_semaphore, #tpu.memory_space<semaphore_mem>>) src(%arg25 : memref<128x128xf32, #tpu.memory_space<vmem>>) dst(%dma_wait3A_2277 : memref<1664x128xf32, #tpu.memory_space<vmem_shared>>)
      %add3A_2278 = arith.constant 3 : i32
      %add3A_2279 = arith.addi %add3A_2147, %add3A_2278 : i32
      %lt3A_2280 = arith.cmpi slt, %add3A_2279, %mul3A_1816 : i32
      %convert_element_type3A_2281 = arith.extui %lt3A_2280 : i1 to i32
      %cond3A_2282 = arith.constant 0 : i32
      %cond3A_2283 = arith.cmpi ne, %convert_element_type3A_2281, %cond3A_2282 : i32
      scf.if %cond3A_2283 {
        %dma_start3A_2285 = arith.constant 0 : i32
        %dma_start3A_2286 = tpu.memref_slice %arg18[%add3A_2279, %dma_start3A_2285] : memref<88x128xi32, #tpu.memory_space<vmem>> -> memref<1x128xi32, #tpu.memory_space<vmem>>
        %dma_start3A_2287 = tpu.memref_squeeze %dma_start3A_2286 : memref<1x128xi32, #tpu.memory_space<vmem>> -> memref<128xi32, #tpu.memory_space<vmem>>
        %dma_start3A_2288 = arith.constant 0 : i32
        %dma_start3A_2289 = arith.constant 0 : i32
        %dma_start3A_2290 = tpu.memref_slice %arg2[%dma_start3A_2288, %dma_start3A_2289] : memref<10000x128xf32, #tpu.memory_space<hbm>> -> memref<10000x128xf32, #tpu.memory_space<hbm>>
        tpu.enqueue_indirect_dma source(%dma_start3A_2290 : memref<10000x128xf32, #tpu.memory_space<hbm>>) target(%arg25 : memref<128x128xf32, #tpu.memory_space<vmem>>) offsets(%dma_start3A_2287 : memref<128xi32, #tpu.memory_space<vmem>>) semaphore(%arg28 : memref<!tpu.dma_semaphore, #tpu.memory_space<semaphore_mem>>)
      } else {
      }
      %while3A_2284 = arith.constant 0 : i32
      scf.yield %while3A_2284 : i32
    }
    %while3A_1847 = arith.constant 1 : i32
    %while3A_1848 = scf.for %while3A_1863 = %while3A_1844 to %while3A_1840 step %while3A_1847 iter_args(%while3A_1864 = %while3A_1846) -> (i32)  : i32 {
      %mul3A_1865 = arith.constant 3 : i32
      %mul3A_1866 = arith.muli %while3A_1863, %mul3A_1865 : i32
      %add3A_1867 = arith.constant 0 : i32
      %add3A_1868 = arith.addi %mul3A_1866, %add3A_1867 : i32
      %dma_wait3A_1869 = arith.constant 0 : i32
      %dma_wait3A_1870 = tpu.memref_slice %arg18[%add3A_1868, %dma_wait3A_1869] : memref<88x128xi32, #tpu.memory_space<vmem>> -> memref<1x128xi32, #tpu.memory_space<vmem>>
      %dma_wait3A_1871 = tpu.memref_squeeze %dma_wait3A_1870 : memref<1x128xi32, #tpu.memory_space<vmem>> -> memref<128xi32, #tpu.memory_space<vmem>>
      %dma_wait3A_1872 = arith.constant 0 : i32
      %dma_wait3A_1873 = arith.constant 0 : i32
      %dma_wait3A_1874 = tpu.memref_slice %arg2[%dma_wait3A_1872, %dma_wait3A_1873] : memref<10000x128xf32, #tpu.memory_space<hbm>> -> memref<10000x128xf32, #tpu.memory_space<hbm>>
      tpu.wait_indirect_dma semaphore(%arg26 : memref<!tpu.dma_semaphore, #tpu.memory_space<semaphore_mem>>) src(%dma_wait3A_1874 : memref<10000x128xf32, #tpu.memory_space<hbm>>) dst(%arg23 : memref<128x128xf32, #tpu.memory_space<vmem>>)
      %dma_start3A_1875 = arith.constant 0 : i32
      %dma_start3A_1876 = tpu.memref_slice %arg19[%add3A_1868, %dma_start3A_1875] : memref<88x128xi32, #tpu.memory_space<vmem>> -> memref<1x128xi32, #tpu.memory_space<vmem>>
      %dma_start3A_1877 = tpu.memref_squeeze %dma_start3A_1876 : memref<1x128xi32, #tpu.memory_space<vmem>> -> memref<128xi32, #tpu.memory_space<vmem>>
      %dma_start3A_1878 = arith.constant 0 : i32
      %dma_start3A_1879 = arith.constant 0 : i32
      %dma_start3A_1880 = tpu.memref_slice %arg12[%dma_start3A_1878, %dma_start3A_1879] : memref<1664x128xf32, #tpu.memory_space<vmem_shared>> -> memref<1664x128xf32, #tpu.memory_space<vmem_shared>>
      tpu.enqueue_indirect_dma source(%arg23 : memref<128x128xf32, #tpu.memory_space<vmem>>) target(%dma_start3A_1880 : memref<1664x128xf32, #tpu.memory_space<vmem_shared>>) offsets(%dma_start3A_1877 : memref<128xi32, #tpu.memory_space<vmem>>) semaphore(%arg29 : memref<!tpu.dma_semaphore, #tpu.memory_space<semaphore_mem>>) {add = true}
      %get3A_1881 = arith.index_cast %add3A_1868 : i32 to index
      %get3A_1882 = arith.constant 0 : index
      %get3A_1883 = tpu.vector_load %arg19[%get3A_1881, %get3A_1882] {strides = array<i32>} : memref<88x128xi32, #tpu.memory_space<vmem>>, vector<16xi32>,
      %broadcast_in_dim3A_1884 = arith.constant true
      %broadcast_in_dim3A_1885 = vector.broadcast %broadcast_in_dim3A_1884 : i1 to vector<16xi1>
      %unique3A_1886, %unique3A_1887 = tpu.scan_count mask(%broadcast_in_dim3A_1885 : vector<16xi1>) value(%get3A_1883 : vector<16xi32>) : vector<16xi1>, vector<16xi32>
      %shift_right_logical3A_1888 = arith.constant 7 : i32
      %shift_right_logical3A_1889 = vector.broadcast %shift_right_logical3A_1888 : i32 to vector<16xi32>
      %shift_right_logical3A_1890 = arith.shrui %get3A_1883, %shift_right_logical3A_1889 : vector<16xi32>
      %and3A_1891 = arith.constant 127 : i32
      %and3A_1892 = vector.broadcast %and3A_1891 : i32 to vector<16xi32>
      %and3A_1893 = arith.andi %get3A_1883, %and3A_1892 : vector<16xi32>
      %convert_element_type3A_1894 = arith.sitofp %unique3A_1887 : vector<16xi32> to vector<16xf32>
      tpu.vector_store_idx %arg20[%shift_right_logical3A_1890, %and3A_1893], %convert_element_type3A_1894 masked %unique3A_1886 {add = true} : memref<16x128xf32, #tpu.memory_space<vmem>>[vector<16xi32>, vector<16xi32>], vector<16xf32>, vector<16xi1>
      %get3A_1895 = arith.index_cast %add3A_1868 : i32 to index
      %get3A_1896 = arith.constant 16 : index
      %get3A_1897 = tpu.vector_load %arg19[%get3A_1895, %get3A_1896] {strides = array<i32>} : memref<88x128xi32, #tpu.memory_space<vmem>>, vector<16xi32>,
      %broadcast_in_dim3A_1898 = arith.constant true
      %broadcast_in_dim3A_1899 = vector.broadcast %broadcast_in_dim3A_1898 : i1 to vector<16xi1>
      %unique3A_1900, %unique3A_1901 = tpu.scan_count mask(%broadcast_in_dim3A_1899 : vector<16xi1>) value(%get3A_1897 : vector<16xi32>) : vector<16xi1>, vector<16xi32>
      %shift_right_logical3A_1902 = arith.constant 7 : i32
      %shift_right_logical3A_1903 = vector.broadcast %shift_right_logical3A_1902 : i32 to vector<16xi32>
      %shift_right_logical3A_1904 = arith.shrui %get3A_1897, %shift_right_logical3A_1903 : vector<16xi32>
      %and3A_1905 = arith.constant 127 : i32
      %and3A_1906 = vector.broadcast %and3A_1905 : i32 to vector<16xi32>
      %and3A_1907 = arith.andi %get3A_1897, %and3A_1906 : vector<16xi32>
      %convert_element_type3A_1908 = arith.sitofp %unique3A_1901 : vector<16xi32> to vector<16xf32>
      tpu.vector_store_idx %arg20[%shift_right_logical3A_1904, %and3A_1907], %convert_element_type3A_1908 masked %unique3A_1900 {add = true} : memref<16x128xf32, #tpu.memory_space<vmem>>[vector<16xi32>, vector<16xi32>], vector<16xf32>, vector<16xi1>
      %get3A_1909 = arith.index_cast %add3A_1868 : i32 to index
      %get3A_1910 = arith.constant 32 : index
      %get3A_1911 = tpu.vector_load %arg19[%get3A_1909, %get3A_1910] {strides = array<i32>} : memref<88x128xi32, #tpu.memory_space<vmem>>, vector<16xi32>,
      %broadcast_in_dim3A_1912 = arith.constant true
      %broadcast_in_dim3A_1913 = vector.broadcast %broadcast_in_dim3A_1912 : i1 to vector<16xi1>
      %unique3A_1914, %unique3A_1915 = tpu.scan_count mask(%broadcast_in_dim3A_1913 : vector<16xi1>) value(%get3A_1911 : vector<16xi32>) : vector<16xi1>, vector<16xi32>
      %shift_right_logical3A_1916 = arith.constant 7 : i32
      %shift_right_logical3A_1917 = vector.broadcast %shift_right_logical3A_1916 : i32 to vector<16xi32>
      %shift_right_logical3A_1918 = arith.shrui %get3A_1911, %shift_right_logical3A_1917 : vector<16xi32>
      %and3A_1919 = arith.constant 127 : i32
      %and3A_1920 = vector.broadcast %and3A_1919 : i32 to vector<16xi32>
      %and3A_1921 = arith.andi %get3A_1911, %and3A_1920 : vector<16xi32>
      %convert_element_type3A_1922 = arith.sitofp %unique3A_1915 : vector<16xi32> to vector<16xf32>
      tpu.vector_store_idx %arg20[%shift_right_logical3A_1918, %and3A_1921], %convert_element_type3A_1922 masked %unique3A_1914 {add = true} : memref<16x128xf32, #tpu.memory_space<vmem>>[vector<16xi32>, vector<16xi32>], vector<16xf32>, vector<16xi1>
      %get3A_1923 = arith.index_cast %add3A_1868 : i32 to index
      %get3A_1924 = arith.constant 48 : index
      %get3A_1925 = tpu.vector_load %arg19[%get3A_1923, %get3A_1924] {strides = array<i32>} : memref<88x128xi32, #tpu.memory_space<vmem>>, vector<16xi32>,
      %broadcast_in_dim3A_1926 = arith.constant true
      %broadcast_in_dim3A_1927 = vector.broadcast %broadcast_in_dim3A_1926 : i1 to vector<16xi1>
      %unique3A_1928, %unique3A_1929 = tpu.scan_count mask(%broadcast_in_dim3A_1927 : vector<16xi1>) value(%get3A_1925 : vector<16xi32>) : vector<16xi1>, vector<16xi32>
      %shift_right_logical3A_1930 = arith.constant 7 : i32
      %shift_right_logical3A_1931 = vector.broadcast %shift_right_logical3A_1930 : i32 to vector<16xi32>
      %shift_right_logical3A_1932 = arith.shrui %get3A_1925, %shift_right_logical3A_1931 : vector<16xi32>
      %and3A_1933 = arith.constant 127 : i32
      %and3A_1934 = vector.broadcast %and3A_1933 : i32 to vector<16xi32>
      %and3A_1935 = arith.andi %get3A_1925, %and3A_1934 : vector<16xi32>
      %convert_element_type3A_1936 = arith.sitofp %unique3A_1929 : vector<16xi32> to vector<16xf32>
      tpu.vector_store_idx %arg20[%shift_right_logical3A_1932, %and3A_1935], %convert_element_type3A_1936 masked %unique3A_1928 {add = true} : memref<16x128xf32, #tpu.memory_space<vmem>>[vector<16xi32>, vector<16xi32>], vector<16xf32>, vector<16xi1>
      %get3A_1937 = arith.index_cast %add3A_1868 : i32 to index
      %get3A_1938 = arith.constant 64 : index
      %get3A_1939 = tpu.vector_load %arg19[%get3A_1937, %get3A_1938] {strides = array<i32>} : memref<88x128xi32, #tpu.memory_space<vmem>>, vector<16xi32>,
      %broadcast_in_dim3A_1940 = arith.constant true
      %broadcast_in_dim3A_1941 = vector.broadcast %broadcast_in_dim3A_1940 : i1 to vector<16xi1>
      %unique3A_1942, %unique3A_1943 = tpu.scan_count mask(%broadcast_in_dim3A_1941 : vector<16xi1>) value(%get3A_1939 : vector<16xi32>) : vector<16xi1>, vector<16xi32>
      %shift_right_logical3A_1944 = arith.constant 7 : i32
      %shift_right_logical3A_1945 = vector.broadcast %shift_right_logical3A_1944 : i32 to vector<16xi32>
      %shift_right_logical3A_1946 = arith.shrui %get3A_1939, %shift_right_logical3A_1945 : vector<16xi32>
      %and3A_1947 = arith.constant 127 : i32
      %and3A_1948 = vector.broadcast %and3A_1947 : i32 to vector<16xi32>
      %and3A_1949 = arith.andi %get3A_1939, %and3A_1948 : vector<16xi32>
      %convert_element_type3A_1950 = arith.sitofp %unique3A_1943 : vector<16xi32> to vector<16xf32>
      tpu.vector_store_idx %arg20[%shift_right_logical3A_1946, %and3A_1949], %convert_element_type3A_1950 masked %unique3A_1942 {add = true} : memref<16x128xf32, #tpu.memory_space<vmem>>[vector<16xi32>, vector<16xi32>], vector<16xf32>, vector<16xi1>
      %get3A_1951 = arith.index_cast %add3A_1868 : i32 to index
      %get3A_1952 = arith.constant 80 : index
      %get3A_1953 = tpu.vector_load %arg19[%get3A_1951, %get3A_1952] {strides = array<i32>} : memref<88x128xi32, #tpu.memory_space<vmem>>, vector<16xi32>,
      %broadcast_in_dim3A_1954 = arith.constant true
      %broadcast_in_dim3A_1955 = vector.broadcast %broadcast_in_dim3A_1954 : i1 to vector<16xi1>
      %unique3A_1956, %unique3A_1957 = tpu.scan_count mask(%broadcast_in_dim3A_1955 : vector<16xi1>) value(%get3A_1953 : vector<16xi32>) : vector<16xi1>, vector<16xi32>
      %shift_right_logical3A_1958 = arith.constant 7 : i32
      %shift_right_logical3A_1959 = vector.broadcast %shift_right_logical3A_1958 : i32 to vector<16xi32>
      %shift_right_logical3A_1960 = arith.shrui %get3A_1953, %shift_right_logical3A_1959 : vector<16xi32>
      %and3A_1961 = arith.constant 127 : i32
      %and3A_1962 = vector.broadcast %and3A_1961 : i32 to vector<16xi32>
      %and3A_1963 = arith.andi %get3A_1953, %and3A_1962 : vector<16xi32>
      %convert_element_type3A_1964 = arith.sitofp %unique3A_1957 : vector<16xi32> to vector<16xf32>
      tpu.vector_store_idx %arg20[%shift_right_logical3A_1960, %and3A_1963], %convert_element_type3A_1964 masked %unique3A_1956 {add = true} : memref<16x128xf32, #tpu.memory_space<vmem>>[vector<16xi32>, vector<16xi32>], vector<16xf32>, vector<16xi1>
      %get3A_1965 = arith.index_cast %add3A_1868 : i32 to index
      %get3A_1966 = arith.constant 96 : index
      %get3A_1967 = tpu.vector_load %arg19[%get3A_1965, %get3A_1966] {strides = array<i32>} : memref<88x128xi32, #tpu.memory_space<vmem>>, vector<16xi32>,
      %broadcast_in_dim3A_1968 = arith.constant true
      %broadcast_in_dim3A_1969 = vector.broadcast %broadcast_in_dim3A_1968 : i1 to vector<16xi1>
      %unique3A_1970, %unique3A_1971 = tpu.scan_count mask(%broadcast_in_dim3A_1969 : vector<16xi1>) value(%get3A_1967 : vector<16xi32>) : vector<16xi1>, vector<16xi32>
      %shift_right_logical3A_1972 = arith.constant 7 : i32
      %shift_right_logical3A_1973 = vector.broadcast %shift_right_logical3A_1972 : i32 to vector<16xi32>
      %shift_right_logical3A_1974 = arith.shrui %get3A_1967, %shift_right_logical3A_1973 : vector<16xi32>
      %and3A_1975 = arith.constant 127 : i32
      %and3A_1976 = vector.broadcast %and3A_1975 : i32 to vector<16xi32>
      %and3A_1977 = arith.andi %get3A_1967, %and3A_1976 : vector<16xi32>
      %convert_element_type3A_1978 = arith.sitofp %unique3A_1971 : vector<16xi32> to vector<16xf32>
      tpu.vector_store_idx %arg20[%shift_right_logical3A_1974, %and3A_1977], %convert_element_type3A_1978 masked %unique3A_1970 {add = true} : memref<16x128xf32, #tpu.memory_space<vmem>>[vector<16xi32>, vector<16xi32>], vector<16xf32>, vector<16xi1>
      %get3A_1979 = arith.index_cast %add3A_1868 : i32 to index
      %get3A_1980 = arith.constant 112 : index
      %get3A_1981 = tpu.vector_load %arg19[%get3A_1979, %get3A_1980] {strides = array<i32>} : memref<88x128xi32, #tpu.memory_space<vmem>>, vector<16xi32>,
      %broadcast_in_dim3A_1982 = arith.constant true
      %broadcast_in_dim3A_1983 = vector.broadcast %broadcast_in_dim3A_1982 : i1 to vector<16xi1>
      %unique3A_1984, %unique3A_1985 = tpu.scan_count mask(%broadcast_in_dim3A_1983 : vector<16xi1>) value(%get3A_1981 : vector<16xi32>) : vector<16xi1>, vector<16xi32>
      %shift_right_logical3A_1986 = arith.constant 7 : i32
      %shift_right_logical3A_1987 = vector.broadcast %shift_right_logical3A_1986 : i32 to vector<16xi32>
      %shift_right_logical3A_1988 = arith.shrui %get3A_1981, %shift_right_logical3A_1987 : vector<16xi32>
      %and3A_1989 = arith.constant 127 : i32
      %and3A_1990 = vector.broadcast %and3A_1989 : i32 to vector<16xi32>
      %and3A_1991 = arith.andi %get3A_1981, %and3A_1990 : vector<16xi32>
      %convert_element_type3A_1992 = arith.sitofp %unique3A_1985 : vector<16xi32> to vector<16xf32>
      tpu.vector_store_idx %arg20[%shift_right_logical3A_1988, %and3A_1991], %convert_element_type3A_1992 masked %unique3A_1984 {add = true} : memref<16x128xf32, #tpu.memory_space<vmem>>[vector<16xi32>, vector<16xi32>], vector<16xf32>, vector<16xi1>
      %dma_wait3A_1993 = arith.constant 0 : i32
      %dma_wait3A_1994 = tpu.memref_slice %arg19[%add3A_1868, %dma_wait3A_1993] : memref<88x128xi32, #tpu.memory_space<vmem>> -> memref<1x128xi32, #tpu.memory_space<vmem>>
      %dma_wait3A_1995 = tpu.memref_squeeze %dma_wait3A_1994 : memref<1x128xi32, #tpu.memory_space<vmem>> -> memref<128xi32, #tpu.memory_space<vmem>>
      %dma_wait3A_1996 = arith.constant 0 : i32
      %dma_wait3A_1997 = arith.constant 0 : i32
      %dma_wait3A_1998 = tpu.memref_slice %arg12[%dma_wait3A_1996, %dma_wait3A_1997] : memref<1664x128xf32, #tpu.memory_space<vmem_shared>> -> memref<1664x128xf32, #tpu.memory_space<vmem_shared>>
      tpu.wait_indirect_dma semaphore(%arg29 : memref<!tpu.dma_semaphore, #tpu.memory_space<semaphore_mem>>) src(%arg23 : memref<128x128xf32, #tpu.memory_space<vmem>>) dst(%dma_wait3A_1998 : memref<1664x128xf32, #tpu.memory_space<vmem_shared>>)
      %add3A_1999 = arith.constant 3 : i32
      %add3A_2000 = arith.addi %add3A_1868, %add3A_1999 : i32
      %lt3A = arith.cmpi slt, %add3A_2000, %mul3A_1816 : i32
      %convert_element_type3A_2001 = arith.extui %lt3A : i1 to i32
      %cond3A_2002 = arith.constant 0 : i32
      %cond3A_2003 = arith.cmpi ne, %convert_element_type3A_2001, %cond3A_2002 : i32
      scf.if %cond3A_2003 {
        %dma_start3A_2285 = arith.constant 0 : i32
        %dma_start3A_2286 = tpu.memref_slice %arg18[%add3A_2000, %dma_start3A_2285] : memref<88x128xi32, #tpu.memory_space<vmem>> -> memref<1x128xi32, #tpu.memory_space<vmem>>
        %dma_start3A_2287 = tpu.memref_squeeze %dma_start3A_2286 : memref<1x128xi32, #tpu.memory_space<vmem>> -> memref<128xi32, #tpu.memory_space<vmem>>
        %dma_start3A_2288 = arith.constant 0 : i32
        %dma_start3A_2289 = arith.constant 0 : i32
        %dma_start3A_2290 = tpu.memref_slice %arg2[%dma_start3A_2288, %dma_start3A_2289] : memref<10000x128xf32, #tpu.memory_space<hbm>> -> memref<10000x128xf32, #tpu.memory_space<hbm>>
        tpu.enqueue_indirect_dma source(%dma_start3A_2290 : memref<10000x128xf32, #tpu.memory_space<hbm>>) target(%arg23 : memref<128x128xf32, #tpu.memory_space<vmem>>) offsets(%dma_start3A_2287 : memref<128xi32, #tpu.memory_space<vmem>>) semaphore(%arg26 : memref<!tpu.dma_semaphore, #tpu.memory_space<semaphore_mem>>)
      } else {
      }
      %mul3A_2004 = arith.constant 3 : i32
      %mul3A_2005 = arith.muli %while3A_1863, %mul3A_2004 : i32
      %add3A_2006 = arith.constant 1 : i32
      %add3A_2007 = arith.addi %mul3A_2005, %add3A_2006 : i32
      %dma_wait3A_2008 = arith.constant 0 : i32
      %dma_wait3A_2009 = tpu.memref_slice %arg18[%add3A_2007, %dma_wait3A_2008] : memref<88x128xi32, #tpu.memory_space<vmem>> -> memref<1x128xi32, #tpu.memory_space<vmem>>
      %dma_wait3A_2010 = tpu.memref_squeeze %dma_wait3A_2009 : memref<1x128xi32, #tpu.memory_space<vmem>> -> memref<128xi32, #tpu.memory_space<vmem>>
      %dma_wait3A_2011 = arith.constant 0 : i32
      %dma_wait3A_2012 = arith.constant 0 : i32
      %dma_wait3A_2013 = tpu.memref_slice %arg2[%dma_wait3A_2011, %dma_wait3A_2012] : memref<10000x128xf32, #tpu.memory_space<hbm>> -> memref<10000x128xf32, #tpu.memory_space<hbm>>
      tpu.wait_indirect_dma semaphore(%arg27 : memref<!tpu.dma_semaphore, #tpu.memory_space<semaphore_mem>>) src(%dma_wait3A_2013 : memref<10000x128xf32, #tpu.memory_space<hbm>>) dst(%arg24 : memref<128x128xf32, #tpu.memory_space<vmem>>)
      %dma_start3A_2014 = arith.constant 0 : i32
      %dma_start3A_2015 = tpu.memref_slice %arg19[%add3A_2007, %dma_start3A_2014] : memref<88x128xi32, #tpu.memory_space<vmem>> -> memref<1x128xi32, #tpu.memory_space<vmem>>
      %dma_start3A_2016 = tpu.memref_squeeze %dma_start3A_2015 : memref<1x128xi32, #tpu.memory_space<vmem>> -> memref<128xi32, #tpu.memory_space<vmem>>
      %dma_start3A_2017 = arith.constant 0 : i32
      %dma_start3A_2018 = arith.constant 0 : i32
      %dma_start3A_2019 = tpu.memref_slice %arg12[%dma_start3A_2017, %dma_start3A_2018] : memref<1664x128xf32, #tpu.memory_space<vmem_shared>> -> memref<1664x128xf32, #tpu.memory_space<vmem_shared>>
      tpu.enqueue_indirect_dma source(%arg24 : memref<128x128xf32, #tpu.memory_space<vmem>>) target(%dma_start3A_2019 : memref<1664x128xf32, #tpu.memory_space<vmem_shared>>) offsets(%dma_start3A_2016 : memref<128xi32, #tpu.memory_space<vmem>>) semaphore(%arg29 : memref<!tpu.dma_semaphore, #tpu.memory_space<semaphore_mem>>) {add = true}
      %get3A_2020 = arith.index_cast %add3A_2007 : i32 to index
      %get3A_2021 = arith.constant 0 : index
      %get3A_2022 = tpu.vector_load %arg19[%get3A_2020, %get3A_2021] {strides = array<i32>} : memref<88x128xi32, #tpu.memory_space<vmem>>, vector<16xi32>,
      %broadcast_in_dim3A_2023 = arith.constant true
      %broadcast_in_dim3A_2024 = vector.broadcast %broadcast_in_dim3A_2023 : i1 to vector<16xi1>
      %unique3A_2025, %unique3A_2026 = tpu.scan_count mask(%broadcast_in_dim3A_2024 : vector<16xi1>) value(%get3A_2022 : vector<16xi32>) : vector<16xi1>, vector<16xi32>
      %shift_right_logical3A_2027 = arith.constant 7 : i32
      %shift_right_logical3A_2028 = vector.broadcast %shift_right_logical3A_2027 : i32 to vector<16xi32>
      %shift_right_logical3A_2029 = arith.shrui %get3A_2022, %shift_right_logical3A_2028 : vector<16xi32>
      %and3A_2030 = arith.constant 127 : i32
      %and3A_2031 = vector.broadcast %and3A_2030 : i32 to vector<16xi32>
      %and3A_2032 = arith.andi %get3A_2022, %and3A_2031 : vector<16xi32>
      %convert_element_type3A_2033 = arith.sitofp %unique3A_2026 : vector<16xi32> to vector<16xf32>
      tpu.vector_store_idx %arg20[%shift_right_logical3A_2029, %and3A_2032], %convert_element_type3A_2033 masked %unique3A_2025 {add = true} : memref<16x128xf32, #tpu.memory_space<vmem>>[vector<16xi32>, vector<16xi32>], vector<16xf32>, vector<16xi1>
      %get3A_2034 = arith.index_cast %add3A_2007 : i32 to index
      %get3A_2035 = arith.constant 16 : index
      %get3A_2036 = tpu.vector_load %arg19[%get3A_2034, %get3A_2035] {strides = array<i32>} : memref<88x128xi32, #tpu.memory_space<vmem>>, vector<16xi32>,
      %broadcast_in_dim3A_2037 = arith.constant true
      %broadcast_in_dim3A_2038 = vector.broadcast %broadcast_in_dim3A_2037 : i1 to vector<16xi1>
      %unique3A_2039, %unique3A_2040 = tpu.scan_count mask(%broadcast_in_dim3A_2038 : vector<16xi1>) value(%get3A_2036 : vector<16xi32>) : vector<16xi1>, vector<16xi32>
      %shift_right_logical3A_2041 = arith.constant 7 : i32
      %shift_right_logical3A_2042 = vector.broadcast %shift_right_logical3A_2041 : i32 to vector<16xi32>
      %shift_right_logical3A_2043 = arith.shrui %get3A_2036, %shift_right_logical3A_2042 : vector<16xi32>
      %and3A_2044 = arith.constant 127 : i32
      %and3A_2045 = vector.broadcast %and3A_2044 : i32 to vector<16xi32>
      %and3A_2046 = arith.andi %get3A_2036, %and3A_2045 : vector<16xi32>
      %convert_element_type3A_2047 = arith.sitofp %unique3A_2040 : vector<16xi32> to vector<16xf32>
      tpu.vector_store_idx %arg20[%shift_right_logical3A_2043, %and3A_2046], %convert_element_type3A_2047 masked %unique3A_2039 {add = true} : memref<16x128xf32, #tpu.memory_space<vmem>>[vector<16xi32>, vector<16xi32>], vector<16xf32>, vector<16xi1>
      %get3A_2048 = arith.index_cast %add3A_2007 : i32 to index
      %get3A_2049 = arith.constant 32 : index
      %get3A_2050 = tpu.vector_load %arg19[%get3A_2048, %get3A_2049] {strides = array<i32>} : memref<88x128xi32, #tpu.memory_space<vmem>>, vector<16xi32>,
      %broadcast_in_dim3A_2051 = arith.constant true
      %broadcast_in_dim3A_2052 = vector.broadcast %broadcast_in_dim3A_2051 : i1 to vector<16xi1>
      %unique3A_2053, %unique3A_2054 = tpu.scan_count mask(%broadcast_in_dim3A_2052 : vector<16xi1>) value(%get3A_2050 : vector<16xi32>) : vector<16xi1>, vector<16xi32>
      %shift_right_logical3A_2055 = arith.constant 7 : i32
      %shift_right_logical3A_2056 = vector.broadcast %shift_right_logical3A_2055 : i32 to vector<16xi32>
      %shift_right_logical3A_2057 = arith.shrui %get3A_2050, %shift_right_logical3A_2056 : vector<16xi32>
      %and3A_2058 = arith.constant 127 : i32
      %and3A_2059 = vector.broadcast %and3A_2058 : i32 to vector<16xi32>
      %and3A_2060 = arith.andi %get3A_2050, %and3A_2059 : vector<16xi32>
      %convert_element_type3A_2061 = arith.sitofp %unique3A_2054 : vector<16xi32> to vector<16xf32>
      tpu.vector_store_idx %arg20[%shift_right_logical3A_2057, %and3A_2060], %convert_element_type3A_2061 masked %unique3A_2053 {add = true} : memref<16x128xf32, #tpu.memory_space<vmem>>[vector<16xi32>, vector<16xi32>], vector<16xf32>, vector<16xi1>
      %get3A_2062 = arith.index_cast %add3A_2007 : i32 to index
      %get3A_2063 = arith.constant 48 : index
      %get3A_2064 = tpu.vector_load %arg19[%get3A_2062, %get3A_2063] {strides = array<i32>} : memref<88x128xi32, #tpu.memory_space<vmem>>, vector<16xi32>,
      %broadcast_in_dim3A_2065 = arith.constant true
      %broadcast_in_dim3A_2066 = vector.broadcast %broadcast_in_dim3A_2065 : i1 to vector<16xi1>
      %unique3A_2067, %unique3A_2068 = tpu.scan_count mask(%broadcast_in_dim3A_2066 : vector<16xi1>) value(%get3A_2064 : vector<16xi32>) : vector<16xi1>, vector<16xi32>
      %shift_right_logical3A_2069 = arith.constant 7 : i32
      %shift_right_logical3A_2070 = vector.broadcast %shift_right_logical3A_2069 : i32 to vector<16xi32>
      %shift_right_logical3A_2071 = arith.shrui %get3A_2064, %shift_right_logical3A_2070 : vector<16xi32>
      %and3A_2072 = arith.constant 127 : i32
      %and3A_2073 = vector.broadcast %and3A_2072 : i32 to vector<16xi32>
      %and3A_2074 = arith.andi %get3A_2064, %and3A_2073 : vector<16xi32>
      %convert_element_type3A_2075 = arith.sitofp %unique3A_2068 : vector<16xi32> to vector<16xf32>
      tpu.vector_store_idx %arg20[%shift_right_logical3A_2071, %and3A_2074], %convert_element_type3A_2075 masked %unique3A_2067 {add = true} : memref<16x128xf32, #tpu.memory_space<vmem>>[vector<16xi32>, vector<16xi32>], vector<16xf32>, vector<16xi1>
      %get3A_2076 = arith.index_cast %add3A_2007 : i32 to index
      %get3A_2077 = arith.constant 64 : index
      %get3A_2078 = tpu.vector_load %arg19[%get3A_2076, %get3A_2077] {strides = array<i32>} : memref<88x128xi32, #tpu.memory_space<vmem>>, vector<16xi32>,
      %broadcast_in_dim3A_2079 = arith.constant true
      %broadcast_in_dim3A_2080 = vector.broadcast %broadcast_in_dim3A_2079 : i1 to vector<16xi1>
      %unique3A_2081, %unique3A_2082 = tpu.scan_count mask(%broadcast_in_dim3A_2080 : vector<16xi1>) value(%get3A_2078 : vector<16xi32>) : vector<16xi1>, vector<16xi32>
      %shift_right_logical3A_2083 = arith.constant 7 : i32
      %shift_right_logical3A_2084 = vector.broadcast %shift_right_logical3A_2083 : i32 to vector<16xi32>
      %shift_right_logical3A_2085 = arith.shrui %get3A_2078, %shift_right_logical3A_2084 : vector<16xi32>
      %and3A_2086 = arith.constant 127 : i32
      %and3A_2087 = vector.broadcast %and3A_2086 : i32 to vector<16xi32>
      %and3A_2088 = arith.andi %get3A_2078, %and3A_2087 : vector<16xi32>
      %convert_element_type3A_2089 = arith.sitofp %unique3A_2082 : vector<16xi32> to vector<16xf32>
      tpu.vector_store_idx %arg20[%shift_right_logical3A_2085, %and3A_2088], %convert_element_type3A_2089 masked %unique3A_2081 {add = true} : memref<16x128xf32, #tpu.memory_space<vmem>>[vector<16xi32>, vector<16xi32>], vector<16xf32>, vector<16xi1>
      %get3A_2090 = arith.index_cast %add3A_2007 : i32 to index
      %get3A_2091 = arith.constant 80 : index
      %get3A_2092 = tpu.vector_load %arg19[%get3A_2090, %get3A_2091] {strides = array<i32>} : memref<88x128xi32, #tpu.memory_space<vmem>>, vector<16xi32>,
      %broadcast_in_dim3A_2093 = arith.constant true
      %broadcast_in_dim3A_2094 = vector.broadcast %broadcast_in_dim3A_2093 : i1 to vector<16xi1>
      %unique3A_2095, %unique3A_2096 = tpu.scan_count mask(%broadcast_in_dim3A_2094 : vector<16xi1>) value(%get3A_2092 : vector<16xi32>) : vector<16xi1>, vector<16xi32>
      %shift_right_logical3A_2097 = arith.constant 7 : i32
      %shift_right_logical3A_2098 = vector.broadcast %shift_right_logical3A_2097 : i32 to vector<16xi32>
      %shift_right_logical3A_2099 = arith.shrui %get3A_2092, %shift_right_logical3A_2098 : vector<16xi32>
      %and3A_2100 = arith.constant 127 : i32
      %and3A_2101 = vector.broadcast %and3A_2100 : i32 to vector<16xi32>
      %and3A_2102 = arith.andi %get3A_2092, %and3A_2101 : vector<16xi32>
      %convert_element_type3A_2103 = arith.sitofp %unique3A_2096 : vector<16xi32> to vector<16xf32>
      tpu.vector_store_idx %arg20[%shift_right_logical3A_2099, %and3A_2102], %convert_element_type3A_2103 masked %unique3A_2095 {add = true} : memref<16x128xf32, #tpu.memory_space<vmem>>[vector<16xi32>, vector<16xi32>], vector<16xf32>, vector<16xi1>
      %get3A_2104 = arith.index_cast %add3A_2007 : i32 to index
      %get3A_2105 = arith.constant 96 : index
      %get3A_2106 = tpu.vector_load %arg19[%get3A_2104, %get3A_2105] {strides = array<i32>} : memref<88x128xi32, #tpu.memory_space<vmem>>, vector<16xi32>,
      %broadcast_in_dim3A_2107 = arith.constant true
      %broadcast_in_dim3A_2108 = vector.broadcast %broadcast_in_dim3A_2107 : i1 to vector<16xi1>
      %unique3A_2109, %unique3A_2110 = tpu.scan_count mask(%broadcast_in_dim3A_2108 : vector<16xi1>) value(%get3A_2106 : vector<16xi32>) : vector<16xi1>, vector<16xi32>
      %shift_right_logical3A_2111 = arith.constant 7 : i32
      %shift_right_logical3A_2112 = vector.broadcast %shift_right_logical3A_2111 : i32 to vector<16xi32>
      %shift_right_logical3A_2113 = arith.shrui %get3A_2106, %shift_right_logical3A_2112 : vector<16xi32>
      %and3A_2114 = arith.constant 127 : i32
      %and3A_2115 = vector.broadcast %and3A_2114 : i32 to vector<16xi32>
      %and3A_2116 = arith.andi %get3A_2106, %and3A_2115 : vector<16xi32>
      %convert_element_type3A_2117 = arith.sitofp %unique3A_2110 : vector<16xi32> to vector<16xf32>
      tpu.vector_store_idx %arg20[%shift_right_logical3A_2113, %and3A_2116], %convert_element_type3A_2117 masked %unique3A_2109 {add = true} : memref<16x128xf32, #tpu.memory_space<vmem>>[vector<16xi32>, vector<16xi32>], vector<16xf32>, vector<16xi1>
      %get3A_2118 = arith.index_cast %add3A_2007 : i32 to index
      %get3A_2119 = arith.constant 112 : index
      %get3A_2120 = tpu.vector_load %arg19[%get3A_2118, %get3A_2119] {strides = array<i32>} : memref<88x128xi32, #tpu.memory_space<vmem>>, vector<16xi32>,
      %broadcast_in_dim3A_2121 = arith.constant true
      %broadcast_in_dim3A_2122 = vector.broadcast %broadcast_in_dim3A_2121 : i1 to vector<16xi1>
      %unique3A_2123, %unique3A_2124 = tpu.scan_count mask(%broadcast_in_dim3A_2122 : vector<16xi1>) value(%get3A_2120 : vector<16xi32>) : vector<16xi1>, vector<16xi32>
      %shift_right_logical3A_2125 = arith.constant 7 : i32
      %shift_right_logical3A_2126 = vector.broadcast %shift_right_logical3A_2125 : i32 to vector<16xi32>
      %shift_right_logical3A_2127 = arith.shrui %get3A_2120, %shift_right_logical3A_2126 : vector<16xi32>
      %and3A_2128 = arith.constant 127 : i32
      %and3A_2129 = vector.broadcast %and3A_2128 : i32 to vector<16xi32>
      %and3A_2130 = arith.andi %get3A_2120, %and3A_2129 : vector<16xi32>
      %convert_element_type3A_2131 = arith.sitofp %unique3A_2124 : vector<16xi32> to vector<16xf32>
      tpu.vector_store_idx %arg20[%shift_right_logical3A_2127, %and3A_2130], %convert_element_type3A_2131 masked %unique3A_2123 {add = true} : memref<16x128xf32, #tpu.memory_space<vmem>>[vector<16xi32>, vector<16xi32>], vector<16xf32>, vector<16xi1>
      %dma_wait3A_2132 = arith.constant 0 : i32
      %dma_wait3A_2133 = tpu.memref_slice %arg19[%add3A_2007, %dma_wait3A_2132] : memref<88x128xi32, #tpu.memory_space<vmem>> -> memref<1x128xi32, #tpu.memory_space<vmem>>
      %dma_wait3A_2134 = tpu.memref_squeeze %dma_wait3A_2133 : memref<1x128xi32, #tpu.memory_space<vmem>> -> memref<128xi32, #tpu.memory_space<vmem>>
      %dma_wait3A_2135 = arith.constant 0 : i32
      %dma_wait3A_2136 = arith.constant 0 : i32
      %dma_wait3A_2137 = tpu.memref_slice %arg12[%dma_wait3A_2135, %dma_wait3A_2136] : memref<1664x128xf32, #tpu.memory_space<vmem_shared>> -> memref<1664x128xf32, #tpu.memory_space<vmem_shared>>
      tpu.wait_indirect_dma semaphore(%arg29 : memref<!tpu.dma_semaphore, #tpu.memory_space<semaphore_mem>>) src(%arg24 : memref<128x128xf32, #tpu.memory_space<vmem>>) dst(%dma_wait3A_2137 : memref<1664x128xf32, #tpu.memory_space<vmem_shared>>)
      %add3A_2138 = arith.constant 3 : i32
      %add3A_2139 = arith.addi %add3A_2007, %add3A_2138 : i32
      %lt3A_2140 = arith.cmpi slt, %add3A_2139, %mul3A_1816 : i32
      %convert_element_type3A_2141 = arith.extui %lt3A_2140 : i1 to i32
      %cond3A_2142 = arith.constant 0 : i32
      %cond3A_2143 = arith.cmpi ne, %convert_element_type3A_2141, %cond3A_2142 : i32
      scf.if %cond3A_2143 {
        %dma_start3A_2285 = arith.constant 0 : i32
        %dma_start3A_2286 = tpu.memref_slice %arg18[%add3A_2139, %dma_start3A_2285] : memref<88x128xi32, #tpu.memory_space<vmem>> -> memref<1x128xi32, #tpu.memory_space<vmem>>
        %dma_start3A_2287 = tpu.memref_squeeze %dma_start3A_2286 : memref<1x128xi32, #tpu.memory_space<vmem>> -> memref<128xi32, #tpu.memory_space<vmem>>
        %dma_start3A_2288 = arith.constant 0 : i32
        %dma_start3A_2289 = arith.constant 0 : i32
        %dma_start3A_2290 = tpu.memref_slice %arg2[%dma_start3A_2288, %dma_start3A_2289] : memref<10000x128xf32, #tpu.memory_space<hbm>> -> memref<10000x128xf32, #tpu.memory_space<hbm>>
        tpu.enqueue_indirect_dma source(%dma_start3A_2290 : memref<10000x128xf32, #tpu.memory_space<hbm>>) target(%arg24 : memref<128x128xf32, #tpu.memory_space<vmem>>) offsets(%dma_start3A_2287 : memref<128xi32, #tpu.memory_space<vmem>>) semaphore(%arg27 : memref<!tpu.dma_semaphore, #tpu.memory_space<semaphore_mem>>)
      } else {
      }
      %mul3A_2144 = arith.constant 3 : i32
      %mul3A_2145 = arith.muli %while3A_1863, %mul3A_2144 : i32
      %add3A_2146 = arith.constant 2 : i32
      %add3A_2147 = arith.addi %mul3A_2145, %add3A_2146 : i32
      %dma_wait3A_2148 = arith.constant 0 : i32
      %dma_wait3A_2149 = tpu.memref_slice %arg18[%add3A_2147, %dma_wait3A_2148] : memref<88x128xi32, #tpu.memory_space<vmem>> -> memref<1x128xi32, #tpu.memory_space<vmem>>
      %dma_wait3A_2150 = tpu.memref_squeeze %dma_wait3A_2149 : memref<1x128xi32, #tpu.memory_space<vmem>> -> memref<128xi32, #tpu.memory_space<vmem>>
      %dma_wait3A_2151 = arith.constant 0 : i32
      %dma_wait3A_2152 = arith.constant 0 : i32
      %dma_wait3A_2153 = tpu.memref_slice %arg2[%dma_wait3A_2151, %dma_wait3A_2152] : memref<10000x128xf32, #tpu.memory_space<hbm>> -> memref<10000x128xf32, #tpu.memory_space<hbm>>
      tpu.wait_indirect_dma semaphore(%arg28 : memref<!tpu.dma_semaphore, #tpu.memory_space<semaphore_mem>>) src(%dma_wait3A_2153 : memref<10000x128xf32, #tpu.memory_space<hbm>>) dst(%arg25 : memref<128x128xf32, #tpu.memory_space<vmem>>)
      %dma_start3A_2154 = arith.constant 0 : i32
      %dma_start3A_2155 = tpu.memref_slice %arg19[%add3A_2147, %dma_start3A_2154] : memref<88x128xi32, #tpu.memory_space<vmem>> -> memref<1x128xi32, #tpu.memory_space<vmem>>
      %dma_start3A_2156 = tpu.memref_squeeze %dma_start3A_2155 : memref<1x128xi32, #tpu.memory_space<vmem>> -> memref<128xi32, #tpu.memory_space<vmem>>
      %dma_start3A_2157 = arith.constant 0 : i32
      %dma_start3A_2158 = arith.constant 0 : i32
      %dma_start3A_2159 = tpu.memref_slice %arg12[%dma_start3A_2157, %dma_start3A_2158] : memref<1664x128xf32, #tpu.memory_space<vmem_shared>> -> memref<1664x128xf32, #tpu.memory_space<vmem_shared>>
      tpu.enqueue_indirect_dma source(%arg25 : memref<128x128xf32, #tpu.memory_space<vmem>>) target(%dma_start3A_2159 : memref<1664x128xf32, #tpu.memory_space<vmem_shared>>) offsets(%dma_start3A_2156 : memref<128xi32, #tpu.memory_space<vmem>>) semaphore(%arg29 : memref<!tpu.dma_semaphore, #tpu.memory_space<semaphore_mem>>) {add = true}
      %get3A_2160 = arith.index_cast %add3A_2147 : i32 to index
      %get3A_2161 = arith.constant 0 : index
      %get3A_2162 = tpu.vector_load %arg19[%get3A_2160, %get3A_2161] {strides = array<i32>} : memref<88x128xi32, #tpu.memory_space<vmem>>, vector<16xi32>,
      %broadcast_in_dim3A_2163 = arith.constant true
      %broadcast_in_dim3A_2164 = vector.broadcast %broadcast_in_dim3A_2163 : i1 to vector<16xi1>
      %unique3A_2165, %unique3A_2166 = tpu.scan_count mask(%broadcast_in_dim3A_2164 : vector<16xi1>) value(%get3A_2162 : vector<16xi32>) : vector<16xi1>, vector<16xi32>
      %shift_right_logical3A_2167 = arith.constant 7 : i32
      %shift_right_logical3A_2168 = vector.broadcast %shift_right_logical3A_2167 : i32 to vector<16xi32>
      %shift_right_logical3A_2169 = arith.shrui %get3A_2162, %shift_right_logical3A_2168 : vector<16xi32>
      %and3A_2170 = arith.constant 127 : i32
      %and3A_2171 = vector.broadcast %and3A_2170 : i32 to vector<16xi32>
      %and3A_2172 = arith.andi %get3A_2162, %and3A_2171 : vector<16xi32>
      %convert_element_type3A_2173 = arith.sitofp %unique3A_2166 : vector<16xi32> to vector<16xf32>
      tpu.vector_store_idx %arg20[%shift_right_logical3A_2169, %and3A_2172], %convert_element_type3A_2173 masked %unique3A_2165 {add = true} : memref<16x128xf32, #tpu.memory_space<vmem>>[vector<16xi32>, vector<16xi32>], vector<16xf32>, vector<16xi1>
      %get3A_2174 = arith.index_cast %add3A_2147 : i32 to index
      %get3A_2175 = arith.constant 16 : index
      %get3A_2176 = tpu.vector_load %arg19[%get3A_2174, %get3A_2175] {strides = array<i32>} : memref<88x128xi32, #tpu.memory_space<vmem>>, vector<16xi32>,
      %broadcast_in_dim3A_2177 = arith.constant true
      %broadcast_in_dim3A_2178 = vector.broadcast %broadcast_in_dim3A_2177 : i1 to vector<16xi1>
      %unique3A_2179, %unique3A_2180 = tpu.scan_count mask(%broadcast_in_dim3A_2178 : vector<16xi1>) value(%get3A_2176 : vector<16xi32>) : vector<16xi1>, vector<16xi32>
      %shift_right_logical3A_2181 = arith.constant 7 : i32
      %shift_right_logical3A_2182 = vector.broadcast %shift_right_logical3A_2181 : i32 to vector<16xi32>
      %shift_right_logical3A_2183 = arith.shrui %get3A_2176, %shift_right_logical3A_2182 : vector<16xi32>
      %and3A_2184 = arith.constant 127 : i32
      %and3A_2185 = vector.broadcast %and3A_2184 : i32 to vector<16xi32>
      %and3A_2186 = arith.andi %get3A_2176, %and3A_2185 : vector<16xi32>
      %convert_element_type3A_2187 = arith.sitofp %unique3A_2180 : vector<16xi32> to vector<16xf32>
      tpu.vector_store_idx %arg20[%shift_right_logical3A_2183, %and3A_2186], %convert_element_type3A_2187 masked %unique3A_2179 {add = true} : memref<16x128xf32, #tpu.memory_space<vmem>>[vector<16xi32>, vector<16xi32>], vector<16xf32>, vector<16xi1>
      %get3A_2188 = arith.index_cast %add3A_2147 : i32 to index
      %get3A_2189 = arith.constant 32 : index
      %get3A_2190 = tpu.vector_load %arg19[%get3A_2188, %get3A_2189] {strides = array<i32>} : memref<88x128xi32, #tpu.memory_space<vmem>>, vector<16xi32>,
      %broadcast_in_dim3A_2191 = arith.constant true
      %broadcast_in_dim3A_2192 = vector.broadcast %broadcast_in_dim3A_2191 : i1 to vector<16xi1>
      %unique3A_2193, %unique3A_2194 = tpu.scan_count mask(%broadcast_in_dim3A_2192 : vector<16xi1>) value(%get3A_2190 : vector<16xi32>) : vector<16xi1>, vector<16xi32>
      %shift_right_logical3A_2195 = arith.constant 7 : i32
      %shift_right_logical3A_2196 = vector.broadcast %shift_right_logical3A_2195 : i32 to vector<16xi32>
      %shift_right_logical3A_2197 = arith.shrui %get3A_2190, %shift_right_logical3A_2196 : vector<16xi32>
      %and3A_2198 = arith.constant 127 : i32
      %and3A_2199 = vector.broadcast %and3A_2198 : i32 to vector<16xi32>
      %and3A_2200 = arith.andi %get3A_2190, %and3A_2199 : vector<16xi32>
      %convert_element_type3A_2201 = arith.sitofp %unique3A_2194 : vector<16xi32> to vector<16xf32>
      tpu.vector_store_idx %arg20[%shift_right_logical3A_2197, %and3A_2200], %convert_element_type3A_2201 masked %unique3A_2193 {add = true} : memref<16x128xf32, #tpu.memory_space<vmem>>[vector<16xi32>, vector<16xi32>], vector<16xf32>, vector<16xi1>
      %get3A_2202 = arith.index_cast %add3A_2147 : i32 to index
      %get3A_2203 = arith.constant 48 : index
      %get3A_2204 = tpu.vector_load %arg19[%get3A_2202, %get3A_2203] {strides = array<i32>} : memref<88x128xi32, #tpu.memory_space<vmem>>, vector<16xi32>,
      %broadcast_in_dim3A_2205 = arith.constant true
      %broadcast_in_dim3A_2206 = vector.broadcast %broadcast_in_dim3A_2205 : i1 to vector<16xi1>
      %unique3A_2207, %unique3A_2208 = tpu.scan_count mask(%broadcast_in_dim3A_2206 : vector<16xi1>) value(%get3A_2204 : vector<16xi32>) : vector<16xi1>, vector<16xi32>
      %shift_right_logical3A_2209 = arith.constant 7 : i32
      %shift_right_logical3A_2210 = vector.broadcast %shift_right_logical3A_2209 : i32 to vector<16xi32>
      %shift_right_logical3A_2211 = arith.shrui %get3A_2204, %shift_right_logical3A_2210 : vector<16xi32>
      %and3A_2212 = arith.constant 127 : i32
      %and3A_2213 = vector.broadcast %and3A_2212 : i32 to vector<16xi32>
      %and3A_2214 = arith.andi %get3A_2204, %and3A_2213 : vector<16xi32>
      %convert_element_type3A_2215 = arith.sitofp %unique3A_2208 : vector<16xi32> to vector<16xf32>
      tpu.vector_store_idx %arg20[%shift_right_logical3A_2211, %and3A_2214], %convert_element_type3A_2215 masked %unique3A_2207 {add = true} : memref<16x128xf32, #tpu.memory_space<vmem>>[vector<16xi32>, vector<16xi32>], vector<16xf32>, vector<16xi1>
      %get3A_2216 = arith.index_cast %add3A_2147 : i32 to index
      %get3A_2217 = arith.constant 64 : index
      %get3A_2218 = tpu.vector_load %arg19[%get3A_2216, %get3A_2217] {strides = array<i32>} : memref<88x128xi32, #tpu.memory_space<vmem>>, vector<16xi32>,
      %broadcast_in_dim3A_2219 = arith.constant true
      %broadcast_in_dim3A_2220 = vector.broadcast %broadcast_in_dim3A_2219 : i1 to vector<16xi1>
      %unique3A_2221, %unique3A_2222 = tpu.scan_count mask(%broadcast_in_dim3A_2220 : vector<16xi1>) value(%get3A_2218 : vector<16xi32>) : vector<16xi1>, vector<16xi32>
      %shift_right_logical3A_2223 = arith.constant 7 : i32
      %shift_right_logical3A_2224 = vector.broadcast %shift_right_logical3A_2223 : i32 to vector<16xi32>
      %shift_right_logical3A_2225 = arith.shrui %get3A_2218, %shift_right_logical3A_2224 : vector<16xi32>
      %and3A_2226 = arith.constant 127 : i32
      %and3A_2227 = vector.broadcast %and3A_2226 : i32 to vector<16xi32>
      %and3A_2228 = arith.andi %get3A_2218, %and3A_2227 : vector<16xi32>
      %convert_element_type3A_2229 = arith.sitofp %unique3A_2222 : vector<16xi32> to vector<16xf32>
      tpu.vector_store_idx %arg20[%shift_right_logical3A_2225, %and3A_2228], %convert_element_type3A_2229 masked %unique3A_2221 {add = true} : memref<16x128xf32, #tpu.memory_space<vmem>>[vector<16xi32>, vector<16xi32>], vector<16xf32>, vector<16xi1>
      %get3A_2230 = arith.index_cast %add3A_2147 : i32 to index
      %get3A_2231 = arith.constant 80 : index
      %get3A_2232 = tpu.vector_load %arg19[%get3A_2230, %get3A_2231] {strides = array<i32>} : memref<88x128xi32, #tpu.memory_space<vmem>>, vector<16xi32>,
      %broadcast_in_dim3A_2233 = arith.constant true
      %broadcast_in_dim3A_2234 = vector.broadcast %broadcast_in_dim3A_2233 : i1 to vector<16xi1>
      %unique3A_2235, %unique3A_2236 = tpu.scan_count mask(%broadcast_in_dim3A_2234 : vector<16xi1>) value(%get3A_2232 : vector<16xi32>) : vector<16xi1>, vector<16xi32>
      %shift_right_logical3A_2237 = arith.constant 7 : i32
      %shift_right_logical3A_2238 = vector.broadcast %shift_right_logical3A_2237 : i32 to vector<16xi32>
      %shift_right_logical3A_2239 = arith.shrui %get3A_2232, %shift_right_logical3A_2238 : vector<16xi32>
      %and3A_2240 = arith.constant 127 : i32
      %and3A_2241 = vector.broadcast %and3A_2240 : i32 to vector<16xi32>
      %and3A_2242 = arith.andi %get3A_2232, %and3A_2241 : vector<16xi32>
      %convert_element_type3A_2243 = arith.sitofp %unique3A_2236 : vector<16xi32> to vector<16xf32>
      tpu.vector_store_idx %arg20[%shift_right_logical3A_2239, %and3A_2242], %convert_element_type3A_2243 masked %unique3A_2235 {add = true} : memref<16x128xf32, #tpu.memory_space<vmem>>[vector<16xi32>, vector<16xi32>], vector<16xf32>, vector<16xi1>
      %get3A_2244 = arith.index_cast %add3A_2147 : i32 to index
      %get3A_2245 = arith.constant 96 : index
      %get3A_2246 = tpu.vector_load %arg19[%get3A_2244, %get3A_2245] {strides = array<i32>} : memref<88x128xi32, #tpu.memory_space<vmem>>, vector<16xi32>,
      %broadcast_in_dim3A_2247 = arith.constant true
      %broadcast_in_dim3A_2248 = vector.broadcast %broadcast_in_dim3A_2247 : i1 to vector<16xi1>
      %unique3A_2249, %unique3A_2250 = tpu.scan_count mask(%broadcast_in_dim3A_2248 : vector<16xi1>) value(%get3A_2246 : vector<16xi32>) : vector<16xi1>, vector<16xi32>
      %shift_right_logical3A_2251 = arith.constant 7 : i32
      %shift_right_logical3A_2252 = vector.broadcast %shift_right_logical3A_2251 : i32 to vector<16xi32>
      %shift_right_logical3A_2253 = arith.shrui %get3A_2246, %shift_right_logical3A_2252 : vector<16xi32>
      %and3A_2254 = arith.constant 127 : i32
      %and3A_2255 = vector.broadcast %and3A_2254 : i32 to vector<16xi32>
      %and3A_2256 = arith.andi %get3A_2246, %and3A_2255 : vector<16xi32>
      %convert_element_type3A_2257 = arith.sitofp %unique3A_2250 : vector<16xi32> to vector<16xf32>
      tpu.vector_store_idx %arg20[%shift_right_logical3A_2253, %and3A_2256], %convert_element_type3A_2257 masked %unique3A_2249 {add = true} : memref<16x128xf32, #tpu.memory_space<vmem>>[vector<16xi32>, vector<16xi32>], vector<16xf32>, vector<16xi1>
      %get3A_2258 = arith.index_cast %add3A_2147 : i32 to index
      %get3A_2259 = arith.constant 112 : index
      %get3A_2260 = tpu.vector_load %arg19[%get3A_2258, %get3A_2259] {strides = array<i32>} : memref<88x128xi32, #tpu.memory_space<vmem>>, vector<16xi32>,
      %broadcast_in_dim3A_2261 = arith.constant true
      %broadcast_in_dim3A_2262 = vector.broadcast %broadcast_in_dim3A_2261 : i1 to vector<16xi1>
      %unique3A_2263, %unique3A_2264 = tpu.scan_count mask(%broadcast_in_dim3A_2262 : vector<16xi1>) value(%get3A_2260 : vector<16xi32>) : vector<16xi1>, vector<16xi32>
      %shift_right_logical3A_2265 = arith.constant 7 : i32
      %shift_right_logical3A_2266 = vector.broadcast %shift_right_logical3A_2265 : i32 to vector<16xi32>
      %shift_right_logical3A_2267 = arith.shrui %get3A_2260, %shift_right_logical3A_2266 : vector<16xi32>
      %and3A_2268 = arith.constant 127 : i32
      %and3A_2269 = vector.broadcast %and3A_2268 : i32 to vector<16xi32>
      %and3A_2270 = arith.andi %get3A_2260, %and3A_2269 : vector<16xi32>
      %convert_element_type3A_2271 = arith.sitofp %unique3A_2264 : vector<16xi32> to vector<16xf32>
      tpu.vector_store_idx %arg20[%shift_right_logical3A_2267, %and3A_2270], %convert_element_type3A_2271 masked %unique3A_2263 {add = true} : memref<16x128xf32, #tpu.memory_space<vmem>>[vector<16xi32>, vector<16xi32>], vector<16xf32>, vector<16xi1>
      %dma_wait3A_2272 = arith.constant 0 : i32
      %dma_wait3A_2273 = tpu.memref_slice %arg19[%add3A_2147, %dma_wait3A_2272] : memref<88x128xi32, #tpu.memory_space<vmem>> -> memref<1x128xi32, #tpu.memory_space<vmem>>
      %dma_wait3A_2274 = tpu.memref_squeeze %dma_wait3A_2273 : memref<1x128xi32, #tpu.memory_space<vmem>> -> memref<128xi32, #tpu.memory_space<vmem>>
      %dma_wait3A_2275 = arith.constant 0 : i32
      %dma_wait3A_2276 = arith.constant 0 : i32
      %dma_wait3A_2277 = tpu.memref_slice %arg12[%dma_wait3A_2275, %dma_wait3A_2276] : memref<1664x128xf32, #tpu.memory_space<vmem_shared>> -> memref<1664x128xf32, #tpu.memory_space<vmem_shared>>
      tpu.wait_indirect_dma semaphore(%arg29 : memref<!tpu.dma_semaphore, #tpu.memory_space<semaphore_mem>>) src(%arg25 : memref<128x128xf32, #tpu.memory_space<vmem>>) dst(%dma_wait3A_2277 : memref<1664x128xf32, #tpu.memory_space<vmem_shared>>)
      %add3A_2278 = arith.constant 3 : i32
      %add3A_2279 = arith.addi %add3A_2147, %add3A_2278 : i32
      %lt3A_2280 = arith.cmpi slt, %add3A_2279, %mul3A_1816 : i32
      %convert_element_type3A_2281 = arith.extui %lt3A_2280 : i1 to i32
      %cond3A_2282 = arith.constant 0 : i32
      %cond3A_2283 = arith.cmpi ne, %convert_element_type3A_2281, %cond3A_2282 : i32
      scf.if %cond3A_2283 {
        %dma_start3A_2285 = arith.constant 0 : i32
        %dma_start3A_2286 = tpu.memref_slice %arg18[%add3A_2279, %dma_start3A_2285] : memref<88x128xi32, #tpu.memory_space<vmem>> -> memref<1x128xi32, #tpu.memory_space<vmem>>
        %dma_start3A_2287 = tpu.memref_squeeze %dma_start3A_2286 : memref<1x128xi32, #tpu.memory_space<vmem>> -> memref<128xi32, #tpu.memory_space<vmem>>
        %dma_start3A_2288 = arith.constant 0 : i32
        %dma_start3A_2289 = arith.constant 0 : i32
        %dma_start3A_2290 = tpu.memref_slice %arg2[%dma_start3A_2288, %dma_start3A_2289] : memref<10000x128xf32, #tpu.memory_space<hbm>> -> memref<10000x128xf32, #tpu.memory_space<hbm>>
        tpu.enqueue_indirect_dma source(%dma_start3A_2290 : memref<10000x128xf32, #tpu.memory_space<hbm>>) target(%arg25 : memref<128x128xf32, #tpu.memory_space<vmem>>) offsets(%dma_start3A_2287 : memref<128xi32, #tpu.memory_space<vmem>>) semaphore(%arg28 : memref<!tpu.dma_semaphore, #tpu.memory_space<semaphore_mem>>)
      } else {
      }
      %while3A_2284 = arith.constant 0 : i32
      scf.yield %while3A_2284 : i32
    }
    %barrier3A_1849 = arith.constant 0 : index
    tpu.barrier barrier_id(%barrier3A_1849)
    "tpu.region"() ({
      %run_scoped3A = tpu.sem_alloc : memref<!tpu.dma_semaphore, #tpu.memory_space<semaphore_mem>>
      %dma_start3A_1863 = arith.constant 0 : i32
      %dma_start3A_1864 = arith.constant 0 : i32
      %dma_start3A_1865 = tpu.memref_slice %arg13[%dma_start3A_1863, %dma_start3A_1864] : memref<16x128xf32, #tpu.memory_space<vmem_shared>> -> memref<16x128xf32, #tpu.memory_space<vmem_shared>>
      tpu.enqueue_indirect_dma source(%arg20 : memref<16x128xf32, #tpu.memory_space<vmem>>) target(%dma_start3A_1865 : memref<16x128xf32, #tpu.memory_space<vmem_shared>>) offsets(%arg21 : memref<16xi32, #tpu.memory_space<vmem>>) semaphore(%run_scoped3A : memref<!tpu.dma_semaphore, #tpu.memory_space<semaphore_mem>>) {add = true}
      %dma_wait3A_1866 = arith.constant 0 : i32
      %dma_wait3A_1867 = arith.constant 0 : i32
      %dma_wait3A_1868 = tpu.memref_slice %arg13[%dma_wait3A_1866, %dma_wait3A_1867] : memref<16x128xf32, #tpu.memory_space<vmem_shared>> -> memref<16x128xf32, #tpu.memory_space<vmem_shared>>
      tpu.wait_indirect_dma semaphore(%run_scoped3A : memref<!tpu.dma_semaphore, #tpu.memory_space<semaphore_mem>>) src(%arg20 : memref<16x128xf32, #tpu.memory_space<vmem>>) dst(%dma_wait3A_1868 : memref<16x128xf32, #tpu.memory_space<vmem_shared>>)
      tpu.yield
    }) : () -> ()
    %barrier3A_1850 = arith.constant 0 : index
    tpu.barrier barrier_id(%barrier3A_1850)
    %eq3A_1851 = arith.constant 0 : i32
    %eq3A_1852 = arith.cmpi eq, %arg0, %eq3A_1851 : i32
    %convert_element_type3A_1853 = arith.extui %eq3A_1852 : i1 to i32
    %cond3A_1854 = arith.constant 0 : i32
    %cond3A_1855 = arith.cmpi ne, %convert_element_type3A_1853, %cond3A_1854 : i32
    scf.if %cond3A_1855 {
      "tpu.region"() ({
        %run_scoped3A = tpu.sem_alloc : memref<!tpu.dma_semaphore, #tpu.memory_space<semaphore_mem>>
        %dma_start3A_1868 = arith.constant 0 : i32
        %dma_start3A_1869 = tpu.memref_slice %arg7[%multiple_of3A, %dma_start3A_1868] : memref<1664x128xf32, #tpu.memory_space<hbm>> -> memref<104x128xf32, #tpu.memory_space<hbm>>
        %dma_start3A_1870 = arith.constant 0 : i32
        %dma_start3A_1871 = tpu.memref_slice %arg12[%multiple_of3A, %dma_start3A_1870] : memref<1664x128xf32, #tpu.memory_space<vmem_shared>> -> memref<104x128xf32, #tpu.memory_space<vmem_shared>>
        tpu.enqueue_dma source(%dma_start3A_1871 : memref<104x128xf32, #tpu.memory_space<vmem_shared>>) target(%dma_start3A_1869 : memref<104x128xf32, #tpu.memory_space<hbm>>) target_semaphore(%run_scoped3A : memref<!tpu.dma_semaphore, #tpu.memory_space<semaphore_mem>>)
        %dma_wait3A_1872 = arith.constant 0 : i32
        %dma_wait3A_1873 = tpu.memref_slice %arg7[%multiple_of3A, %dma_wait3A_1872] : memref<1664x128xf32, #tpu.memory_space<hbm>> -> memref<104x128xf32, #tpu.memory_space<hbm>>
        %dma_wait3A_1874 = arith.constant 0 : i32
        %dma_wait3A_1875 = tpu.memref_slice %arg12[%multiple_of3A, %dma_wait3A_1874] : memref<1664x128xf32, #tpu.memory_space<vmem_shared>> -> memref<104x128xf32, #tpu.memory_space<vmem_shared>>
        tpu.wait_dma2 semaphore(%run_scoped3A : memref<!tpu.dma_semaphore, #tpu.memory_space<semaphore_mem>>) src(%dma_wait3A_1875 : memref<104x128xf32, #tpu.memory_space<vmem_shared>>) dst(%dma_wait3A_1873 : memref<104x128xf32, #tpu.memory_space<hbm>>)
        tpu.yield
      }) : () -> ()
      %eq3A_1863 = arith.constant 0 : i32
      %eq3A_1864 = arith.cmpi eq, %arg1, %eq3A_1863 : i32
      %convert_element_type3A_1865 = arith.extui %eq3A_1864 : i1 to i32
      %cond3A_1866 = arith.constant 0 : i32
      %cond3A_1867 = arith.cmpi ne, %convert_element_type3A_1865, %cond3A_1866 : i32
      scf.if %cond3A_1867 {
        "tpu.region"() ({
          %run_scoped3A = tpu.sem_alloc : memref<!tpu.dma_semaphore, #tpu.memory_space<semaphore_mem>>
          tpu.enqueue_dma source(%arg13 : memref<16x128xf32, #tpu.memory_space<vmem_shared>>) target(%arg9 : memref<16x128xf32, #tpu.memory_space<hbm>>) target_semaphore(%run_scoped3A : memref<!tpu.dma_semaphore, #tpu.memory_space<semaphore_mem>>)
          tpu.wait_dma2 semaphore(%run_scoped3A : memref<!tpu.dma_semaphore, #tpu.memory_space<semaphore_mem>>) src(%arg13 : memref<16x128xf32, #tpu.memory_space<vmem_shared>>) dst(%arg9 : memref<16x128xf32, #tpu.memory_space<hbm>>)
          tpu.yield
        }) : () -> ()
      } else {
      }
    } else {
    }
    %eq3A_1856 = arith.constant 1 : i32
    %eq3A_1857 = arith.cmpi eq, %arg0, %eq3A_1856 : i32
    %convert_element_type3A_1858 = arith.extui %eq3A_1857 : i1 to i32
    %cond3A_1859 = arith.constant 0 : i32
    %cond3A_1860 = arith.cmpi ne, %convert_element_type3A_1858, %cond3A_1859 : i32
    scf.if %cond3A_1860 {
      "tpu.region"() ({
        %run_scoped3A = tpu.sem_alloc : memref<!tpu.dma_semaphore, #tpu.memory_space<semaphore_mem>>
        %dma_start3A_1868 = arith.constant 0 : i32
        %dma_start3A_1869 = tpu.memref_slice %arg8[%multiple_of3A, %dma_start3A_1868] : memref<1664x128xf32, #tpu.memory_space<hbm>> -> memref<104x128xf32, #tpu.memory_space<hbm>>
        %dma_start3A_1870 = arith.constant 0 : i32
        %dma_start3A_1871 = tpu.memref_slice %arg12[%multiple_of3A, %dma_start3A_1870] : memref<1664x128xf32, #tpu.memory_space<vmem_shared>> -> memref<104x128xf32, #tpu.memory_space<vmem_shared>>
        tpu.enqueue_dma source(%dma_start3A_1871 : memref<104x128xf32, #tpu.memory_space<vmem_shared>>) target(%dma_start3A_1869 : memref<104x128xf32, #tpu.memory_space<hbm>>) target_semaphore(%run_scoped3A : memref<!tpu.dma_semaphore, #tpu.memory_space<semaphore_mem>>)
        %dma_wait3A_1872 = arith.constant 0 : i32
        %dma_wait3A_1873 = tpu.memref_slice %arg8[%multiple_of3A, %dma_wait3A_1872] : memref<1664x128xf32, #tpu.memory_space<hbm>> -> memref<104x128xf32, #tpu.memory_space<hbm>>
        %dma_wait3A_1874 = arith.constant 0 : i32
        %dma_wait3A_1875 = tpu.memref_slice %arg12[%multiple_of3A, %dma_wait3A_1874] : memref<1664x128xf32, #tpu.memory_space<vmem_shared>> -> memref<104x128xf32, #tpu.memory_space<vmem_shared>>
        tpu.wait_dma2 semaphore(%run_scoped3A : memref<!tpu.dma_semaphore, #tpu.memory_space<semaphore_mem>>) src(%dma_wait3A_1875 : memref<104x128xf32, #tpu.memory_space<vmem_shared>>) dst(%dma_wait3A_1873 : memref<104x128xf32, #tpu.memory_space<hbm>>)
        tpu.yield
      }) : () -> ()
      %eq3A_1863 = arith.constant 0 : i32
      %eq3A_1864 = arith.cmpi eq, %arg1, %eq3A_1863 : i32
      %convert_element_type3A_1865 = arith.extui %eq3A_1864 : i1 to i32
      %cond3A_1866 = arith.constant 0 : i32
      %cond3A_1867 = arith.cmpi ne, %convert_element_type3A_1865, %cond3A_1866 : i32
      scf.if %cond3A_1867 {
        "tpu.region"() ({
          %run_scoped3A = tpu.sem_alloc : memref<!tpu.dma_semaphore, #tpu.memory_space<semaphore_mem>>
          tpu.enqueue_dma source(%arg13 : memref<16x128xf32, #tpu.memory_space<vmem_shared>>) target(%arg10 : memref<16x128xf32, #tpu.memory_space<hbm>>) target_semaphore(%run_scoped3A : memref<!tpu.dma_semaphore, #tpu.memory_space<semaphore_mem>>)
          tpu.wait_dma2 semaphore(%run_scoped3A : memref<!tpu.dma_semaphore, #tpu.memory_space<semaphore_mem>>) src(%arg13 : memref<16x128xf32, #tpu.memory_space<vmem_shared>>) dst(%arg10 : memref<16x128xf32, #tpu.memory_space<hbm>>)
          tpu.yield
        }) : () -> ()
      } else {
      }
    } else {
    }
    %dma_wait3A_1861 = tpu.memref_slice %arg11[%multiple_of3A_1781] : memref<1536xi32, #tpu.memory_space<hbm>> -> memref<48xi32, #tpu.memory_space<hbm>>
    %dma_wait3A_1862 = tpu.memref_slice %arg11[%multiple_of3A_1781] : memref<1536xi32, #tpu.memory_space<hbm>> -> memref<48xi32, #tpu.memory_space<hbm>>
    tpu.wait_dma2 semaphore(%arg32 : memref<!tpu.dma_semaphore, #tpu.memory_space<semaphore_mem>>) src(%arg22 : memref<48xi32, #tpu.memory_space<vmem>>) dst(%dma_wait3A_1862 : memref<48xi32, #tpu.memory_space<hbm>>)
    return
  }
}

#map = affine_map<(d0, d1) -> (0, 0)>
#map1 = affine_map<(d0, d1) -> (0)>
module attributes {stable_mosaic.version = 14 : i64} {
  func.func @_sc_gather(%arg0: i32, %arg1: i32, %arg2: memref<1664x128xf32, #tpu.memory_space<hbm>>, %arg3: memref<1664x128xf32, #tpu.memory_space<hbm>>, %arg4: memref<10000x128xf32, #tpu.memory_space<hbm>>, %arg5: memref<16x128xf32, #tpu.memory_space<hbm>>, %arg6: memref<16x128xf32, #tpu.memory_space<hbm>>, %arg7: memref<1536xi32, #tpu.memory_space<hbm>>, %arg8: memref<1536xi32, #tpu.memory_space<hbm>>, %arg9: memref<1536x128xf32, #tpu.memory_space<hbm>>, %arg10: memref<1536x128xf32, #tpu.memory_space<hbm>>, %arg11: memref<1536x128xf32, #tpu.memory_space<hbm>>, %arg12: memref<1536xf32, #tpu.memory_space<hbm>>, %arg13: memref<48xi32, #tpu.memory_space<vmem>>, %arg14: memref<48xi32, #tpu.memory_space<vmem>>, %arg15: memref<48x128xf32, #tpu.memory_space<vmem>>, %arg16: memref<48x128xf32, #tpu.memory_space<vmem>>, %arg17: memref<48x128xf32, #tpu.memory_space<vmem>>, %arg18: memref<16x128xf32, #tpu.memory_space<vmem>>, %arg19: memref<16x128xf32, #tpu.memory_space<vmem>>, %arg20: memref<48xf32, #tpu.memory_space<vmem>>, %arg21: memref<!tpu.dma_semaphore, #tpu.memory_space<semaphore_mem>>, %arg22: memref<!tpu.dma_semaphore, #tpu.memory_space<semaphore_mem>>, %arg23: memref<!tpu.dma_semaphore, #tpu.memory_space<semaphore_mem>>, %arg24: memref<!tpu.dma_semaphore, #tpu.memory_space<semaphore_mem>>, %arg25: memref<!tpu.dma_semaphore, #tpu.memory_space<semaphore_mem>>, %arg26: memref<!tpu.dma_semaphore, #tpu.memory_space<semaphore_mem>>, %arg27: memref<!tpu.dma_semaphore, #tpu.memory_space<semaphore_mem>>, %arg28: memref<!tpu.dma_semaphore, #tpu.memory_space<semaphore_mem>>, %arg29: memref<!tpu.dma_semaphore, #tpu.memory_space<semaphore_mem>>, %arg30: memref<!tpu.dma_semaphore, #tpu.memory_space<semaphore_mem>>, %arg31: memref<!tpu.dma_semaphore, #tpu.memory_space<semaphore_mem>>) attributes {dimension_semantics = [#tpu.dimension_semantics<core_parallel>, #tpu.dimension_semantics<subcore_parallel>], iteration_bounds = array<i64: 2, 16>, scalar_prefetch = 0 : i64, scratch_operands = 19 : i64, tpu.core_type = #tpu.core_type<sc_vector_subcore>, window_params = [{transform_indices = #map}, {transform_indices = #map}, {transform_indices = #map}, {transform_indices = #map}, {transform_indices = #map}, {transform_indices = #map1}, {transform_indices = #map1}, {transform_indices = #map}, {transform_indices = #map}, {transform_indices = #map}, {transform_indices = #map1}]} {
    %mul3A = arith.constant 16 : i32
    %mul3A_0 = arith.muli %arg0, %mul3A : i32
    %add3A = arith.addi %mul3A_0, %arg1 : i32
    %mul3A_1 = arith.constant 48 : i32
    %mul3A_2 = arith.muli %add3A, %mul3A_1 : i32
    %multiple_of3A = tpu.assume_multiple %mul3A_2, 8 : i32
    %dma_start3A = tpu.memref_slice %arg7[%multiple_of3A] : memref<1536xi32, #tpu.memory_space<hbm>> -> memref<48xi32, #tpu.memory_space<hbm>>
    %dma_start3A_3 = tpu.memref_slice %arg7[%multiple_of3A] : memref<1536xi32, #tpu.memory_space<hbm>> -> memref<48xi32, #tpu.memory_space<hbm>>
    tpu.enqueue_dma source(%dma_start3A_3 : memref<48xi32, #tpu.memory_space<hbm>>) target(%arg13 : memref<48xi32, #tpu.memory_space<vmem>>) target_semaphore(%arg21 : memref<!tpu.dma_semaphore, #tpu.memory_space<semaphore_mem>>)
    %dma_start3A_4 = tpu.memref_slice %arg8[%multiple_of3A] : memref<1536xi32, #tpu.memory_space<hbm>> -> memref<48xi32, #tpu.memory_space<hbm>>
    %dma_start3A_5 = tpu.memref_slice %arg8[%multiple_of3A] : memref<1536xi32, #tpu.memory_space<hbm>> -> memref<48xi32, #tpu.memory_space<hbm>>
    tpu.enqueue_dma source(%dma_start3A_5 : memref<48xi32, #tpu.memory_space<hbm>>) target(%arg14 : memref<48xi32, #tpu.memory_space<vmem>>) target_semaphore(%arg22 : memref<!tpu.dma_semaphore, #tpu.memory_space<semaphore_mem>>)
    tpu.enqueue_dma source(%arg5 : memref<16x128xf32, #tpu.memory_space<hbm>>) target(%arg18 : memref<16x128xf32, #tpu.memory_space<vmem>>) target_semaphore(%arg23 : memref<!tpu.dma_semaphore, #tpu.memory_space<semaphore_mem>>)
    tpu.enqueue_dma source(%arg6 : memref<16x128xf32, #tpu.memory_space<hbm>>) target(%arg19 : memref<16x128xf32, #tpu.memory_space<vmem>>) target_semaphore(%arg24 : memref<!tpu.dma_semaphore, #tpu.memory_space<semaphore_mem>>)
    %dma_wait3A = tpu.memref_slice %arg8[%multiple_of3A] : memref<1536xi32, #tpu.memory_space<hbm>> -> memref<48xi32, #tpu.memory_space<hbm>>
    %dma_wait3A_6 = tpu.memref_slice %arg8[%multiple_of3A] : memref<1536xi32, #tpu.memory_space<hbm>> -> memref<48xi32, #tpu.memory_space<hbm>>
    tpu.wait_dma2 semaphore(%arg22 : memref<!tpu.dma_semaphore, #tpu.memory_space<semaphore_mem>>) src(%dma_wait3A_6 : memref<48xi32, #tpu.memory_space<hbm>>) dst(%arg14 : memref<48xi32, #tpu.memory_space<vmem>>)
    %dma_start3A_7 = arith.constant 0 : i32
    %dma_start3A_8 = arith.constant 0 : i32
    %dma_start3A_9 = tpu.memref_slice %arg2[%dma_start3A_7, %dma_start3A_8] : memref<1664x128xf32, #tpu.memory_space<hbm>> -> memref<1664x128xf32, #tpu.memory_space<hbm>>
    tpu.enqueue_indirect_dma source(%dma_start3A_9 : memref<1664x128xf32, #tpu.memory_space<hbm>>) target(%arg15 : memref<48x128xf32, #tpu.memory_space<vmem>>) offsets(%arg14 : memref<48xi32, #tpu.memory_space<vmem>>) semaphore(%arg25 : memref<!tpu.dma_semaphore, #tpu.memory_space<semaphore_mem>>)
    %dma_start3A_10 = arith.constant 0 : i32
    %dma_start3A_11 = arith.constant 0 : i32
    %dma_start3A_12 = tpu.memref_slice %arg3[%dma_start3A_10, %dma_start3A_11] : memref<1664x128xf32, #tpu.memory_space<hbm>> -> memref<1664x128xf32, #tpu.memory_space<hbm>>
    tpu.enqueue_indirect_dma source(%dma_start3A_12 : memref<1664x128xf32, #tpu.memory_space<hbm>>) target(%arg16 : memref<48x128xf32, #tpu.memory_space<vmem>>) offsets(%arg14 : memref<48xi32, #tpu.memory_space<vmem>>) semaphore(%arg26 : memref<!tpu.dma_semaphore, #tpu.memory_space<semaphore_mem>>)
    %dma_wait3A_13 = tpu.memref_slice %arg7[%multiple_of3A] : memref<1536xi32, #tpu.memory_space<hbm>> -> memref<48xi32, #tpu.memory_space<hbm>>
    %dma_wait3A_14 = tpu.memref_slice %arg7[%multiple_of3A] : memref<1536xi32, #tpu.memory_space<hbm>> -> memref<48xi32, #tpu.memory_space<hbm>>
    tpu.wait_dma2 semaphore(%arg21 : memref<!tpu.dma_semaphore, #tpu.memory_space<semaphore_mem>>) src(%dma_wait3A_14 : memref<48xi32, #tpu.memory_space<hbm>>) dst(%arg13 : memref<48xi32, #tpu.memory_space<vmem>>)
    %dma_start3A_15 = arith.constant 0 : i32
    %dma_start3A_16 = arith.constant 0 : i32
    %dma_start3A_17 = tpu.memref_slice %arg4[%dma_start3A_15, %dma_start3A_16] : memref<10000x128xf32, #tpu.memory_space<hbm>> -> memref<10000x128xf32, #tpu.memory_space<hbm>>
    tpu.enqueue_indirect_dma source(%dma_start3A_17 : memref<10000x128xf32, #tpu.memory_space<hbm>>) target(%arg17 : memref<48x128xf32, #tpu.memory_space<vmem>>) offsets(%arg13 : memref<48xi32, #tpu.memory_space<vmem>>) semaphore(%arg30 : memref<!tpu.dma_semaphore, #tpu.memory_space<semaphore_mem>>)
    tpu.wait_dma2 semaphore(%arg23 : memref<!tpu.dma_semaphore, #tpu.memory_space<semaphore_mem>>) src(%arg5 : memref<16x128xf32, #tpu.memory_space<hbm>>) dst(%arg18 : memref<16x128xf32, #tpu.memory_space<vmem>>)
    tpu.wait_dma2 semaphore(%arg24 : memref<!tpu.dma_semaphore, #tpu.memory_space<semaphore_mem>>) src(%arg6 : memref<16x128xf32, #tpu.memory_space<hbm>>) dst(%arg19 : memref<16x128xf32, #tpu.memory_space<vmem>>)
    %get3A = arith.constant 0 : index
    %get3A_18 = tpu.vector_load %arg14[%get3A] {strides = array<i32>} : memref<48xi32, #tpu.memory_space<vmem>>, vector<16xi32>,
    %shift_right_logical3A = arith.constant 7 : i32
    %shift_right_logical3A_19 = vector.broadcast %shift_right_logical3A : i32 to vector<16xi32>
    %shift_right_logical3A_20 = arith.shrui %get3A_18, %shift_right_logical3A_19 : vector<16xi32>
    %and3A = arith.constant 127 : i32
    %and3A_21 = vector.broadcast %and3A : i32 to vector<16xi32>
    %and3A_22 = arith.andi %get3A_18, %and3A_21 : vector<16xi32>
    %gather3A = tpu.vector_load_idx %arg18[%shift_right_logical3A_20, %and3A_22] : memref<16x128xf32, #tpu.memory_space<vmem>>[vector<16xi32>, vector<16xi32>], vector<16xf32>,
    %gather3A_23 = tpu.vector_load_idx %arg19[%shift_right_logical3A_20, %and3A_22] : memref<16x128xf32, #tpu.memory_space<vmem>>[vector<16xi32>, vector<16xi32>], vector<16xf32>,
    %add3A_24 = arith.addf %gather3A, %gather3A_23 : vector<16xf32>
    %swap3A = arith.constant 0 : index
    %swap3A_25 = tpu.vector_load %arg20[%swap3A] {strides = array<i32>} : memref<48xf32, #tpu.memory_space<vmem>>, vector<16xf32>,
    tpu.vector_store %arg20[%swap3A], %add3A_24 {strides = array<i32>} : memref<48xf32, #tpu.memory_space<vmem>>, vector<16xf32>,
    %get3A_26 = arith.constant 16 : index
    %get3A_27 = tpu.vector_load %arg14[%get3A_26] {strides = array<i32>} : memref<48xi32, #tpu.memory_space<vmem>>, vector<16xi32>,
    %shift_right_logical3A_28 = arith.constant 7 : i32
    %shift_right_logical3A_29 = vector.broadcast %shift_right_logical3A_28 : i32 to vector<16xi32>
    %shift_right_logical3A_30 = arith.shrui %get3A_27, %shift_right_logical3A_29 : vector<16xi32>
    %and3A_31 = arith.constant 127 : i32
    %and3A_32 = vector.broadcast %and3A_31 : i32 to vector<16xi32>
    %and3A_33 = arith.andi %get3A_27, %and3A_32 : vector<16xi32>
    %gather3A_34 = tpu.vector_load_idx %arg18[%shift_right_logical3A_30, %and3A_33] : memref<16x128xf32, #tpu.memory_space<vmem>>[vector<16xi32>, vector<16xi32>], vector<16xf32>,
    %gather3A_35 = tpu.vector_load_idx %arg19[%shift_right_logical3A_30, %and3A_33] : memref<16x128xf32, #tpu.memory_space<vmem>>[vector<16xi32>, vector<16xi32>], vector<16xf32>,
    %add3A_36 = arith.addf %gather3A_34, %gather3A_35 : vector<16xf32>
    %swap3A_37 = arith.constant 16 : index
    %swap3A_38 = tpu.vector_load %arg20[%swap3A_37] {strides = array<i32>} : memref<48xf32, #tpu.memory_space<vmem>>, vector<16xf32>,
    tpu.vector_store %arg20[%swap3A_37], %add3A_36 {strides = array<i32>} : memref<48xf32, #tpu.memory_space<vmem>>, vector<16xf32>,
    %get3A_39 = arith.constant 32 : index
    %get3A_40 = tpu.vector_load %arg14[%get3A_39] {strides = array<i32>} : memref<48xi32, #tpu.memory_space<vmem>>, vector<16xi32>,
    %shift_right_logical3A_41 = arith.constant 7 : i32
    %shift_right_logical3A_42 = vector.broadcast %shift_right_logical3A_41 : i32 to vector<16xi32>
    %shift_right_logical3A_43 = arith.shrui %get3A_40, %shift_right_logical3A_42 : vector<16xi32>
    %and3A_44 = arith.constant 127 : i32
    %and3A_45 = vector.broadcast %and3A_44 : i32 to vector<16xi32>
    %and3A_46 = arith.andi %get3A_40, %and3A_45 : vector<16xi32>
    %gather3A_47 = tpu.vector_load_idx %arg18[%shift_right_logical3A_43, %and3A_46] : memref<16x128xf32, #tpu.memory_space<vmem>>[vector<16xi32>, vector<16xi32>], vector<16xf32>,
    %gather3A_48 = tpu.vector_load_idx %arg19[%shift_right_logical3A_43, %and3A_46] : memref<16x128xf32, #tpu.memory_space<vmem>>[vector<16xi32>, vector<16xi32>], vector<16xf32>,
    %add3A_49 = arith.addf %gather3A_47, %gather3A_48 : vector<16xf32>
    %swap3A_50 = arith.constant 32 : index
    %swap3A_51 = tpu.vector_load %arg20[%swap3A_50] {strides = array<i32>} : memref<48xf32, #tpu.memory_space<vmem>>, vector<16xf32>,
    tpu.vector_store %arg20[%swap3A_50], %add3A_49 {strides = array<i32>} : memref<48xf32, #tpu.memory_space<vmem>>, vector<16xf32>,
    %dma_start3A_52 = tpu.memref_slice %arg12[%multiple_of3A] : memref<1536xf32, #tpu.memory_space<hbm>> -> memref<48xf32, #tpu.memory_space<hbm>>
    %dma_start3A_53 = tpu.memref_slice %arg12[%multiple_of3A] : memref<1536xf32, #tpu.memory_space<hbm>> -> memref<48xf32, #tpu.memory_space<hbm>>
    tpu.enqueue_dma source(%arg20 : memref<48xf32, #tpu.memory_space<vmem>>) target(%dma_start3A_53 : memref<48xf32, #tpu.memory_space<hbm>>) target_semaphore(%arg29 : memref<!tpu.dma_semaphore, #tpu.memory_space<semaphore_mem>>)
    %dma_wait3A_54 = arith.constant 0 : i32
    %dma_wait3A_55 = arith.constant 0 : i32
    %dma_wait3A_56 = tpu.memref_slice %arg2[%dma_wait3A_54, %dma_wait3A_55] : memref<1664x128xf32, #tpu.memory_space<hbm>> -> memref<1664x128xf32, #tpu.memory_space<hbm>>
    tpu.wait_indirect_dma semaphore(%arg25 : memref<!tpu.dma_semaphore, #tpu.memory_space<semaphore_mem>>) src(%dma_wait3A_56 : memref<1664x128xf32, #tpu.memory_space<hbm>>) dst(%arg15 : memref<48x128xf32, #tpu.memory_space<vmem>>)
    %dma_start3A_57 = arith.constant 0 : i32
    %dma_start3A_58 = tpu.memref_slice %arg9[%multiple_of3A, %dma_start3A_57] : memref<1536x128xf32, #tpu.memory_space<hbm>> -> memref<48x128xf32, #tpu.memory_space<hbm>>
    %dma_start3A_59 = arith.constant 0 : i32
    %dma_start3A_60 = tpu.memref_slice %arg9[%multiple_of3A, %dma_start3A_59] : memref<1536x128xf32, #tpu.memory_space<hbm>> -> memref<48x128xf32, #tpu.memory_space<hbm>>
    tpu.enqueue_dma source(%arg15 : memref<48x128xf32, #tpu.memory_space<vmem>>) target(%dma_start3A_60 : memref<48x128xf32, #tpu.memory_space<hbm>>) target_semaphore(%arg27 : memref<!tpu.dma_semaphore, #tpu.memory_space<semaphore_mem>>)
    %dma_wait3A_61 = arith.constant 0 : i32
    %dma_wait3A_62 = arith.constant 0 : i32
    %dma_wait3A_63 = tpu.memref_slice %arg3[%dma_wait3A_61, %dma_wait3A_62] : memref<1664x128xf32, #tpu.memory_space<hbm>> -> memref<1664x128xf32, #tpu.memory_space<hbm>>
    tpu.wait_indirect_dma semaphore(%arg26 : memref<!tpu.dma_semaphore, #tpu.memory_space<semaphore_mem>>) src(%dma_wait3A_63 : memref<1664x128xf32, #tpu.memory_space<hbm>>) dst(%arg16 : memref<48x128xf32, #tpu.memory_space<vmem>>)
    %dma_start3A_64 = arith.constant 0 : i32
    %dma_start3A_65 = tpu.memref_slice %arg10[%multiple_of3A, %dma_start3A_64] : memref<1536x128xf32, #tpu.memory_space<hbm>> -> memref<48x128xf32, #tpu.memory_space<hbm>>
    %dma_start3A_66 = arith.constant 0 : i32
    %dma_start3A_67 = tpu.memref_slice %arg10[%multiple_of3A, %dma_start3A_66] : memref<1536x128xf32, #tpu.memory_space<hbm>> -> memref<48x128xf32, #tpu.memory_space<hbm>>
    tpu.enqueue_dma source(%arg16 : memref<48x128xf32, #tpu.memory_space<vmem>>) target(%dma_start3A_67 : memref<48x128xf32, #tpu.memory_space<hbm>>) target_semaphore(%arg28 : memref<!tpu.dma_semaphore, #tpu.memory_space<semaphore_mem>>)
    %dma_wait3A_68 = arith.constant 0 : i32
    %dma_wait3A_69 = arith.constant 0 : i32
    %dma_wait3A_70 = tpu.memref_slice %arg4[%dma_wait3A_68, %dma_wait3A_69] : memref<10000x128xf32, #tpu.memory_space<hbm>> -> memref<10000x128xf32, #tpu.memory_space<hbm>>
    tpu.wait_indirect_dma semaphore(%arg30 : memref<!tpu.dma_semaphore, #tpu.memory_space<semaphore_mem>>) src(%dma_wait3A_70 : memref<10000x128xf32, #tpu.memory_space<hbm>>) dst(%arg17 : memref<48x128xf32, #tpu.memory_space<vmem>>)
    %dma_start3A_71 = arith.constant 0 : i32
    %dma_start3A_72 = tpu.memref_slice %arg11[%multiple_of3A, %dma_start3A_71] : memref<1536x128xf32, #tpu.memory_space<hbm>> -> memref<48x128xf32, #tpu.memory_space<hbm>>
    %dma_start3A_73 = arith.constant 0 : i32
    %dma_start3A_74 = tpu.memref_slice %arg11[%multiple_of3A, %dma_start3A_73] : memref<1536x128xf32, #tpu.memory_space<hbm>> -> memref<48x128xf32, #tpu.memory_space<hbm>>
    tpu.enqueue_dma source(%arg17 : memref<48x128xf32, #tpu.memory_space<vmem>>) target(%dma_start3A_74 : memref<48x128xf32, #tpu.memory_space<hbm>>) target_semaphore(%arg31 : memref<!tpu.dma_semaphore, #tpu.memory_space<semaphore_mem>>)
    %dma_wait3A_75 = tpu.memref_slice %arg12[%multiple_of3A] : memref<1536xf32, #tpu.memory_space<hbm>> -> memref<48xf32, #tpu.memory_space<hbm>>
    %dma_wait3A_76 = tpu.memref_slice %arg12[%multiple_of3A] : memref<1536xf32, #tpu.memory_space<hbm>> -> memref<48xf32, #tpu.memory_space<hbm>>
    tpu.wait_dma2 semaphore(%arg29 : memref<!tpu.dma_semaphore, #tpu.memory_space<semaphore_mem>>) src(%arg20 : memref<48xf32, #tpu.memory_space<vmem>>) dst(%dma_wait3A_76 : memref<48xf32, #tpu.memory_space<hbm>>)
    %dma_wait3A_77 = arith.constant 0 : i32
    %dma_wait3A_78 = tpu.memref_slice %arg9[%multiple_of3A, %dma_wait3A_77] : memref<1536x128xf32, #tpu.memory_space<hbm>> -> memref<48x128xf32, #tpu.memory_space<hbm>>
    %dma_wait3A_79 = arith.constant 0 : i32
    %dma_wait3A_80 = tpu.memref_slice %arg9[%multiple_of3A, %dma_wait3A_79] : memref<1536x128xf32, #tpu.memory_space<hbm>> -> memref<48x128xf32, #tpu.memory_space<hbm>>
    tpu.wait_dma2 semaphore(%arg27 : memref<!tpu.dma_semaphore, #tpu.memory_space<semaphore_mem>>) src(%arg15 : memref<48x128xf32, #tpu.memory_space<vmem>>) dst(%dma_wait3A_80 : memref<48x128xf32, #tpu.memory_space<hbm>>)
    %dma_wait3A_81 = arith.constant 0 : i32
    %dma_wait3A_82 = tpu.memref_slice %arg10[%multiple_of3A, %dma_wait3A_81] : memref<1536x128xf32, #tpu.memory_space<hbm>> -> memref<48x128xf32, #tpu.memory_space<hbm>>
    %dma_wait3A_83 = arith.constant 0 : i32
    %dma_wait3A_84 = tpu.memref_slice %arg10[%multiple_of3A, %dma_wait3A_83] : memref<1536x128xf32, #tpu.memory_space<hbm>> -> memref<48x128xf32, #tpu.memory_space<hbm>>
    tpu.wait_dma2 semaphore(%arg28 : memref<!tpu.dma_semaphore, #tpu.memory_space<semaphore_mem>>) src(%arg16 : memref<48x128xf32, #tpu.memory_space<vmem>>) dst(%dma_wait3A_84 : memref<48x128xf32, #tpu.memory_space<hbm>>)
    %dma_wait3A_85 = arith.constant 0 : i32
    %dma_wait3A_86 = tpu.memref_slice %arg11[%multiple_of3A, %dma_wait3A_85] : memref<1536x128xf32, #tpu.memory_space<hbm>> -> memref<48x128xf32, #tpu.memory_space<hbm>>
    %dma_wait3A_87 = arith.constant 0 : i32
    %dma_wait3A_88 = tpu.memref_slice %arg11[%multiple_of3A, %dma_wait3A_87] : memref<1536x128xf32, #tpu.memory_space<hbm>> -> memref<48x128xf32, #tpu.memory_space<hbm>>
    tpu.wait_dma2 semaphore(%arg31 : memref<!tpu.dma_semaphore, #tpu.memory_space<semaphore_mem>>) src(%arg17 : memref<48x128xf32, #tpu.memory_space<vmem>>) dst(%dma_wait3A_88 : memref<48x128xf32, #tpu.memory_space<hbm>>)
    return
  }
}

module attributes {stable_mosaic.version = 14 : i64} {
  func.func @_tc_body(%arg0: memref<1536x128xf32, #tpu.memory_space<vmem>>, %arg1: memref<1536x128xf32, #tpu.memory_space<vmem>>, %arg2: memref<1536x128xf32, #tpu.memory_space<vmem>>, %arg3: memref<1536x1xf32, #tpu.memory_space<vmem>>, %arg4: memref<128x128xf32, #tpu.memory_space<vmem>>, %arg5: memref<512x36xf32, #tpu.memory_space<vmem>>, %arg6: memref<1x36xf32, #tpu.memory_space<vmem>>, %arg7: memref<64x36xf32, #tpu.memory_space<vmem>>) attributes {dimension_semantics = [], scalar_prefetch = 0 : i64, scratch_operands = 0 : i64, tpu.core_type = #tpu.core_type<tc>} {
    %get3A = arith.constant 0 : index
    %get3A_0 = arith.constant 0 : index
    %get3A_1 = vector.load %arg0[%get3A, %get3A_0] : memref<1536x128xf32, #tpu.memory_space<vmem>>, vector<1536x128xf32>
    %get3A_2 = arith.constant 0 : index
    %get3A_3 = arith.constant 0 : index
    %get3A_4 = vector.load %arg1[%get3A_2, %get3A_3] : memref<1536x128xf32, #tpu.memory_space<vmem>>, vector<1536x128xf32>
    %add3A = arith.addf %get3A_1, %get3A_4 : vector<1536x128xf32>
    %get3A_5 = arith.constant 0 : index
    %get3A_6 = arith.constant 0 : index
    %get3A_7 = vector.load %arg3[%get3A_5, %get3A_6] : memref<1536x1xf32, #tpu.memory_space<vmem>>, vector<1536x1xf32>
    %get3A_8 = arith.constant 0 : index
    %get3A_9 = arith.constant 0 : index
    %get3A_10 = vector.load %arg4[%get3A_8, %get3A_9] : memref<128x128xf32, #tpu.memory_space<vmem>>, vector<128x128xf32>
    %dot_general3A = arith.constant dense<0.000000e+00> : vector<1536x128xf32>
    %dot_general3A_11 = tpu.matmul %add3A, %get3A_10, %dot_general3A {dimension_numbers = #tpu.dot_dimension_numbers<[1], [0], [0], [1], [0, 0, 1, 1], [], []>, transpose_lhs_hint = false} : vector<1536x128xf32>, vector<128x128xf32>, vector<1536x128xf32> -> vector<1536x128xf32>
    %get3A_12 = arith.constant 0 : index
    %get3A_13 = arith.constant 0 : index
    %get3A_14 = vector.load %arg2[%get3A_12, %get3A_13] : memref<1536x128xf32, #tpu.memory_space<vmem>>, vector<1536x128xf32>
    %max3A = arith.constant 1.000000e+00 : f32
    %max3A_15 = vector.broadcast %max3A : f32 to vector<1536x1xf32>
    %max3A_16 = arith.maximumf %get3A_7, %max3A_15 : vector<1536x1xf32>
    %div3A = vector.broadcast %max3A_16 : vector<1536x1xf32> to vector<1536x128xf32>
    %div3A_17 = arith.divf %dot_general3A_11, %div3A : vector<1536x128xf32>
    %add3A_18 = arith.addf %get3A_14, %div3A_17 : vector<1536x128xf32>
    %max3A_19 = arith.constant 0.000000e+00 : f32
    %max3A_20 = vector.broadcast %max3A_19 : f32 to vector<1536x128xf32>
    %max3A_21 = arith.maximumf %add3A_18, %max3A_20 : vector<1536x128xf32>
    %slice3A = vector.extract_strided_slice %max3A_21 {offsets = [0, 0], sizes = [64, 128], strides = [1, 1]} : vector<1536x128xf32> to vector<64x128xf32>
    %slice3A_22 = vector.extract_strided_slice %max3A_21 {offsets = [64, 0], sizes = [64, 128], strides = [1, 1]} : vector<1536x128xf32> to vector<64x128xf32>
    %max3A_23 = arith.maximumf %slice3A, %slice3A_22 : vector<64x128xf32>
    %slice3A_24 = vector.extract_strided_slice %max3A_21 {offsets = [128, 0], sizes = [64, 128], strides = [1, 1]} : vector<1536x128xf32> to vector<64x128xf32>
    %max3A_25 = arith.maximumf %max3A_23, %slice3A_24 : vector<64x128xf32>
    %slice3A_26 = vector.extract_strided_slice %max3A_21 {offsets = [192, 0], sizes = [64, 128], strides = [1, 1]} : vector<1536x128xf32> to vector<64x128xf32>
    %max3A_27 = arith.maximumf %max3A_25, %slice3A_26 : vector<64x128xf32>
    %slice3A_28 = vector.extract_strided_slice %max3A_21 {offsets = [256, 0], sizes = [64, 128], strides = [1, 1]} : vector<1536x128xf32> to vector<64x128xf32>
    %max3A_29 = arith.maximumf %max3A_27, %slice3A_28 : vector<64x128xf32>
    %slice3A_30 = vector.extract_strided_slice %max3A_21 {offsets = [320, 0], sizes = [64, 128], strides = [1, 1]} : vector<1536x128xf32> to vector<64x128xf32>
    %max3A_31 = arith.maximumf %max3A_29, %slice3A_30 : vector<64x128xf32>
    %slice3A_32 = vector.extract_strided_slice %max3A_21 {offsets = [384, 0], sizes = [64, 128], strides = [1, 1]} : vector<1536x128xf32> to vector<64x128xf32>
    %max3A_33 = arith.maximumf %max3A_31, %slice3A_32 : vector<64x128xf32>
    %slice3A_34 = vector.extract_strided_slice %max3A_21 {offsets = [448, 0], sizes = [64, 128], strides = [1, 1]} : vector<1536x128xf32> to vector<64x128xf32>
    %max3A_35 = arith.maximumf %max3A_33, %slice3A_34 : vector<64x128xf32>
    %slice3A_36 = vector.extract_strided_slice %max3A_21 {offsets = [512, 0], sizes = [64, 128], strides = [1, 1]} : vector<1536x128xf32> to vector<64x128xf32>
    %slice3A_37 = vector.extract_strided_slice %max3A_21 {offsets = [576, 0], sizes = [64, 128], strides = [1, 1]} : vector<1536x128xf32> to vector<64x128xf32>
    %max3A_38 = arith.maximumf %slice3A_36, %slice3A_37 : vector<64x128xf32>
    %slice3A_39 = vector.extract_strided_slice %max3A_21 {offsets = [640, 0], sizes = [64, 128], strides = [1, 1]} : vector<1536x128xf32> to vector<64x128xf32>
    %max3A_40 = arith.maximumf %max3A_38, %slice3A_39 : vector<64x128xf32>
    %slice3A_41 = vector.extract_strided_slice %max3A_21 {offsets = [704, 0], sizes = [64, 128], strides = [1, 1]} : vector<1536x128xf32> to vector<64x128xf32>
    %max3A_42 = arith.maximumf %max3A_40, %slice3A_41 : vector<64x128xf32>
    %slice3A_43 = vector.extract_strided_slice %max3A_21 {offsets = [768, 0], sizes = [64, 128], strides = [1, 1]} : vector<1536x128xf32> to vector<64x128xf32>
    %max3A_44 = arith.maximumf %max3A_42, %slice3A_43 : vector<64x128xf32>
    %slice3A_45 = vector.extract_strided_slice %max3A_21 {offsets = [832, 0], sizes = [64, 128], strides = [1, 1]} : vector<1536x128xf32> to vector<64x128xf32>
    %max3A_46 = arith.maximumf %max3A_44, %slice3A_45 : vector<64x128xf32>
    %slice3A_47 = vector.extract_strided_slice %max3A_21 {offsets = [896, 0], sizes = [64, 128], strides = [1, 1]} : vector<1536x128xf32> to vector<64x128xf32>
    %max3A_48 = arith.maximumf %max3A_46, %slice3A_47 : vector<64x128xf32>
    %slice3A_49 = vector.extract_strided_slice %max3A_21 {offsets = [960, 0], sizes = [64, 128], strides = [1, 1]} : vector<1536x128xf32> to vector<64x128xf32>
    %max3A_50 = arith.maximumf %max3A_48, %slice3A_49 : vector<64x128xf32>
    %slice3A_51 = vector.extract_strided_slice %max3A_21 {offsets = [1024, 0], sizes = [64, 128], strides = [1, 1]} : vector<1536x128xf32> to vector<64x128xf32>
    %slice3A_52 = vector.extract_strided_slice %max3A_21 {offsets = [1088, 0], sizes = [64, 128], strides = [1, 1]} : vector<1536x128xf32> to vector<64x128xf32>
    %concatenate3A = tpu.concatenate %max3A_35, %slice3A_51, %max3A_50, %slice3A_52 in 1 : vector<64x128xf32>, vector<64x128xf32>, vector<64x128xf32>, vector<64x128xf32> -> vector<64x512xf32>
    %get3A_53 = arith.constant 0 : index
    %get3A_54 = arith.constant 0 : index
    %get3A_55 = vector.load %arg5[%get3A_53, %get3A_54] : memref<512x36xf32, #tpu.memory_space<vmem>>, vector<512x36xf32>
    %dot_general3A_56 = arith.constant dense<0.000000e+00> : vector<64x36xf32>
    %dot_general3A_57 = tpu.matmul %concatenate3A, %get3A_55, %dot_general3A_56 {dimension_numbers = #tpu.dot_dimension_numbers<[1], [0], [0], [1], [0, 0, 1, 1], [], []>, transpose_lhs_hint = false} : vector<64x512xf32>, vector<512x36xf32>, vector<64x36xf32> -> vector<64x36xf32>
    %get3A_58 = arith.constant 0 : index
    %get3A_59 = arith.constant 0 : index
    %get3A_60 = vector.load %arg6[%get3A_58, %get3A_59] : memref<1x36xf32, #tpu.memory_space<vmem>>, vector<1x36xf32>
    %add3A_61 = vector.broadcast %get3A_60 : vector<1x36xf32> to vector<64x36xf32>
    %add3A_62 = arith.addf %dot_general3A_57, %add3A_61 : vector<64x36xf32>
    %swap3A = arith.constant 0 : index
    %swap3A_63 = arith.constant 0 : index
    %swap3A_64 = vector.load %arg7[%swap3A, %swap3A_63] : memref<64x36xf32, #tpu.memory_space<vmem>>, vector<64x36xf32>
    tpu.vector_store %arg7[%swap3A, %swap3A_63], %add3A_62 {strides = array<i32>} : memref<64x36xf32, #tpu.memory_space<vmem>>, vector<64x36xf32>,
    return
  }
}

</mosaic_0001>

<sc_bundles>
// kernel: kernel.5.cloned.1.call-start
scs
__scs_entry_jumppad:
0x0: {  	(pc) =	sbr.rel $0x88, $3  }
0x1: {  	(tag) =	ssettag $0x0;
	lr =	simm.s32 $0x1  }
0x2: {  	[smem:$0x3F99] =	sst lr;
	_ =	strace $0xD0000000  }
0x3: {  	_ = 	snop  }
0x4: {  	_ = 	snop  }
0x5: {  	_ = 	snop  }
0x6: {  	_ = 	snop  }
0x7: {  	_ = 	snop  }
__scs_overlays_trampoline_lowered:
0x8: {  	[smem:$0x3FA8] =	sst s0  }
0x9: {  	[smem:$0x3FA9] =	sst s1  }
0xa: {  	[smem:$0x3FAA] =	sst s2  }
0xb: {  	[smem:$0x3FAB] =	sst s3  }
0xc: {  	[smem:$0x3FAC] =	sst s4  }
0xd: {  	[smem:$0x3FAD] =	sst s5  }
0xe: {  	[smem:$0x3FAE] =	sst s6  }
0xf: {  	[smem:$0x3FAF] =	sst s7  }
0x10: {  	[smem:$0x3FB0] =	sst s8  }
0x11: {  	[smem:$0x3FB1] =	sst s9;
	s0 =	simm.s32 @!p0 $0x0  }
0x12: {  	s1 =	sld [smem:$0x3F97];
	s0 =	simm.s32 @p0 $0x1  }
0x13: {  	[smem:$0x3FB2] =	sst s0;
	s0 =	simm.s32 @!p1 $0x0  }
0x14: {  	s2 =	sld [smem:$0x3F96];
	s0 =	simm.s32 @p1 $0x1  }
0x15: {  	[smem:$0x3FB3] =	sst s0;
	s0 =	simm.s32 @!p2 $0x0  }
0x16: {  	s3 =	sld [smem:$0x3FDB];
	s0 =	simm.s32 @p2 $0x1  }
0x17: {  	s4 =	simm.s32 $0x1BF5;
	[smem:$0x3FB5] =	sst s0  }
0x18: {  	s0 =	sld [smem:$0x3F98];
	_ =	swait.ge [sflag:s4], $0x0  }
0x19: {  	s7 =	sld [smem:$0x3F99]  }
0x1a: {  	s8 =	sadd.s32 $0xFFFFE003, lr  }
0x1b: {  	s9 =	sadd.s32 $0xFFFFFEF7, lr;
	s5 =	simm.s32 $0xFFFFFFFF;
	p2 =	slt.u32 s8, $0xFFFFF086  }
0x1c: {  	p1 =	slt.u32 s9, $0xF7A;
	s5 =	simm.s32 @!p2 $0x0  }
0x1d: {  	s5 =	simm.s32 @p1 $0x1;
	p0 =	seq.s32 s7, s2  }
0x1e: {  	s7 =	smul.u32 @!p0 $0xF7A, s2;
	p2 =	seq.s32 @!p0 s5, $0x0  }
0x1f: {  	s9 =	smul.u32 $0xF7A, s1;
	s8 =	simm.s32 @!p0 $0x1BF5;
	p2 =	por !p2, p0  }
0x20: {  	[sflag:s8] =	ssyncset.s32 @!p0 $0xFFFFF086;
	s6 =	sadd.s32 @!p0 s3, s7;
	s7 =	simm.s32 @!p0 $0x108  }
0x21: {  	s3 =	sadd.s32 s3, s9;
	s6 =	sadd.s32 @!p0 $0x88, s6;
	s7 =	simm.s32 @p2 $0x1082  }
0x22: {  	[simem:s7], [sflag:s8] =	dma.local @!p0 [hbm:s6], $0xF7A  }
0x23: {  	s9 =	sor.u32 $0xD0000000, s2;
	s6 =	simm.s32 $0x108;
	_ =	swait.ge @!p0 [sflag:s8], $0x0  }
0x24: {  	s3 =	sadd.s32 $0x88, s3;
	s6 =	simm.s32 @!p1 $0x1082;
	[sflag:s4] =	ssyncset.s32 $0xFFFFF086  }
0x25: {  	[simem:s6], [sflag:s4] =	dma.local [hbm:s3], $0xF7A  }
0x26: {  	[smem:$0x3F99] =	sst s1;
	(tag) =	ssettag s2;
	_ =	strace s9  }
0x27: {  	s1 =	sld [smem:$0x3FA9]  }
0x28: {  	s2 =	sld [smem:$0x3FAA]  }
0x29: {  	s4 =	sld [smem:$0x3FAC]  }
0x2a: {  	p0 =	seq.s32 s5, $0x0;
	s5 =	sld [smem:$0x3FAD]  }
0x2b: {  	s6 =	sld [smem:$0x3FAE]  }
0x2c: {  	s7 =	sld [smem:$0x3FAF]  }
0x2d: {  	s3 =	simm.s32 $0x108;
	s8 =	sld [smem:$0x3FB0]  }
0x2e: {  	s3 =	simm.s32 @!p0 $0x1082;
	s9 =	sld [smem:$0x3FB1]  }
0x2f: {  	lr =	sadd.s32 s0, s3;
	s0 =	sld [smem:$0x3FA8]  }
0x30: {  	s3 =	sld [smem:$0x3FAB]  }
0x31: {  	[smem:$0x3FB4] =	sst s10  }
0x32: {  	s10 =	sld [smem:$0x3FB2];
	_ =	sdelay $0x3  }
0x33: {  	p0 =	seq.s32 s10, $0x1;
	s10 =	sld [smem:$0x3FB4];
	_ =	sdelay $0x3  }
0x34: {  	[smem:$0x3FB4] =	sst s10  }
0x35: {  	s10 =	sld [smem:$0x3FB3];
	_ =	sdelay $0x3  }
0x36: {  	p1 =	seq.s32 s10, $0x1;
	s10 =	sld [smem:$0x3FB4];
	_ =	sdelay $0x3  }
0x37: {  	[smem:$0x3FB4] =	sst s10  }
0x38: {  	s10 =	sld [smem:$0x3FB5]  }
0x39: {  	_ = 	snop;
	(pc) =	sbr.ind lr, $3  }
0x3a: {  	_ = 	snop  }
0x3b: {  	_ = 	snop  }
0x3c: {  	p2 =	seq.s32 s10, $0x1;
	s10 =	sld [smem:$0x3FB4]  }
0x3d: {  	_ =	shalt  }
0x3e: {  	_ =	shalt  }
0x3f: {  	_ =	shalt  }
0x40: {  	_ =	shalt  }
0x41: {  	_ =	shalt  }
0x42: {  	_ =	shalt  }
0x43: {  	_ =	shalt  }
0x44: {  	_ =	shalt  }
0x45: {  	_ =	shalt  }
0x46: {  	_ =	shalt  }
0x47: {  	_ =	shalt  }
0x48: {  	_ =	shalt  }
0x49: {  	_ =	shalt  }
0x4a: {  	_ =	shalt  }
0x4b: {  	_ =	shalt  }
0x4c: {  	_ =	shalt  }
0x4d: {  	_ =	shalt  }
0x4e: {  	_ =	shalt  }
0x4f: {  	_ =	shalt  }
0x50: {  	_ =	shalt  }
0x51: {  	_ =	shalt  }
0x52: {  	_ =	shalt  }
0x53: {  	_ =	shalt  }
0x54: {  	_ =	shalt  }
0x55: {  	_ =	shalt  }
0x56: {  	_ =	shalt  }
0x57: {  	_ =	shalt  }
0x58: {  	_ =	shalt  }
0x59: {  	_ =	shalt  }
0x5a: {  	_ =	shalt  }
0x5b: {  	_ =	shalt  }
0x5c: {  	_ =	shalt  }
0x5d: {  	_ =	shalt  }
0x5e: {  	_ =	shalt  }
0x5f: {  	_ =	shalt  }
0x60: {  	_ =	shalt  }
0x61: {  	_ =	shalt  }
0x62: {  	_ =	shalt  }
0x63: {  	_ =	shalt  }
0x64: {  	_ =	shalt  }
0x65: {  	_ =	shalt  }
0x66: {  	_ =	shalt  }
0x67: {  	_ =	shalt  }
0x68: {  	_ =	shalt  }
0x69: {  	_ =	shalt  }
0x6a: {  	_ =	shalt  }
0x6b: {  	_ =	shalt  }
0x6c: {  	_ =	shalt  }
0x6d: {  	_ =	shalt  }
0x6e: {  	_ =	shalt  }
0x6f: {  	_ =	shalt  }
0x70: {  	_ =	shalt  }
0x71: {  	_ =	shalt  }
0x72: {  	_ =	shalt  }
0x73: {  	_ =	shalt  }
0x74: {  	_ =	shalt  }
0x75: {  	_ =	shalt  }
0x76: {  	_ =	shalt  }
0x77: {  	_ =	shalt  }
0x78: {  	_ =	shalt  }
0x79: {  	_ =	shalt  }
0x7a: {  	_ =	shalt  }
0x7b: {  	_ =	shalt  }
0x7c: {  	_ =	shalt  }
0x7d: {  	_ =	shalt  }
0x7e: {  	_ =	shalt  }
0x7f: {  	_ =	shalt  }
0x80: {  	_ =	shalt  }
0x81: {  	_ =	shalt  }
0x82: {  	_ =	shalt  }
0x83: {  	_ =	shalt  }
0x84: {  	_ =	shalt  }
0x85: {  	_ =	shalt  }
0x86: {  	_ =	shalt  }
0x87: {  	_ =	shalt  }
.Lfunc_end0:
.L_simem_size_0:
called_computation_lowered:
.L_overlay_start_0:
0x88: {  	s2 =	sld [smem:$0x3FD9]  }
0x89: {  	s3 =	sld [smem:$0x3FFE];
	_ =	sdelay $0x1  }
0x8a: {  	s1 =	srdreg.scid  }
0x8b: {  	s0 =	sand.u32 $0x1, s1  }
0x8c: {  	s17 =	sshll.u32 s0, $0xA;
	s2 =	sadd.s32 s3, s2  }
0x8d: {  	s2 =	sadd.s32 s2, s17  }
0x8e: {  	[smem:$0x3FC0] =	sst s2  }
0x8f: {  	_ = 	snop  }
0x90: {  	s2 =	sld [smem:$0x3FC9]  }
0x91: {  	s18 =	sld [smem:$0x3FD0];
	(tm) =	ssettm $0x1  }
0x92: {  	s4 =	sld [smem:$0x3FFB];
	_ =	sdelay $0x3  }
0x93: {  	_ =	strace s4  }
0x94: {  	s4 =	sld [smem:$0x3FFC];
	_ =	sdelay $0x3  }
0x95: {  	_ =	strace s4  }
0x96: {  	s4 =	sld [smem:$0x3FFD];
	_ =	sdelay $0x3  }
0x97: {  	_ =	strace s4  }
0x98: {  	_ =	strace $0x8FFFFFFF  }
0x99: {  	s19 =	sld [smem:$0x3FDB];
	_ =	sdelay $0x1  }
0x9a: {  	s5 =	simm.s32 $_scs_section_size  }
0x9b: {  	s6 =	simm.s32 $_size__tile_overlayer_lowered;
	s7 =	simm.s32 $_tile_overlayer_lowered  }
0x9c: {  	s22 =	simm.s32 $0x1BFF;
	s21 =	sshll.u32 s7, $0x1;
	s4 =	sadd.s32 s5, s19  }
0x9d: {  	s8 =	simm.s32 $0x0;
	s20 =	sshll.u32 s6, $0x1;
	s6 =	sadd.s32 s21, s4  }
0x9e: {  	[timem:s8], [sflag:s22] =	dma.local [hbm:s6], s20  }
0x9f: {  	_ =	swait.ge [sflag:s22], s20  }
0xa0: {  	s5 =	ssub.s32 $0x0, s20;
	[sflag:s22] =	ssyncset.done $0x0  }
0xa1: {  	[sflag:s22] =	ssyncadd.s32 s5;
	_ =	sdelay $0x1  }
0xa2: {  	s23 =	simm.s32 $0x1B8B  }
0xa3: {  	_ =	swait.ge [sflag:s23], $0x1  }
0xa4: {  	[sflag:s23] =	ssyncset.done $0x0  }
0xa5: {  	s25 =	simm.s32 $0x1B8E;
	s24 =	sld [smem:$0x3FFE];
	[sflag:s23] =	ssyncadd.s32 $0xFFFFFFFF  }
0xa6: {  	s26 =	simm.s32 $execute0_lowered;
	[smem:$0x3FD2] =	sst s25  }
0xa7: {  	s6 =	sshll.u32 s26, $0x1;
	_ =	strace $0x80000046;
	[dreg:$0x1] =	wrdreg $0xFFFFFFFF  }
0xa8: {  	s28 =	simm.s32 $_size_execute0_lowered;
	s4 =	sadd.s32 s4, s6;
	[dreg:$0x0] =	wrdreg $0x0  }
0xa9: {  	s6 =	sshll.u32 s28, $0x1;
	[dreg:$0x2] =	wrdreg s4  }
0xaa: {  	[dreg:$0x3] =	wrdreg s6  }
0xab: {  	[dreg:$0x4] =	wrdreg $0xC0  }
0xac: {  	_ =	task [dreg:s8], $0x5FFFF  }
0xad: {  	[dreg:$0x1] =	wrdreg $0xFFFFFFFF  }
0xae: {  	[dreg:$0x0] =	wrdreg $0x60  }
0xaf: {  	[dreg:$0x2] =	wrdreg s2  }
0xb0: {  	[dreg:$0x3] =	wrdreg s24  }
0xb1: {  	[dreg:$0x4] =	wrdreg s18  }
0xb2: {  	[dreg:$0x5] =	wrdreg $0x0  }
0xb3: {  	[dreg:$0x6] =	wrdreg $0x34000  }
0xb4: {  	[dreg:$0x7] =	wrdreg $0x9  }
0xb5: {  	_ =	task.clear_ibuf [dreg:s8], $0x8FFFF;
	_ =	strace $0x90000046  }
0xb6: {  	s29 =	simm.s32 $0x9;
	_ =	strace $0x80000048  }
0xb7: {  	_ =	swait.ge [sflag:s29], $0x1  }
0xb8: {  	[sflag:s29] =	ssyncadd.s32 $0xFFFFFFFF  }
0xb9: {  	_ =	strace $0x90000048  }
0xba: {  	_ =	sfence  }
0xbb: {  	s30 =	sld [smem:$0x0];
	_ =	sdelay $0x2  }
0xbc: {  	s31 =	sshll.u32 s1, $0xD;
	s1 =	sshrl.u32 s1, $0x2  }
0xbd: {  	s3 =	sand.u32 $0x4000, s31;
	s1 =	sadd.s32 s1, s30  }
0xbe: {  	s0 =	sor.u32 s3, s0;
	s1 =	sshll.u32 s1, $0x11  }
0xbf: {  	s0 =	sor.u32 s1, s0  }
0xc0: {  	s0 =	sadd.s32 $0x8F2B, s0  }
0xc1: {  	[sflag:s0] =	ssyncadd.remote.s32 $0x1  }
0xc2: {  	_ =	sfence.sel $0xFFFF  }
0xc3: {  	[dreg:$0x0] =	wrdreg $0xFFFFFFFF;
	(pc) =	sbr.abs _section_cstart, $3  }
0xc4: {  	[dreg:$0x1] =	wrdreg $0xFFFFFFFF  }
0xc5: {  	_ =	task.clear_ibuf [dreg:s8], $0x2FFFF;
	_ =	strace $0x9FFFFFFF  }
0xc6: {  	(tm) =	ssettm $0x7FFFFFFF  }
0xc7: {  	_ =	shalt  }
tec
execute0_lowered:
.L_overlay_start_1:
0x0: {  	(tag) =	ssettag $0x1  }
0x1: {  	s0 =	srdreg.scid  }
0x2: {  	s0 =	sand.u32 $0x1, s0  }
0x3: {  	s10 =	stileid.u32;
	s1 =	sshll.u32 s0, $0x4  }
0x4: {  	s2 =	sor.u32 s10, s1  }
0x5: {  	s4 =	smul.u32 $0x30, s2  }
0x6: {  	v0 =	vlaneseq.u32  }
0x7: {  	s5 =	rddreg [dreg:$0x1];
	s6 =	sadd.s32 $0x10, s4;
	v1 =	vor.u32 s4, v0  }
0x8: {  	s3 =	rddreg [dreg:$0x3];
	s9 =	sadd.s32 $0x20, s4;
	[tilespmem:$0x1FE60] =	vst v1;
	v1 =	vor.u32 s6, v0  }
0x9: {  	s14 =	rddreg [dreg:$0x4];
	s11 =	simm.s32 $0x0;
	[tilespmem:$0x1FE70] =	vst v1;
	v1 =	vor.u32 s9, v0  }
0xa: {  	[smem:$0x7FF] =	sst s11;
	[tilespmem:$0x1FE80] =	vst v1;
	v1 =	vor.u32 $0x180, v0  }
0xb: {  	s1 =	rddreg [dreg:$0x0];
	_ =	strace $0x80000047;
	[tilespmem:$0x1FE90] =	vst v1;
	v1 =	vor.u32 $0x190, v0  }
0xc: {  	[tilespmem:$0x1FEA0] =	vst v1;
	v1 =	vor.u32 $0x1A0, v0  }
0xd: {  	s28 =	simm.s32 $0x10A80;
	s7 =	smul.u32 $0x680, s10;
	[tilespmem:$0x1FEB0] =	vst v1;
	v1 =	vor.u32 $0x1B0, v0  }
0xe: {  	s29 =	simm.s32 $0x1;
	s30 =	simm.s32 $0x7;
	v2 =	vimm.s32 $0x600;
	s8 =	smul.u32 $0xD000, s10;
	[tilespmem:$0x1FEC0] =	vst v1;
	v1 =	vor.u32 $0x1C0, v0  }
0xf: {  	v5 =	vor.u32 $0x10, v0;
	s12 =	sadd.s32 $0x15A00, s5;
	s13 =	sadd.s32 $0x23000, s5;
	s2 =	smul.u32 $0x500, s2;
	[tilespmem:$0x1FED0] =	vst v1;
	v1 =	vor.u32 $0x1D0, v0  }
0x10: {  	v6 =	vor.u32 $0x20, v0;
	v7 =	vor.u32 $0x30, v0;
	s15 =	sadd.s32 $0x23200, s5;
	p1 =	sne.s32 s10, $0x0;
	[dreg:$0x7] =	wrdreg s12;
	[tilespmem:$0x1FEE0] =	vst v1;
	v1 =	vor.u32 $0x1E0, v0  }
0x11: {  	v8 =	vor.u32 $0x40, v0;
	v9 =	vor.u32 $0x50, v0;
	p0 =	seq.s32 s0, $0x1;
	s2 =	sadd.s32 s2, s5;
	[dreg:$0x8] =	wrdreg s13;
	[tilespmem:$0x1FEF0] =	vst v1;
	v1 =	vor.u32 $0x1F0, v0  }
0x12: {  	v10 =	vor.u32 $0x60, v0;
	v11 =	vor.u32 $0x70, v0;
	s8 =	sshrl.u32 s8, $0x2;
	s17 =	sadd.s32 $0x1A00, s2;
	[dreg:$0x9] =	wrdreg s15;
	[tilespmem:$0x1FF00] =	vst v1;
	v1 =	vor.u32 $0x200, v0  }
0x13: {  	v12 =	vor.u32 $0x80, v0;
	v13 =	vor.u32 $0x90, v0;
	s8 =	sadd.s32 s8, s3;
	s2 =	sadd.s32 $0xBA00, s2;
	[dreg:$0xa] =	wrdreg s17;
	[tilespmem:$0x1FF10] =	vst v1;
	v1 =	vor.u32 $0x210, v0  }
0x14: {  	v14 =	vor.u32 $0xA0, v0;
	v15 =	vor.u32 $0xB0, v0;
	s7 =	sadd.s32 s7, s5;
	s18 =	sadd.s32 $0x800, s8;
	[dreg:$0xb] =	wrdreg s2;
	[tilespmem:$0x1FF20] =	vst v1;
	v1 =	vor.u32 $0x220, v0  }
0x15: {  	v16 =	vor.u32 $0xC0, v0;
	v17 =	vor.u32 $0xD0, v0;
	s10 =	simm.s32 $0x3;
	s19 =	sadd.s32 $0x1000, s8;
	[dreg:$0xc] =	wrdreg s18;
	[tilespmem:$0x1FF30] =	vst v1;
	v1 =	vor.u32 $0x230, v0  }
0x16: {  	v18 =	vor.u32 $0xE0, v0;
	v19 =	vor.u32 $0xF0, v0;
	s25 =	sadd.s32 $0x16000, s7;
	s20 =	sadd.s32 $0x1800, s8;
	[dreg:$0xd] =	wrdreg s19;
	[tilespmem:$0x1FF40] =	vst v1;
	v1 =	vor.u32 $0x240, v0  }
0x17: {  	v20 =	vor.u32 $0x100, v0;
	v21 =	vor.u32 $0x110, v0;
	s26 =	sadd.s32 $0x1C800, s7;
	s21 =	sadd.s32 $0x2000, s8;
	[dreg:$0xe] =	wrdreg s20;
	[tilespmem:$0x1FF50] =	vst v1;
	v1 =	vor.u32 $0x250, v0  }
0x18: {  	v22 =	vor.u32 $0x120, v0;
	v23 =	vor.u32 $0x130, v0;
	s22 =	sadd.s32 $0x2800, s8;
	s4 =	sshrl.u32 s4, $0x3;
	[dreg:$0xf] =	wrdreg s21;
	[tilespmem:$0x1FF60] =	vst v1;
	v1 =	vor.u32 $0x260, v0  }
0x19: {  	v24 =	vor.u32 $0x140, v0;
	v25 =	vor.u32 $0x150, v0;
	s23 =	sadd.s32 $0x3000, s8;
	s4 =	sadd.s32 s4, s5;
	[dreg:$0x10] =	wrdreg s22;
	[tilespmem:$0x1FF70] =	vst v1;
	v1 =	vor.u32 $0x270, v0  }
0x1a: {  	v26 =	vor.u32 $0x160, v0;
	v27 =	vor.u32 $0x170, v0;
	s9 =	ssub.s32 $0x2, s0;
	s24 =	sadd.s32 $0x23400, s4;
	[dreg:$0x11] =	wrdreg s23;
	[tilespmem:$0x1FF80] =	vst v1;
	v1 =	vor.u32 $0x280, v0  }
0x1b: {  	v51 =	vor.u32 $0x2F0, v0;
	v52 =	vor.u32 $0x300, v0;
	s7 =	simm.s32 $0x2;
	s16 =	sshrl.u32 s9, $0x1;
	[dreg:$0x12] =	wrdreg s24;
	[tilespmem:$0x1FF90] =	vst v1;
	v1 =	vor.u32 $0x290, v0  }
0x1c: {  	v53 =	vor.u32 $0x310, v0;
	v54 =	vor.u32 $0x320, v0;
	s0 =	simm.s32 $0x4;
	s5 =	ssub.s32 s9, s16;
	[dreg:$0x13] =	wrdreg s25;
	[tilespmem:$0x1FFA0] =	vst v1;
	v1 =	vor.u32 $0x2A0, v0  }
.Ltmp0:
0x1d: {  	v55 =	vor.u32 $0x330, v0;
	v56 =	vor.u32 $0x340, v0;
	[dreg:$0x14] =	wrdreg s26;
	s25 =	simm.s32 $0x8480;
	[tilespmem:$0x1FFB0] =	vst v1;
	v1 =	vor.u32 $0x2B0, v0;
	(pc) =	sbr.rel .LBB2_1-.Ltmp0, $4  }
0x1e: {  	v4 =	vimm.f32 $0.0e+00;
	v57 =	vor.u32 $0x350, v0;
	s26 =	simm.s32 $0x8A80;
	s9 =	simm.s32 $0xB280;
	s2 =	simm.s32 $0xDE80;
	[tilespmem:$0x1FFC0] =	vst v1;
	v1 =	vor.u32 $0x2C0, v0  }
0x1f: {  	v58 =	vor.u32 $0x360, v0;
	v59 =	vor.u32 $0x370, v0;
	s24 =	simm.s32 $0x80;
	s20 =	simm.s32 $0x11380;
	s21 =	simm.s32 $0x15380;
	[tilespmem:$0x1FFD0] =	vst v1;
	v1 =	vor.u32 $0x2D0, v0  }
0x20: {  	v60 =	vor.u32 $0x380, v0;
	v61 =	vor.u32 $0x390, v0;
	s23 =	simm.s32 $0x19380;
	[dreg:$0x16] =	wrdreg s8;
	s31 =	smax.u32 s5, $0x1;
	[tilespmem:$0x1FFE0] =	vst v1;
	v1 =	vor.u32 $0x2E0, v0  }
0x21: {  	v62 =	vor.u32 $0x3A0, v0;
	v63 =	vor.u32 $0x3B0, v0;
	s12 =	simm.s32 $0x9;
	s13 =	simm.s32 $0x0;
	[dreg:$0x15] =	wrdreg s31;
	[tilespmem:$0x1FFF0] =	vst v1;
	v1 =	vimm.s32 $0x0  }
.LBB2_10:
0x22: {  	_ =	swait.ge [sflag:s12], $0x100  }
0x23: {  	[sflag:s12] =	ssyncset.done $0x0  }
0x24: {  	[sflag:s12] =	ssyncadd.s32 $0xFFFFFF00  }
.LBB2_11:
0x25: {  	_ =	swait.ge [sflag:s30], $0x30  }
0x26: {  	s13 =	sadd.s32 $0x1, s13;
	s4 =	rddreg [dreg:$0x15]  }
0x27: {  	p2 =	sne.s32 s13, s4  }
.Ltmp1:
0x28: {  	_ = 	snop;
	(pc) =	sbr.rel @!p2 .LBB2_12-.Ltmp1, $3  }
0x29: {  	_ =	sdelay $0x1  }
0x2a: {  	[sflag:s30] =	ssyncset.done $0x0  }
0x2b: {  	[sflag:s30] =	ssyncadd.s32 $0xFFFFFFD0  }
.LBB2_1:
0x2c: {  	s5 =	simm.s32 $0x0;
	s4 =	rddreg [dreg:$0xa];
	s6 =	simm.s32 $0x3480  }
0x2d: {  	[tilespmem:s6], [sflag:$0x5] =	stream.linear.gather [hbm4b:s4+s5], $0x2800, $0x38;
	[tilespmem:$0x1D380] =	vst v63  }
0x2e: {  	s19 =	rddreg [dreg:$0xb];
	s22 =	simm.s32 $0x5C80  }
0x2f: {  	[tilespmem:s22], [sflag:$0x6] =	stream.linear.gather [hbm4b:s19+s5], $0x2800, $0x38;
	[tilespmem:$0x1D380] =	vst v63  }
0x30: {  	s31 =	rddreg [dreg:$0x2]  }
0x31: {  	[tilespmem:s25], [sflag:$0x7] =	stream.linear.gather [hbm4b:s31+s5], $0x600, $0x38;
	[tilespmem:$0x1D380] =	vst v63  }
0x32: {  	s6 =	rddreg [dreg:$0x7]  }
0x33: {  	[tilespmem:s26], [sflag:$0x8] =	stream.linear.gather [hbm4b:s6+s5], $0x2800, $0x38;
	[tilespmem:$0x1D380] =	vst v63  }
0x34: {  	[tilespmem:$0x10A80] =	vst v4  }
0x35: {  	[tilespmem:$0x10A90] =	vst v4  }
0x36: {  	[tilespmem:$0x10AA0] =	vst v4  }
0x37: {  	[tilespmem:$0x10AB0] =	vst v4  }
0x38: {  	[tilespmem:$0x10AC0] =	vst v4  }
0x39: {  	[tilespmem:$0x10AD0] =	vst v4  }
0x3a: {  	[tilespmem:$0x10AE0] =	vst v4  }
0x3b: {  	[tilespmem:$0x10AF0] =	vst v4  }
0x3c: {  	[tilespmem:$0x10B00] =	vst v4  }
0x3d: {  	[tilespmem:$0x10B10] =	vst v4  }
0x3e: {  	[tilespmem:$0x10B20] =	vst v4  }
0x3f: {  	[tilespmem:$0x10B30] =	vst v4  }
0x40: {  	[tilespmem:$0x10B40] =	vst v4  }
0x41: {  	[tilespmem:$0x10B50] =	vst v4  }
0x42: {  	[tilespmem:$0x10B60] =	vst v4  }
0x43: {  	[tilespmem:$0x10B70] =	vst v4  }
0x44: {  	[tilespmem:$0x10B80] =	vst v4  }
0x45: {  	[tilespmem:$0x10B90] =	vst v4  }
0x46: {  	[tilespmem:$0x10BA0] =	vst v4  }
0x47: {  	[tilespmem:$0x10BB0] =	vst v4  }
0x48: {  	[tilespmem:$0x10BC0] =	vst v4  }
0x49: {  	[tilespmem:$0x10BD0] =	vst v4  }
0x4a: {  	[tilespmem:$0x10BE0] =	vst v4  }
0x4b: {  	[tilespmem:$0x10BF0] =	vst v4  }
0x4c: {  	[tilespmem:$0x10C00] =	vst v4  }
0x4d: {  	[tilespmem:$0x10C10] =	vst v4  }
0x4e: {  	[tilespmem:$0x10C20] =	vst v4  }
0x4f: {  	[tilespmem:$0x10C30] =	vst v4  }
0x50: {  	[tilespmem:$0x10C40] =	vst v4  }
0x51: {  	[tilespmem:$0x10C50] =	vst v4  }
0x52: {  	[tilespmem:$0x10C60] =	vst v4  }
0x53: {  	[tilespmem:$0x10C70] =	vst v4  }
0x54: {  	[tilespmem:$0x10C80] =	vst v4  }
0x55: {  	[tilespmem:$0x10C90] =	vst v4  }
0x56: {  	[tilespmem:$0x10CA0] =	vst v4  }
0x57: {  	[tilespmem:$0x10CB0] =	vst v4  }
0x58: {  	[tilespmem:$0x10CC0] =	vst v4  }
0x59: {  	[tilespmem:$0x10CD0] =	vst v4  }
0x5a: {  	[tilespmem:$0x10CE0] =	vst v4  }
0x5b: {  	[tilespmem:$0x10CF0] =	vst v4  }
0x5c: {  	[tilespmem:$0x10D00] =	vst v4  }
0x5d: {  	[tilespmem:$0x10D10] =	vst v4  }
0x5e: {  	[tilespmem:$0x10D20] =	vst v4  }
0x5f: {  	[tilespmem:$0x10D30] =	vst v4  }
0x60: {  	[tilespmem:$0x10D40] =	vst v4  }
0x61: {  	[tilespmem:$0x10D50] =	vst v4  }
0x62: {  	[tilespmem:$0x10D60] =	vst v4  }
0x63: {  	[tilespmem:$0x10D70] =	vst v4  }
0x64: {  	[tilespmem:$0x10D80] =	vst v4  }
0x65: {  	[tilespmem:$0x10D90] =	vst v4  }
0x66: {  	[tilespmem:$0x10DA0] =	vst v4  }
0x67: {  	[tilespmem:$0x10DB0] =	vst v4  }
0x68: {  	[tilespmem:$0x10DC0] =	vst v4  }
0x69: {  	[tilespmem:$0x10DD0] =	vst v4  }
0x6a: {  	[tilespmem:$0x10DE0] =	vst v4  }
0x6b: {  	[tilespmem:$0x10DF0] =	vst v4  }
0x6c: {  	[tilespmem:$0x10E00] =	vst v4  }
0x6d: {  	[tilespmem:$0x10E10] =	vst v4  }
0x6e: {  	[tilespmem:$0x10E20] =	vst v4  }
0x6f: {  	[tilespmem:$0x10E30] =	vst v4  }
0x70: {  	[tilespmem:$0x10E40] =	vst v4  }
0x71: {  	[tilespmem:$0x10E50] =	vst v4  }
0x72: {  	[tilespmem:$0x10E60] =	vst v4  }
0x73: {  	[tilespmem:$0x10E70] =	vst v4  }
0x74: {  	[tilespmem:$0x10E80] =	vst v4  }
0x75: {  	[tilespmem:$0x10E90] =	vst v4  }
0x76: {  	[tilespmem:$0x10EA0] =	vst v4  }
0x77: {  	[tilespmem:$0x10EB0] =	vst v4  }
0x78: {  	[tilespmem:$0x10EC0] =	vst v4  }
0x79: {  	[tilespmem:$0x10ED0] =	vst v4  }
0x7a: {  	[tilespmem:$0x10EE0] =	vst v4  }
0x7b: {  	[tilespmem:$0x10EF0] =	vst v4  }
0x7c: {  	[tilespmem:$0x10F00] =	vst v4  }
0x7d: {  	[tilespmem:$0x10F10] =	vst v4  }
0x7e: {  	[tilespmem:$0x10F20] =	vst v4  }
0x7f: {  	[tilespmem:$0x10F30] =	vst v4  }
0x80: {  	[tilespmem:$0x10F40] =	vst v4  }
0x81: {  	[tilespmem:$0x10F50] =	vst v4  }
0x82: {  	[tilespmem:$0x10F60] =	vst v4  }
0x83: {  	[tilespmem:$0x10F70] =	vst v4  }
0x84: {  	[tilespmem:$0x10F80] =	vst v4  }
0x85: {  	[tilespmem:$0x10F90] =	vst v4  }
0x86: {  	[tilespmem:$0x10FA0] =	vst v4  }
0x87: {  	[tilespmem:$0x10FB0] =	vst v4  }
0x88: {  	[tilespmem:$0x10FC0] =	vst v4  }
0x89: {  	[tilespmem:$0x10FD0] =	vst v4  }
0x8a: {  	[tilespmem:$0x10FE0] =	vst v4  }
0x8b: {  	[tilespmem:$0x10FF0] =	vst v4  }
0x8c: {  	[tilespmem:$0x11000] =	vst v4  }
0x8d: {  	[tilespmem:$0x11010] =	vst v4  }
0x8e: {  	[tilespmem:$0x11020] =	vst v4  }
0x8f: {  	[tilespmem:$0x11030] =	vst v4  }
0x90: {  	[tilespmem:$0x11040] =	vst v4  }
0x91: {  	[tilespmem:$0x11050] =	vst v4  }
0x92: {  	[tilespmem:$0x11060] =	vst v4  }
0x93: {  	[tilespmem:$0x11070] =	vst v4  }
0x94: {  	[tilespmem:$0x11080] =	vst v4  }
0x95: {  	[tilespmem:$0x11090] =	vst v4  }
0x96: {  	[tilespmem:$0x110A0] =	vst v4  }
0x97: {  	[tilespmem:$0x110B0] =	vst v4  }
0x98: {  	[tilespmem:$0x110C0] =	vst v4  }
0x99: {  	[tilespmem:$0x110D0] =	vst v4  }
0x9a: {  	[tilespmem:$0x110E0] =	vst v4  }
0x9b: {  	[tilespmem:$0x110F0] =	vst v4  }
0x9c: {  	[tilespmem:$0x11100] =	vst v4  }
0x9d: {  	[tilespmem:$0x11110] =	vst v4  }
0x9e: {  	[tilespmem:$0x11120] =	vst v4  }
0x9f: {  	[tilespmem:$0x11130] =	vst v4  }
0xa0: {  	[tilespmem:$0x11140] =	vst v4  }
0xa1: {  	[tilespmem:$0x11150] =	vst v4  }
0xa2: {  	[tilespmem:$0x11160] =	vst v4  }
0xa3: {  	[tilespmem:$0x11170] =	vst v4  }
0xa4: {  	[tilespmem:$0x11180] =	vst v4  }
0xa5: {  	[tilespmem:$0x11190] =	vst v4  }
0xa6: {  	[tilespmem:$0x111A0] =	vst v4  }
0xa7: {  	[tilespmem:$0x111B0] =	vst v4  }
0xa8: {  	[tilespmem:$0x111C0] =	vst v4  }
0xa9: {  	[tilespmem:$0x111D0] =	vst v4  }
0xaa: {  	[tilespmem:$0x111E0] =	vst v4  }
0xab: {  	[tilespmem:$0x111F0] =	vst v4  }
0xac: {  	[tilespmem:$0x11200] =	vst v4  }
0xad: {  	[tilespmem:$0x11210] =	vst v4  }
0xae: {  	[tilespmem:$0x11220] =	vst v4  }
0xaf: {  	[tilespmem:$0x11230] =	vst v4  }
0xb0: {  	[tilespmem:$0x11240] =	vst v4  }
0xb1: {  	[tilespmem:$0x11250] =	vst v4  }
0xb2: {  	[tilespmem:$0x11260] =	vst v4  }
0xb3: {  	[tilespmem:$0x11270] =	vst v4  }
0xb4: {  	[tilespmem:$0x11280] =	vst v0  }
0xb5: {  	[spmem:s8] =	stream.linear.scatter [tilespmem:s28], [sflag:$0x1], $0x800, $0x38;
	[tilespmem:$0x1D380] =	vst v63  }
0xb6: {  	s8 =	rddreg [dreg:$0xc]  }
0xb7: {  	[spmem:s8] =	stream.linear.scatter [tilespmem:s28], [sflag:$0x1], $0x800, $0x38;
	[tilespmem:$0x1D380] =	vst v63  }
0xb8: {  	s11 =	rddreg [dreg:$0xd]  }
0xb9: {  	[spmem:s11] =	stream.linear.scatter [tilespmem:s28], [sflag:$0x1], $0x800, $0x38;
	[tilespmem:$0x1D380] =	vst v63  }
0xba: {  	s15 =	rddreg [dreg:$0xe]  }
0xbb: {  	[spmem:s15] =	stream.linear.scatter [tilespmem:s28], [sflag:$0x1], $0x800, $0x38;
	[tilespmem:$0x1D380] =	vst v63  }
0xbc: {  	s16 =	rddreg [dreg:$0xf]  }
0xbd: {  	[spmem:s16] =	stream.linear.scatter [tilespmem:s28], [sflag:$0x1], $0x800, $0x38;
	[tilespmem:$0x1D380] =	vst v63  }
0xbe: {  	s17 =	rddreg [dreg:$0x10]  }
0xbf: {  	[spmem:s17] =	stream.linear.scatter [tilespmem:s28], [sflag:$0x1], $0x800, $0x38;
	[tilespmem:$0x1D380] =	vst v63  }
0xc0: {  	s18 =	rddreg [dreg:$0x11]  }
0xc1: {  	[spmem:s18] =	stream.linear.scatter [tilespmem:s28], [sflag:$0x1], $0x400, $0x38;
	[tilespmem:$0x1D380] =	vst v63  }
0xc2: {  	s4 =	simm.s32 @!p1 $0x10A80  }
0xc3: {  	[spmem:s14] =	stream.linear.scatter @!p1 [tilespmem:s4], [sflag:$0x9], $0x800, $0x38;
	[tilespmem:$0x1D380] =	vst v63  }
0xc4: {  	s4 =	simm.s32 @!p1 $0x9  }
0xc5: {  	_ =	swait.ge @!p1 [sflag:s4], $0x800  }
0xc6: {  	[sflag:s4] =	ssyncset.done @!p1 $0x0  }
0xc7: {  	[sflag:s4] =	ssyncadd.s32 @!p1 $0xFFFFF800  }
0xc8: {  	_ =	swait.ge [sflag:s29], $0x800  }
0xc9: {  	[sflag:s29] =	ssyncset.done $0x0  }
0xca: {  	[sflag:s29] =	ssyncadd.s32 $0xFFFFF800  }
0xcb: {  	_ =	swait.ge [sflag:s29], $0x800  }
0xcc: {  	[sflag:s29] =	ssyncset.done $0x0  }
0xcd: {  	[sflag:s29] =	ssyncadd.s32 $0xFFFFF800  }
0xce: {  	_ =	swait.ge [sflag:s29], $0x800  }
0xcf: {  	[sflag:s29] =	ssyncset.done $0x0  }
0xd0: {  	[sflag:s29] =	ssyncadd.s32 $0xFFFFF800  }
0xd1: {  	_ =	swait.ge [sflag:s29], $0x800  }
0xd2: {  	[sflag:s29] =	ssyncset.done $0x0  }
0xd3: {  	[sflag:s29] =	ssyncadd.s32 $0xFFFFF800  }
0xd4: {  	_ =	swait.ge [sflag:s29], $0x800  }
0xd5: {  	[sflag:s29] =	ssyncset.done $0x0  }
0xd6: {  	[sflag:s29] =	ssyncadd.s32 $0xFFFFF800  }
0xd7: {  	_ =	swait.ge [sflag:s29], $0x800  }
0xd8: {  	[sflag:s29] =	ssyncset.done $0x0  }
0xd9: {  	[sflag:s29] =	ssyncadd.s32 $0xFFFFF800  }
0xda: {  	_ =	swait.ge [sflag:s29], $0x400  }
0xdb: {  	[sflag:s29] =	ssyncset.done $0x0  }
0xdc: {  	[sflag:s29] =	ssyncadd.s32 $0xFFFFFC00  }
0xdd: {  	_ =	swait.ge [sflag:s30], $0x600  }
0xde: {  	[sflag:s30] =	ssyncset.done $0x0  }
0xdf: {  	s19 =	simm.s32 $0x8;
	[sflag:s30] =	ssyncadd.s32 $0xFFFFFA00  }
0xe0: {  	_ =	swait.ge [sflag:s19], $0x2800  }
0xe1: {  	[sflag:s19] =	ssyncset.done $0x0  }
0xe2: {  	[sflag:s19] =	ssyncadd.s32 $0xFFFFD800  }
0xe3: {  	v3 =	vld [tilespmem:$0x8480];
	_ =	sdelay $0x4  }
0xe4: {  	(xrf1) =	vunique.msk.u32 $0xffff, v3;
	_ =	sdelay $0xd  }
0xe5: {  	_, v28, vm0 =	vpop (xrf1);
	_ =	sdelay $0x5  }
0xe6: {  	[tilespmem:v3+s26+$0x0] =	vst.idx.msk vm0, v0  }
0xe7: {  	v3 =	vld [tilespmem:$0x8490];
	_ =	sdelay $0x4  }
0xe8: {  	(xrf1) =	vunique.msk.u32 $0xffff, v3;
	_ =	sdelay $0xd  }
0xe9: {  	_, v28, vm15 =	vpop (xrf1);
	_ =	sdelay $0x5  }
0xea: {  	[tilespmem:v3+s26+$0x0] =	vst.idx.msk vm15, v5  }
0xeb: {  	v3 =	vld [tilespmem:$0x84A0];
	_ =	sdelay $0x4  }
0xec: {  	(xrf1) =	vunique.msk.u32 $0xffff, v3;
	_ =	sdelay $0xd  }
0xed: {  	_, v28, vm4 =	vpop (xrf1);
	_ =	sdelay $0x5  }
0xee: {  	[tilespmem:v3+s26+$0x0] =	vst.idx.msk vm4, v6  }
0xef: {  	v3 =	vld [tilespmem:$0x84B0];
	_ =	sdelay $0x4  }
0xf0: {  	(xrf1) =	vunique.msk.u32 $0xffff, v3;
	_ =	sdelay $0xd  }
0xf1: {  	_, v28, vm5 =	vpop (xrf1);
	_ =	sdelay $0x5  }
0xf2: {  	[tilespmem:v3+s26+$0x0] =	vst.idx.msk vm5, v7  }
0xf3: {  	v3 =	vld [tilespmem:$0x84C0];
	_ =	sdelay $0x4  }
0xf4: {  	(xrf1) =	vunique.msk.u32 $0xffff, v3;
	_ =	sdelay $0xd  }
0xf5: {  	_, v28, vm6 =	vpop (xrf1);
	_ =	sdelay $0x5  }
0xf6: {  	[tilespmem:v3+s26+$0x0] =	vst.idx.msk vm6, v8  }
0xf7: {  	v3 =	vld [tilespmem:$0x84D0];
	_ =	sdelay $0x4  }
0xf8: {  	(xrf1) =	vunique.msk.u32 $0xffff, v3;
	_ =	sdelay $0xd  }
0xf9: {  	_, v28, vm7 =	vpop (xrf1);
	_ =	sdelay $0x5  }
0xfa: {  	[tilespmem:v3+s26+$0x0] =	vst.idx.msk vm7, v9  }
0xfb: {  	v3 =	vld [tilespmem:$0x84E0];
	_ =	sdelay $0x4  }
0xfc: {  	(xrf1) =	vunique.msk.u32 $0xffff, v3;
	_ =	sdelay $0xd  }
0xfd: {  	_, v28, vm8 =	vpop (xrf1);
	_ =	sdelay $0x5  }
0xfe: {  	[tilespmem:v3+s26+$0x0] =	vst.idx.msk vm8, v10  }
0xff: {  	v3 =	vld [tilespmem:$0x84F0];
	_ =	sdelay $0x4  }
0x100: {  	(xrf1) =	vunique.msk.u32 $0xffff, v3;
	_ =	sdelay $0xd  }
0x101: {  	_, v28, vm9 =	vpop (xrf1);
	_ =	sdelay $0x5  }
0x102: {  	[tilespmem:v3+s26+$0x0] =	vst.idx.msk vm9, v11  }
0x103: {  	v3 =	vld [tilespmem:$0x8500];
	_ =	sdelay $0x4  }
0x104: {  	(xrf1) =	vunique.msk.u32 $0xffff, v3;
	_ =	sdelay $0xd  }
0x105: {  	_, v28, vm10 =	vpop (xrf1);
	_ =	sdelay $0x5  }
0x106: {  	[tilespmem:v3+s26+$0x0] =	vst.idx.msk vm10, v12  }
0x107: {  	v3 =	vld [tilespmem:$0x8510];
	_ =	sdelay $0x4  }
0x108: {  	(xrf1) =	vunique.msk.u32 $0xffff, v3;
	_ =	sdelay $0xd  }
0x109: {  	_, v28, vm11 =	vpop (xrf1);
	_ =	sdelay $0x5  }
0x10a: {  	[tilespmem:v3+s26+$0x0] =	vst.idx.msk vm11, v13  }
0x10b: {  	v3 =	vld [tilespmem:$0x8520];
	_ =	sdelay $0x4  }
0x10c: {  	(xrf1) =	vunique.msk.u32 $0xffff, v3;
	_ =	sdelay $0xd  }
0x10d: {  	_, v28, vm12 =	vpop (xrf1);
	_ =	sdelay $0x5  }
0x10e: {  	[tilespmem:v3+s26+$0x0] =	vst.idx.msk vm12, v14  }
0x10f: {  	v3 =	vld [tilespmem:$0x8530];
	_ =	sdelay $0x4  }
0x110: {  	(xrf1) =	vunique.msk.u32 $0xffff, v3;
	_ =	sdelay $0xd  }
0x111: {  	_, v28, vm13 =	vpop (xrf1);
	_ =	sdelay $0x5  }
0x112: {  	[tilespmem:v3+s26+$0x0] =	vst.idx.msk vm13, v15  }
0x113: {  	v3 =	vld [tilespmem:$0x8540];
	_ =	sdelay $0x4  }
0x114: {  	(xrf1) =	vunique.msk.u32 $0xffff, v3;
	_ =	sdelay $0xd  }
0x115: {  	_, v28, vm14 =	vpop (xrf1);
	_ =	sdelay $0x5  }
0x116: {  	[tilespmem:v3+s26+$0x0] =	vst.idx.msk vm14, v16  }
0x117: {  	v3 =	vld [tilespmem:$0x8550];
	_ =	sdelay $0x4  }
0x118: {  	(xrf1) =	vunique.msk.u32 $0xffff, v3;
	_ =	sdelay $0xd  }
0x119: {  	_, v28, vm15 =	vpop (xrf1);
	_ =	sdelay $0x5  }
0x11a: {  	[tilespmem:v3+s26+$0x0] =	vst.idx.msk vm15, v17  }
0x11b: {  	v3 =	vld [tilespmem:$0x8560];
	_ =	sdelay $0x4  }
0x11c: {  	(xrf1) =	vunique.msk.u32 $0xffff, v3;
	_ =	sdelay $0xd  }
0x11d: {  	_, v28, vm4 =	vpop (xrf1);
	_ =	sdelay $0x5  }
0x11e: {  	[tilespmem:v3+s26+$0x0] =	vst.idx.msk vm4, v18  }
0x11f: {  	v3 =	vld [tilespmem:$0x8570];
	_ =	sdelay $0x4  }
0x120: {  	(xrf1) =	vunique.msk.u32 $0xffff, v3;
	_ =	sdelay $0xd  }
0x121: {  	_, v28, vm5 =	vpop (xrf1);
	_ =	sdelay $0x5  }
0x122: {  	[tilespmem:v3+s26+$0x0] =	vst.idx.msk vm5, v19  }
0x123: {  	v3 =	vld [tilespmem:$0x8580];
	_ =	sdelay $0x4  }
0x124: {  	(xrf1) =	vunique.msk.u32 $0xffff, v3;
	_ =	sdelay $0xd  }
0x125: {  	_, v28, vm6 =	vpop (xrf1);
	_ =	sdelay $0x5  }
0x126: {  	[tilespmem:v3+s26+$0x0] =	vst.idx.msk vm6, v20  }
0x127: {  	v3 =	vld [tilespmem:$0x8590];
	_ =	sdelay $0x4  }
0x128: {  	(xrf1) =	vunique.msk.u32 $0xffff, v3;
	_ =	sdelay $0xd  }
0x129: {  	_, v28, vm7 =	vpop (xrf1);
	_ =	sdelay $0x5  }
0x12a: {  	[tilespmem:v3+s26+$0x0] =	vst.idx.msk vm7, v21  }
0x12b: {  	v3 =	vld [tilespmem:$0x85A0];
	_ =	sdelay $0x4  }
0x12c: {  	(xrf1) =	vunique.msk.u32 $0xffff, v3;
	_ =	sdelay $0xd  }
0x12d: {  	_, v28, vm8 =	vpop (xrf1);
	_ =	sdelay $0x5  }
0x12e: {  	[tilespmem:v3+s26+$0x0] =	vst.idx.msk vm8, v22  }
0x12f: {  	v3 =	vld [tilespmem:$0x85B0];
	_ =	sdelay $0x4  }
0x130: {  	(xrf1) =	vunique.msk.u32 $0xffff, v3;
	_ =	sdelay $0xd  }
0x131: {  	_, v28, vm9 =	vpop (xrf1);
	_ =	sdelay $0x5  }
0x132: {  	[tilespmem:v3+s26+$0x0] =	vst.idx.msk vm9, v23  }
0x133: {  	v3 =	vld [tilespmem:$0x85C0];
	_ =	sdelay $0x4  }
0x134: {  	(xrf1) =	vunique.msk.u32 $0xffff, v3;
	_ =	sdelay $0xd  }
0x135: {  	_, v28, vm10 =	vpop (xrf1);
	_ =	sdelay $0x5  }
0x136: {  	[tilespmem:v3+s26+$0x0] =	vst.idx.msk vm10, v24  }
0x137: {  	v3 =	vld [tilespmem:$0x85D0];
	_ =	sdelay $0x4  }
0x138: {  	(xrf1) =	vunique.msk.u32 $0xffff, v3;
	_ =	sdelay $0xd  }
0x139: {  	_, v28, vm11 =	vpop (xrf1);
	_ =	sdelay $0x5  }
0x13a: {  	[tilespmem:v3+s26+$0x0] =	vst.idx.msk vm11, v25  }
0x13b: {  	v3 =	vld [tilespmem:$0x85E0];
	_ =	sdelay $0x4  }
0x13c: {  	(xrf1) =	vunique.msk.u32 $0xffff, v3;
	_ =	sdelay $0xd  }
0x13d: {  	_, v28, vm12 =	vpop (xrf1);
	_ =	sdelay $0x5  }
0x13e: {  	[tilespmem:v3+s26+$0x0] =	vst.idx.msk vm12, v26  }
0x13f: {  	v3 =	vld [tilespmem:$0x85F0];
	_ =	sdelay $0x4  }
0x140: {  	(xrf1) =	vunique.msk.u32 $0xffff, v3;
	_ =	sdelay $0xd  }
0x141: {  	_, v28, vm13 =	vpop (xrf1);
	_ =	sdelay $0x5  }
0x142: {  	[tilespmem:v3+s26+$0x0] =	vst.idx.msk vm13, v27  }
0x143: {  	v3 =	vld [tilespmem:$0x8600];
	_ =	sdelay $0x4  }
0x144: {  	(xrf1) =	vunique.msk.u32 $0xffff, v3;
	_ =	sdelay $0xd  }
0x145: {  	_, v28, vm14 =	vpop (xrf1)  }
0x146: {  	v28 =	vld [tilespmem:$0x1FE90];
	_ =	sdelay $0x4  }
0x147: {  	[tilespmem:v3+s26+$0x0] =	vst.idx.msk vm14, v28  }
0x148: {  	v3 =	vld [tilespmem:$0x8610];
	_ =	sdelay $0x4  }
0x149: {  	(xrf1) =	vunique.msk.u32 $0xffff, v3;
	_ =	sdelay $0xd  }
0x14a: {  	_, v28, vm0 =	vpop (xrf1)  }
0x14b: {  	v28 =	vld [tilespmem:$0x1FEA0];
	_ =	sdelay $0x4  }
0x14c: {  	[tilespmem:v3+s26+$0x0] =	vst.idx.msk vm0, v28  }
0x14d: {  	v3 =	vld [tilespmem:$0x8620];
	_ =	sdelay $0x4  }
0x14e: {  	(xrf1) =	vunique.msk.u32 $0xffff, v3;
	_ =	sdelay $0xd  }
0x14f: {  	_, v28, vm0 =	vpop (xrf1)  }
0x150: {  	v28 =	vld [tilespmem:$0x1FEB0];
	_ =	sdelay $0x4  }
0x151: {  	[tilespmem:v3+s26+$0x0] =	vst.idx.msk vm0, v28  }
0x152: {  	v3 =	vld [tilespmem:$0x8630];
	_ =	sdelay $0x4  }
0x153: {  	(xrf1) =	vunique.msk.u32 $0xffff, v3;
	_ =	sdelay $0xd  }
0x154: {  	_, v28, vm0 =	vpop (xrf1)  }
0x155: {  	v28 =	vld [tilespmem:$0x1FEC0];
	_ =	sdelay $0x4  }
0x156: {  	[tilespmem:v3+s26+$0x0] =	vst.idx.msk vm0, v28  }
0x157: {  	v3 =	vld [tilespmem:$0x8640];
	_ =	sdelay $0x4  }
0x158: {  	(xrf1) =	vunique.msk.u32 $0xffff, v3;
	_ =	sdelay $0xd  }
0x159: {  	_, v28, vm0 =	vpop (xrf1)  }
0x15a: {  	v28 =	vld [tilespmem:$0x1FED0];
	_ =	sdelay $0x4  }
0x15b: {  	[tilespmem:v3+s26+$0x0] =	vst.idx.msk vm0, v28  }
0x15c: {  	v3 =	vld [tilespmem:$0x8650];
	_ =	sdelay $0x4  }
0x15d: {  	(xrf1) =	vunique.msk.u32 $0xffff, v3;
	_ =	sdelay $0xd  }
0x15e: {  	_, v28, vm0 =	vpop (xrf1)  }
0x15f: {  	v28 =	vld [tilespmem:$0x1FEE0];
	_ =	sdelay $0x4  }
0x160: {  	[tilespmem:v3+s26+$0x0] =	vst.idx.msk vm0, v28  }
0x161: {  	v3 =	vld [tilespmem:$0x8660];
	_ =	sdelay $0x4  }
0x162: {  	(xrf1) =	vunique.msk.u32 $0xffff, v3;
	_ =	sdelay $0xd  }
0x163: {  	_, v28, vm0 =	vpop (xrf1)  }
0x164: {  	v28 =	vld [tilespmem:$0x1FEF0];
	_ =	sdelay $0x4  }
0x165: {  	[tilespmem:v3+s26+$0x0] =	vst.idx.msk vm0, v28  }
0x166: {  	v3 =	vld [tilespmem:$0x8670];
	_ =	sdelay $0x4  }
0x167: {  	(xrf1) =	vunique.msk.u32 $0xffff, v3;
	_ =	sdelay $0xd  }
0x168: {  	_, v28, vm0 =	vpop (xrf1)  }
0x169: {  	v28 =	vld [tilespmem:$0x1FF00];
	_ =	sdelay $0x4  }
0x16a: {  	[tilespmem:v3+s26+$0x0] =	vst.idx.msk vm0, v28  }
0x16b: {  	v3 =	vld [tilespmem:$0x8680];
	_ =	sdelay $0x4  }
0x16c: {  	(xrf1) =	vunique.msk.u32 $0xffff, v3;
	_ =	sdelay $0xd  }
0x16d: {  	_, v28, vm0 =	vpop (xrf1)  }
0x16e: {  	v28 =	vld [tilespmem:$0x1FF10];
	_ =	sdelay $0x4  }
0x16f: {  	[tilespmem:v3+s26+$0x0] =	vst.idx.msk vm0, v28  }
0x170: {  	v3 =	vld [tilespmem:$0x8690];
	_ =	sdelay $0x4  }
0x171: {  	(xrf1) =	vunique.msk.u32 $0xffff, v3;
	_ =	sdelay $0xd  }
0x172: {  	_, v28, vm0 =	vpop (xrf1)  }
0x173: {  	v28 =	vld [tilespmem:$0x1FF20];
	_ =	sdelay $0x4  }
0x174: {  	[tilespmem:v3+s26+$0x0] =	vst.idx.msk vm0, v28  }
0x175: {  	v3 =	vld [tilespmem:$0x86A0];
	_ =	sdelay $0x4  }
0x176: {  	(xrf1) =	vunique.msk.u32 $0xffff, v3;
	_ =	sdelay $0xd  }
0x177: {  	_, v28, vm0 =	vpop (xrf1)  }
0x178: {  	v28 =	vld [tilespmem:$0x1FF30];
	_ =	sdelay $0x4  }
0x179: {  	[tilespmem:v3+s26+$0x0] =	vst.idx.msk vm0, v28  }
0x17a: {  	v3 =	vld [tilespmem:$0x86B0];
	_ =	sdelay $0x4  }
0x17b: {  	(xrf1) =	vunique.msk.u32 $0xffff, v3;
	_ =	sdelay $0xd  }
0x17c: {  	_, v28, vm0 =	vpop (xrf1)  }
0x17d: {  	v28 =	vld [tilespmem:$0x1FF40];
	_ =	sdelay $0x4  }
0x17e: {  	[tilespmem:v3+s26+$0x0] =	vst.idx.msk vm0, v28  }
0x17f: {  	v3 =	vld [tilespmem:$0x86C0];
	_ =	sdelay $0x4  }
0x180: {  	(xrf1) =	vunique.msk.u32 $0xffff, v3;
	_ =	sdelay $0xd  }
0x181: {  	_, v28, vm0 =	vpop (xrf1)  }
0x182: {  	v28 =	vld [tilespmem:$0x1FF50];
	_ =	sdelay $0x4  }
0x183: {  	[tilespmem:v3+s26+$0x0] =	vst.idx.msk vm0, v28  }
0x184: {  	v3 =	vld [tilespmem:$0x86D0];
	_ =	sdelay $0x4  }
0x185: {  	(xrf1) =	vunique.msk.u32 $0xffff, v3;
	_ =	sdelay $0xd  }
0x186: {  	_, v28, vm0 =	vpop (xrf1)  }
0x187: {  	v28 =	vld [tilespmem:$0x1FF60];
	_ =	sdelay $0x4  }
0x188: {  	[tilespmem:v3+s26+$0x0] =	vst.idx.msk vm0, v28  }
0x189: {  	v3 =	vld [tilespmem:$0x86E0];
	_ =	sdelay $0x4  }
0x18a: {  	(xrf1) =	vunique.msk.u32 $0xffff, v3;
	_ =	sdelay $0xd  }
0x18b: {  	_, v28, vm0 =	vpop (xrf1)  }
0x18c: {  	v28 =	vld [tilespmem:$0x1FF70];
	_ =	sdelay $0x4  }
0x18d: {  	[tilespmem:v3+s26+$0x0] =	vst.idx.msk vm0, v28  }
0x18e: {  	v3 =	vld [tilespmem:$0x86F0];
	_ =	sdelay $0x4  }
0x18f: {  	(xrf1) =	vunique.msk.u32 $0xffff, v3;
	_ =	sdelay $0xd  }
0x190: {  	_, v28, vm0 =	vpop (xrf1)  }
0x191: {  	v28 =	vld [tilespmem:$0x1FF80];
	_ =	sdelay $0x4  }
0x192: {  	[tilespmem:v3+s26+$0x0] =	vst.idx.msk vm0, v28  }
0x193: {  	v3 =	vld [tilespmem:$0x8700];
	_ =	sdelay $0x4  }
0x194: {  	(xrf1) =	vunique.msk.u32 $0xffff, v3;
	_ =	sdelay $0xd  }
0x195: {  	_, v28, vm0 =	vpop (xrf1)  }
0x196: {  	v28 =	vld [tilespmem:$0x1FF90];
	_ =	sdelay $0x4  }
0x197: {  	[tilespmem:v3+s26+$0x0] =	vst.idx.msk vm0, v28  }
0x198: {  	v3 =	vld [tilespmem:$0x8710];
	_ =	sdelay $0x4  }
0x199: {  	(xrf1) =	vunique.msk.u32 $0xffff, v3;
	_ =	sdelay $0xd  }
0x19a: {  	_, v28, vm0 =	vpop (xrf1)  }
0x19b: {  	v28 =	vld [tilespmem:$0x1FFA0];
	_ =	sdelay $0x4  }
0x19c: {  	[tilespmem:v3+s26+$0x0] =	vst.idx.msk vm0, v28  }
0x19d: {  	v3 =	vld [tilespmem:$0x8720];
	_ =	sdelay $0x4  }
0x19e: {  	(xrf1) =	vunique.msk.u32 $0xffff, v3;
	_ =	sdelay $0xd  }
0x19f: {  	_, v28, vm0 =	vpop (xrf1)  }
0x1a0: {  	v28 =	vld [tilespmem:$0x1FFB0];
	_ =	sdelay $0x4  }
0x1a1: {  	[tilespmem:v3+s26+$0x0] =	vst.idx.msk vm0, v28  }
0x1a2: {  	v3 =	vld [tilespmem:$0x8730];
	_ =	sdelay $0x4  }
0x1a3: {  	(xrf1) =	vunique.msk.u32 $0xffff, v3;
	_ =	sdelay $0xd  }
0x1a4: {  	_, v28, vm0 =	vpop (xrf1)  }
0x1a5: {  	v28 =	vld [tilespmem:$0x1FFC0];
	_ =	sdelay $0x4  }
0x1a6: {  	[tilespmem:v3+s26+$0x0] =	vst.idx.msk vm0, v28  }
0x1a7: {  	v3 =	vld [tilespmem:$0x8740];
	_ =	sdelay $0x4  }
0x1a8: {  	(xrf1) =	vunique.msk.u32 $0xffff, v3;
	_ =	sdelay $0xd  }
0x1a9: {  	_, v28, vm0 =	vpop (xrf1)  }
0x1aa: {  	v28 =	vld [tilespmem:$0x1FFD0];
	_ =	sdelay $0x4  }
0x1ab: {  	[tilespmem:v3+s26+$0x0] =	vst.idx.msk vm0, v28  }
0x1ac: {  	v3 =	vld [tilespmem:$0x8750];
	_ =	sdelay $0x4  }
0x1ad: {  	(xrf1) =	vunique.msk.u32 $0xffff, v3;
	_ =	sdelay $0xd  }
0x1ae: {  	_, v28, vm0 =	vpop (xrf1)  }
0x1af: {  	v28 =	vld [tilespmem:$0x1FFE0];
	_ =	sdelay $0x4  }
0x1b0: {  	[tilespmem:v3+s26+$0x0] =	vst.idx.msk vm0, v28  }
0x1b1: {  	v3 =	vld [tilespmem:$0x8760];
	_ =	sdelay $0x4  }
0x1b2: {  	(xrf1) =	vunique.msk.u32 $0xffff, v3;
	_ =	sdelay $0xd  }
0x1b3: {  	_, v28, vm0 =	vpop (xrf1)  }
0x1b4: {  	v28 =	vld [tilespmem:$0x1FFF0];
	_ =	sdelay $0x4  }
0x1b5: {  	[tilespmem:v3+s26+$0x0] =	vst.idx.msk vm0, v28  }
0x1b6: {  	v3 =	vld [tilespmem:$0x8770];
	_ =	sdelay $0x4  }
0x1b7: {  	(xrf1) =	vunique.msk.u32 $0xffff, v3;
	_ =	sdelay $0xd  }
0x1b8: {  	_, v28, vm0 =	vpop (xrf1);
	_ =	sdelay $0x5  }
0x1b9: {  	[tilespmem:v3+s26+$0x0] =	vst.idx.msk vm0, v51  }
0x1ba: {  	v3 =	vld [tilespmem:$0x8780];
	_ =	sdelay $0x4  }
0x1bb: {  	(xrf1) =	vunique.msk.u32 $0xffff, v3;
	_ =	sdelay $0xd  }
0x1bc: {  	_, v28, vm15 =	vpop (xrf1);
	_ =	sdelay $0x5  }
0x1bd: {  	[tilespmem:v3+s26+$0x0] =	vst.idx.msk vm15, v52  }
0x1be: {  	v3 =	vld [tilespmem:$0x8790];
	_ =	sdelay $0x4  }
0x1bf: {  	(xrf1) =	vunique.msk.u32 $0xffff, v3;
	_ =	sdelay $0xd  }
0x1c0: {  	_, v28, vm4 =	vpop (xrf1);
	_ =	sdelay $0x5  }
0x1c1: {  	[tilespmem:v3+s26+$0x0] =	vst.idx.msk vm4, v53  }
0x1c2: {  	v3 =	vld [tilespmem:$0x87A0];
	_ =	sdelay $0x4  }
0x1c3: {  	(xrf1) =	vunique.msk.u32 $0xffff, v3;
	_ =	sdelay $0xd  }
0x1c4: {  	_, v28, vm5 =	vpop (xrf1);
	_ =	sdelay $0x5  }
0x1c5: {  	[tilespmem:v3+s26+$0x0] =	vst.idx.msk vm5, v54  }
0x1c6: {  	v3 =	vld [tilespmem:$0x87B0];
	_ =	sdelay $0x4  }
0x1c7: {  	(xrf1) =	vunique.msk.u32 $0xffff, v3;
	_ =	sdelay $0xd  }
0x1c8: {  	_, v28, vm6 =	vpop (xrf1);
	_ =	sdelay $0x5  }
0x1c9: {  	[tilespmem:v3+s26+$0x0] =	vst.idx.msk vm6, v55  }
0x1ca: {  	v3 =	vld [tilespmem:$0x87C0];
	_ =	sdelay $0x4  }
0x1cb: {  	(xrf1) =	vunique.msk.u32 $0xffff, v3;
	_ =	sdelay $0xd  }
0x1cc: {  	_, v28, vm7 =	vpop (xrf1);
	_ =	sdelay $0x5  }
0x1cd: {  	[tilespmem:v3+s26+$0x0] =	vst.idx.msk vm7, v56  }
0x1ce: {  	v3 =	vld [tilespmem:$0x87D0];
	_ =	sdelay $0x4  }
0x1cf: {  	(xrf1) =	vunique.msk.u32 $0xffff, v3;
	_ =	sdelay $0xd  }
0x1d0: {  	_, v28, vm8 =	vpop (xrf1);
	_ =	sdelay $0x5  }
0x1d1: {  	[tilespmem:v3+s26+$0x0] =	vst.idx.msk vm8, v57  }
0x1d2: {  	v3 =	vld [tilespmem:$0x87E0];
	_ =	sdelay $0x4  }
0x1d3: {  	(xrf1) =	vunique.msk.u32 $0xffff, v3;
	_ =	sdelay $0xd  }
0x1d4: {  	_, v28, vm9 =	vpop (xrf1);
	_ =	sdelay $0x5  }
0x1d5: {  	[tilespmem:v3+s26+$0x0] =	vst.idx.msk vm9, v58  }
0x1d6: {  	v3 =	vld [tilespmem:$0x87F0];
	_ =	sdelay $0x4  }
0x1d7: {  	(xrf1) =	vunique.msk.u32 $0xffff, v3;
	_ =	sdelay $0xd  }
0x1d8: {  	_, v28, vm10 =	vpop (xrf1);
	_ =	sdelay $0x5  }
0x1d9: {  	[tilespmem:v3+s26+$0x0] =	vst.idx.msk vm10, v59  }
0x1da: {  	v3 =	vld [tilespmem:$0x8800];
	_ =	sdelay $0x4  }
0x1db: {  	(xrf1) =	vunique.msk.u32 $0xffff, v3;
	_ =	sdelay $0xd  }
0x1dc: {  	_, v28, vm11 =	vpop (xrf1);
	_ =	sdelay $0x5  }
0x1dd: {  	[tilespmem:v3+s26+$0x0] =	vst.idx.msk vm11, v60  }
0x1de: {  	v3 =	vld [tilespmem:$0x8810];
	_ =	sdelay $0x4  }
0x1df: {  	(xrf1) =	vunique.msk.u32 $0xffff, v3;
	_ =	sdelay $0xd  }
0x1e0: {  	_, v28, vm12 =	vpop (xrf1);
	_ =	sdelay $0x5  }
0x1e1: {  	[tilespmem:v3+s26+$0x0] =	vst.idx.msk vm12, v61  }
0x1e2: {  	v3 =	vld [tilespmem:$0x8820];
	_ =	sdelay $0x4  }
0x1e3: {  	(xrf1) =	vunique.msk.u32 $0xffff, v3;
	_ =	sdelay $0xd  }
0x1e4: {  	_, v28, vm13 =	vpop (xrf1);
	_ =	sdelay $0x5  }
0x1e5: {  	[tilespmem:v3+s26+$0x0] =	vst.idx.msk vm13, v62  }
0x1e6: {  	v3 =	vld [tilespmem:$0x8830];
	_ =	sdelay $0x4  }
0x1e7: {  	(xrf1) =	vunique.msk.u32 $0xffff, v3;
	_ =	sdelay $0xd  }
0x1e8: {  	_, v28, vm14 =	vpop (xrf1);
	_ =	sdelay $0x5  }
0x1e9: {  	[tilespmem:v3+s26+$0x0] =	vst.idx.msk vm14, v63  }
0x1ea: {  	v3 =	vld [tilespmem:$0x8840];
	_ =	sdelay $0x4  }
0x1eb: {  	(xrf1) =	vunique.msk.u32 $0xffff, v3;
	_ =	sdelay $0xd  }
0x1ec: {  	_, v28, vm15 =	vpop (xrf1);
	_ =	sdelay $0x4  }
0x1ed: {  	v28 =	vor.u32 $0x3C0, v0  }
0x1ee: {  	[tilespmem:v3+s26+$0x0] =	vst.idx.msk vm15, v28  }
0x1ef: {  	v3 =	vld [tilespmem:$0x8850];
	_ =	sdelay $0x4  }
0x1f0: {  	(xrf1) =	vunique.msk.u32 $0xffff, v3;
	_ =	sdelay $0xd  }
0x1f1: {  	_, v28, vm0 =	vpop (xrf1);
	_ =	sdelay $0x4  }
0x1f2: {  	v28 =	vor.u32 $0x3D0, v0  }
0x1f3: {  	[tilespmem:v3+s26+$0x0] =	vst.idx.msk vm0, v28  }
0x1f4: {  	v3 =	vld [tilespmem:$0x8860];
	_ =	sdelay $0x4  }
0x1f5: {  	(xrf1) =	vunique.msk.u32 $0xffff, v3;
	_ =	sdelay $0xd  }
0x1f6: {  	_, v28, vm0 =	vpop (xrf1);
	_ =	sdelay $0x4  }
0x1f7: {  	v28 =	vor.u32 $0x3E0, v0  }
0x1f8: {  	[tilespmem:v3+s26+$0x0] =	vst.idx.msk vm0, v28  }
0x1f9: {  	v3 =	vld [tilespmem:$0x8870];
	_ =	sdelay $0x4  }
0x1fa: {  	(xrf1) =	vunique.msk.u32 $0xffff, v3;
	_ =	sdelay $0xd  }
0x1fb: {  	_, v28, vm0 =	vpop (xrf1);
	_ =	sdelay $0x4  }
0x1fc: {  	v28 =	vor.u32 $0x3F0, v0  }
0x1fd: {  	[tilespmem:v3+s26+$0x0] =	vst.idx.msk vm0, v28  }
0x1fe: {  	v3 =	vld [tilespmem:$0x8880];
	_ =	sdelay $0x4  }
0x1ff: {  	(xrf1) =	vunique.msk.u32 $0xffff, v3;
	_ =	sdelay $0xd  }
0x200: {  	_, v28, vm0 =	vpop (xrf1);
	_ =	sdelay $0x4  }
0x201: {  	v28 =	vor.u32 $0x400, v0  }
0x202: {  	[tilespmem:v3+s26+$0x0] =	vst.idx.msk vm0, v28  }
0x203: {  	v3 =	vld [tilespmem:$0x8890];
	_ =	sdelay $0x4  }
0x204: {  	(xrf1) =	vunique.msk.u32 $0xffff, v3;
	_ =	sdelay $0xd  }
0x205: {  	_, v28, vm0 =	vpop (xrf1);
	_ =	sdelay $0x4  }
0x206: {  	v28 =	vor.u32 $0x410, v0  }
0x207: {  	[tilespmem:v3+s26+$0x0] =	vst.idx.msk vm0, v28  }
0x208: {  	v3 =	vld [tilespmem:$0x88A0];
	_ =	sdelay $0x4  }
0x209: {  	(xrf1) =	vunique.msk.u32 $0xffff, v3;
	_ =	sdelay $0xd  }
0x20a: {  	_, v28, vm0 =	vpop (xrf1);
	_ =	sdelay $0x4  }
0x20b: {  	v28 =	vor.u32 $0x420, v0  }
0x20c: {  	[tilespmem:v3+s26+$0x0] =	vst.idx.msk vm0, v28  }
0x20d: {  	v3 =	vld [tilespmem:$0x88B0];
	_ =	sdelay $0x4  }
0x20e: {  	(xrf1) =	vunique.msk.u32 $0xffff, v3;
	_ =	sdelay $0xd  }
0x20f: {  	_, v28, vm0 =	vpop (xrf1);
	_ =	sdelay $0x4  }
0x210: {  	v28 =	vor.u32 $0x430, v0  }
0x211: {  	[tilespmem:v3+s26+$0x0] =	vst.idx.msk vm0, v28  }
0x212: {  	v3 =	vld [tilespmem:$0x88C0];
	_ =	sdelay $0x4  }
0x213: {  	(xrf1) =	vunique.msk.u32 $0xffff, v3;
	_ =	sdelay $0xd  }
0x214: {  	_, v28, vm0 =	vpop (xrf1);
	_ =	sdelay $0x4  }
0x215: {  	v28 =	vor.u32 $0x440, v0  }
0x216: {  	[tilespmem:v3+s26+$0x0] =	vst.idx.msk vm0, v28  }
0x217: {  	v3 =	vld [tilespmem:$0x88D0];
	_ =	sdelay $0x4  }
0x218: {  	(xrf1) =	vunique.msk.u32 $0xffff, v3;
	_ =	sdelay $0xd  }
0x219: {  	_, v28, vm0 =	vpop (xrf1);
	_ =	sdelay $0x4  }
0x21a: {  	v28 =	vor.u32 $0x450, v0  }
0x21b: {  	[tilespmem:v3+s26+$0x0] =	vst.idx.msk vm0, v28  }
0x21c: {  	v3 =	vld [tilespmem:$0x88E0];
	_ =	sdelay $0x4  }
0x21d: {  	(xrf1) =	vunique.msk.u32 $0xffff, v3;
	_ =	sdelay $0xd  }
0x21e: {  	_, v28, vm0 =	vpop (xrf1);
	_ =	sdelay $0x4  }
0x21f: {  	v28 =	vor.u32 $0x460, v0  }
0x220: {  	[tilespmem:v3+s26+$0x0] =	vst.idx.msk vm0, v28  }
0x221: {  	v3 =	vld [tilespmem:$0x88F0];
	_ =	sdelay $0x4  }
0x222: {  	(xrf1) =	vunique.msk.u32 $0xffff, v3;
	_ =	sdelay $0xd  }
0x223: {  	_, v28, vm0 =	vpop (xrf1);
	_ =	sdelay $0x4  }
0x224: {  	v28 =	vor.u32 $0x470, v0  }
0x225: {  	[tilespmem:v3+s26+$0x0] =	vst.idx.msk vm0, v28  }
0x226: {  	v3 =	vld [tilespmem:$0x8900];
	_ =	sdelay $0x4  }
0x227: {  	(xrf1) =	vunique.msk.u32 $0xffff, v3;
	_ =	sdelay $0xd  }
0x228: {  	_, v28, vm0 =	vpop (xrf1);
	_ =	sdelay $0x4  }
0x229: {  	v28 =	vor.u32 $0x480, v0  }
0x22a: {  	[tilespmem:v3+s26+$0x0] =	vst.idx.msk vm0, v28  }
0x22b: {  	v3 =	vld [tilespmem:$0x8910];
	_ =	sdelay $0x4  }
0x22c: {  	(xrf1) =	vunique.msk.u32 $0xffff, v3;
	_ =	sdelay $0xd  }
0x22d: {  	_, v28, vm0 =	vpop (xrf1);
	_ =	sdelay $0x4  }
0x22e: {  	v28 =	vor.u32 $0x490, v0  }
0x22f: {  	[tilespmem:v3+s26+$0x0] =	vst.idx.msk vm0, v28  }
0x230: {  	v3 =	vld [tilespmem:$0x8920];
	_ =	sdelay $0x4  }
0x231: {  	(xrf1) =	vunique.msk.u32 $0xffff, v3;
	_ =	sdelay $0xd  }
0x232: {  	_, v28, vm0 =	vpop (xrf1);
	_ =	sdelay $0x4  }
0x233: {  	v28 =	vor.u32 $0x4A0, v0  }
0x234: {  	[tilespmem:v3+s26+$0x0] =	vst.idx.msk vm0, v28  }
0x235: {  	v3 =	vld [tilespmem:$0x8930];
	_ =	sdelay $0x4  }
0x236: {  	(xrf1) =	vunique.msk.u32 $0xffff, v3;
	_ =	sdelay $0xd  }
0x237: {  	_, v28, vm0 =	vpop (xrf1);
	_ =	sdelay $0x4  }
0x238: {  	v28 =	vor.u32 $0x4B0, v0  }
0x239: {  	[tilespmem:v3+s26+$0x0] =	vst.idx.msk vm0, v28  }
0x23a: {  	v3 =	vld [tilespmem:$0x8940];
	_ =	sdelay $0x4  }
0x23b: {  	(xrf1) =	vunique.msk.u32 $0xffff, v3;
	_ =	sdelay $0xd  }
0x23c: {  	_, v28, vm0 =	vpop (xrf1);
	_ =	sdelay $0x4  }
0x23d: {  	v28 =	vor.u32 $0x4C0, v0  }
0x23e: {  	[tilespmem:v3+s26+$0x0] =	vst.idx.msk vm0, v28  }
0x23f: {  	v3 =	vld [tilespmem:$0x8950];
	_ =	sdelay $0x4  }
0x240: {  	(xrf1) =	vunique.msk.u32 $0xffff, v3;
	_ =	sdelay $0xd  }
0x241: {  	_, v28, vm0 =	vpop (xrf1);
	_ =	sdelay $0x4  }
0x242: {  	v28 =	vor.u32 $0x4D0, v0  }
0x243: {  	[tilespmem:v3+s26+$0x0] =	vst.idx.msk vm0, v28  }
0x244: {  	v3 =	vld [tilespmem:$0x8960];
	_ =	sdelay $0x4  }
0x245: {  	(xrf1) =	vunique.msk.u32 $0xffff, v3;
	_ =	sdelay $0xd  }
0x246: {  	_, v28, vm0 =	vpop (xrf1);
	_ =	sdelay $0x4  }
0x247: {  	v28 =	vor.u32 $0x4E0, v0  }
0x248: {  	[tilespmem:v3+s26+$0x0] =	vst.idx.msk vm0, v28  }
0x249: {  	v3 =	vld [tilespmem:$0x8970];
	_ =	sdelay $0x4  }
0x24a: {  	(xrf1) =	vunique.msk.u32 $0xffff, v3;
	_ =	sdelay $0xd  }
0x24b: {  	_, v28, vm0 =	vpop (xrf1);
	_ =	sdelay $0x4  }
0x24c: {  	v28 =	vor.u32 $0x4F0, v0  }
0x24d: {  	[tilespmem:v3+s26+$0x0] =	vst.idx.msk vm0, v28  }
0x24e: {  	v3 =	vld [tilespmem:$0x8980];
	_ =	sdelay $0x4  }
0x24f: {  	(xrf1) =	vunique.msk.u32 $0xffff, v3;
	_ =	sdelay $0xd  }
0x250: {  	_, v28, vm0 =	vpop (xrf1);
	_ =	sdelay $0x4  }
0x251: {  	v28 =	vor.u32 $0x500, v0  }
0x252: {  	[tilespmem:v3+s26+$0x0] =	vst.idx.msk vm0, v28  }
0x253: {  	v3 =	vld [tilespmem:$0x8990];
	_ =	sdelay $0x4  }
0x254: {  	(xrf1) =	vunique.msk.u32 $0xffff, v3;
	_ =	sdelay $0xd  }
0x255: {  	_, v28, vm0 =	vpop (xrf1);
	_ =	sdelay $0x4  }
0x256: {  	v28 =	vor.u32 $0x510, v0  }
0x257: {  	[tilespmem:v3+s26+$0x0] =	vst.idx.msk vm0, v28  }
0x258: {  	v3 =	vld [tilespmem:$0x89A0];
	_ =	sdelay $0x4  }
0x259: {  	(xrf1) =	vunique.msk.u32 $0xffff, v3;
	_ =	sdelay $0xd  }
0x25a: {  	_, v28, vm0 =	vpop (xrf1);
	_ =	sdelay $0x4  }
0x25b: {  	v28 =	vor.u32 $0x520, v0  }
0x25c: {  	[tilespmem:v3+s26+$0x0] =	vst.idx.msk vm0, v28  }
0x25d: {  	v3 =	vld [tilespmem:$0x89B0];
	_ =	sdelay $0x4  }
0x25e: {  	(xrf1) =	vunique.msk.u32 $0xffff, v3;
	_ =	sdelay $0xd  }
0x25f: {  	_, v28, vm0 =	vpop (xrf1);
	_ =	sdelay $0x4  }
0x260: {  	v28 =	vor.u32 $0x530, v0  }
0x261: {  	[tilespmem:v3+s26+$0x0] =	vst.idx.msk vm0, v28  }
0x262: {  	v3 =	vld [tilespmem:$0x89C0];
	_ =	sdelay $0x4  }
0x263: {  	(xrf1) =	vunique.msk.u32 $0xffff, v3;
	_ =	sdelay $0xd  }
0x264: {  	_, v28, vm0 =	vpop (xrf1);
	_ =	sdelay $0x4  }
0x265: {  	v28 =	vor.u32 $0x540, v0  }
0x266: {  	[tilespmem:v3+s26+$0x0] =	vst.idx.msk vm0, v28  }
0x267: {  	v3 =	vld [tilespmem:$0x89D0];
	_ =	sdelay $0x4  }
0x268: {  	(xrf1) =	vunique.msk.u32 $0xffff, v3;
	_ =	sdelay $0xd  }
0x269: {  	_, v28, vm0 =	vpop (xrf1);
	_ =	sdelay $0x4  }
0x26a: {  	v28 =	vor.u32 $0x550, v0  }
0x26b: {  	[tilespmem:v3+s26+$0x0] =	vst.idx.msk vm0, v28  }
0x26c: {  	v3 =	vld [tilespmem:$0x89E0];
	_ =	sdelay $0x4  }
0x26d: {  	(xrf1) =	vunique.msk.u32 $0xffff, v3;
	_ =	sdelay $0xd  }
0x26e: {  	_, v28, vm0 =	vpop (xrf1);
	_ =	sdelay $0x4  }
0x26f: {  	v28 =	vor.u32 $0x560, v0  }
0x270: {  	[tilespmem:v3+s26+$0x0] =	vst.idx.msk vm0, v28  }
0x271: {  	v3 =	vld [tilespmem:$0x89F0];
	_ =	sdelay $0x4  }
0x272: {  	(xrf1) =	vunique.msk.u32 $0xffff, v3;
	_ =	sdelay $0xd  }
0x273: {  	_, v28, vm0 =	vpop (xrf1);
	_ =	sdelay $0x4  }
0x274: {  	v28 =	vor.u32 $0x570, v0  }
0x275: {  	[tilespmem:v3+s26+$0x0] =	vst.idx.msk vm0, v28  }
0x276: {  	v3 =	vld [tilespmem:$0x8A00];
	_ =	sdelay $0x4  }
0x277: {  	(xrf1) =	vunique.msk.u32 $0xffff, v3;
	_ =	sdelay $0xd  }
0x278: {  	_, v28, vm0 =	vpop (xrf1);
	_ =	sdelay $0x4  }
0x279: {  	v28 =	vor.u32 $0x580, v0  }
0x27a: {  	[tilespmem:v3+s26+$0x0] =	vst.idx.msk vm0, v28  }
0x27b: {  	v3 =	vld [tilespmem:$0x8A10];
	_ =	sdelay $0x4  }
0x27c: {  	(xrf1) =	vunique.msk.u32 $0xffff, v3;
	_ =	sdelay $0xd  }
0x27d: {  	_, v28, vm0 =	vpop (xrf1);
	_ =	sdelay $0x4  }
0x27e: {  	v28 =	vor.u32 $0x590, v0  }
0x27f: {  	[tilespmem:v3+s26+$0x0] =	vst.idx.msk vm0, v28  }
0x280: {  	v3 =	vld [tilespmem:$0x8A20];
	_ =	sdelay $0x4  }
0x281: {  	(xrf1) =	vunique.msk.u32 $0xffff, v3;
	_ =	sdelay $0xd  }
0x282: {  	_, v28, vm0 =	vpop (xrf1);
	_ =	sdelay $0x4  }
0x283: {  	v28 =	vor.u32 $0x5A0, v0  }
0x284: {  	[tilespmem:v3+s26+$0x0] =	vst.idx.msk vm0, v28  }
0x285: {  	v3 =	vld [tilespmem:$0x8A30];
	_ =	sdelay $0x4  }
0x286: {  	(xrf1) =	vunique.msk.u32 $0xffff, v3;
	_ =	sdelay $0xd  }
0x287: {  	_, v28, vm0 =	vpop (xrf1);
	_ =	sdelay $0x4  }
0x288: {  	v28 =	vor.u32 $0x5B0, v0  }
0x289: {  	[tilespmem:v3+s26+$0x0] =	vst.idx.msk vm0, v28  }
0x28a: {  	v3 =	vld [tilespmem:$0x8A40];
	_ =	sdelay $0x4  }
0x28b: {  	(xrf1) =	vunique.msk.u32 $0xffff, v3;
	_ =	sdelay $0xd  }
0x28c: {  	_, v28, vm0 =	vpop (xrf1);
	_ =	sdelay $0x4  }
0x28d: {  	v28 =	vor.u32 $0x5C0, v0  }
0x28e: {  	[tilespmem:v3+s26+$0x0] =	vst.idx.msk vm0, v28  }
0x28f: {  	v3 =	vld [tilespmem:$0x8A50];
	_ =	sdelay $0x4  }
0x290: {  	(xrf1) =	vunique.msk.u32 $0xffff, v3;
	_ =	sdelay $0xd  }
0x291: {  	_, v28, vm0 =	vpop (xrf1);
	_ =	sdelay $0x4  }
0x292: {  	v28 =	vor.u32 $0x5D0, v0  }
0x293: {  	[tilespmem:v3+s26+$0x0] =	vst.idx.msk vm0, v28  }
0x294: {  	v3 =	vld [tilespmem:$0x8A60];
	_ =	sdelay $0x4  }
0x295: {  	(xrf1) =	vunique.msk.u32 $0xffff, v3;
	_ =	sdelay $0xd  }
0x296: {  	_, v28, vm0 =	vpop (xrf1);
	_ =	sdelay $0x4  }
0x297: {  	v28 =	vor.u32 $0x5E0, v0  }
0x298: {  	[tilespmem:v3+s26+$0x0] =	vst.idx.msk vm0, v28  }
0x299: {  	v3 =	vld [tilespmem:$0x8A70];
	_ =	sdelay $0x4  }
0x29a: {  	(xrf1) =	vunique.msk.u32 $0xffff, v3;
	_ =	sdelay $0xd  }
0x29b: {  	_, v28, vm0 =	vpop (xrf1);
	_ =	sdelay $0x4  }
0x29c: {  	v28 =	vor.u32 $0x5F0, v0  }
0x29d: {  	s22 =	simm.s32 $0x5;
	[tilespmem:v3+s26+$0x0] =	vst.idx.msk vm0, v28  }
0x29e: {  	_ =	swait.ge [sflag:s22], $0x2800  }
0x29f: {  	[sflag:s22] =	ssyncset.done $0x0  }
0x2a0: {  	s31 =	simm.s32 $0x6;
	[sflag:s22] =	ssyncadd.s32 $0xFFFFD800  }
0x2a1: {  	_ =	swait.ge [sflag:s31], $0x2800  }
0x2a2: {  	s6 =	smov.u32 s14;
	[sflag:s31] =	ssyncset.done $0x0  }
0x2a3: {  	s15 =	simm.s32 $0x0;
	s14 =	simm.s32 $0x0;
	[sflag:s31] =	ssyncadd.s32 $0xFFFFD800  }
.LBB2_2:
0x2a4: {  	s4 =	sshra.s32 s14, $0x2  }
0x2a5: {  	v3 =	vld [tilespmem:s4+$0x5C80];
	_ =	sdelay $0x1  }
0x2a6: {  	v28 =	vld [tilespmem:s4+$0x5C90];
	_ =	sdelay $0x1  }
0x2a7: {  	v29 =	vld [tilespmem:s4+$0x5CA0];
	_ =	sdelay $0x1  }
0x2a8: {  	v30 =	vld [tilespmem:s4+$0x5CB0]  }
0x2a9: {  	v31 =	vld [tilespmem:s4+$0x5CC0]  }
0x2aa: {  	v3 =	vld.idx.msk [tilespmem:v3+s26+$0x0], $0xffff  }
0x2ab: {  	v32 =	vld [tilespmem:s4+$0x5CD0]  }
0x2ac: {  	v28 =	vld.idx.msk [tilespmem:v28+s26+$0x0], $0xffff  }
0x2ad: {  	v33 =	vld [tilespmem:s4+$0x5CE0]  }
0x2ae: {  	v29 =	vld.idx.msk [tilespmem:v29+s26+$0x0], $0xffff  }
0x2af: {  	vm5 =	vne.s32 v3, $0x600  }
0x2b0: {  	v30 =	vld.idx.msk [tilespmem:v30+s26+$0x0], $0xffff;
	v34 =	vsel vm5, $0x1, v1  }
0x2b1: {  	vm3 =	vne.s32 v28, $0x600;
	(xrf0) =	vadd.scan.msk.s32 $0xffff, v34  }
0x2b2: {  	v31 =	vld.idx.msk [tilespmem:v31+s26+$0x0], $0xffff;
	v45 =	vsel vm3, $0x1, v1  }
0x2b3: {  	vm1 =	vne.s32 v29, $0x600;
	(xrf0) =	vadd.scan.msk.s32 $0xffff, v45  }
0x2b4: {  	v32 =	vld.idx.msk [tilespmem:v32+s26+$0x0], $0xffff;
	v46 =	vsel vm1, $0x1, v1  }
0x2b5: {  	v35 =	vld [tilespmem:s4+$0x5CF0];
	vm0 =	vne.s32 v30, $0x600;
	(xrf0) =	vadd.scan.msk.s32 $0xffff, v46  }
0x2b6: {  	v33 =	vld.idx.msk [tilespmem:v33+s26+$0x0], $0xffff;
	v47 =	vsel vm0, $0x1, v1  }
0x2b7: {  	vm2 =	vne.s32 v31, $0x600;
	v36, _, _ =	vpop (xrf0);
	(xrf0) =	vadd.scan.msk.s32 $0xffff, v47  }
0x2b8: {  	v48 =	vsel vm2, $0x1, v1;
	(v2sf) =	vpush v36, $0xF  }
0x2b9: {  	vm4 =	vne.s32 v32, $0x600;
	v37, _, _ =	vpop (xrf0);
	(xrf0) =	vadd.scan.msk.s32 $0xffff, v48  }
0x2ba: {  	v49 =	vsel vm4, $0x1, v1;
	(v2sf) =	vpush v37, $0xF  }
0x2bb: {  	vm6 =	vne.s32 v33, $0x600;
	v38, _, _ =	vpop (xrf0);
	(xrf0) =	vadd.scan.msk.s32 $0xffff, v49  }
0x2bc: {  	v50 =	vsel vm6, $0x1, v1;
	(v2sf) =	vpush v38, $0xF  }
0x2bd: {  	v39, _, _ =	vpop (xrf0);
	(xrf0) =	vadd.scan.msk.s32 $0xffff, v50  }
0x2be: {  	v34 =	vld.idx.msk [tilespmem:v35+s26+$0x0], $0xffff;
	(v2sf) =	vpush v39, $0xF  }
0x2bf: {  	v35, _, _ =	vpop (xrf0)  }
0x2c0: {  	(v2sf) =	vpush v35, $0xF  }
0x2c1: {  	v40, _, _ =	vpop (xrf0)  }
0x2c2: {  	(v2sf) =	vpush v40, $0xF  }
0x2c3: {  	vm7 =	vne.s32 v34, $0x600;
	v41, _, _ =	vpop (xrf0)  }
0x2c4: {  	v42 =	vsel vm7, $0x1, v1;
	(v2sf) =	vpush v41, $0xF  }
0x2c5: {  	(xrf0) =	vadd.scan.msk.s32 $0xffff, v42  }
0x2c6: {  	v43 =	vld [tilespmem:s4+$0x3480]  }
0x2c7: {  	s5 =	sadd.s32 $0xFFFFFFFF, s15;
	v44 =	vld [tilespmem:s4+$0x34A0];
	s17 =	spop (v2sf)  }
0x2c8: {  	v45 =	vld [tilespmem:s4+$0x34B0];
	v36 =	vadd.s32 s5, v36;
	s8 =	sadd.s32 s15, s17  }
0x2c9: {  	v46 =	vld [tilespmem:s4+$0x34C0];
	s18 =	spop (v2sf);
	s19 =	sadd.s32 $0xFFFFFFFF, s8  }
0x2ca: {  	v42 =	vld [tilespmem:s4+$0x3490];
	s8 =	sadd.s32 s8, s18;
	v37 =	vadd.s32 s19, v37  }
0x2cb: {  	v47 =	vld [tilespmem:s4+$0x34D0];
	v49, _, _ =	vpop (xrf0);
	s19 =	spop (v2sf);
	s22 =	sadd.s32 $0xFFFFFFFF, s8  }
0x2cc: {  	v48 =	vld [tilespmem:s4+$0x34E0];
	(v2sf) =	vpush v49, $0xF;
	s8 =	sadd.s32 s8, s19;
	v38 =	vadd.s32 s22, v38  }
0x2cd: {  	v50 =	vld [tilespmem:s4+$0x34F0];
	[tilespmem:v36+s9+$0x0] =	vst.idx.msk vm5, v43;
	s11 =	sadd.s32 $0xFFFFFFFF, s8;
	s22 =	spop (v2sf)  }
0x2ce: {  	[tilespmem:v36+s2+$0x0] =	vst.idx.msk vm5, v3;
	v3 =	vadd.s32 s11, v39;
	s4 =	sadd.s32 s8, s22  }
0x2cf: {  	s16 =	smov.u32 s15;
	s5 =	spop (v2sf);
	[tilespmem:v37+s9+$0x0] =	vst.idx.msk vm3, v42;
	s15 =	sadd.s32 $0xFFFFFFFF, s4  }
0x2d0: {  	s4 =	sadd.s32 s4, s5;
	[tilespmem:v37+s2+$0x0] =	vst.idx.msk vm3, v28;
	v28 =	vadd.s32 s15, v35  }
0x2d1: {  	s31 =	spop (v2sf);
	s11 =	sadd.s32 $0xFFFFFFFF, s4;
	[tilespmem:v38+s9+$0x0] =	vst.idx.msk vm1, v44  }
0x2d2: {  	s15 =	sadd.s32 s4, s31;
	[tilespmem:v38+s2+$0x0] =	vst.idx.msk vm1, v29;
	v29 =	vadd.s32 s11, v40  }
0x2d3: {  	s11 =	sadd.s32 $0xFFFFFFFF, s15;
	s4 =	spop (v2sf);
	[tilespmem:v3+s9+$0x0] =	vst.idx.msk vm0, v45  }
0x2d4: {  	s15 =	sadd.s32 s15, s4;
	[tilespmem:v3+s2+$0x0] =	vst.idx.msk vm0, v30;
	v3 =	vadd.s32 s11, v41  }
0x2d5: {  	[tilespmem:v28+s9+$0x0] =	vst.idx.msk vm2, v46;
	s11 =	sadd.s32 $0xFFFFFFFF, s15  }
0x2d6: {  	[tilespmem:v28+s2+$0x0] =	vst.idx.msk vm2, v31;
	v28 =	vadd.s32 s11, v49  }
0x2d7: {  	p2 =	sne.s32 s14, $0x9E00;
	[tilespmem:v29+s9+$0x0] =	vst.idx.msk vm4, v47  }
.Ltmp2:
0x2d8: {  	[tilespmem:v29+s2+$0x0] =	vst.idx.msk vm4, v32;
	(pc) =	sbr.rel @p2 .LBB2_2-.Ltmp2, $4  }
0x2d9: {  	[tilespmem:v3+s9+$0x0] =	vst.idx.msk vm6, v48  }
0x2da: {  	[tilespmem:v3+s2+$0x0] =	vst.idx.msk vm6, v33  }
0x2db: {  	s8 =	spop (v2sf);
	[tilespmem:v28+s9+$0x0] =	vst.idx.msk vm7, v50  }
0x2dc: {  	s14 =	sadd.s32 $0x200, s14;
	s15 =	sadd.s32 s15, s8;
	[tilespmem:v28+s2+$0x0] =	vst.idx.msk vm7, v34  }
0x2dd: {  	v3 =	vadd.s32 s15, v0;
	_ =	sdelay $0x1  }
0x2de: {  	v28 =	vadd.s32 s15, v5;
	_ =	sdelay $0x1  }
0x2df: {  	v29 =	vadd.s32 s15, v6  }
0x2e0: {  	[tilespmem:v3+s9+$0x0] =	vst.idx.msk $0xffff, v1  }
0x2e1: {  	[tilespmem:v3+s2+$0x0] =	vst.idx.msk $0xffff, v2;
	v3 =	vadd.s32 s15, v7  }
0x2e2: {  	[tilespmem:v28+s9+$0x0] =	vst.idx.msk $0xffff, v1  }
0x2e3: {  	[tilespmem:v28+s2+$0x0] =	vst.idx.msk $0xffff, v2;
	v28 =	vadd.s32 s15, v8  }
0x2e4: {  	[tilespmem:v29+s9+$0x0] =	vst.idx.msk $0xffff, v1  }
0x2e5: {  	[tilespmem:v29+s2+$0x0] =	vst.idx.msk $0xffff, v2;
	v29 =	vadd.s32 s15, v9  }
0x2e6: {  	[tilespmem:v3+s9+$0x0] =	vst.idx.msk $0xffff, v1  }
0x2e7: {  	[tilespmem:v3+s2+$0x0] =	vst.idx.msk $0xffff, v2;
	v3 =	vadd.s32 s15, v10  }
0x2e8: {  	[tilespmem:v28+s9+$0x0] =	vst.idx.msk $0xffff, v1  }
0x2e9: {  	[tilespmem:v28+s2+$0x0] =	vst.idx.msk $0xffff, v2;
	v28 =	vadd.s32 s15, v11  }
0x2ea: {  	[tilespmem:v29+s9+$0x0] =	vst.idx.msk $0xffff, v1  }
0x2eb: {  	[tilespmem:v29+s2+$0x0] =	vst.idx.msk $0xffff, v2;
	v29 =	vadd.s32 s15, v12  }
0x2ec: {  	[tilespmem:v3+s9+$0x0] =	vst.idx.msk $0xffff, v1  }
0x2ed: {  	[tilespmem:v3+s2+$0x0] =	vst.idx.msk $0xffff, v2;
	v3 =	vadd.s32 s15, v13  }
0x2ee: {  	[tilespmem:v28+s9+$0x0] =	vst.idx.msk $0xffff, v1  }
0x2ef: {  	[tilespmem:v28+s2+$0x0] =	vst.idx.msk $0xffff, v2;
	v28 =	vadd.s32 s15, v14  }
0x2f0: {  	[tilespmem:v29+s9+$0x0] =	vst.idx.msk $0xffff, v1  }
0x2f1: {  	[tilespmem:v29+s2+$0x0] =	vst.idx.msk $0xffff, v2;
	v29 =	vadd.s32 s15, v15  }
0x2f2: {  	[tilespmem:v3+s9+$0x0] =	vst.idx.msk $0xffff, v1  }
0x2f3: {  	[tilespmem:v3+s2+$0x0] =	vst.idx.msk $0xffff, v2;
	v3 =	vadd.s32 s15, v16  }
0x2f4: {  	[tilespmem:v28+s9+$0x0] =	vst.idx.msk $0xffff, v1  }
0x2f5: {  	[tilespmem:v28+s2+$0x0] =	vst.idx.msk $0xffff, v2;
	v28 =	vadd.s32 s15, v17  }
0x2f6: {  	[tilespmem:v29+s9+$0x0] =	vst.idx.msk $0xffff, v1  }
0x2f7: {  	[tilespmem:v29+s2+$0x0] =	vst.idx.msk $0xffff, v2;
	v29 =	vadd.s32 s15, v18  }
0x2f8: {  	[tilespmem:v3+s9+$0x0] =	vst.idx.msk $0xffff, v1  }
0x2f9: {  	[tilespmem:v3+s2+$0x0] =	vst.idx.msk $0xffff, v2;
	v3 =	vadd.s32 s15, v19  }
0x2fa: {  	[tilespmem:v28+s9+$0x0] =	vst.idx.msk $0xffff, v1  }
0x2fb: {  	[tilespmem:v28+s2+$0x0] =	vst.idx.msk $0xffff, v2;
	v28 =	vadd.s32 s15, v20  }
0x2fc: {  	[tilespmem:v29+s9+$0x0] =	vst.idx.msk $0xffff, v1  }
0x2fd: {  	[tilespmem:v29+s2+$0x0] =	vst.idx.msk $0xffff, v2;
	v29 =	vadd.s32 s15, v21  }
0x2fe: {  	[tilespmem:v3+s9+$0x0] =	vst.idx.msk $0xffff, v1  }
0x2ff: {  	[tilespmem:v3+s2+$0x0] =	vst.idx.msk $0xffff, v2;
	v3 =	vadd.s32 s15, v22  }
0x300: {  	[tilespmem:v28+s9+$0x0] =	vst.idx.msk $0xffff, v1  }
0x301: {  	[tilespmem:v28+s2+$0x0] =	vst.idx.msk $0xffff, v2;
	v28 =	vadd.s32 s15, v23  }
0x302: {  	[tilespmem:v29+s9+$0x0] =	vst.idx.msk $0xffff, v1  }
0x303: {  	[tilespmem:v29+s2+$0x0] =	vst.idx.msk $0xffff, v2;
	v29 =	vadd.s32 s15, v24  }
0x304: {  	[tilespmem:v3+s9+$0x0] =	vst.idx.msk $0xffff, v1  }
0x305: {  	[tilespmem:v3+s2+$0x0] =	vst.idx.msk $0xffff, v2;
	v3 =	vadd.s32 s15, v25  }
0x306: {  	[tilespmem:v28+s9+$0x0] =	vst.idx.msk $0xffff, v1  }
0x307: {  	[tilespmem:v28+s2+$0x0] =	vst.idx.msk $0xffff, v2  }
0x308: {  	[tilespmem:v29+s9+$0x0] =	vst.idx.msk $0xffff, v1  }
0x309: {  	[tilespmem:v29+s2+$0x0] =	vst.idx.msk $0xffff, v2  }
0x30a: {  	v28 =	vadd.s32 s15, v26;
	[tilespmem:v3+s9+$0x0] =	vst.idx.msk $0xffff, v1  }
0x30b: {  	[tilespmem:v3+s2+$0x0] =	vst.idx.msk $0xffff, v2;
	v3 =	vld [tilespmem:$0x1FE60]  }
0x30c: {  	v29 =	vadd.s32 s15, v27;
	_ =	sdelay $0x2  }
0x30d: {  	[tilespmem:v28+s9+$0x0] =	vst.idx.msk $0xffff, v1  }
0x30e: {  	[tilespmem:v28+s2+$0x0] =	vst.idx.msk $0xffff, v2  }
0x30f: {  	[tilespmem:v29+s9+$0x0] =	vst.idx.msk $0xffff, v1  }
0x310: {  	[tilespmem:v29+s2+$0x0] =	vst.idx.msk $0xffff, v2  }
0x311: {  	v3 =	vld.idx.msk [tilespmem:v3+s25+$0x0], $0xffff;
	_ =	sdelay $0x7  }
0x312: {  	v3 =	vld.idx.msk [tilespmem:v3+s26+$0x0], $0xffff;
	_ =	sdelay $0x4  }
0x313: {  	[tilespmem:$0x11300] =	vst v3;
	v3 =	vld [tilespmem:$0x1FE70];
	_ =	sdelay $0x7  }
0x314: {  	v3 =	vld.idx.msk [tilespmem:v3+s25+$0x0], $0xffff;
	_ =	sdelay $0x7  }
0x315: {  	v3 =	vld.idx.msk [tilespmem:v3+s26+$0x0], $0xffff;
	_ =	sdelay $0x4  }
0x316: {  	[tilespmem:$0x11310] =	vst v3;
	v3 =	vld [tilespmem:$0x1FE80];
	_ =	sdelay $0x7  }
0x317: {  	v3 =	vld.idx.msk [tilespmem:v3+s25+$0x0], $0xffff;
	_ =	sdelay $0x3  }
0x318: {  	s17 =	sadd.s32 s18, s17  }
0x319: {  	s17 =	sadd.s32 s19, s17  }
0x31a: {  	s17 =	sadd.s32 s22, s17  }
0x31b: {  	s5 =	sadd.s32 s5, s17  }
0x31c: {  	s5 =	sadd.s32 s31, s5;
	v3 =	vld.idx.msk [tilespmem:v3+s26+$0x0], $0xffff  }
0x31d: {  	s4 =	sadd.s32 s4, s5  }
0x31e: {  	s4 =	sadd.s32 s8, s4  }
0x31f: {  	s4 =	sadd.s32 s16, s4  }
0x320: {  	s14 =	simm.s32 $0x0;
	s4 =	sadd.s32 $0x7F, s4  }
0x321: {  	s11 =	simm.s32 $0x11300;
	s4 =	sshrl.u32 s4, $0x7;
	s25 =	rddreg [dreg:$0x12];
	[tilespmem:$0x11320] =	vst v3  }
0x322: {  	[hbm4b:s25+s14] =	stream.linear.scatter [tilespmem:s11], [sflag:$0x7], $0x30, $0x38;
	[tilespmem:$0x1D380] =	vst v63  }
0x323: {  	s4 =	sadd.s32 $0x2, s4;
	[bflag:$0x0] =	sbarrier.arrive $0xFFFF  }
0x324: {  	[tilespmem:s20], [sflag:$0x1] =	stream.indirect.gather [hbm4b:s1+s24], $0x80, s9, s24, $0xb8;
	[tilespmem:$0x1D380] =	vst v63  }
0x325: {  	s4 =	smulhi.u32 $0x55555556, s4;
	s25 =	simm.s32 $0xB300  }
0x326: {  	[tilespmem:s21], [sflag:$0x2] =	stream.indirect.gather [hbm4b:s1+s24], $0x80, s25, s24, $0xb8;
	[tilespmem:$0x1D380] =	vst v63  }
0x327: {  	s25 =	sadd.s32 $0x7F, s15  }
0x328: {  	s4 =	smax.u32 s4, $0x1;
	s5 =	sshrl.u32 s25, $0x7  }
0x329: {  	s4 =	smul.u32 $0x3, s4;
	s5 =	sadd.s32 $0x2, s5  }
0x32a: {  	s31 =	simm.s32 $0xB380;
	s5 =	smulhi.u32 $0x55555556, s5  }
0x32b: {  	[tilespmem:s23], [sflag:$0x3] =	stream.indirect.gather [hbm4b:s1+s24], $0x80, s31, s24, $0xb8;
	[tilespmem:$0x1D380] =	vst v63  }
0x32c: {  	s5 =	smax.u32 s5, $0x1  }
0x32d: {  	s16 =	simm.s32 $0x0;
	[dreg:$0x6] =	wrdreg s4;
	s15 =	smul.u32 $0x3, s5  }
.LBB2_4:
0x32e: {  	_ =	swait.ge [sflag:s29], $0x4000  }
0x32f: {  	s17 =	sshra.s32 s16, $0x2;
	[sflag:s29] =	ssyncset.done $0x0  }
0x330: {  	s4 =	sadd.s32 $0xDE80, s17;
	[sflag:s29] =	ssyncadd.s32 $0xFFFFC000  }
0x331: {  	[spmem:s3] =	stream.indirect.scatter.add.f32 [tilespmem:s20], [sflag:$0x4], $0x80, s4, s24, $0xb8;
	[tilespmem:$0x1D380] =	vst v63  }
0x332: {  	v3 =	vld [tilespmem:s17+$0xDE80];
	_ =	sdelay $0x4  }
0x333: {  	(xrf1) =	vunique.msk.u32 $0xffff, v3;
	_ =	sdelay $0xd  }
0x334: {  	_, v28, vm0 =	vpop (xrf1);
	_ =	sdelay $0x3  }
0x335: {  	v28 =	vcvt.s32.f32 v28;
	_ =	sdelay $0x1  }
0x336: {  	[tilespmem:v3+s28+$0x0] =	vst.idx.add.f32.msk vm0, v28  }
0x337: {  	v3 =	vld [tilespmem:s17+$0xDE90];
	_ =	sdelay $0x4  }
0x338: {  	(xrf1) =	vunique.msk.u32 $0xffff, v3;
	_ =	sdelay $0xd  }
0x339: {  	_, v28, vm0 =	vpop (xrf1);
	_ =	sdelay $0x3  }
0x33a: {  	v28 =	vcvt.s32.f32 v28;
	_ =	sdelay $0x1  }
0x33b: {  	[tilespmem:v3+s28+$0x0] =	vst.idx.add.f32.msk vm0, v28  }
0x33c: {  	v3 =	vld [tilespmem:s17+$0xDEA0];
	_ =	sdelay $0x4  }
0x33d: {  	(xrf1) =	vunique.msk.u32 $0xffff, v3;
	_ =	sdelay $0xd  }
0x33e: {  	_, v28, vm0 =	vpop (xrf1);
	_ =	sdelay $0x3  }
0x33f: {  	v28 =	vcvt.s32.f32 v28;
	_ =	sdelay $0x1  }
0x340: {  	[tilespmem:v3+s28+$0x0] =	vst.idx.add.f32.msk vm0, v28  }
0x341: {  	v3 =	vld [tilespmem:s17+$0xDEB0];
	_ =	sdelay $0x4  }
0x342: {  	(xrf1) =	vunique.msk.u32 $0xffff, v3;
	_ =	sdelay $0xd  }
0x343: {  	_, v28, vm0 =	vpop (xrf1);
	_ =	sdelay $0x3  }
0x344: {  	v28 =	vcvt.s32.f32 v28;
	_ =	sdelay $0x1  }
0x345: {  	[tilespmem:v3+s28+$0x0] =	vst.idx.add.f32.msk vm0, v28  }
0x346: {  	v3 =	vld [tilespmem:s17+$0xDEC0];
	_ =	sdelay $0x4  }
0x347: {  	(xrf1) =	vunique.msk.u32 $0xffff, v3;
	_ =	sdelay $0xd  }
0x348: {  	_, v28, vm0 =	vpop (xrf1);
	_ =	sdelay $0x3  }
0x349: {  	v28 =	vcvt.s32.f32 v28;
	_ =	sdelay $0x1  }
0x34a: {  	[tilespmem:v3+s28+$0x0] =	vst.idx.add.f32.msk vm0, v28  }
0x34b: {  	v3 =	vld [tilespmem:s17+$0xDED0];
	_ =	sdelay $0x4  }
0x34c: {  	(xrf1) =	vunique.msk.u32 $0xffff, v3;
	_ =	sdelay $0xd  }
0x34d: {  	_, v28, vm0 =	vpop (xrf1);
	_ =	sdelay $0x3  }
0x34e: {  	v28 =	vcvt.s32.f32 v28;
	_ =	sdelay $0x1  }
0x34f: {  	[tilespmem:v3+s28+$0x0] =	vst.idx.add.f32.msk vm0, v28  }
0x350: {  	v3 =	vld [tilespmem:s17+$0xDEE0];
	_ =	sdelay $0x4  }
0x351: {  	(xrf1) =	vunique.msk.u32 $0xffff, v3;
	_ =	sdelay $0xd  }
0x352: {  	_, v28, vm0 =	vpop (xrf1);
	_ =	sdelay $0x3  }
0x353: {  	v28 =	vcvt.s32.f32 v28;
	_ =	sdelay $0x1  }
0x354: {  	[tilespmem:v3+s28+$0x0] =	vst.idx.add.f32.msk vm0, v28  }
0x355: {  	v3 =	vld [tilespmem:s17+$0xDEF0];
	_ =	sdelay $0x4  }
0x356: {  	(xrf1) =	vunique.msk.u32 $0xffff, v3;
	_ =	sdelay $0xd  }
0x357: {  	_, v28, vm0 =	vpop (xrf1);
	_ =	sdelay $0x3  }
0x358: {  	v28 =	vcvt.s32.f32 v28;
	_ =	sdelay $0x1  }
0x359: {  	s5 =	sadd.s32 $0x3, s14;
	[tilespmem:v3+s28+$0x0] =	vst.idx.add.f32.msk vm0, v28  }
0x35a: {  	p2 =	sge.u32 s5, s15;
	_ =	swait.ge [sflag:s0], $0x4000  }
0x35b: {  	s8 =	simm.s32 @!p2 $0x80;
	s4 =	sshra.s32 @!p2 s16, $0x2;
	[sflag:s0] =	ssyncset.done $0x0  }
0x35c: {  	s18 =	simm.s32 @!p2 $0x11380;
	s4 =	sadd.s32 @!p2 $0xB400, s4;
	[sflag:s0] =	ssyncadd.s32 $0xFFFFC000  }
0x35d: {  	[tilespmem:s18], [sflag:$0x1] =	stream.indirect.gather @!p2 [hbm4b:s1+s8], $0x80, s4, s8, $0xb8;
	[tilespmem:$0x1D380] =	vst v63  }
0x35e: {  	_ =	swait.ge [sflag:s7], $0x4000  }
0x35f: {  	[sflag:s7] =	ssyncset.done $0x0  }
0x360: {  	s18 =	sadd.s32 $0xDF00, s17;
	[sflag:s7] =	ssyncadd.s32 $0xFFFFC000  }
0x361: {  	[spmem:s3] =	stream.indirect.scatter.add.f32 [tilespmem:s21], [sflag:$0x4], $0x80, s18, s24, $0xb8;
	[tilespmem:$0x1D380] =	vst v63  }
0x362: {  	v3 =	vld [tilespmem:s17+$0xDF00];
	_ =	sdelay $0x4  }
0x363: {  	(xrf1) =	vunique.msk.u32 $0xffff, v3;
	_ =	sdelay $0xd  }
0x364: {  	_, v28, vm0 =	vpop (xrf1);
	_ =	sdelay $0x3  }
0x365: {  	v28 =	vcvt.s32.f32 v28;
	_ =	sdelay $0x1  }
0x366: {  	[tilespmem:v3+s28+$0x0] =	vst.idx.add.f32.msk vm0, v28  }
0x367: {  	v3 =	vld [tilespmem:s17+$0xDF10];
	_ =	sdelay $0x4  }
0x368: {  	(xrf1) =	vunique.msk.u32 $0xffff, v3;
	_ =	sdelay $0xd  }
0x369: {  	_, v28, vm0 =	vpop (xrf1);
	_ =	sdelay $0x3  }
0x36a: {  	v28 =	vcvt.s32.f32 v28;
	_ =	sdelay $0x1  }
0x36b: {  	[tilespmem:v3+s28+$0x0] =	vst.idx.add.f32.msk vm0, v28  }
0x36c: {  	v3 =	vld [tilespmem:s17+$0xDF20];
	_ =	sdelay $0x4  }
0x36d: {  	(xrf1) =	vunique.msk.u32 $0xffff, v3;
	_ =	sdelay $0xd  }
0x36e: {  	_, v28, vm0 =	vpop (xrf1);
	_ =	sdelay $0x3  }
0x36f: {  	v28 =	vcvt.s32.f32 v28;
	_ =	sdelay $0x1  }
0x370: {  	[tilespmem:v3+s28+$0x0] =	vst.idx.add.f32.msk vm0, v28  }
0x371: {  	v3 =	vld [tilespmem:s17+$0xDF30];
	_ =	sdelay $0x4  }
0x372: {  	(xrf1) =	vunique.msk.u32 $0xffff, v3;
	_ =	sdelay $0xd  }
0x373: {  	_, v28, vm0 =	vpop (xrf1);
	_ =	sdelay $0x3  }
0x374: {  	v28 =	vcvt.s32.f32 v28;
	_ =	sdelay $0x1  }
0x375: {  	[tilespmem:v3+s28+$0x0] =	vst.idx.add.f32.msk vm0, v28  }
0x376: {  	v3 =	vld [tilespmem:s17+$0xDF40];
	_ =	sdelay $0x4  }
0x377: {  	(xrf1) =	vunique.msk.u32 $0xffff, v3;
	_ =	sdelay $0xd  }
0x378: {  	_, v28, vm0 =	vpop (xrf1);
	_ =	sdelay $0x3  }
0x379: {  	v28 =	vcvt.s32.f32 v28;
	_ =	sdelay $0x1  }
0x37a: {  	[tilespmem:v3+s28+$0x0] =	vst.idx.add.f32.msk vm0, v28  }
0x37b: {  	v3 =	vld [tilespmem:s17+$0xDF50];
	_ =	sdelay $0x4  }
0x37c: {  	(xrf1) =	vunique.msk.u32 $0xffff, v3;
	_ =	sdelay $0xd  }
0x37d: {  	_, v28, vm0 =	vpop (xrf1);
	_ =	sdelay $0x3  }
0x37e: {  	v28 =	vcvt.s32.f32 v28;
	_ =	sdelay $0x1  }
0x37f: {  	[tilespmem:v3+s28+$0x0] =	vst.idx.add.f32.msk vm0, v28  }
0x380: {  	v3 =	vld [tilespmem:s17+$0xDF60];
	_ =	sdelay $0x4  }
0x381: {  	(xrf1) =	vunique.msk.u32 $0xffff, v3;
	_ =	sdelay $0xd  }
0x382: {  	_, v28, vm0 =	vpop (xrf1);
	_ =	sdelay $0x3  }
0x383: {  	v28 =	vcvt.s32.f32 v28;
	_ =	sdelay $0x1  }
0x384: {  	[tilespmem:v3+s28+$0x0] =	vst.idx.add.f32.msk vm0, v28  }
0x385: {  	v3 =	vld [tilespmem:s17+$0xDF70];
	_ =	sdelay $0x4  }
0x386: {  	(xrf1) =	vunique.msk.u32 $0xffff, v3;
	_ =	sdelay $0xd  }
0x387: {  	_, v28, vm0 =	vpop (xrf1);
	_ =	sdelay $0x3  }
0x388: {  	v28 =	vcvt.s32.f32 v28;
	_ =	sdelay $0x1  }
0x389: {  	s19 =	sadd.s32 $0x4, s14;
	[tilespmem:v3+s28+$0x0] =	vst.idx.add.f32.msk vm0, v28  }
0x38a: {  	p2 =	sge.u32 s19, s15;
	_ =	swait.ge [sflag:s0], $0x4000  }
0x38b: {  	s4 =	sshra.s32 @!p2 s16, $0x2;
	s8 =	simm.s32 @!p2 $0x80;
	[sflag:s0] =	ssyncset.done $0x0  }
0x38c: {  	s4 =	sadd.s32 @!p2 $0xB480, s4;
	s18 =	simm.s32 @!p2 $0x15380;
	[sflag:s0] =	ssyncadd.s32 $0xFFFFC000  }
0x38d: {  	[tilespmem:s18], [sflag:$0x2] =	stream.indirect.gather @!p2 [hbm4b:s1+s8], $0x80, s4, s8, $0xb8;
	[tilespmem:$0x1D380] =	vst v63  }
0x38e: {  	_ =	swait.ge [sflag:s10], $0x4000  }
0x38f: {  	[sflag:s10] =	ssyncset.done $0x0  }
0x390: {  	s22 =	sadd.s32 $0xDF80, s17;
	[sflag:s10] =	ssyncadd.s32 $0xFFFFC000  }
0x391: {  	[spmem:s3] =	stream.indirect.scatter.add.f32 [tilespmem:s23], [sflag:$0x4], $0x80, s22, s24, $0xb8;
	[tilespmem:$0x1D380] =	vst v63  }
0x392: {  	v3 =	vld [tilespmem:s17+$0xDF80];
	_ =	sdelay $0x4  }
0x393: {  	(xrf1) =	vunique.msk.u32 $0xffff, v3;
	_ =	sdelay $0xd  }
0x394: {  	_, v28, vm0 =	vpop (xrf1);
	_ =	sdelay $0x3  }
0x395: {  	v28 =	vcvt.s32.f32 v28;
	_ =	sdelay $0x1  }
0x396: {  	[tilespmem:v3+s28+$0x0] =	vst.idx.add.f32.msk vm0, v28  }
0x397: {  	v3 =	vld [tilespmem:s17+$0xDF90];
	_ =	sdelay $0x4  }
0x398: {  	(xrf1) =	vunique.msk.u32 $0xffff, v3;
	_ =	sdelay $0xd  }
0x399: {  	_, v28, vm0 =	vpop (xrf1);
	_ =	sdelay $0x3  }
0x39a: {  	v28 =	vcvt.s32.f32 v28;
	_ =	sdelay $0x1  }
0x39b: {  	[tilespmem:v3+s28+$0x0] =	vst.idx.add.f32.msk vm0, v28  }
0x39c: {  	v3 =	vld [tilespmem:s17+$0xDFA0];
	_ =	sdelay $0x4  }
0x39d: {  	(xrf1) =	vunique.msk.u32 $0xffff, v3;
	_ =	sdelay $0xd  }
0x39e: {  	_, v28, vm0 =	vpop (xrf1);
	_ =	sdelay $0x3  }
0x39f: {  	v28 =	vcvt.s32.f32 v28;
	_ =	sdelay $0x1  }
0x3a0: {  	[tilespmem:v3+s28+$0x0] =	vst.idx.add.f32.msk vm0, v28  }
0x3a1: {  	v3 =	vld [tilespmem:s17+$0xDFB0];
	_ =	sdelay $0x4  }
0x3a2: {  	(xrf1) =	vunique.msk.u32 $0xffff, v3;
	_ =	sdelay $0xd  }
0x3a3: {  	_, v28, vm0 =	vpop (xrf1);
	_ =	sdelay $0x3  }
0x3a4: {  	v28 =	vcvt.s32.f32 v28;
	_ =	sdelay $0x1  }
0x3a5: {  	[tilespmem:v3+s28+$0x0] =	vst.idx.add.f32.msk vm0, v28  }
0x3a6: {  	v3 =	vld [tilespmem:s17+$0xDFC0];
	_ =	sdelay $0x4  }
0x3a7: {  	(xrf1) =	vunique.msk.u32 $0xffff, v3;
	_ =	sdelay $0xd  }
0x3a8: {  	_, v28, vm0 =	vpop (xrf1);
	_ =	sdelay $0x3  }
0x3a9: {  	v28 =	vcvt.s32.f32 v28;
	_ =	sdelay $0x1  }
0x3aa: {  	[tilespmem:v3+s28+$0x0] =	vst.idx.add.f32.msk vm0, v28  }
0x3ab: {  	v3 =	vld [tilespmem:s17+$0xDFD0];
	_ =	sdelay $0x4  }
0x3ac: {  	(xrf1) =	vunique.msk.u32 $0xffff, v3;
	_ =	sdelay $0xd  }
0x3ad: {  	_, v28, vm0 =	vpop (xrf1);
	_ =	sdelay $0x3  }
0x3ae: {  	v28 =	vcvt.s32.f32 v28;
	_ =	sdelay $0x1  }
0x3af: {  	[tilespmem:v3+s28+$0x0] =	vst.idx.add.f32.msk vm0, v28  }
0x3b0: {  	v3 =	vld [tilespmem:s17+$0xDFE0];
	_ =	sdelay $0x4  }
0x3b1: {  	(xrf1) =	vunique.msk.u32 $0xffff, v3;
	_ =	sdelay $0xd  }
0x3b2: {  	_, v28, vm0 =	vpop (xrf1);
	_ =	sdelay $0x3  }
0x3b3: {  	v28 =	vcvt.s32.f32 v28;
	_ =	sdelay $0x1  }
0x3b4: {  	[tilespmem:v3+s28+$0x0] =	vst.idx.add.f32.msk vm0, v28  }
0x3b5: {  	v3 =	vld [tilespmem:s17+$0xDFF0];
	_ =	sdelay $0x4  }
0x3b6: {  	(xrf1) =	vunique.msk.u32 $0xffff, v3;
	_ =	sdelay $0xd  }
0x3b7: {  	_, v28, vm0 =	vpop (xrf1);
	_ =	sdelay $0x3  }
0x3b8: {  	v28 =	vcvt.s32.f32 v28  }
0x3b9: {  	s25 =	sadd.s32 $0x5, s14  }
0x3ba: {  	p2 =	sge.u32 s25, s15;
	[tilespmem:v3+s28+$0x0] =	vst.idx.add.f32.msk vm0, v28  }
0x3bb: {  	s4 =	sshra.s32 @!p2 s16, $0x2;
	_ =	swait.ge [sflag:s0], $0x4000  }
0x3bc: {  	s14 =	simm.s32 @!p2 $0x80;
	s4 =	sadd.s32 @!p2 $0xB500, s4;
	[sflag:s0] =	ssyncset.done $0x0  }
0x3bd: {  	s17 =	simm.s32 @!p2 $0x19380;
	s31 =	rddreg [dreg:$0x6];
	[sflag:s0] =	ssyncadd.s32 $0xFFFFC000  }
0x3be: {  	[tilespmem:s17], [sflag:$0x3] =	stream.indirect.gather @!p2 [hbm4b:s1+s14], $0x80, s4, s14, $0xb8;
	[tilespmem:$0x1D380] =	vst v63  }
0x3bf: {  	p2 =	sne.s32 s31, s5  }
.Ltmp3:
0x3c0: {  	_ = 	snop;
	(pc) =	sbr.rel @p2 .LBB2_4-.Ltmp3, $2  }
0x3c1: {  	_ =	sdelay $0x2  }
0x3c2: {  	s16 =	sadd.s32 $0x600, s16;
	s14 =	smov.u32 s5  }
0x3c3: {  	[bflag:$0x0] =	sbarrier.arrive $0xFFFF;
	s4 =	simm.s32 $0x10;
	s5 =	simm.s32 $0x11280  }
0x3c4: {  	[spmem:s6] =	stream.indirect.scatter.add.f32 [tilespmem:s28], [sflag:$0x9], $0x80, s5, s4, $0xb8;
	[tilespmem:$0x1D380] =	vst v63  }
0x3c5: {  	_ =	swait.ge [sflag:s12], $0x800  }
.Ltmp4:
0x3c6: {  	[sflag:s12] =	ssyncset.done $0x0;
	(pc) =	sbr.rel @!p0 .LBB2_6-.Ltmp4, $4  }
0x3c7: {  	[sflag:s12] =	ssyncadd.s32 $0xFFFFF800  }
0x3c8: {  	s31 =	stileid.u32;
	[bflag:$0x0] =	sbarrier.arrive $0xFFFF  }
0x3c9: {  	s4 =	sshll.u32 s31, $0x6;
	s8 =	rddreg [dreg:$0x16]  }
0x3ca: {  	s14 =	smov.u32 s6;
	s4 =	sor.u32 $0x1C09, s4;
	s5 =	sshrl.u32 s8, $0x3  }
.Ltmp5:
0x3cb: {  	s6 =	rddreg [dreg:$0x14];
	(pc) =	sbr.rel @p1 .LBB2_11-.Ltmp5, $4  }
0x3cc: {  	[hbm:s6], [sflag:s4] =	dma.local [spmem:s5], $0x680  }
0x3cd: {  	_ =	swait.ge [sflag:s12], $0x680  }
0x3ce: {  	[sflag:s12] =	ssyncset.done $0x0  }
0x3cf: {  	s25 =	simm.s32 $0x8480;
	[sflag:s12] =	ssyncadd.s32 $0xFFFFF980  }
.Ltmp6:
0x3d0: {  	(pc) =	sbr.rel .LBB2_10-.Ltmp6, $3  }
0x3d1: {  	_ =	sdelay $0x1  }
0x3d2: {  	s5 =	sshrl.u32 s14, $0x3;
	s6 =	rddreg [dreg:$0x9]  }
0x3d3: {  	[hbm:s6], [sflag:s4] =	dma.local [spmem:s5], $0x100  }
.LBB2_6:
.Ltmp7:
0x3d4: {  	s6 =	rddreg [dreg:$0x13];
	(pc) =	sbr.rel @p1 .LBB2_11-.Ltmp7, $4  }
0x3d5: {  	[hbm:s6], [sflag:s4] =	dma.local [spmem:s5], $0x680  }
0x3d6: {  	_ =	swait.ge [sflag:s12], $0x680  }
0x3d7: {  	[sflag:s12] =	ssyncset.done $0x0  }
0x3d8: {  	s25 =	simm.s32 $0x8480;
	[sflag:s12] =	ssyncadd.s32 $0xFFFFF980  }
.Ltmp8:
0x3d9: {  	(pc) =	sbr.rel .LBB2_10-.Ltmp8, $3  }
0x3da: {  	_ =	sdelay $0x1  }
0x3db: {  	s5 =	sshrl.u32 s14, $0x3;
	s6 =	rddreg [dreg:$0x8]  }
0x3dc: {  	[hbm:s6], [sflag:s4] =	dma.local [spmem:s5], $0x100  }
.LBB2_12:
0x3dd: {  	_ =	sfence.sel $0x180000  }
0x3de: {  	[bflag:$0x0] =	sbarrier.arrive $0xFFFF  }
0x3df: {  	_ =	strace $0x90000047  }
0x3e0: {  	[bflag:$0x2] =	sbarrier.arrive $0xFFFF  }
0x3e1: {  	s0 =	rddreg [dreg:$0x5]  }
0x3e2: {  	s0 =	sadd.s32 @!p1 $0x100000, s0  }
0x3e3: {  	[sflag:s0] =	ssyncadd.tile.s32 @!p1 $0x1;
	_ =	shalt  }
.Lfunc_end2:
_tile_overlayer_lowered:
.L_overlay_start_2:
0x3e4: {  	(tag) =	ssettag $0x2  }
0x3e5: {  	s0 =	rddreg [dreg:$0x0];
	s2 =	stileid.u32  }
0x3e6: {  	s1 =	rddreg [dreg:$0x1];
	p0 =	sne.s32 s2, $0x0  }
0x3e7: {  	s3 =	rddreg [dreg:$0x2];
	[bflag:$0x3] =	sbarrier.arrive $0xFFFF;
	s2 =	simm.s32 @!p0 $0x1C09  }
0x3e8: {  	[timem:s3], [sflag:s2] =	dma.local @!p0 [hbm:s0], s1  }
0x3e9: {  	s0 =	simm.s32 @!p0 $0x9  }
0x3ea: {  	_ =	swait.ge @!p0 [sflag:s0], s1  }
0x3eb: {  	s1 =	ssub.s32 @!p0 $0x0, s1;
	[sflag:s0] =	ssyncset.done @!p0 $0x0  }
0x3ec: {  	[sflag:s0] =	ssyncadd.s32 @!p0 s1  }
0x3ed: {  	[bflag:$0x3] =	sbarrier.arrive $0xFFFF  }
0x3ee: {  	_ =	shalt  }

// kernel: kernel.8.cloned.1.call-start
scs
__scs_entry_jumppad:
0x0: {  	(pc) =	sbr.rel $0x88, $3  }
0x1: {  	(tag) =	ssettag $0x0;
	lr =	simm.s32 $0x1  }
0x2: {  	[smem:$0x3F99] =	sst lr;
	_ =	strace $0xD0000000  }
0x3: {  	_ = 	snop  }
0x4: {  	_ = 	snop  }
0x5: {  	_ = 	snop  }
0x6: {  	_ = 	snop  }
0x7: {  	_ = 	snop  }
__scs_overlays_trampoline_lowered:
0x8: {  	[smem:$0x3FA8] =	sst s0  }
0x9: {  	[smem:$0x3FA9] =	sst s1  }
0xa: {  	[smem:$0x3FAA] =	sst s2  }
0xb: {  	[smem:$0x3FAB] =	sst s3  }
0xc: {  	[smem:$0x3FAC] =	sst s4  }
0xd: {  	[smem:$0x3FAD] =	sst s5  }
0xe: {  	[smem:$0x3FAE] =	sst s6  }
0xf: {  	[smem:$0x3FAF] =	sst s7  }
0x10: {  	[smem:$0x3FB0] =	sst s8  }
0x11: {  	[smem:$0x3FB1] =	sst s9;
	s0 =	simm.s32 @!p0 $0x0  }
0x12: {  	s1 =	sld [smem:$0x3F97];
	s0 =	simm.s32 @p0 $0x1  }
0x13: {  	[smem:$0x3FB2] =	sst s0;
	s0 =	simm.s32 @!p1 $0x0  }
0x14: {  	s2 =	sld [smem:$0x3F96];
	s0 =	simm.s32 @p1 $0x1  }
0x15: {  	[smem:$0x3FB3] =	sst s0;
	s0 =	simm.s32 @!p2 $0x0  }
0x16: {  	s3 =	sld [smem:$0x3FDB];
	s0 =	simm.s32 @p2 $0x1  }
0x17: {  	s4 =	simm.s32 $0x1BF5;
	[smem:$0x3FB5] =	sst s0  }
0x18: {  	s0 =	sld [smem:$0x3F98];
	_ =	swait.ge [sflag:s4], $0x0  }
0x19: {  	s7 =	sld [smem:$0x3F99]  }
0x1a: {  	s8 =	sadd.s32 $0xFFFFE003, lr  }
0x1b: {  	s9 =	sadd.s32 $0xFFFFFEF7, lr;
	s5 =	simm.s32 $0xFFFFFFFF;
	p2 =	slt.u32 s8, $0xFFFFF086  }
0x1c: {  	p1 =	slt.u32 s9, $0xF7A;
	s5 =	simm.s32 @!p2 $0x0  }
0x1d: {  	s5 =	simm.s32 @p1 $0x1;
	p0 =	seq.s32 s7, s2  }
0x1e: {  	s7 =	smul.u32 @!p0 $0xF7A, s2;
	p2 =	seq.s32 @!p0 s5, $0x0  }
0x1f: {  	s9 =	smul.u32 $0xF7A, s1;
	s8 =	simm.s32 @!p0 $0x1BF5;
	p2 =	por !p2, p0  }
0x20: {  	[sflag:s8] =	ssyncset.s32 @!p0 $0xFFFFF086;
	s6 =	sadd.s32 @!p0 s3, s7;
	s7 =	simm.s32 @!p0 $0x108  }
0x21: {  	s3 =	sadd.s32 s3, s9;
	s6 =	sadd.s32 @!p0 $0x88, s6;
	s7 =	simm.s32 @p2 $0x1082  }
0x22: {  	[simem:s7], [sflag:s8] =	dma.local @!p0 [hbm:s6], $0xF7A  }
0x23: {  	s9 =	sor.u32 $0xD0000000, s2;
	s6 =	simm.s32 $0x108;
	_ =	swait.ge @!p0 [sflag:s8], $0x0  }
0x24: {  	s3 =	sadd.s32 $0x88, s3;
	s6 =	simm.s32 @!p1 $0x1082;
	[sflag:s4] =	ssyncset.s32 $0xFFFFF086  }
0x25: {  	[simem:s6], [sflag:s4] =	dma.local [hbm:s3], $0xF7A  }
0x26: {  	[smem:$0x3F99] =	sst s1;
	(tag) =	ssettag s2;
	_ =	strace s9  }
0x27: {  	s1 =	sld [smem:$0x3FA9]  }
0x28: {  	s2 =	sld [smem:$0x3FAA]  }
0x29: {  	s4 =	sld [smem:$0x3FAC]  }
0x2a: {  	p0 =	seq.s32 s5, $0x0;
	s5 =	sld [smem:$0x3FAD]  }
0x2b: {  	s6 =	sld [smem:$0x3FAE]  }
0x2c: {  	s7 =	sld [smem:$0x3FAF]  }
0x2d: {  	s3 =	simm.s32 $0x108;
	s8 =	sld [smem:$0x3FB0]  }
0x2e: {  	s3 =	simm.s32 @!p0 $0x1082;
	s9 =	sld [smem:$0x3FB1]  }
0x2f: {  	lr =	sadd.s32 s0, s3;
	s0 =	sld [smem:$0x3FA8]  }
0x30: {  	s3 =	sld [smem:$0x3FAB]  }
0x31: {  	[smem:$0x3FB4] =	sst s10  }
0x32: {  	s10 =	sld [smem:$0x3FB2];
	_ =	sdelay $0x3  }
0x33: {  	p0 =	seq.s32 s10, $0x1;
	s10 =	sld [smem:$0x3FB4];
	_ =	sdelay $0x3  }
0x34: {  	[smem:$0x3FB4] =	sst s10  }
0x35: {  	s10 =	sld [smem:$0x3FB3];
	_ =	sdelay $0x3  }
0x36: {  	p1 =	seq.s32 s10, $0x1;
	s10 =	sld [smem:$0x3FB4];
	_ =	sdelay $0x3  }
0x37: {  	[smem:$0x3FB4] =	sst s10  }
0x38: {  	s10 =	sld [smem:$0x3FB5]  }
0x39: {  	_ = 	snop;
	(pc) =	sbr.ind lr, $3  }
0x3a: {  	_ = 	snop  }
0x3b: {  	_ = 	snop  }
0x3c: {  	p2 =	seq.s32 s10, $0x1;
	s10 =	sld [smem:$0x3FB4]  }
0x3d: {  	_ =	shalt  }
0x3e: {  	_ =	shalt  }
0x3f: {  	_ =	shalt  }
0x40: {  	_ =	shalt  }
0x41: {  	_ =	shalt  }
0x42: {  	_ =	shalt  }
0x43: {  	_ =	shalt  }
0x44: {  	_ =	shalt  }
0x45: {  	_ =	shalt  }
0x46: {  	_ =	shalt  }
0x47: {  	_ =	shalt  }
0x48: {  	_ =	shalt  }
0x49: {  	_ =	shalt  }
0x4a: {  	_ =	shalt  }
0x4b: {  	_ =	shalt  }
0x4c: {  	_ =	shalt  }
0x4d: {  	_ =	shalt  }
0x4e: {  	_ =	shalt  }
0x4f: {  	_ =	shalt  }
0x50: {  	_ =	shalt  }
0x51: {  	_ =	shalt  }
0x52: {  	_ =	shalt  }
0x53: {  	_ =	shalt  }
0x54: {  	_ =	shalt  }
0x55: {  	_ =	shalt  }
0x56: {  	_ =	shalt  }
0x57: {  	_ =	shalt  }
0x58: {  	_ =	shalt  }
0x59: {  	_ =	shalt  }
0x5a: {  	_ =	shalt  }
0x5b: {  	_ =	shalt  }
0x5c: {  	_ =	shalt  }
0x5d: {  	_ =	shalt  }
0x5e: {  	_ =	shalt  }
0x5f: {  	_ =	shalt  }
0x60: {  	_ =	shalt  }
0x61: {  	_ =	shalt  }
0x62: {  	_ =	shalt  }
0x63: {  	_ =	shalt  }
0x64: {  	_ =	shalt  }
0x65: {  	_ =	shalt  }
0x66: {  	_ =	shalt  }
0x67: {  	_ =	shalt  }
0x68: {  	_ =	shalt  }
0x69: {  	_ =	shalt  }
0x6a: {  	_ =	shalt  }
0x6b: {  	_ =	shalt  }
0x6c: {  	_ =	shalt  }
0x6d: {  	_ =	shalt  }
0x6e: {  	_ =	shalt  }
0x6f: {  	_ =	shalt  }
0x70: {  	_ =	shalt  }
0x71: {  	_ =	shalt  }
0x72: {  	_ =	shalt  }
0x73: {  	_ =	shalt  }
0x74: {  	_ =	shalt  }
0x75: {  	_ =	shalt  }
0x76: {  	_ =	shalt  }
0x77: {  	_ =	shalt  }
0x78: {  	_ =	shalt  }
0x79: {  	_ =	shalt  }
0x7a: {  	_ =	shalt  }
0x7b: {  	_ =	shalt  }
0x7c: {  	_ =	shalt  }
0x7d: {  	_ =	shalt  }
0x7e: {  	_ =	shalt  }
0x7f: {  	_ =	shalt  }
0x80: {  	_ =	shalt  }
0x81: {  	_ =	shalt  }
0x82: {  	_ =	shalt  }
0x83: {  	_ =	shalt  }
0x84: {  	_ =	shalt  }
0x85: {  	_ =	shalt  }
0x86: {  	_ =	shalt  }
0x87: {  	_ =	shalt  }
.Lfunc_end0:
.L_simem_size_0:
called_computation.1_lowered:
.L_overlay_start_0:
0x88: {  	s2 =	sld [smem:$0x3FD9]  }
0x89: {  	s3 =	sld [smem:$0x3FFE];
	_ =	sdelay $0x1  }
0x8a: {  	s1 =	srdreg.scid  }
0x8b: {  	s0 =	sand.u32 $0x1, s1  }
0x8c: {  	s17 =	sshll.u32 s0, $0xA;
	s2 =	sadd.s32 s3, s2  }
0x8d: {  	s2 =	sadd.s32 s2, s17  }
0x8e: {  	[smem:$0x3FC0] =	sst s2  }
0x8f: {  	_ = 	snop  }
0x90: {  	s2 =	sld [smem:$0x3FC9]  }
0x91: {  	s18 =	sld [smem:$0x3FD0];
	(tm) =	ssettm $0x1  }
0x92: {  	s4 =	sld [smem:$0x3FFB];
	_ =	sdelay $0x3  }
0x93: {  	_ =	strace s4  }
0x94: {  	s4 =	sld [smem:$0x3FFC];
	_ =	sdelay $0x3  }
0x95: {  	_ =	strace s4  }
0x96: {  	s4 =	sld [smem:$0x3FFD];
	_ =	sdelay $0x3  }
0x97: {  	_ =	strace s4  }
0x98: {  	_ =	strace $0x8FFFFFFF  }
0x99: {  	s19 =	sld [smem:$0x3FDB];
	_ =	sdelay $0x1  }
0x9a: {  	s5 =	simm.s32 $_scs_section_size  }
0x9b: {  	s6 =	simm.s32 $_size__tile_overlayer_lowered;
	s7 =	simm.s32 $_tile_overlayer_lowered  }
0x9c: {  	s22 =	simm.s32 $0x1BFF;
	s21 =	sshll.u32 s7, $0x1;
	s4 =	sadd.s32 s5, s19  }
0x9d: {  	s8 =	simm.s32 $0x0;
	s20 =	sshll.u32 s6, $0x1;
	s6 =	sadd.s32 s21, s4  }
0x9e: {  	[timem:s8], [sflag:s22] =	dma.local [hbm:s6], s20  }
0x9f: {  	_ =	swait.ge [sflag:s22], s20  }
0xa0: {  	s5 =	ssub.s32 $0x0, s20;
	[sflag:s22] =	ssyncset.done $0x0  }
0xa1: {  	[sflag:s22] =	ssyncadd.s32 s5;
	_ =	sdelay $0x1  }
0xa2: {  	s23 =	simm.s32 $0x1B8B  }
0xa3: {  	_ =	swait.ge [sflag:s23], $0x1  }
0xa4: {  	[sflag:s23] =	ssyncset.done $0x0  }
0xa5: {  	s25 =	simm.s32 $0x1B8E;
	s24 =	sld [smem:$0x3FFE];
	[sflag:s23] =	ssyncadd.s32 $0xFFFFFFFF  }
0xa6: {  	s26 =	simm.s32 $execute0_lowered;
	[smem:$0x3FD2] =	sst s25  }
0xa7: {  	s6 =	sshll.u32 s26, $0x1;
	_ =	strace $0x80000049;
	[dreg:$0x1] =	wrdreg $0xFFFFFFFF  }
0xa8: {  	s28 =	simm.s32 $_size_execute0_lowered;
	s4 =	sadd.s32 s4, s6;
	[dreg:$0x0] =	wrdreg $0x0  }
0xa9: {  	s6 =	sshll.u32 s28, $0x1;
	[dreg:$0x2] =	wrdreg s4  }
0xaa: {  	[dreg:$0x3] =	wrdreg s6  }
0xab: {  	[dreg:$0x4] =	wrdreg $0xC0  }
0xac: {  	_ =	task [dreg:s8], $0x5FFFF  }
0xad: {  	[dreg:$0x1] =	wrdreg $0xFFFFFFFF  }
0xae: {  	[dreg:$0x0] =	wrdreg $0x60  }
0xaf: {  	[dreg:$0x2] =	wrdreg s24  }
0xb0: {  	[dreg:$0x3] =	wrdreg s2  }
0xb1: {  	[dreg:$0x4] =	wrdreg s18  }
0xb2: {  	[dreg:$0x5] =	wrdreg $0x9  }
0xb3: {  	_ =	task.clear_ibuf [dreg:s8], $0x6FFFF;
	_ =	strace $0x90000049  }
0xb4: {  	s29 =	simm.s32 $0x9;
	_ =	strace $0x8000004B  }
0xb5: {  	_ =	swait.ge [sflag:s29], $0x1  }
0xb6: {  	[sflag:s29] =	ssyncadd.s32 $0xFFFFFFFF  }
0xb7: {  	_ =	strace $0x9000004B  }
0xb8: {  	_ =	sfence  }
0xb9: {  	s30 =	sld [smem:$0x0];
	_ =	sdelay $0x2  }
0xba: {  	s31 =	sshll.u32 s1, $0xD;
	s1 =	sshrl.u32 s1, $0x2  }
0xbb: {  	s3 =	sand.u32 $0x4000, s31;
	s1 =	sadd.s32 s1, s30  }
0xbc: {  	s0 =	sor.u32 s3, s0;
	s1 =	sshll.u32 s1, $0x11  }
0xbd: {  	s0 =	sor.u32 s1, s0  }
0xbe: {  	s0 =	sadd.s32 $0x8F2B, s0  }
0xbf: {  	[sflag:s0] =	ssyncadd.remote.s32 $0x1  }
0xc0: {  	_ =	sfence.sel $0xFFFF  }
0xc1: {  	[dreg:$0x0] =	wrdreg $0xFFFFFFFF;
	(pc) =	sbr.abs _section_cstart, $3  }
0xc2: {  	[dreg:$0x1] =	wrdreg $0xFFFFFFFF  }
0xc3: {  	_ =	task.clear_ibuf [dreg:s8], $0x2FFFF;
	_ =	strace $0x9FFFFFFF  }
0xc4: {  	(tm) =	ssettm $0x7FFFFFFF  }
0xc5: {  	_ =	shalt  }
tec
execute0_lowered:
.L_overlay_start_1:
0x0: {  	(tag) =	ssettag $0x1  }
0x1: {  	s0 =	srdreg.scid  }
0x2: {  	s0 =	sand.u32 $0x1, s0  }
0x3: {  	s22 =	rddreg [dreg:$0x0];
	s1 =	stileid.u32;
	s5 =	sshll.u32 s0, $0x4  }
0x4: {  	s2 =	rddreg [dreg:$0x1];
	s19 =	sor.u32 s1, s5  }
0x5: {  	s4 =	rddreg [dreg:$0x2];
	s3 =	simm.s32 $0x0;
	s5 =	smul.u32 $0x6, s19  }
0x6: {  	[smem:$0x7FF] =	sst s3;
	s6 =	sadd.s32 $0x16000, s22;
	s7 =	sadd.s32 $0x1C800, s22  }
0x7: {  	_ =	strace $0x8000004A;
	s20 =	sadd.s32 s5, s22;
	s4 =	sadd.s32 s4, s5  }
0x8: {  	[tilespmem:s3], [sflag:$0x1] =	stream.linear.gather [hbm4b:s4+s3], $0x30, $0x38;
	[tilespmem:$0x5980] =	vst v63  }
0x9: {  	[dreg:$0x4] =	wrdreg s6;
	s6 =	simm.s32 $0x80;
	s5 =	sadd.s32 $0x23400, s20  }
0xa: {  	[tilespmem:s6], [sflag:$0x2] =	stream.linear.gather [hbm4b:s5+s3], $0x30, $0x38;
	[tilespmem:$0x5980] =	vst v63  }
0xb: {  	s8 =	simm.s32 $0x4900;
	[dreg:$0x5] =	wrdreg s7;
	s7 =	sadd.s32 $0x23000, s22  }
0xc: {  	[tilespmem:s8], [sflag:$0x3] =	stream.linear.gather [hbm4b:s7+s3], $0x800, $0x38;
	[tilespmem:$0x5980] =	vst v63  }
0xd: {  	s10 =	simm.s32 $0x5100;
	s11 =	simm.s32 $0x2;
	s9 =	sadd.s32 $0x23200, s22  }
0xe: {  	[tilespmem:s10], [sflag:$0x4] =	stream.linear.gather [hbm4b:s9+s3], $0x800, $0x38;
	[tilespmem:$0x5980] =	vst v63  }
0xf: {  	_ =	swait.ge [sflag:s11], $0x30  }
0x10: {  	s12 =	simm.s32 $0x30;
	[sflag:s11] =	ssyncset.done $0x0  }
0x11: {  	s13 =	simm.s32 $0x100;
	s14 =	rddreg [dreg:$0x4];
	[sflag:s11] =	ssyncadd.s32 $0xFFFFFFD0  }
0x12: {  	[tilespmem:s13], [sflag:$0x5] =	stream.indirect.gather [hbm4b:s14+s12], $0x80, s6, s12, $0xb8;
	[tilespmem:$0x5980] =	vst v63  }
0x13: {  	s15 =	simm.s32 $0x1;
	s16 =	rddreg [dreg:$0x5];
	s14 =	simm.s32 $0x1900  }
0x14: {  	[tilespmem:s14], [sflag:$0x6] =	stream.indirect.gather [hbm4b:s16+s12], $0x80, s6, s12, $0xb8;
	[tilespmem:$0x5980] =	vst v63  }
0x15: {  	_ =	swait.ge [sflag:s15], $0x30  }
0x16: {  	[sflag:s15] =	ssyncset.done $0x0  }
0x17: {  	s17 =	simm.s32 $0x3;
	s16 =	simm.s32 $0x3100;
	[sflag:s15] =	ssyncadd.s32 $0xFFFFFFD0  }
0x18: {  	[tilespmem:s16], [sflag:$0xA] =	stream.indirect.gather [hbm4b:s2+s12], $0x80, s3, s12, $0xb8;
	[tilespmem:$0x5980] =	vst v63  }
0x19: {  	_ =	swait.ge [sflag:s17], $0x800  }
0x1a: {  	[sflag:s17] =	ssyncset.done $0x0  }
0x1b: {  	s18 =	simm.s32 $0x4;
	[sflag:s17] =	ssyncadd.s32 $0xFFFFF800  }
0x1c: {  	_ =	swait.ge [sflag:s18], $0x800  }
0x1d: {  	[sflag:s18] =	ssyncset.done $0x0  }
0x1e: {  	[sflag:s18] =	ssyncadd.s32 $0xFFFFF800  }
0x1f: {  	v0 =	vld [tilespmem:$0x80];
	_ =	sdelay $0x6  }
0x20: {  	v2 =	vld [tilespmem:$0x90]  }
0x21: {  	v1 =	vld.idx.msk [tilespmem:v0+s8+$0x0], $0xffff  }
0x22: {  	v0 =	vld.idx.msk [tilespmem:v0+s10+$0x0], $0xffff;
	_ =	sdelay $0x4  }
0x23: {  	v0 =	vadd.f32 v0, v1;
	_ =	sdelay $0x1  }
0x24: {  	v62 =	vld [tilespmem:$0xA0];
	[tilespmem:$0x5900] =	vst v0  }
0x25: {  	v0 =	vld.idx.msk [tilespmem:v2+s8+$0x0], $0xffff  }
0x26: {  	v61 =	vld.idx.msk [tilespmem:v2+s10+$0x0], $0xffff;
	_ =	sdelay $0x4  }
0x27: {  	v0 =	vadd.f32 v61, v0;
	_ =	sdelay $0x1  }
0x28: {  	[tilespmem:$0x5910] =	vst v0  }
0x29: {  	v0 =	vld.idx.msk [tilespmem:v62+s8+$0x0], $0xffff  }
0x2a: {  	v63 =	vld.idx.msk [tilespmem:v62+s10+$0x0], $0xffff;
	_ =	sdelay $0x4  }
0x2b: {  	v0 =	vadd.f32 v63, v0  }
0x2c: {  	s21 =	simm.s32 $0x5  }
0x2d: {  	s23 =	smul.u32 $0x300, s19;
	s19 =	sadd.s32 $0x1A00, s20;
	s20 =	simm.s32 $0x5900;
	[tilespmem:$0x5920] =	vst v0  }
0x2e: {  	[hbm4b:s19+s3] =	stream.linear.scatter [tilespmem:s20], [sflag:$0x9], $0x30, $0x38;
	[tilespmem:$0x5980] =	vst v63  }
0x2f: {  	_ =	swait.ge [sflag:s21], $0x1800  }
0x30: {  	s26 =	sadd.s32 s23, s22;
	[sflag:s21] =	ssyncset.done $0x0  }
0x31: {  	s23 =	simm.s32 $0x6;
	s22 =	sadd.s32 $0x1C00, s26;
	[sflag:s21] =	ssyncadd.s32 $0xFFFFE800  }
0x32: {  	[hbm4b:s22+s3] =	stream.linear.scatter [tilespmem:s13], [sflag:$0x7], $0x1800, $0x38;
	[tilespmem:$0x5980] =	vst v63  }
0x33: {  	_ =	swait.ge [sflag:s23], $0x1800  }
0x34: {  	[sflag:s23] =	ssyncset.done $0x0  }
0x35: {  	s25 =	simm.s32 $0xA;
	s24 =	sadd.s32 $0x7C00, s26;
	[sflag:s23] =	ssyncadd.s32 $0xFFFFE800  }
0x36: {  	[hbm4b:s24+s3] =	stream.linear.scatter [tilespmem:s14], [sflag:$0x8], $0x1800, $0x38;
	[tilespmem:$0x5980] =	vst v63  }
0x37: {  	_ =	swait.ge [sflag:s25], $0x1800  }
0x38: {  	s28 =	simm.s32 $0x9;
	s0 =	ssub.s32 $0x2, s0;
	[sflag:s25] =	ssyncset.done $0x0  }
0x39: {  	s30 =	sshrl.u32 s0, $0x1;
	s26 =	sadd.s32 $0xDC00, s26;
	[sflag:s25] =	ssyncadd.s32 $0xFFFFE800  }
0x3a: {  	[hbm4b:s26+s3] =	stream.linear.scatter [tilespmem:s16], [sflag:$0xB], $0x1800, $0x38;
	[tilespmem:$0x5980] =	vst v63  }
0x3b: {  	s0 =	ssub.s32 s0, s30;
	_ =	swait.ge [sflag:s28], $0x30  }
0x3c: {  	s0 =	smax.u32 s0, $0x1;
	[sflag:s28] =	ssyncset.done $0x0  }
0x3d: {  	s29 =	simm.s32 $0x7;
	p0 =	sne.s32 s0, $0x1;
	[sflag:s28] =	ssyncadd.s32 $0xFFFFFFD0  }
.Ltmp0:
0x3e: {  	_ =	swait.ge [sflag:s29], $0x1800;
	(pc) =	sbr.rel @!p0 .LBB2_2-.Ltmp0, $4  }
0x3f: {  	[sflag:s29] =	ssyncset.done $0x0  }
0x40: {  	s30 =	simm.s32 $0x8;
	[sflag:s29] =	ssyncadd.s32 $0xFFFFE800  }
0x41: {  	_ =	swait.ge [sflag:s30], $0x1800  }
0x42: {  	s31 =	simm.s32 $0xB;
	s0 =	sadd.s32 $0xFFFFFFFF, s0;
	[sflag:s30] =	ssyncset.done $0x0  }
.LBB2_1:
0x43: {  	[sflag:s30] =	ssyncadd.s32 $0xFFFFE800  }
0x44: {  	_ =	swait.ge [sflag:s31], $0x1800  }
0x45: {  	[sflag:s31] =	ssyncset.done $0x0  }
0x46: {  	[sflag:s31] =	ssyncadd.s32 $0xFFFFE800  }
0x47: {  	[tilespmem:s3], [sflag:$0x1] =	stream.linear.gather [hbm4b:s4+s3], $0x30, $0x38;
	[tilespmem:$0x5980] =	vst v63  }
0x48: {  	_ = 	snop  }
0x49: {  	[tilespmem:s6], [sflag:$0x2] =	stream.linear.gather [hbm4b:s5+s3], $0x30, $0x38;
	[tilespmem:$0x5980] =	vst v63  }
0x4a: {  	_ = 	snop  }
0x4b: {  	[tilespmem:s8], [sflag:$0x3] =	stream.linear.gather [hbm4b:s7+s3], $0x800, $0x38;
	[tilespmem:$0x5980] =	vst v63  }
0x4c: {  	_ = 	snop  }
0x4d: {  	[tilespmem:s10], [sflag:$0x4] =	stream.linear.gather [hbm4b:s9+s3], $0x800, $0x38;
	[tilespmem:$0x5980] =	vst v63  }
0x4e: {  	_ =	swait.ge [sflag:s11], $0x30  }
0x4f: {  	[sflag:s11] =	ssyncset.done $0x0  }
0x50: {  	s1 =	rddreg [dreg:$0x4];
	[sflag:s11] =	ssyncadd.s32 $0xFFFFFFD0  }
0x51: {  	[tilespmem:s13], [sflag:$0x5] =	stream.indirect.gather [hbm4b:s1+s12], $0x80, s6, s12, $0xb8;
	[tilespmem:$0x5980] =	vst v63  }
0x52: {  	s2 =	rddreg [dreg:$0x5]  }
0x53: {  	[tilespmem:s14], [sflag:$0x6] =	stream.indirect.gather [hbm4b:s2+s12], $0x80, s6, s12, $0xb8;
	[tilespmem:$0x5980] =	vst v63  }
0x54: {  	_ =	swait.ge [sflag:s15], $0x30  }
0x55: {  	[sflag:s15] =	ssyncset.done $0x0  }
0x56: {  	[sflag:s15] =	ssyncadd.s32 $0xFFFFFFD0  }
0x57: {  	s2 =	rddreg [dreg:$0x1]  }
0x58: {  	[tilespmem:s16], [sflag:$0xA] =	stream.indirect.gather [hbm4b:s2+s12], $0x80, s3, s12, $0xb8;
	[tilespmem:$0x5980] =	vst v63  }
0x59: {  	_ =	swait.ge [sflag:s17], $0x800  }
0x5a: {  	[sflag:s17] =	ssyncset.done $0x0  }
0x5b: {  	[sflag:s17] =	ssyncadd.s32 $0xFFFFF800  }
0x5c: {  	_ =	swait.ge [sflag:s18], $0x800  }
0x5d: {  	[sflag:s18] =	ssyncset.done $0x0  }
0x5e: {  	[sflag:s18] =	ssyncadd.s32 $0xFFFFF800  }
0x5f: {  	v0 =	vld [tilespmem:$0x80];
	_ =	sdelay $0x6  }
0x60: {  	v2 =	vld [tilespmem:$0x90]  }
0x61: {  	v1 =	vld.idx.msk [tilespmem:v0+s8+$0x0], $0xffff  }
0x62: {  	v0 =	vld.idx.msk [tilespmem:v0+s10+$0x0], $0xffff;
	_ =	sdelay $0x4  }
0x63: {  	v0 =	vadd.f32 v0, v1;
	_ =	sdelay $0x1  }
0x64: {  	v62 =	vld [tilespmem:$0xA0];
	[tilespmem:$0x5900] =	vst v0  }
0x65: {  	v0 =	vld.idx.msk [tilespmem:v2+s8+$0x0], $0xffff  }
0x66: {  	v61 =	vld.idx.msk [tilespmem:v2+s10+$0x0], $0xffff;
	_ =	sdelay $0x4  }
0x67: {  	v0 =	vadd.f32 v61, v0;
	_ =	sdelay $0x1  }
0x68: {  	[tilespmem:$0x5910] =	vst v0  }
0x69: {  	v0 =	vld.idx.msk [tilespmem:v62+s8+$0x0], $0xffff  }
0x6a: {  	v63 =	vld.idx.msk [tilespmem:v62+s10+$0x0], $0xffff;
	_ =	sdelay $0x4  }
0x6b: {  	v0 =	vadd.f32 v63, v0;
	_ =	sdelay $0x1  }
0x6c: {  	[tilespmem:$0x5920] =	vst v0  }
0x6d: {  	[hbm4b:s19+s3] =	stream.linear.scatter [tilespmem:s20], [sflag:$0x9], $0x30, $0x38;
	[tilespmem:$0x5980] =	vst v63  }
0x6e: {  	_ =	swait.ge [sflag:s21], $0x1800  }
0x6f: {  	[sflag:s21] =	ssyncset.done $0x0  }
0x70: {  	[sflag:s21] =	ssyncadd.s32 $0xFFFFE800  }
0x71: {  	[hbm4b:s22+s3] =	stream.linear.scatter [tilespmem:s13], [sflag:$0x7], $0x1800, $0x38;
	[tilespmem:$0x5980] =	vst v63  }
0x72: {  	_ =	swait.ge [sflag:s23], $0x1800  }
0x73: {  	[sflag:s23] =	ssyncset.done $0x0  }
0x74: {  	[sflag:s23] =	ssyncadd.s32 $0xFFFFE800  }
0x75: {  	[hbm4b:s24+s3] =	stream.linear.scatter [tilespmem:s14], [sflag:$0x8], $0x1800, $0x38;
	[tilespmem:$0x5980] =	vst v63  }
0x76: {  	_ =	swait.ge [sflag:s25], $0x1800  }
0x77: {  	[sflag:s25] =	ssyncset.done $0x0  }
0x78: {  	[sflag:s25] =	ssyncadd.s32 $0xFFFFE800  }
0x79: {  	[hbm4b:s26+s3] =	stream.linear.scatter [tilespmem:s16], [sflag:$0xB], $0x1800, $0x38;
	[tilespmem:$0x5980] =	vst v63  }
0x7a: {  	_ =	swait.ge [sflag:s28], $0x30  }
0x7b: {  	[sflag:s28] =	ssyncset.done $0x0  }
0x7c: {  	p0 =	sne.s32 s0, $0x1;
	[sflag:s28] =	ssyncadd.s32 $0xFFFFFFD0  }
.Ltmp1:
0x7d: {  	_ =	swait.ge [sflag:s29], $0x1800;
	(pc) =	sbr.rel @p0 .LBB2_1-.Ltmp1, $4  }
0x7e: {  	[sflag:s29] =	ssyncset.done $0x0  }
0x7f: {  	[sflag:s29] =	ssyncadd.s32 $0xFFFFE800  }
0x80: {  	_ =	swait.ge [sflag:s30], $0x1800  }
0x81: {  	s0 =	sadd.s32 $0xFFFFFFFF, s0;
	[sflag:s30] =	ssyncset.done $0x0  }
.LBB2_2:
0x82: {  	[sflag:s30] =	ssyncadd.s32 $0xFFFFE800  }
0x83: {  	_ =	swait.ge [sflag:s31], $0x1800  }
0x84: {  	[sflag:s31] =	ssyncset.done $0x0  }
0x85: {  	[sflag:s31] =	ssyncadd.s32 $0xFFFFE800  }
0x86: {  	_ =	sfence.sel $0x180000  }
0x87: {  	[bflag:$0x0] =	sbarrier.arrive $0xFFFF  }
0x88: {  	_ =	strace $0x9000004A  }
0x89: {  	s0 =	stileid.u32;
	[bflag:$0x2] =	sbarrier.arrive $0xFFFF  }
0x8a: {  	p0 =	sne.s32 s0, $0x0;
	s0 =	rddreg [dreg:$0x3]  }
0x8b: {  	s0 =	sadd.s32 @!p0 $0x100000, s0  }
0x8c: {  	[sflag:s0] =	ssyncadd.tile.s32 @!p0 $0x1;
	_ =	shalt  }
.Lfunc_end2:
_tile_overlayer_lowered:
.L_overlay_start_2:
0x8d: {  	(tag) =	ssettag $0x2  }
0x8e: {  	s0 =	rddreg [dreg:$0x0];
	s2 =	stileid.u32  }
0x8f: {  	s1 =	rddreg [dreg:$0x1];
	p0 =	sne.s32 s2, $0x0  }
0x90: {  	s3 =	rddreg [dreg:$0x2];
	[bflag:$0x3] =	sbarrier.arrive $0xFFFF;
	s2 =	simm.s32 @!p0 $0x1C0C  }
0x91: {  	[timem:s3], [sflag:s2] =	dma.local @!p0 [hbm:s0], s1  }
0x92: {  	s0 =	simm.s32 @!p0 $0xC  }
0x93: {  	_ =	swait.ge @!p0 [sflag:s0], s1  }
0x94: {  	s1 =	ssub.s32 @!p0 $0x0, s1;
	[sflag:s0] =	ssyncset.done @!p0 $0x0  }
0x95: {  	[sflag:s0] =	ssyncadd.s32 @!p0 s1  }
0x96: {  	[bflag:$0x3] =	sbarrier.arrive $0xFFFF  }
0x97: {  	_ =	shalt  }

</sc_bundles>
